<compile_context>
chip_gen: v7x
topology: tpu7x:2x2x1
jax: 0.10.2.dev20260603
libtpu: 0.0.44.dev20260713+nightly
codegen_flags: <defaults>
</compile_context>

<pallas_src>
import jax
import jax.numpy as jnp
from jax import lax
from jax.experimental import pallas as pl
from jax.experimental.pallas import tpu as pltpu
from jax.experimental.pallas import tpu_sc as plsc

REGIONS = 8
NC, NS, L = 2, 16, 16
NW = NC * NS
B, CCH, H, W = 32, 3, 224, 224
C_TOTAL = B * CCH
CPW = C_TOTAL // NW
WVEC = W // L
MM_U = 8


def _body(x_hbm, rp_hbm, pp_hbm, out_hbm, buf0, buf1, rp_v, pp_v, is0, is1, os0, os1, ps):
    cid = lax.axis_index("c")
    sid = lax.axis_index("s")
    wid = sid * NC + cid
    iota = lax.iota(jnp.int32, L)
    inf = jnp.float32(jnp.inf)

    ch0 = wid * CPW
    bufs = (buf0, buf1)
    isems = (is0, is1)
    osems = (os0, os1)

    def plane(ref, ch):
        return ref.at[ch // CCH, ch % CCH]

    pltpu.async_copy(plane(x_hbm, ch0), buf0, is0)
    pltpu.async_copy(plane(x_hbm, ch0 + 1), buf1, is1)
    pltpu.async_copy(rp_hbm, rp_v.at[pl.ds(0, C_TOTAL * (REGIONS - 1))], ps)
    pltpu.async_copy(pp_hbm, pp_v.at[pl.ds(0, C_TOTAL * REGIONS)], ps)

    for j in range(CPW):
        b = j % 2
        ch = ch0 + j
        buf = bufs[b]
        pltpu.make_async_copy(plane(x_hbm, ch), buf, isems[b]).wait()

        init = tuple(jnp.full((L,), inf, jnp.float32) for _ in range(MM_U)) + tuple(
            jnp.full((L,), -inf, jnp.float32) for _ in range(MM_U)
        )

        @plsc.parallel_loop(0, H, carry=init)
        def mm_loop(i, carry):
            mns = list(carry[:MM_U])
            mxs = list(carry[MM_U:])
            for k in range(WVEC):
                v = buf[i, pl.ds(k * L, L)]
                mns[k % MM_U] = jnp.minimum(mns[k % MM_U], v)
                mxs[k % MM_U] = jnp.maximum(mxs[k % MM_U], v)
            return tuple(mns) + tuple(mxs)

        mns = list(mm_loop[:MM_U])
        mxs = list(mm_loop[MM_U:])
        while len(mns) > 1:
            mns = [jnp.minimum(a, b2_) for a, b2_ in zip(mns[::2], mns[1::2])]
            mxs = [jnp.maximum(a, b2_) for a, b2_ in zip(mxs[::2], mxs[1::2])]
        mn = jnp.min(mns[0])
        mx = jnp.max(mxs[0])

        if j == 0:
            pltpu.make_async_copy(rp_hbm, rp_v.at[pl.ds(0, C_TOTAL * (REGIONS - 1))], ps).wait()
            pltpu.make_async_copy(pp_hbm, pp_v.at[pl.ds(0, C_TOTAL * REGIONS)], ps).wait()
        rp_vec = rp_v[pl.ds(ch * (REGIONS - 1), L)]
        pp_vec = pp_v[pl.ds(ch * REGIONS, L)]
        pos = jnp.where(iota < REGIONS - 1, rp_vec * (mx - mn) + mn, inf)
        s = lax.sort(pos)

        s_sc = [jnp.min(jnp.where(iota == i, s, inf)) for i in range(REGIONS - 1)]
        pp_sc = [jnp.min(jnp.where(iota == r, pp_vec, inf)) for r in range(REGIONS)]
        lefts = [mn] + s_sc
        rights = s_sc + [mx + jnp.float32(1e-6)]
        rv = [lefts[r] + pp_sc[r] * (rights[r] - lefts[r]) for r in range(REGIONS)]

        if 0 < j < CPW - 1:
            b2 = (j + 1) % 2
            pltpu.make_async_copy(bufs[b2], plane(out_hbm, ch - 1), osems[b2]).wait()
            pltpu.async_copy(plane(x_hbm, ch + 1), bufs[b2], isems[b2])

        @plsc.parallel_loop(0, H)
        def map_loop(i):
            for k in range(WVEC):
                v = buf[i, pl.ds(k * L, L)]
                o = jnp.full((L,), rv[0], jnp.float32)
                for r in range(REGIONS - 1):
                    o = jnp.where(v >= s_sc[r], rv[r + 1], o)
                buf[i, pl.ds(k * L, L)] = o

        pltpu.async_copy(buf, plane(out_hbm, ch), osems[b])

    pltpu.make_async_copy(bufs[(CPW - 2) % 2], plane(out_hbm, ch0 + CPW - 2), osems[(CPW - 2) % 2]).wait()
    pltpu.make_async_copy(bufs[(CPW - 1) % 2], plane(out_hbm, ch0 + CPW - 1), osems[(CPW - 1) % 2]).wait()


@jax.jit
def kernel(x, region_percentiles, proxy_percentiles):
    mesh = plsc.VectorSubcoreMesh(core_axis_name="c", subcore_axis_name="s")
    out = pl.kernel(
        _body,
        out_type=jax.ShapeDtypeStruct((B, CCH, H, W), jnp.float32),
        mesh=mesh,
        compiler_params=pltpu.CompilerParams(needs_layout_passes=False),
        scratch_types=[
            pltpu.VMEM((H, W), jnp.float32),
            pltpu.VMEM((H, W), jnp.float32),
            pltpu.VMEM((C_TOTAL * (REGIONS - 1) + L,), jnp.float32),
            pltpu.VMEM((C_TOTAL * REGIONS + L,), jnp.float32),
            pltpu.SemaphoreType.DMA,
            pltpu.SemaphoreType.DMA,
            pltpu.SemaphoreType.DMA,
            pltpu.SemaphoreType.DMA,
            pltpu.SemaphoreType.DMA,
        ],
    )(x, region_percentiles, proxy_percentiles)
    return out

# --- scband reference (transcript-rebuilt; emitter-appended) ---
"""Pipeline reference for scband-randomized-quantization-aug-module-62130996904076 (READ-ONLY COPY).

The authoritative reference and input builder live on the scoring server;
editing this copy changes nothing except your own understanding.
"""

import jax, jax.numpy as jnp
import numpy as np

REGION_NUM = 8

def setup_inputs(seed: int = 0) -> dict:
    key = jax.random.key(seed)
    k1, k2, k3 = jax.random.split(key, 3)
    B, c, H, W = 32, 3, 224, 224
    C = B * c
    x = jax.random.uniform(k1, (B, c, H, W), dtype=jnp.float32)
    # random percentiles normally drawn inside torch forward; materialized here for determinism
    region_percentiles = jax.random.uniform(k2, (C * (REGION_NUM - 1),), dtype=jnp.float32)
    proxy_percentiles = jax.random.uniform(k3, (C * REGION_NUM,), dtype=jnp.float32)
    return {"x": x, "region_percentiles": region_percentiles, "proxy_percentiles": proxy_percentiles}

def reference(x, region_percentiles, proxy_percentiles):
    R = REGION_NUM
    B, c, H, W = x.shape
    C = B * c
    xf = x.reshape(C, H, W)
    min_val = xf.reshape(C, -1).min(axis=1)
    max_val = xf.reshape(C, -1).max(axis=1)
    rp = region_percentiles.reshape(C, R - 1)
    pos = (rp * (max_val - min_val)[:, None] + min_val[:, None]).reshape(C, R - 1, 1, 1)
    right_check = jnp.sort(jnp.concatenate([pos, (max_val + 1.0).reshape(C, 1, 1, 1)], axis=1), axis=1)
    right = jnp.sort(jnp.concatenate([pos, (max_val + 1e-06).reshape(C, 1, 1, 1)], axis=1), axis=1)
    left = jnp.sort(jnp.concatenate([min_val.reshape(C, 1, 1, 1), pos], axis=1), axis=1)
    inside = (xf[:, None, :, :] < right_check) & (xf[:, None, :, :] >= left)
    rid = jnp.argmax(inside.astype(jnp.int32), axis=1)[:, None, :, :]
    pp = proxy_percentiles.reshape(C, R)
    rand_vals = left + pp.reshape(C, R, 1, 1) * (right - left)
    rand_b = jnp.broadcast_to(rand_vals, (C, R, H, W))
    proxy = jnp.take_along_axis(rand_b, rid, axis=1)[:, 0]
    return proxy.reshape(B, c, H, W).astype(x.dtype)

if __name__ == "__main__":
    import jax
    _d = setup_inputs()
    print(jax.jit(kernel)(*tuple(_d.values())))

</pallas_src>

<mosaic_0001>
#map = affine_map<(d0, d1) -> (0, 0, 0, 0)>
#map1 = affine_map<(d0, d1) -> (0)>
module attributes {stable_mosaic.version = 14 : i64} {
  func.func @_body(%arg0: i32, %arg1: i32, %arg2: memref<32x3x224x224xf32, #tpu.memory_space<hbm>>, %arg3: memref<672xf32, #tpu.memory_space<hbm>>, %arg4: memref<768xf32, #tpu.memory_space<hbm>>, %arg5: memref<32x3x224x224xf32, #tpu.memory_space<hbm>>, %arg6: memref<224x224xf32, #tpu.memory_space<vmem>>, %arg7: memref<224x224xf32, #tpu.memory_space<vmem>>, %arg8: memref<688xf32, #tpu.memory_space<vmem>>, %arg9: memref<784xf32, #tpu.memory_space<vmem>>, %arg10: memref<!tpu.dma_semaphore, #tpu.memory_space<semaphore_mem>>, %arg11: memref<!tpu.dma_semaphore, #tpu.memory_space<semaphore_mem>>, %arg12: memref<!tpu.dma_semaphore, #tpu.memory_space<semaphore_mem>>, %arg13: memref<!tpu.dma_semaphore, #tpu.memory_space<semaphore_mem>>, %arg14: memref<!tpu.dma_semaphore, #tpu.memory_space<semaphore_mem>>) attributes {dimension_semantics = [#tpu.dimension_semantics<core_parallel>, #tpu.dimension_semantics<subcore_parallel>], iteration_bounds = array<i64: 2, 16>, scalar_prefetch = 0 : i64, scratch_operands = 9 : i64, tpu.core_type = #tpu.core_type<sc_vector_subcore>, window_params = [{transform_indices = #map}, {transform_indices = #map1}, {transform_indices = #map1}, {transform_indices = #map}]} {
    %mul3A = arith.constant 2 : i32
    %mul3A_0 = arith.muli %arg1, %mul3A : i32
    %add3A = arith.addi %mul3A_0, %arg0 : i32
    %iota3A = tpu.iota {dimensions = array<i32: 0>} : vector<16xi32>
    %mul3A_1 = arith.constant 3 : i32
    %mul3A_2 = arith.muli %add3A, %mul3A_1 : i32
    %jit3A = arith.constant 3 : i32
    %div3A = arith.divsi %mul3A_2, %jit3A : i32
    %sign3A = arith.constant 0 : i32
    %sign3A_3 = arith.cmpi sgt, %mul3A_2, %sign3A : i32
    %sign3A_4 = arith.extui %sign3A_3 : i1 to i32
    %sign3A_5 = arith.constant 0 : i32
    %sign3A_6 = arith.cmpi slt, %mul3A_2, %sign3A_5 : i32
    %sign3A_7 = arith.extui %sign3A_6 : i1 to i32
    %sign3A_8 = arith.subi %sign3A_4, %sign3A_7 : i32
    %sign3A_9 = arith.constant 0 : i32
    %sign3A_10 = arith.cmpi sgt, %jit3A, %sign3A_9 : i32
    %sign3A_11 = arith.extui %sign3A_10 : i1 to i32
    %sign3A_12 = arith.constant 0 : i32
    %sign3A_13 = arith.cmpi slt, %jit3A, %sign3A_12 : i32
    %sign3A_14 = arith.extui %sign3A_13 : i1 to i32
    %sign3A_15 = arith.subi %sign3A_11, %sign3A_14 : i32
    %ne3A = arith.cmpi ne, %sign3A_8, %sign3A_15 : i32
    %rem3A = arith.remsi %mul3A_2, %jit3A : i32
    %ne3A_16 = arith.constant 0 : i32
    %ne3A_17 = arith.cmpi ne, %rem3A, %ne3A_16 : i32
    %and3A = arith.andi %ne3A, %ne3A_17 : i1
    %sub3A = arith.constant 1 : i32
    %sub3A_18 = arith.subi %div3A, %sub3A : i32
    %select_n3A = arith.select %and3A, %sub3A_18, %div3A : i32
    %jit3A_19 = arith.constant 3 : i32
    %eq3A = arith.constant 0 : i32
    %eq3A_20 = arith.cmpi eq, %jit3A_19, %eq3A : i32
    %jit3A_21 = arith.constant 1 : i32
    %select_n3A_22 = arith.select %eq3A_20, %jit3A_21, %jit3A_19 : i32
    %rem3A_23 = arith.remsi %mul3A_2, %select_n3A_22 : i32
    %ne3A_24 = arith.constant 0 : i32
    %ne3A_25 = arith.cmpi ne, %rem3A_23, %ne3A_24 : i32
    %lt3A = arith.constant 0 : i32
    %lt3A_26 = arith.cmpi slt, %rem3A_23, %lt3A : i32
    %lt3A_27 = arith.constant 0 : i32
    %lt3A_28 = arith.cmpi slt, %select_n3A_22, %lt3A_27 : i32
    %ne3A_29 = arith.xori %lt3A_26, %lt3A_28 : i1
    %and3A_30 = arith.andi %ne3A_29, %ne3A_25 : i1
    %add3A_31 = arith.addi %rem3A_23, %select_n3A_22 : i32
    %select_n3A_32 = arith.select %and3A_30, %add3A_31, %rem3A_23 : i32
    %dma_start3A = arith.constant 0 : i32
    %dma_start3A_33 = arith.constant 0 : i32
    %dma_start3A_34 = tpu.memref_slice %arg2[%select_n3A, %select_n3A_32, %dma_start3A, %dma_start3A_33] : memref<32x3x224x224xf32, #tpu.memory_space<hbm>> -> memref<1x1x224x224xf32, #tpu.memory_space<hbm>>
    %dma_start3A_35 = tpu.memref_squeeze %dma_start3A_34 : memref<1x1x224x224xf32, #tpu.memory_space<hbm>> -> memref<224x224xf32, #tpu.memory_space<hbm>>
    %dma_start3A_36 = arith.constant 0 : i32
    %dma_start3A_37 = arith.constant 0 : i32
    %dma_start3A_38 = tpu.memref_slice %arg2[%select_n3A, %select_n3A_32, %dma_start3A_36, %dma_start3A_37] : memref<32x3x224x224xf32, #tpu.memory_space<hbm>> -> memref<1x1x224x224xf32, #tpu.memory_space<hbm>>
    %dma_start3A_39 = tpu.memref_squeeze %dma_start3A_38 : memref<1x1x224x224xf32, #tpu.memory_space<hbm>> -> memref<224x224xf32, #tpu.memory_space<hbm>>
    tpu.enqueue_dma source(%dma_start3A_39 : memref<224x224xf32, #tpu.memory_space<hbm>>) target(%arg6 : memref<224x224xf32, #tpu.memory_space<vmem>>) target_semaphore(%arg10 : memref<!tpu.dma_semaphore, #tpu.memory_space<semaphore_mem>>)
    %add3A_40 = arith.constant 1 : i32
    %add3A_41 = arith.addi %mul3A_2, %add3A_40 : i32
    %jit3A_42 = arith.constant 3 : i32
    %div3A_43 = arith.divsi %add3A_41, %jit3A_42 : i32
    %sign3A_44 = arith.constant 0 : i32
    %sign3A_45 = arith.cmpi sgt, %add3A_41, %sign3A_44 : i32
    %sign3A_46 = arith.extui %sign3A_45 : i1 to i32
    %sign3A_47 = arith.constant 0 : i32
    %sign3A_48 = arith.cmpi slt, %add3A_41, %sign3A_47 : i32
    %sign3A_49 = arith.extui %sign3A_48 : i1 to i32
    %sign3A_50 = arith.subi %sign3A_46, %sign3A_49 : i32
    %sign3A_51 = arith.constant 0 : i32
    %sign3A_52 = arith.cmpi sgt, %jit3A_42, %sign3A_51 : i32
    %sign3A_53 = arith.extui %sign3A_52 : i1 to i32
    %sign3A_54 = arith.constant 0 : i32
    %sign3A_55 = arith.cmpi slt, %jit3A_42, %sign3A_54 : i32
    %sign3A_56 = arith.extui %sign3A_55 : i1 to i32
    %sign3A_57 = arith.subi %sign3A_53, %sign3A_56 : i32
    %ne3A_58 = arith.cmpi ne, %sign3A_50, %sign3A_57 : i32
    %rem3A_59 = arith.remsi %add3A_41, %jit3A_42 : i32
    %ne3A_60 = arith.constant 0 : i32
    %ne3A_61 = arith.cmpi ne, %rem3A_59, %ne3A_60 : i32
    %and3A_62 = arith.andi %ne3A_58, %ne3A_61 : i1
    %sub3A_63 = arith.constant 1 : i32
    %sub3A_64 = arith.subi %div3A_43, %sub3A_63 : i32
    %select_n3A_65 = arith.select %and3A_62, %sub3A_64, %div3A_43 : i32
    %jit3A_66 = arith.constant 3 : i32
    %eq3A_67 = arith.constant 0 : i32
    %eq3A_68 = arith.cmpi eq, %jit3A_66, %eq3A_67 : i32
    %jit3A_69 = arith.constant 1 : i32
    %select_n3A_70 = arith.select %eq3A_68, %jit3A_69, %jit3A_66 : i32
    %rem3A_71 = arith.remsi %add3A_41, %select_n3A_70 : i32
    %ne3A_72 = arith.constant 0 : i32
    %ne3A_73 = arith.cmpi ne, %rem3A_71, %ne3A_72 : i32
    %lt3A_74 = arith.constant 0 : i32
    %lt3A_75 = arith.cmpi slt, %rem3A_71, %lt3A_74 : i32
    %lt3A_76 = arith.constant 0 : i32
    %lt3A_77 = arith.cmpi slt, %select_n3A_70, %lt3A_76 : i32
    %ne3A_78 = arith.xori %lt3A_75, %lt3A_77 : i1
    %and3A_79 = arith.andi %ne3A_78, %ne3A_73 : i1
    %add3A_80 = arith.addi %rem3A_71, %select_n3A_70 : i32
    %select_n3A_81 = arith.select %and3A_79, %add3A_80, %rem3A_71 : i32
    %dma_start3A_82 = arith.constant 0 : i32
    %dma_start3A_83 = arith.constant 0 : i32
    %dma_start3A_84 = tpu.memref_slice %arg2[%select_n3A_65, %select_n3A_81, %dma_start3A_82, %dma_start3A_83] : memref<32x3x224x224xf32, #tpu.memory_space<hbm>> -> memref<1x1x224x224xf32, #tpu.memory_space<hbm>>
    %dma_start3A_85 = tpu.memref_squeeze %dma_start3A_84 : memref<1x1x224x224xf32, #tpu.memory_space<hbm>> -> memref<224x224xf32, #tpu.memory_space<hbm>>
    %dma_start3A_86 = arith.constant 0 : i32
    %dma_start3A_87 = arith.constant 0 : i32
    %dma_start3A_88 = tpu.memref_slice %arg2[%select_n3A_65, %select_n3A_81, %dma_start3A_86, %dma_start3A_87] : memref<32x3x224x224xf32, #tpu.memory_space<hbm>> -> memref<1x1x224x224xf32, #tpu.memory_space<hbm>>
    %dma_start3A_89 = tpu.memref_squeeze %dma_start3A_88 : memref<1x1x224x224xf32, #tpu.memory_space<hbm>> -> memref<224x224xf32, #tpu.memory_space<hbm>>
    tpu.enqueue_dma source(%dma_start3A_89 : memref<224x224xf32, #tpu.memory_space<hbm>>) target(%arg7 : memref<224x224xf32, #tpu.memory_space<vmem>>) target_semaphore(%arg11 : memref<!tpu.dma_semaphore, #tpu.memory_space<semaphore_mem>>)
    %dma_start3A_90 = arith.constant 0 : i32
    %dma_start3A_91 = tpu.memref_slice %arg8[%dma_start3A_90] : memref<688xf32, #tpu.memory_space<vmem>> -> memref<672xf32, #tpu.memory_space<vmem>>
    %dma_start3A_92 = arith.constant 0 : i32
    %dma_start3A_93 = tpu.memref_slice %arg8[%dma_start3A_92] : memref<688xf32, #tpu.memory_space<vmem>> -> memref<672xf32, #tpu.memory_space<vmem>>
    tpu.enqueue_dma source(%arg3 : memref<672xf32, #tpu.memory_space<hbm>>) target(%dma_start3A_93 : memref<672xf32, #tpu.memory_space<vmem>>) target_semaphore(%arg14 : memref<!tpu.dma_semaphore, #tpu.memory_space<semaphore_mem>>)
    %dma_start3A_94 = arith.constant 0 : i32
    %dma_start3A_95 = tpu.memref_slice %arg9[%dma_start3A_94] : memref<784xf32, #tpu.memory_space<vmem>> -> memref<768xf32, #tpu.memory_space<vmem>>
    %dma_start3A_96 = arith.constant 0 : i32
    %dma_start3A_97 = tpu.memref_slice %arg9[%dma_start3A_96] : memref<784xf32, #tpu.memory_space<vmem>> -> memref<768xf32, #tpu.memory_space<vmem>>
    tpu.enqueue_dma source(%arg4 : memref<768xf32, #tpu.memory_space<hbm>>) target(%dma_start3A_97 : memref<768xf32, #tpu.memory_space<vmem>>) target_semaphore(%arg14 : memref<!tpu.dma_semaphore, #tpu.memory_space<semaphore_mem>>)
    %add3A_98 = arith.constant 0 : i32
    %add3A_99 = arith.addi %mul3A_2, %add3A_98 : i32
    %jit3A_100 = arith.constant 3 : i32
    %div3A_101 = arith.divsi %add3A_99, %jit3A_100 : i32
    %sign3A_102 = arith.constant 0 : i32
    %sign3A_103 = arith.cmpi sgt, %add3A_99, %sign3A_102 : i32
    %sign3A_104 = arith.extui %sign3A_103 : i1 to i32
    %sign3A_105 = arith.constant 0 : i32
    %sign3A_106 = arith.cmpi slt, %add3A_99, %sign3A_105 : i32
    %sign3A_107 = arith.extui %sign3A_106 : i1 to i32
    %sign3A_108 = arith.subi %sign3A_104, %sign3A_107 : i32
    %sign3A_109 = arith.constant 0 : i32
    %sign3A_110 = arith.cmpi sgt, %jit3A_100, %sign3A_109 : i32
    %sign3A_111 = arith.extui %sign3A_110 : i1 to i32
    %sign3A_112 = arith.constant 0 : i32
    %sign3A_113 = arith.cmpi slt, %jit3A_100, %sign3A_112 : i32
    %sign3A_114 = arith.extui %sign3A_113 : i1 to i32
    %sign3A_115 = arith.subi %sign3A_111, %sign3A_114 : i32
    %ne3A_116 = arith.cmpi ne, %sign3A_108, %sign3A_115 : i32
    %rem3A_117 = arith.remsi %add3A_99, %jit3A_100 : i32
    %ne3A_118 = arith.constant 0 : i32
    %ne3A_119 = arith.cmpi ne, %rem3A_117, %ne3A_118 : i32
    %and3A_120 = arith.andi %ne3A_116, %ne3A_119 : i1
    %sub3A_121 = arith.constant 1 : i32
    %sub3A_122 = arith.subi %div3A_101, %sub3A_121 : i32
    %select_n3A_123 = arith.select %and3A_120, %sub3A_122, %div3A_101 : i32
    %jit3A_124 = arith.constant 3 : i32
    %eq3A_125 = arith.constant 0 : i32
    %eq3A_126 = arith.cmpi eq, %jit3A_124, %eq3A_125 : i32
    %jit3A_127 = arith.constant 1 : i32
    %select_n3A_128 = arith.select %eq3A_126, %jit3A_127, %jit3A_124 : i32
    %rem3A_129 = arith.remsi %add3A_99, %select_n3A_128 : i32
    %ne3A_130 = arith.constant 0 : i32
    %ne3A_131 = arith.cmpi ne, %rem3A_129, %ne3A_130 : i32
    %lt3A_132 = arith.constant 0 : i32
    %lt3A_133 = arith.cmpi slt, %rem3A_129, %lt3A_132 : i32
    %lt3A_134 = arith.constant 0 : i32
    %lt3A_135 = arith.cmpi slt, %select_n3A_128, %lt3A_134 : i32
    %ne3A_136 = arith.xori %lt3A_133, %lt3A_135 : i1
    %and3A_137 = arith.andi %ne3A_136, %ne3A_131 : i1
    %add3A_138 = arith.addi %rem3A_129, %select_n3A_128 : i32
    %select_n3A_139 = arith.select %and3A_137, %add3A_138, %rem3A_129 : i32
    %dma_wait3A = arith.constant 0 : i32
    %dma_wait3A_140 = arith.constant 0 : i32
    %dma_wait3A_141 = tpu.memref_slice %arg2[%select_n3A_123, %select_n3A_139, %dma_wait3A, %dma_wait3A_140] : memref<32x3x224x224xf32, #tpu.memory_space<hbm>> -> memref<1x1x224x224xf32, #tpu.memory_space<hbm>>
    %dma_wait3A_142 = tpu.memref_squeeze %dma_wait3A_141 : memref<1x1x224x224xf32, #tpu.memory_space<hbm>> -> memref<224x224xf32, #tpu.memory_space<hbm>>
    %dma_wait3A_143 = arith.constant 0 : i32
    %dma_wait3A_144 = arith.constant 0 : i32
    %dma_wait3A_145 = tpu.memref_slice %arg2[%select_n3A_123, %select_n3A_139, %dma_wait3A_143, %dma_wait3A_144] : memref<32x3x224x224xf32, #tpu.memory_space<hbm>> -> memref<1x1x224x224xf32, #tpu.memory_space<hbm>>
    %dma_wait3A_146 = tpu.memref_squeeze %dma_wait3A_145 : memref<1x1x224x224xf32, #tpu.memory_space<hbm>> -> memref<224x224xf32, #tpu.memory_space<hbm>>
    tpu.wait_dma2 semaphore(%arg10 : memref<!tpu.dma_semaphore, #tpu.memory_space<semaphore_mem>>) src(%dma_wait3A_146 : memref<224x224xf32, #tpu.memory_space<hbm>>) dst(%arg6 : memref<224x224xf32, #tpu.memory_space<vmem>>)
    %broadcast_in_dim3A = arith.constant 0x7F800000 : f32
    %broadcast_in_dim3A_147 = vector.broadcast %broadcast_in_dim3A : f32 to vector<16xf32>
    %broadcast_in_dim3A_148 = arith.constant 0x7F800000 : f32
    %broadcast_in_dim3A_149 = vector.broadcast %broadcast_in_dim3A_148 : f32 to vector<16xf32>
    %broadcast_in_dim3A_150 = arith.constant 0x7F800000 : f32
    %broadcast_in_dim3A_151 = vector.broadcast %broadcast_in_dim3A_150 : f32 to vector<16xf32>
    %broadcast_in_dim3A_152 = arith.constant 0x7F800000 : f32
    %broadcast_in_dim3A_153 = vector.broadcast %broadcast_in_dim3A_152 : f32 to vector<16xf32>
    %broadcast_in_dim3A_154 = arith.constant 0x7F800000 : f32
    %broadcast_in_dim3A_155 = vector.broadcast %broadcast_in_dim3A_154 : f32 to vector<16xf32>
    %broadcast_in_dim3A_156 = arith.constant 0x7F800000 : f32
    %broadcast_in_dim3A_157 = vector.broadcast %broadcast_in_dim3A_156 : f32 to vector<16xf32>
    %broadcast_in_dim3A_158 = arith.constant 0x7F800000 : f32
    %broadcast_in_dim3A_159 = vector.broadcast %broadcast_in_dim3A_158 : f32 to vector<16xf32>
    %broadcast_in_dim3A_160 = arith.constant 0x7F800000 : f32
    %broadcast_in_dim3A_161 = vector.broadcast %broadcast_in_dim3A_160 : f32 to vector<16xf32>
    %neg3A = arith.constant 0.000000e+00 : f32
    %neg3A_162 = arith.constant 0x7F800000 : f32
    %neg3A_163 = arith.subf %neg3A, %neg3A_162 : f32
    %broadcast_in_dim3A_164 = vector.broadcast %neg3A_163 : f32 to vector<16xf32>
    %neg3A_165 = arith.constant 0.000000e+00 : f32
    %neg3A_166 = arith.constant 0x7F800000 : f32
    %neg3A_167 = arith.subf %neg3A_165, %neg3A_166 : f32
    %broadcast_in_dim3A_168 = vector.broadcast %neg3A_167 : f32 to vector<16xf32>
    %neg3A_169 = arith.constant 0.000000e+00 : f32
    %neg3A_170 = arith.constant 0x7F800000 : f32
    %neg3A_171 = arith.subf %neg3A_169, %neg3A_170 : f32
    %broadcast_in_dim3A_172 = vector.broadcast %neg3A_171 : f32 to vector<16xf32>
    %neg3A_173 = arith.constant 0.000000e+00 : f32
    %neg3A_174 = arith.constant 0x7F800000 : f32
    %neg3A_175 = arith.subf %neg3A_173, %neg3A_174 : f32
    %broadcast_in_dim3A_176 = vector.broadcast %neg3A_175 : f32 to vector<16xf32>
    %neg3A_177 = arith.constant 0.000000e+00 : f32
    %neg3A_178 = arith.constant 0x7F800000 : f32
    %neg3A_179 = arith.subf %neg3A_177, %neg3A_178 : f32
    %broadcast_in_dim3A_180 = vector.broadcast %neg3A_179 : f32 to vector<16xf32>
    %neg3A_181 = arith.constant 0.000000e+00 : f32
    %neg3A_182 = arith.constant 0x7F800000 : f32
    %neg3A_183 = arith.subf %neg3A_181, %neg3A_182 : f32
    %broadcast_in_dim3A_184 = vector.broadcast %neg3A_183 : f32 to vector<16xf32>
    %neg3A_185 = arith.constant 0.000000e+00 : f32
    %neg3A_186 = arith.constant 0x7F800000 : f32
    %neg3A_187 = arith.subf %neg3A_185, %neg3A_186 : f32
    %broadcast_in_dim3A_188 = vector.broadcast %neg3A_187 : f32 to vector<16xf32>
    %neg3A_189 = arith.constant 0.000000e+00 : f32
    %neg3A_190 = arith.constant 0x7F800000 : f32
    %neg3A_191 = arith.subf %neg3A_189, %neg3A_190 : f32
    %broadcast_in_dim3A_192 = vector.broadcast %neg3A_191 : f32 to vector<16xf32>
    %parallel_loop3A = arith.constant 0 : i32
    %parallel_loop3A_193 = arith.constant 224 : i32
    %parallel_loop3A_194 = arith.constant 1 : i32
    %parallel_loop3A_195:16 = scf.for %parallel_loop3A_1422 = %parallel_loop3A to %parallel_loop3A_193 step %parallel_loop3A_194 iter_args(%parallel_loop3A_1423 = %broadcast_in_dim3A_147, %parallel_loop3A_1424 = %broadcast_in_dim3A_149, %parallel_loop3A_1425 = %broadcast_in_dim3A_151, %parallel_loop3A_1426 = %broadcast_in_dim3A_153, %parallel_loop3A_1427 = %broadcast_in_dim3A_155, %parallel_loop3A_1428 = %broadcast_in_dim3A_157, %parallel_loop3A_1429 = %broadcast_in_dim3A_159, %parallel_loop3A_1430 = %broadcast_in_dim3A_161, %parallel_loop3A_1431 = %broadcast_in_dim3A_164, %parallel_loop3A_1432 = %broadcast_in_dim3A_168, %parallel_loop3A_1433 = %broadcast_in_dim3A_172, %parallel_loop3A_1434 = %broadcast_in_dim3A_176, %parallel_loop3A_1435 = %broadcast_in_dim3A_180, %parallel_loop3A_1436 = %broadcast_in_dim3A_184, %parallel_loop3A_1437 = %broadcast_in_dim3A_188, %parallel_loop3A_1438 = %broadcast_in_dim3A_192) -> (vector<16xf32>, vector<16xf32>, vector<16xf32>, vector<16xf32>, vector<16xf32>, vector<16xf32>, vector<16xf32>, vector<16xf32>, vector<16xf32>, vector<16xf32>, vector<16xf32>, vector<16xf32>, vector<16xf32>, vector<16xf32>, vector<16xf32>, vector<16xf32>)  : i32 {
      %parallel_loop3A_1439 = arith.index_cast %parallel_loop3A_1422 : i32 to index
      %parallel_loop3A_1440 = arith.constant 0 : index
      %parallel_loop3A_1441 = tpu.vector_load %arg6[%parallel_loop3A_1439, %parallel_loop3A_1440] {strides = array<i32>} : memref<224x224xf32, #tpu.memory_space<vmem>>, vector<16xf32>,
      %parallel_loop3A_1442 = arith.minimumf %parallel_loop3A_1423, %parallel_loop3A_1441 : vector<16xf32>
      %parallel_loop3A_1443 = arith.maximumf %parallel_loop3A_1431, %parallel_loop3A_1441 : vector<16xf32>
      %parallel_loop3A_1444 = arith.index_cast %parallel_loop3A_1422 : i32 to index
      %parallel_loop3A_1445 = arith.constant 16 : index
      %parallel_loop3A_1446 = tpu.vector_load %arg6[%parallel_loop3A_1444, %parallel_loop3A_1445] {strides = array<i32>} : memref<224x224xf32, #tpu.memory_space<vmem>>, vector<16xf32>,
      %parallel_loop3A_1447 = arith.minimumf %parallel_loop3A_1424, %parallel_loop3A_1446 : vector<16xf32>
      %parallel_loop3A_1448 = arith.maximumf %parallel_loop3A_1432, %parallel_loop3A_1446 : vector<16xf32>
      %parallel_loop3A_1449 = arith.index_cast %parallel_loop3A_1422 : i32 to index
      %parallel_loop3A_1450 = arith.constant 32 : index
      %parallel_loop3A_1451 = tpu.vector_load %arg6[%parallel_loop3A_1449, %parallel_loop3A_1450] {strides = array<i32>} : memref<224x224xf32, #tpu.memory_space<vmem>>, vector<16xf32>,
      %parallel_loop3A_1452 = arith.minimumf %parallel_loop3A_1425, %parallel_loop3A_1451 : vector<16xf32>
      %parallel_loop3A_1453 = arith.maximumf %parallel_loop3A_1433, %parallel_loop3A_1451 : vector<16xf32>
      %parallel_loop3A_1454 = arith.index_cast %parallel_loop3A_1422 : i32 to index
      %parallel_loop3A_1455 = arith.constant 48 : index
      %parallel_loop3A_1456 = tpu.vector_load %arg6[%parallel_loop3A_1454, %parallel_loop3A_1455] {strides = array<i32>} : memref<224x224xf32, #tpu.memory_space<vmem>>, vector<16xf32>,
      %parallel_loop3A_1457 = arith.minimumf %parallel_loop3A_1426, %parallel_loop3A_1456 : vector<16xf32>
      %parallel_loop3A_1458 = arith.maximumf %parallel_loop3A_1434, %parallel_loop3A_1456 : vector<16xf32>
      %parallel_loop3A_1459 = arith.index_cast %parallel_loop3A_1422 : i32 to index
      %parallel_loop3A_1460 = arith.constant 64 : index
      %parallel_loop3A_1461 = tpu.vector_load %arg6[%parallel_loop3A_1459, %parallel_loop3A_1460] {strides = array<i32>} : memref<224x224xf32, #tpu.memory_space<vmem>>, vector<16xf32>,
      %parallel_loop3A_1462 = arith.minimumf %parallel_loop3A_1427, %parallel_loop3A_1461 : vector<16xf32>
      %parallel_loop3A_1463 = arith.maximumf %parallel_loop3A_1435, %parallel_loop3A_1461 : vector<16xf32>
      %parallel_loop3A_1464 = arith.index_cast %parallel_loop3A_1422 : i32 to index
      %parallel_loop3A_1465 = arith.constant 80 : index
      %parallel_loop3A_1466 = tpu.vector_load %arg6[%parallel_loop3A_1464, %parallel_loop3A_1465] {strides = array<i32>} : memref<224x224xf32, #tpu.memory_space<vmem>>, vector<16xf32>,
      %parallel_loop3A_1467 = arith.minimumf %parallel_loop3A_1428, %parallel_loop3A_1466 : vector<16xf32>
      %parallel_loop3A_1468 = arith.maximumf %parallel_loop3A_1436, %parallel_loop3A_1466 : vector<16xf32>
      %parallel_loop3A_1469 = arith.index_cast %parallel_loop3A_1422 : i32 to index
      %parallel_loop3A_1470 = arith.constant 96 : index
      %parallel_loop3A_1471 = tpu.vector_load %arg6[%parallel_loop3A_1469, %parallel_loop3A_1470] {strides = array<i32>} : memref<224x224xf32, #tpu.memory_space<vmem>>, vector<16xf32>,
      %parallel_loop3A_1472 = arith.minimumf %parallel_loop3A_1429, %parallel_loop3A_1471 : vector<16xf32>
      %parallel_loop3A_1473 = arith.maximumf %parallel_loop3A_1437, %parallel_loop3A_1471 : vector<16xf32>
      %parallel_loop3A_1474 = arith.index_cast %parallel_loop3A_1422 : i32 to index
      %parallel_loop3A_1475 = arith.constant 112 : index
      %parallel_loop3A_1476 = tpu.vector_load %arg6[%parallel_loop3A_1474, %parallel_loop3A_1475] {strides = array<i32>} : memref<224x224xf32, #tpu.memory_space<vmem>>, vector<16xf32>,
      %parallel_loop3A_1477 = arith.minimumf %parallel_loop3A_1430, %parallel_loop3A_1476 : vector<16xf32>
      %parallel_loop3A_1478 = arith.maximumf %parallel_loop3A_1438, %parallel_loop3A_1476 : vector<16xf32>
      %parallel_loop3A_1479 = arith.index_cast %parallel_loop3A_1422 : i32 to index
      %parallel_loop3A_1480 = arith.constant 128 : index
      %parallel_loop3A_1481 = tpu.vector_load %arg6[%parallel_loop3A_1479, %parallel_loop3A_1480] {strides = array<i32>} : memref<224x224xf32, #tpu.memory_space<vmem>>, vector<16xf32>,
      %parallel_loop3A_1482 = arith.minimumf %parallel_loop3A_1442, %parallel_loop3A_1481 : vector<16xf32>
      %parallel_loop3A_1483 = arith.maximumf %parallel_loop3A_1443, %parallel_loop3A_1481 : vector<16xf32>
      %parallel_loop3A_1484 = arith.index_cast %parallel_loop3A_1422 : i32 to index
      %parallel_loop3A_1485 = arith.constant 144 : index
      %parallel_loop3A_1486 = tpu.vector_load %arg6[%parallel_loop3A_1484, %parallel_loop3A_1485] {strides = array<i32>} : memref<224x224xf32, #tpu.memory_space<vmem>>, vector<16xf32>,
      %parallel_loop3A_1487 = arith.minimumf %parallel_loop3A_1447, %parallel_loop3A_1486 : vector<16xf32>
      %parallel_loop3A_1488 = arith.maximumf %parallel_loop3A_1448, %parallel_loop3A_1486 : vector<16xf32>
      %parallel_loop3A_1489 = arith.index_cast %parallel_loop3A_1422 : i32 to index
      %parallel_loop3A_1490 = arith.constant 160 : index
      %parallel_loop3A_1491 = tpu.vector_load %arg6[%parallel_loop3A_1489, %parallel_loop3A_1490] {strides = array<i32>} : memref<224x224xf32, #tpu.memory_space<vmem>>, vector<16xf32>,
      %parallel_loop3A_1492 = arith.minimumf %parallel_loop3A_1452, %parallel_loop3A_1491 : vector<16xf32>
      %parallel_loop3A_1493 = arith.maximumf %parallel_loop3A_1453, %parallel_loop3A_1491 : vector<16xf32>
      %parallel_loop3A_1494 = arith.index_cast %parallel_loop3A_1422 : i32 to index
      %parallel_loop3A_1495 = arith.constant 176 : index
      %parallel_loop3A_1496 = tpu.vector_load %arg6[%parallel_loop3A_1494, %parallel_loop3A_1495] {strides = array<i32>} : memref<224x224xf32, #tpu.memory_space<vmem>>, vector<16xf32>,
      %parallel_loop3A_1497 = arith.minimumf %parallel_loop3A_1457, %parallel_loop3A_1496 : vector<16xf32>
      %parallel_loop3A_1498 = arith.maximumf %parallel_loop3A_1458, %parallel_loop3A_1496 : vector<16xf32>
      %parallel_loop3A_1499 = arith.index_cast %parallel_loop3A_1422 : i32 to index
      %parallel_loop3A_1500 = arith.constant 192 : index
      %parallel_loop3A_1501 = tpu.vector_load %arg6[%parallel_loop3A_1499, %parallel_loop3A_1500] {strides = array<i32>} : memref<224x224xf32, #tpu.memory_space<vmem>>, vector<16xf32>,
      %parallel_loop3A_1502 = arith.minimumf %parallel_loop3A_1462, %parallel_loop3A_1501 : vector<16xf32>
      %parallel_loop3A_1503 = arith.maximumf %parallel_loop3A_1463, %parallel_loop3A_1501 : vector<16xf32>
      %parallel_loop3A_1504 = arith.index_cast %parallel_loop3A_1422 : i32 to index
      %parallel_loop3A_1505 = arith.constant 208 : index
      %parallel_loop3A_1506 = tpu.vector_load %arg6[%parallel_loop3A_1504, %parallel_loop3A_1505] {strides = array<i32>} : memref<224x224xf32, #tpu.memory_space<vmem>>, vector<16xf32>,
      %parallel_loop3A_1507 = arith.minimumf %parallel_loop3A_1467, %parallel_loop3A_1506 : vector<16xf32>
      %parallel_loop3A_1508 = arith.maximumf %parallel_loop3A_1468, %parallel_loop3A_1506 : vector<16xf32>
      scf.yield %parallel_loop3A_1482, %parallel_loop3A_1487, %parallel_loop3A_1492, %parallel_loop3A_1497, %parallel_loop3A_1502, %parallel_loop3A_1507, %parallel_loop3A_1472, %parallel_loop3A_1477, %parallel_loop3A_1483, %parallel_loop3A_1488, %parallel_loop3A_1493, %parallel_loop3A_1498, %parallel_loop3A_1503, %parallel_loop3A_1508, %parallel_loop3A_1473, %parallel_loop3A_1478 : vector<16xf32>, vector<16xf32>, vector<16xf32>, vector<16xf32>, vector<16xf32>, vector<16xf32>, vector<16xf32>, vector<16xf32>, vector<16xf32>, vector<16xf32>, vector<16xf32>, vector<16xf32>, vector<16xf32>, vector<16xf32>, vector<16xf32>, vector<16xf32>
    } {sc.loop_unroll_factor = 1 : i64, sc.parallel_access}
    %min3A = arith.minimumf %parallel_loop3A_195#0, %parallel_loop3A_195#1 : vector<16xf32>
    %min3A_196 = arith.minimumf %parallel_loop3A_195#2, %parallel_loop3A_195#3 : vector<16xf32>
    %min3A_197 = arith.minimumf %parallel_loop3A_195#4, %parallel_loop3A_195#5 : vector<16xf32>
    %min3A_198 = arith.minimumf %parallel_loop3A_195#6, %parallel_loop3A_195#7 : vector<16xf32>
    %max3A = arith.maximumf %parallel_loop3A_195#8, %parallel_loop3A_195#9 : vector<16xf32>
    %max3A_199 = arith.maximumf %parallel_loop3A_195#10, %parallel_loop3A_195#11 : vector<16xf32>
    %max3A_200 = arith.maximumf %parallel_loop3A_195#12, %parallel_loop3A_195#13 : vector<16xf32>
    %max3A_201 = arith.maximumf %parallel_loop3A_195#14, %parallel_loop3A_195#15 : vector<16xf32>
    %min3A_202 = arith.minimumf %min3A, %min3A_196 : vector<16xf32>
    %min3A_203 = arith.minimumf %min3A_197, %min3A_198 : vector<16xf32>
    %max3A_204 = arith.maximumf %max3A, %max3A_199 : vector<16xf32>
    %max3A_205 = arith.maximumf %max3A_200, %max3A_201 : vector<16xf32>
    %min3A_206 = arith.minimumf %min3A_202, %min3A_203 : vector<16xf32>
    %max3A_207 = arith.maximumf %max3A_204, %max3A_205 : vector<16xf32>
    %reduce_min3A = arith.constant true
    %reduce_min3A_208 = vector.broadcast %reduce_min3A : i1 to vector<16xi1>
    %reduce_min3A_209 = tpu.scan <min>, %min3A_206 masked %reduce_min3A_208 : vector<16xf32>, vector<16xi1> -> vector<16xf32>
    %reduce_min3A_210 = vector.extract %reduce_min3A_209[15] : f32 from vector<16xf32>
    %reduce_max3A = arith.constant true
    %reduce_max3A_211 = vector.broadcast %reduce_max3A : i1 to vector<16xi1>
    %reduce_max3A_212 = tpu.scan <max>, %max3A_207 masked %reduce_max3A_211 : vector<16xf32>, vector<16xi1> -> vector<16xf32>
    %reduce_max3A_213 = vector.extract %reduce_max3A_212[15] : f32 from vector<16xf32>
    %dma_wait3A_214 = arith.constant 0 : i32
    %dma_wait3A_215 = tpu.memref_slice %arg8[%dma_wait3A_214] : memref<688xf32, #tpu.memory_space<vmem>> -> memref<672xf32, #tpu.memory_space<vmem>>
    %dma_wait3A_216 = arith.constant 0 : i32
    %dma_wait3A_217 = tpu.memref_slice %arg8[%dma_wait3A_216] : memref<688xf32, #tpu.memory_space<vmem>> -> memref<672xf32, #tpu.memory_space<vmem>>
    tpu.wait_dma2 semaphore(%arg14 : memref<!tpu.dma_semaphore, #tpu.memory_space<semaphore_mem>>) src(%arg3 : memref<672xf32, #tpu.memory_space<hbm>>) dst(%dma_wait3A_217 : memref<672xf32, #tpu.memory_space<vmem>>)
    %dma_wait3A_218 = arith.constant 0 : i32
    %dma_wait3A_219 = tpu.memref_slice %arg9[%dma_wait3A_218] : memref<784xf32, #tpu.memory_space<vmem>> -> memref<768xf32, #tpu.memory_space<vmem>>
    %dma_wait3A_220 = arith.constant 0 : i32
    %dma_wait3A_221 = tpu.memref_slice %arg9[%dma_wait3A_220] : memref<784xf32, #tpu.memory_space<vmem>> -> memref<768xf32, #tpu.memory_space<vmem>>
    tpu.wait_dma2 semaphore(%arg14 : memref<!tpu.dma_semaphore, #tpu.memory_space<semaphore_mem>>) src(%arg4 : memref<768xf32, #tpu.memory_space<hbm>>) dst(%dma_wait3A_221 : memref<768xf32, #tpu.memory_space<vmem>>)
    %mul3A_222 = arith.constant 7 : i32
    %mul3A_223 = arith.muli %add3A_99, %mul3A_222 : i32
    %get3A = arith.index_cast %mul3A_223 : i32 to index
    %get3A_224 = tpu.vector_load %arg8[%get3A] {strides = array<i32>} : memref<688xf32, #tpu.memory_space<vmem>>, vector<16xf32>,
    %mul3A_225 = arith.constant 8 : i32
    %mul3A_226 = arith.muli %add3A_99, %mul3A_225 : i32
    %get3A_227 = arith.index_cast %mul3A_226 : i32 to index
    %get3A_228 = tpu.vector_load %arg9[%get3A_227] {strides = array<i32>} : memref<784xf32, #tpu.memory_space<vmem>>, vector<16xf32>,
    %lt3A_229 = arith.constant 7 : i32
    %lt3A_230 = vector.broadcast %lt3A_229 : i32 to vector<16xi32>
    %lt3A_231 = arith.cmpi slt, %iota3A, %lt3A_230 : vector<16xi32>
    %sub3A_232 = arith.subf %reduce_max3A_213, %reduce_min3A_210 : f32
    %mul3A_233 = vector.broadcast %sub3A_232 : f32 to vector<16xf32>
    %mul3A_234 = arith.mulf %get3A_224, %mul3A_233 : vector<16xf32>
    %add3A_235 = vector.broadcast %reduce_min3A_210 : f32 to vector<16xf32>
    %add3A_236 = arith.addf %mul3A_234, %add3A_235 : vector<16xf32>
    %jit3A_237 = arith.constant 0x7F800000 : f32
    %broadcast_in_dim3A_238 = vector.broadcast %jit3A_237 : f32 to vector<16xf32>
    %select_n3A_239 = arith.select %lt3A_231, %add3A_236, %broadcast_in_dim3A_238 : vector<16xi1>, vector<16xf32>
    %sort3A = arith.constant dense<true> : vector<16xi1>
    %sort3A_240, %sort3A_241, %sort3A_242 = tpu.sort %select_n3A_239, %select_n3A_239 masked %sort3A : (vector<16xf32>, vector<16xf32>, vector<16xi1>) -> (vector<16xi1>, vector<16xf32>, vector<16xf32>)
    %eq3A_243 = arith.constant 0 : i32
    %eq3A_244 = vector.broadcast %eq3A_243 : i32 to vector<16xi32>
    %eq3A_245 = arith.cmpi eq, %iota3A, %eq3A_244 : vector<16xi32>
    %jit3A_246 = arith.constant 0x7F800000 : f32
    %broadcast_in_dim3A_247 = vector.broadcast %jit3A_246 : f32 to vector<16xf32>
    %select_n3A_248 = arith.select %eq3A_245, %sort3A_241, %broadcast_in_dim3A_247 : vector<16xi1>, vector<16xf32>
    %reduce_min3A_249 = arith.constant true
    %reduce_min3A_250 = vector.broadcast %reduce_min3A_249 : i1 to vector<16xi1>
    %reduce_min3A_251 = tpu.scan <min>, %select_n3A_248 masked %reduce_min3A_250 : vector<16xf32>, vector<16xi1> -> vector<16xf32>
    %reduce_min3A_252 = vector.extract %reduce_min3A_251[15] : f32 from vector<16xf32>
    %eq3A_253 = arith.constant 1 : i32
    %eq3A_254 = vector.broadcast %eq3A_253 : i32 to vector<16xi32>
    %eq3A_255 = arith.cmpi eq, %iota3A, %eq3A_254 : vector<16xi32>
    %jit3A_256 = arith.constant 0x7F800000 : f32
    %broadcast_in_dim3A_257 = vector.broadcast %jit3A_256 : f32 to vector<16xf32>
    %select_n3A_258 = arith.select %eq3A_255, %sort3A_241, %broadcast_in_dim3A_257 : vector<16xi1>, vector<16xf32>
    %reduce_min3A_259 = arith.constant true
    %reduce_min3A_260 = vector.broadcast %reduce_min3A_259 : i1 to vector<16xi1>
    %reduce_min3A_261 = tpu.scan <min>, %select_n3A_258 masked %reduce_min3A_260 : vector<16xf32>, vector<16xi1> -> vector<16xf32>
    %reduce_min3A_262 = vector.extract %reduce_min3A_261[15] : f32 from vector<16xf32>
    %eq3A_263 = arith.constant 2 : i32
    %eq3A_264 = vector.broadcast %eq3A_263 : i32 to vector<16xi32>
    %eq3A_265 = arith.cmpi eq, %iota3A, %eq3A_264 : vector<16xi32>
    %jit3A_266 = arith.constant 0x7F800000 : f32
    %broadcast_in_dim3A_267 = vector.broadcast %jit3A_266 : f32 to vector<16xf32>
    %select_n3A_268 = arith.select %eq3A_265, %sort3A_241, %broadcast_in_dim3A_267 : vector<16xi1>, vector<16xf32>
    %reduce_min3A_269 = arith.constant true
    %reduce_min3A_270 = vector.broadcast %reduce_min3A_269 : i1 to vector<16xi1>
    %reduce_min3A_271 = tpu.scan <min>, %select_n3A_268 masked %reduce_min3A_270 : vector<16xf32>, vector<16xi1> -> vector<16xf32>
    %reduce_min3A_272 = vector.extract %reduce_min3A_271[15] : f32 from vector<16xf32>
    %eq3A_273 = arith.constant 3 : i32
    %eq3A_274 = vector.broadcast %eq3A_273 : i32 to vector<16xi32>
    %eq3A_275 = arith.cmpi eq, %iota3A, %eq3A_274 : vector<16xi32>
    %jit3A_276 = arith.constant 0x7F800000 : f32
    %broadcast_in_dim3A_277 = vector.broadcast %jit3A_276 : f32 to vector<16xf32>
    %select_n3A_278 = arith.select %eq3A_275, %sort3A_241, %broadcast_in_dim3A_277 : vector<16xi1>, vector<16xf32>
    %reduce_min3A_279 = arith.constant true
    %reduce_min3A_280 = vector.broadcast %reduce_min3A_279 : i1 to vector<16xi1>
    %reduce_min3A_281 = tpu.scan <min>, %select_n3A_278 masked %reduce_min3A_280 : vector<16xf32>, vector<16xi1> -> vector<16xf32>
    %reduce_min3A_282 = vector.extract %reduce_min3A_281[15] : f32 from vector<16xf32>
    %eq3A_283 = arith.constant 4 : i32
    %eq3A_284 = vector.broadcast %eq3A_283 : i32 to vector<16xi32>
    %eq3A_285 = arith.cmpi eq, %iota3A, %eq3A_284 : vector<16xi32>
    %jit3A_286 = arith.constant 0x7F800000 : f32
    %broadcast_in_dim3A_287 = vector.broadcast %jit3A_286 : f32 to vector<16xf32>
    %select_n3A_288 = arith.select %eq3A_285, %sort3A_241, %broadcast_in_dim3A_287 : vector<16xi1>, vector<16xf32>
    %reduce_min3A_289 = arith.constant true
    %reduce_min3A_290 = vector.broadcast %reduce_min3A_289 : i1 to vector<16xi1>
    %reduce_min3A_291 = tpu.scan <min>, %select_n3A_288 masked %reduce_min3A_290 : vector<16xf32>, vector<16xi1> -> vector<16xf32>
    %reduce_min3A_292 = vector.extract %reduce_min3A_291[15] : f32 from vector<16xf32>
    %eq3A_293 = arith.constant 5 : i32
    %eq3A_294 = vector.broadcast %eq3A_293 : i32 to vector<16xi32>
    %eq3A_295 = arith.cmpi eq, %iota3A, %eq3A_294 : vector<16xi32>
    %jit3A_296 = arith.constant 0x7F800000 : f32
    %broadcast_in_dim3A_297 = vector.broadcast %jit3A_296 : f32 to vector<16xf32>
    %select_n3A_298 = arith.select %eq3A_295, %sort3A_241, %broadcast_in_dim3A_297 : vector<16xi1>, vector<16xf32>
    %reduce_min3A_299 = arith.constant true
    %reduce_min3A_300 = vector.broadcast %reduce_min3A_299 : i1 to vector<16xi1>
    %reduce_min3A_301 = tpu.scan <min>, %select_n3A_298 masked %reduce_min3A_300 : vector<16xf32>, vector<16xi1> -> vector<16xf32>
    %reduce_min3A_302 = vector.extract %reduce_min3A_301[15] : f32 from vector<16xf32>
    %eq3A_303 = arith.constant 6 : i32
    %eq3A_304 = vector.broadcast %eq3A_303 : i32 to vector<16xi32>
    %eq3A_305 = arith.cmpi eq, %iota3A, %eq3A_304 : vector<16xi32>
    %jit3A_306 = arith.constant 0x7F800000 : f32
    %broadcast_in_dim3A_307 = vector.broadcast %jit3A_306 : f32 to vector<16xf32>
    %select_n3A_308 = arith.select %eq3A_305, %sort3A_241, %broadcast_in_dim3A_307 : vector<16xi1>, vector<16xf32>
    %reduce_min3A_309 = arith.constant true
    %reduce_min3A_310 = vector.broadcast %reduce_min3A_309 : i1 to vector<16xi1>
    %reduce_min3A_311 = tpu.scan <min>, %select_n3A_308 masked %reduce_min3A_310 : vector<16xf32>, vector<16xi1> -> vector<16xf32>
    %reduce_min3A_312 = vector.extract %reduce_min3A_311[15] : f32 from vector<16xf32>
    %eq3A_313 = arith.constant 0 : i32
    %eq3A_314 = vector.broadcast %eq3A_313 : i32 to vector<16xi32>
    %eq3A_315 = arith.cmpi eq, %iota3A, %eq3A_314 : vector<16xi32>
    %jit3A_316 = arith.constant 0x7F800000 : f32
    %broadcast_in_dim3A_317 = vector.broadcast %jit3A_316 : f32 to vector<16xf32>
    %select_n3A_318 = arith.select %eq3A_315, %get3A_228, %broadcast_in_dim3A_317 : vector<16xi1>, vector<16xf32>
    %reduce_min3A_319 = arith.constant true
    %reduce_min3A_320 = vector.broadcast %reduce_min3A_319 : i1 to vector<16xi1>
    %reduce_min3A_321 = tpu.scan <min>, %select_n3A_318 masked %reduce_min3A_320 : vector<16xf32>, vector<16xi1> -> vector<16xf32>
    %reduce_min3A_322 = vector.extract %reduce_min3A_321[15] : f32 from vector<16xf32>
    %eq3A_323 = arith.constant 1 : i32
    %eq3A_324 = vector.broadcast %eq3A_323 : i32 to vector<16xi32>
    %eq3A_325 = arith.cmpi eq, %iota3A, %eq3A_324 : vector<16xi32>
    %jit3A_326 = arith.constant 0x7F800000 : f32
    %broadcast_in_dim3A_327 = vector.broadcast %jit3A_326 : f32 to vector<16xf32>
    %select_n3A_328 = arith.select %eq3A_325, %get3A_228, %broadcast_in_dim3A_327 : vector<16xi1>, vector<16xf32>
    %reduce_min3A_329 = arith.constant true
    %reduce_min3A_330 = vector.broadcast %reduce_min3A_329 : i1 to vector<16xi1>
    %reduce_min3A_331 = tpu.scan <min>, %select_n3A_328 masked %reduce_min3A_330 : vector<16xf32>, vector<16xi1> -> vector<16xf32>
    %reduce_min3A_332 = vector.extract %reduce_min3A_331[15] : f32 from vector<16xf32>
    %eq3A_333 = arith.constant 2 : i32
    %eq3A_334 = vector.broadcast %eq3A_333 : i32 to vector<16xi32>
    %eq3A_335 = arith.cmpi eq, %iota3A, %eq3A_334 : vector<16xi32>
    %jit3A_336 = arith.constant 0x7F800000 : f32
    %broadcast_in_dim3A_337 = vector.broadcast %jit3A_336 : f32 to vector<16xf32>
    %select_n3A_338 = arith.select %eq3A_335, %get3A_228, %broadcast_in_dim3A_337 : vector<16xi1>, vector<16xf32>
    %reduce_min3A_339 = arith.constant true
    %reduce_min3A_340 = vector.broadcast %reduce_min3A_339 : i1 to vector<16xi1>
    %reduce_min3A_341 = tpu.scan <min>, %select_n3A_338 masked %reduce_min3A_340 : vector<16xf32>, vector<16xi1> -> vector<16xf32>
    %reduce_min3A_342 = vector.extract %reduce_min3A_341[15] : f32 from vector<16xf32>
    %eq3A_343 = arith.constant 3 : i32
    %eq3A_344 = vector.broadcast %eq3A_343 : i32 to vector<16xi32>
    %eq3A_345 = arith.cmpi eq, %iota3A, %eq3A_344 : vector<16xi32>
    %jit3A_346 = arith.constant 0x7F800000 : f32
    %broadcast_in_dim3A_347 = vector.broadcast %jit3A_346 : f32 to vector<16xf32>
    %select_n3A_348 = arith.select %eq3A_345, %get3A_228, %broadcast_in_dim3A_347 : vector<16xi1>, vector<16xf32>
    %reduce_min3A_349 = arith.constant true
    %reduce_min3A_350 = vector.broadcast %reduce_min3A_349 : i1 to vector<16xi1>
    %reduce_min3A_351 = tpu.scan <min>, %select_n3A_348 masked %reduce_min3A_350 : vector<16xf32>, vector<16xi1> -> vector<16xf32>
    %reduce_min3A_352 = vector.extract %reduce_min3A_351[15] : f32 from vector<16xf32>
    %eq3A_353 = arith.constant 4 : i32
    %eq3A_354 = vector.broadcast %eq3A_353 : i32 to vector<16xi32>
    %eq3A_355 = arith.cmpi eq, %iota3A, %eq3A_354 : vector<16xi32>
    %jit3A_356 = arith.constant 0x7F800000 : f32
    %broadcast_in_dim3A_357 = vector.broadcast %jit3A_356 : f32 to vector<16xf32>
    %select_n3A_358 = arith.select %eq3A_355, %get3A_228, %broadcast_in_dim3A_357 : vector<16xi1>, vector<16xf32>
    %reduce_min3A_359 = arith.constant true
    %reduce_min3A_360 = vector.broadcast %reduce_min3A_359 : i1 to vector<16xi1>
    %reduce_min3A_361 = tpu.scan <min>, %select_n3A_358 masked %reduce_min3A_360 : vector<16xf32>, vector<16xi1> -> vector<16xf32>
    %reduce_min3A_362 = vector.extract %reduce_min3A_361[15] : f32 from vector<16xf32>
    %eq3A_363 = arith.constant 5 : i32
    %eq3A_364 = vector.broadcast %eq3A_363 : i32 to vector<16xi32>
    %eq3A_365 = arith.cmpi eq, %iota3A, %eq3A_364 : vector<16xi32>
    %jit3A_366 = arith.constant 0x7F800000 : f32
    %broadcast_in_dim3A_367 = vector.broadcast %jit3A_366 : f32 to vector<16xf32>
    %select_n3A_368 = arith.select %eq3A_365, %get3A_228, %broadcast_in_dim3A_367 : vector<16xi1>, vector<16xf32>
    %reduce_min3A_369 = arith.constant true
    %reduce_min3A_370 = vector.broadcast %reduce_min3A_369 : i1 to vector<16xi1>
    %reduce_min3A_371 = tpu.scan <min>, %select_n3A_368 masked %reduce_min3A_370 : vector<16xf32>, vector<16xi1> -> vector<16xf32>
    %reduce_min3A_372 = vector.extract %reduce_min3A_371[15] : f32 from vector<16xf32>
    %eq3A_373 = arith.constant 6 : i32
    %eq3A_374 = vector.broadcast %eq3A_373 : i32 to vector<16xi32>
    %eq3A_375 = arith.cmpi eq, %iota3A, %eq3A_374 : vector<16xi32>
    %jit3A_376 = arith.constant 0x7F800000 : f32
    %broadcast_in_dim3A_377 = vector.broadcast %jit3A_376 : f32 to vector<16xf32>
    %select_n3A_378 = arith.select %eq3A_375, %get3A_228, %broadcast_in_dim3A_377 : vector<16xi1>, vector<16xf32>
    %reduce_min3A_379 = arith.constant true
    %reduce_min3A_380 = vector.broadcast %reduce_min3A_379 : i1 to vector<16xi1>
    %reduce_min3A_381 = tpu.scan <min>, %select_n3A_378 masked %reduce_min3A_380 : vector<16xf32>, vector<16xi1> -> vector<16xf32>
    %reduce_min3A_382 = vector.extract %reduce_min3A_381[15] : f32 from vector<16xf32>
    %eq3A_383 = arith.constant 7 : i32
    %eq3A_384 = vector.broadcast %eq3A_383 : i32 to vector<16xi32>
    %eq3A_385 = arith.cmpi eq, %iota3A, %eq3A_384 : vector<16xi32>
    %jit3A_386 = arith.constant 0x7F800000 : f32
    %broadcast_in_dim3A_387 = vector.broadcast %jit3A_386 : f32 to vector<16xf32>
    %select_n3A_388 = arith.select %eq3A_385, %get3A_228, %broadcast_in_dim3A_387 : vector<16xi1>, vector<16xf32>
    %reduce_min3A_389 = arith.constant true
    %reduce_min3A_390 = vector.broadcast %reduce_min3A_389 : i1 to vector<16xi1>
    %reduce_min3A_391 = tpu.scan <min>, %select_n3A_388 masked %reduce_min3A_390 : vector<16xf32>, vector<16xi1> -> vector<16xf32>
    %reduce_min3A_392 = vector.extract %reduce_min3A_391[15] : f32 from vector<16xf32>
    %add3A_393 = arith.constant 9.99999997E-7 : f32
    %add3A_394 = arith.addf %reduce_max3A_213, %add3A_393 : f32
    %sub3A_395 = arith.subf %reduce_min3A_252, %reduce_min3A_210 : f32
    %mul3A_396 = arith.mulf %reduce_min3A_322, %sub3A_395 : f32
    %add3A_397 = arith.addf %reduce_min3A_210, %mul3A_396 : f32
    %sub3A_398 = arith.subf %reduce_min3A_262, %reduce_min3A_252 : f32
    %mul3A_399 = arith.mulf %reduce_min3A_332, %sub3A_398 : f32
    %add3A_400 = arith.addf %reduce_min3A_252, %mul3A_399 : f32
    %sub3A_401 = arith.subf %reduce_min3A_272, %reduce_min3A_262 : f32
    %mul3A_402 = arith.mulf %reduce_min3A_342, %sub3A_401 : f32
    %add3A_403 = arith.addf %reduce_min3A_262, %mul3A_402 : f32
    %sub3A_404 = arith.subf %reduce_min3A_282, %reduce_min3A_272 : f32
    %mul3A_405 = arith.mulf %reduce_min3A_352, %sub3A_404 : f32
    %add3A_406 = arith.addf %reduce_min3A_272, %mul3A_405 : f32
    %sub3A_407 = arith.subf %reduce_min3A_292, %reduce_min3A_282 : f32
    %mul3A_408 = arith.mulf %reduce_min3A_362, %sub3A_407 : f32
    %add3A_409 = arith.addf %reduce_min3A_282, %mul3A_408 : f32
    %sub3A_410 = arith.subf %reduce_min3A_302, %reduce_min3A_292 : f32
    %mul3A_411 = arith.mulf %reduce_min3A_372, %sub3A_410 : f32
    %add3A_412 = arith.addf %reduce_min3A_292, %mul3A_411 : f32
    %sub3A_413 = arith.subf %reduce_min3A_312, %reduce_min3A_302 : f32
    %mul3A_414 = arith.mulf %reduce_min3A_382, %sub3A_413 : f32
    %add3A_415 = arith.addf %reduce_min3A_302, %mul3A_414 : f32
    %sub3A_416 = arith.subf %add3A_394, %reduce_min3A_312 : f32
    %mul3A_417 = arith.mulf %reduce_min3A_392, %sub3A_416 : f32
    %add3A_418 = arith.addf %reduce_min3A_312, %mul3A_417 : f32
    %parallel_loop3A_419 = arith.constant 0 : i32
    %parallel_loop3A_420 = arith.constant 224 : i32
    %parallel_loop3A_421 = arith.constant 1 : i32
    scf.for %parallel_loop3A_1422 = %parallel_loop3A_419 to %parallel_loop3A_420 step %parallel_loop3A_421  : i32 {
      %parallel_loop3A_1423 = arith.index_cast %parallel_loop3A_1422 : i32 to index
      %parallel_loop3A_1424 = arith.constant 0 : index
      %parallel_loop3A_1425 = tpu.vector_load %arg6[%parallel_loop3A_1423, %parallel_loop3A_1424] {strides = array<i32>} : memref<224x224xf32, #tpu.memory_space<vmem>>, vector<16xf32>,
      %parallel_loop3A_1426 = vector.broadcast %add3A_397 : f32 to vector<16xf32>
      %parallel_loop3A_1427 = vector.broadcast %reduce_min3A_252 : f32 to vector<16xf32>
      %parallel_loop3A_1428 = arith.cmpf oge, %parallel_loop3A_1425, %parallel_loop3A_1427 : vector<16xf32>
      %parallel_loop3A_1429 = vector.broadcast %add3A_400 : f32 to vector<16xf32>
      %parallel_loop3A_1430 = arith.select %parallel_loop3A_1428, %parallel_loop3A_1429, %parallel_loop3A_1426 : vector<16xi1>, vector<16xf32>
      %parallel_loop3A_1431 = vector.broadcast %reduce_min3A_262 : f32 to vector<16xf32>
      %parallel_loop3A_1432 = arith.cmpf oge, %parallel_loop3A_1425, %parallel_loop3A_1431 : vector<16xf32>
      %parallel_loop3A_1433 = vector.broadcast %add3A_403 : f32 to vector<16xf32>
      %parallel_loop3A_1434 = arith.select %parallel_loop3A_1432, %parallel_loop3A_1433, %parallel_loop3A_1430 : vector<16xi1>, vector<16xf32>
      %parallel_loop3A_1435 = vector.broadcast %reduce_min3A_272 : f32 to vector<16xf32>
      %parallel_loop3A_1436 = arith.cmpf oge, %parallel_loop3A_1425, %parallel_loop3A_1435 : vector<16xf32>
      %parallel_loop3A_1437 = vector.broadcast %add3A_406 : f32 to vector<16xf32>
      %parallel_loop3A_1438 = arith.select %parallel_loop3A_1436, %parallel_loop3A_1437, %parallel_loop3A_1434 : vector<16xi1>, vector<16xf32>
      %parallel_loop3A_1439 = vector.broadcast %reduce_min3A_282 : f32 to vector<16xf32>
      %parallel_loop3A_1440 = arith.cmpf oge, %parallel_loop3A_1425, %parallel_loop3A_1439 : vector<16xf32>
      %parallel_loop3A_1441 = vector.broadcast %add3A_409 : f32 to vector<16xf32>
      %parallel_loop3A_1442 = arith.select %parallel_loop3A_1440, %parallel_loop3A_1441, %parallel_loop3A_1438 : vector<16xi1>, vector<16xf32>
      %parallel_loop3A_1443 = vector.broadcast %reduce_min3A_292 : f32 to vector<16xf32>
      %parallel_loop3A_1444 = arith.cmpf oge, %parallel_loop3A_1425, %parallel_loop3A_1443 : vector<16xf32>
      %parallel_loop3A_1445 = vector.broadcast %add3A_412 : f32 to vector<16xf32>
      %parallel_loop3A_1446 = arith.select %parallel_loop3A_1444, %parallel_loop3A_1445, %parallel_loop3A_1442 : vector<16xi1>, vector<16xf32>
      %parallel_loop3A_1447 = vector.broadcast %reduce_min3A_302 : f32 to vector<16xf32>
      %parallel_loop3A_1448 = arith.cmpf oge, %parallel_loop3A_1425, %parallel_loop3A_1447 : vector<16xf32>
      %parallel_loop3A_1449 = vector.broadcast %add3A_415 : f32 to vector<16xf32>
      %parallel_loop3A_1450 = arith.select %parallel_loop3A_1448, %parallel_loop3A_1449, %parallel_loop3A_1446 : vector<16xi1>, vector<16xf32>
      %parallel_loop3A_1451 = vector.broadcast %reduce_min3A_312 : f32 to vector<16xf32>
      %parallel_loop3A_1452 = arith.cmpf oge, %parallel_loop3A_1425, %parallel_loop3A_1451 : vector<16xf32>
      %parallel_loop3A_1453 = vector.broadcast %add3A_418 : f32 to vector<16xf32>
      %parallel_loop3A_1454 = arith.select %parallel_loop3A_1452, %parallel_loop3A_1453, %parallel_loop3A_1450 : vector<16xi1>, vector<16xf32>
      %parallel_loop3A_1455 = arith.index_cast %parallel_loop3A_1422 : i32 to index
      %parallel_loop3A_1456 = arith.constant 0 : index
      %parallel_loop3A_1457 = tpu.vector_load %arg6[%parallel_loop3A_1455, %parallel_loop3A_1456] {strides = array<i32>} : memref<224x224xf32, #tpu.memory_space<vmem>>, vector<16xf32>,
      tpu.vector_store %arg6[%parallel_loop3A_1455, %parallel_loop3A_1456], %parallel_loop3A_1454 {strides = array<i32>} : memref<224x224xf32, #tpu.memory_space<vmem>>, vector<16xf32>,
      %parallel_loop3A_1458 = arith.index_cast %parallel_loop3A_1422 : i32 to index
      %parallel_loop3A_1459 = arith.constant 16 : index
      %parallel_loop3A_1460 = tpu.vector_load %arg6[%parallel_loop3A_1458, %parallel_loop3A_1459] {strides = array<i32>} : memref<224x224xf32, #tpu.memory_space<vmem>>, vector<16xf32>,
      %parallel_loop3A_1461 = vector.broadcast %add3A_397 : f32 to vector<16xf32>
      %parallel_loop3A_1462 = vector.broadcast %reduce_min3A_252 : f32 to vector<16xf32>
      %parallel_loop3A_1463 = arith.cmpf oge, %parallel_loop3A_1460, %parallel_loop3A_1462 : vector<16xf32>
      %parallel_loop3A_1464 = vector.broadcast %add3A_400 : f32 to vector<16xf32>
      %parallel_loop3A_1465 = arith.select %parallel_loop3A_1463, %parallel_loop3A_1464, %parallel_loop3A_1461 : vector<16xi1>, vector<16xf32>
      %parallel_loop3A_1466 = vector.broadcast %reduce_min3A_262 : f32 to vector<16xf32>
      %parallel_loop3A_1467 = arith.cmpf oge, %parallel_loop3A_1460, %parallel_loop3A_1466 : vector<16xf32>
      %parallel_loop3A_1468 = vector.broadcast %add3A_403 : f32 to vector<16xf32>
      %parallel_loop3A_1469 = arith.select %parallel_loop3A_1467, %parallel_loop3A_1468, %parallel_loop3A_1465 : vector<16xi1>, vector<16xf32>
      %parallel_loop3A_1470 = vector.broadcast %reduce_min3A_272 : f32 to vector<16xf32>
      %parallel_loop3A_1471 = arith.cmpf oge, %parallel_loop3A_1460, %parallel_loop3A_1470 : vector<16xf32>
      %parallel_loop3A_1472 = vector.broadcast %add3A_406 : f32 to vector<16xf32>
      %parallel_loop3A_1473 = arith.select %parallel_loop3A_1471, %parallel_loop3A_1472, %parallel_loop3A_1469 : vector<16xi1>, vector<16xf32>
      %parallel_loop3A_1474 = vector.broadcast %reduce_min3A_282 : f32 to vector<16xf32>
      %parallel_loop3A_1475 = arith.cmpf oge, %parallel_loop3A_1460, %parallel_loop3A_1474 : vector<16xf32>
      %parallel_loop3A_1476 = vector.broadcast %add3A_409 : f32 to vector<16xf32>
      %parallel_loop3A_1477 = arith.select %parallel_loop3A_1475, %parallel_loop3A_1476, %parallel_loop3A_1473 : vector<16xi1>, vector<16xf32>
      %parallel_loop3A_1478 = vector.broadcast %reduce_min3A_292 : f32 to vector<16xf32>
      %parallel_loop3A_1479 = arith.cmpf oge, %parallel_loop3A_1460, %parallel_loop3A_1478 : vector<16xf32>
      %parallel_loop3A_1480 = vector.broadcast %add3A_412 : f32 to vector<16xf32>
      %parallel_loop3A_1481 = arith.select %parallel_loop3A_1479, %parallel_loop3A_1480, %parallel_loop3A_1477 : vector<16xi1>, vector<16xf32>
      %parallel_loop3A_1482 = vector.broadcast %reduce_min3A_302 : f32 to vector<16xf32>
      %parallel_loop3A_1483 = arith.cmpf oge, %parallel_loop3A_1460, %parallel_loop3A_1482 : vector<16xf32>
      %parallel_loop3A_1484 = vector.broadcast %add3A_415 : f32 to vector<16xf32>
      %parallel_loop3A_1485 = arith.select %parallel_loop3A_1483, %parallel_loop3A_1484, %parallel_loop3A_1481 : vector<16xi1>, vector<16xf32>
      %parallel_loop3A_1486 = vector.broadcast %reduce_min3A_312 : f32 to vector<16xf32>
      %parallel_loop3A_1487 = arith.cmpf oge, %parallel_loop3A_1460, %parallel_loop3A_1486 : vector<16xf32>
      %parallel_loop3A_1488 = vector.broadcast %add3A_418 : f32 to vector<16xf32>
      %parallel_loop3A_1489 = arith.select %parallel_loop3A_1487, %parallel_loop3A_1488, %parallel_loop3A_1485 : vector<16xi1>, vector<16xf32>
      %parallel_loop3A_1490 = arith.index_cast %parallel_loop3A_1422 : i32 to index
      %parallel_loop3A_1491 = arith.constant 16 : index
      %parallel_loop3A_1492 = tpu.vector_load %arg6[%parallel_loop3A_1490, %parallel_loop3A_1491] {strides = array<i32>} : memref<224x224xf32, #tpu.memory_space<vmem>>, vector<16xf32>,
      tpu.vector_store %arg6[%parallel_loop3A_1490, %parallel_loop3A_1491], %parallel_loop3A_1489 {strides = array<i32>} : memref<224x224xf32, #tpu.memory_space<vmem>>, vector<16xf32>,
      %parallel_loop3A_1493 = arith.index_cast %parallel_loop3A_1422 : i32 to index
      %parallel_loop3A_1494 = arith.constant 32 : index
      %parallel_loop3A_1495 = tpu.vector_load %arg6[%parallel_loop3A_1493, %parallel_loop3A_1494] {strides = array<i32>} : memref<224x224xf32, #tpu.memory_space<vmem>>, vector<16xf32>,
      %parallel_loop3A_1496 = vector.broadcast %add3A_397 : f32 to vector<16xf32>
      %parallel_loop3A_1497 = vector.broadcast %reduce_min3A_252 : f32 to vector<16xf32>
      %parallel_loop3A_1498 = arith.cmpf oge, %parallel_loop3A_1495, %parallel_loop3A_1497 : vector<16xf32>
      %parallel_loop3A_1499 = vector.broadcast %add3A_400 : f32 to vector<16xf32>
      %parallel_loop3A_1500 = arith.select %parallel_loop3A_1498, %parallel_loop3A_1499, %parallel_loop3A_1496 : vector<16xi1>, vector<16xf32>
      %parallel_loop3A_1501 = vector.broadcast %reduce_min3A_262 : f32 to vector<16xf32>
      %parallel_loop3A_1502 = arith.cmpf oge, %parallel_loop3A_1495, %parallel_loop3A_1501 : vector<16xf32>
      %parallel_loop3A_1503 = vector.broadcast %add3A_403 : f32 to vector<16xf32>
      %parallel_loop3A_1504 = arith.select %parallel_loop3A_1502, %parallel_loop3A_1503, %parallel_loop3A_1500 : vector<16xi1>, vector<16xf32>
      %parallel_loop3A_1505 = vector.broadcast %reduce_min3A_272 : f32 to vector<16xf32>
      %parallel_loop3A_1506 = arith.cmpf oge, %parallel_loop3A_1495, %parallel_loop3A_1505 : vector<16xf32>
      %parallel_loop3A_1507 = vector.broadcast %add3A_406 : f32 to vector<16xf32>
      %parallel_loop3A_1508 = arith.select %parallel_loop3A_1506, %parallel_loop3A_1507, %parallel_loop3A_1504 : vector<16xi1>, vector<16xf32>
      %parallel_loop3A_1509 = vector.broadcast %reduce_min3A_282 : f32 to vector<16xf32>
      %parallel_loop3A_1510 = arith.cmpf oge, %parallel_loop3A_1495, %parallel_loop3A_1509 : vector<16xf32>
      %parallel_loop3A_1511 = vector.broadcast %add3A_409 : f32 to vector<16xf32>
      %parallel_loop3A_1512 = arith.select %parallel_loop3A_1510, %parallel_loop3A_1511, %parallel_loop3A_1508 : vector<16xi1>, vector<16xf32>
      %parallel_loop3A_1513 = vector.broadcast %reduce_min3A_292 : f32 to vector<16xf32>
      %parallel_loop3A_1514 = arith.cmpf oge, %parallel_loop3A_1495, %parallel_loop3A_1513 : vector<16xf32>
      %parallel_loop3A_1515 = vector.broadcast %add3A_412 : f32 to vector<16xf32>
      %parallel_loop3A_1516 = arith.select %parallel_loop3A_1514, %parallel_loop3A_1515, %parallel_loop3A_1512 : vector<16xi1>, vector<16xf32>
      %parallel_loop3A_1517 = vector.broadcast %reduce_min3A_302 : f32 to vector<16xf32>
      %parallel_loop3A_1518 = arith.cmpf oge, %parallel_loop3A_1495, %parallel_loop3A_1517 : vector<16xf32>
      %parallel_loop3A_1519 = vector.broadcast %add3A_415 : f32 to vector<16xf32>
      %parallel_loop3A_1520 = arith.select %parallel_loop3A_1518, %parallel_loop3A_1519, %parallel_loop3A_1516 : vector<16xi1>, vector<16xf32>
      %parallel_loop3A_1521 = vector.broadcast %reduce_min3A_312 : f32 to vector<16xf32>
      %parallel_loop3A_1522 = arith.cmpf oge, %parallel_loop3A_1495, %parallel_loop3A_1521 : vector<16xf32>
      %parallel_loop3A_1523 = vector.broadcast %add3A_418 : f32 to vector<16xf32>
      %parallel_loop3A_1524 = arith.select %parallel_loop3A_1522, %parallel_loop3A_1523, %parallel_loop3A_1520 : vector<16xi1>, vector<16xf32>
      %parallel_loop3A_1525 = arith.index_cast %parallel_loop3A_1422 : i32 to index
      %parallel_loop3A_1526 = arith.constant 32 : index
      %parallel_loop3A_1527 = tpu.vector_load %arg6[%parallel_loop3A_1525, %parallel_loop3A_1526] {strides = array<i32>} : memref<224x224xf32, #tpu.memory_space<vmem>>, vector<16xf32>,
      tpu.vector_store %arg6[%parallel_loop3A_1525, %parallel_loop3A_1526], %parallel_loop3A_1524 {strides = array<i32>} : memref<224x224xf32, #tpu.memory_space<vmem>>, vector<16xf32>,
      %parallel_loop3A_1528 = arith.index_cast %parallel_loop3A_1422 : i32 to index
      %parallel_loop3A_1529 = arith.constant 48 : index
      %parallel_loop3A_1530 = tpu.vector_load %arg6[%parallel_loop3A_1528, %parallel_loop3A_1529] {strides = array<i32>} : memref<224x224xf32, #tpu.memory_space<vmem>>, vector<16xf32>,
      %parallel_loop3A_1531 = vector.broadcast %add3A_397 : f32 to vector<16xf32>
      %parallel_loop3A_1532 = vector.broadcast %reduce_min3A_252 : f32 to vector<16xf32>
      %parallel_loop3A_1533 = arith.cmpf oge, %parallel_loop3A_1530, %parallel_loop3A_1532 : vector<16xf32>
      %parallel_loop3A_1534 = vector.broadcast %add3A_400 : f32 to vector<16xf32>
      %parallel_loop3A_1535 = arith.select %parallel_loop3A_1533, %parallel_loop3A_1534, %parallel_loop3A_1531 : vector<16xi1>, vector<16xf32>
      %parallel_loop3A_1536 = vector.broadcast %reduce_min3A_262 : f32 to vector<16xf32>
      %parallel_loop3A_1537 = arith.cmpf oge, %parallel_loop3A_1530, %parallel_loop3A_1536 : vector<16xf32>
      %parallel_loop3A_1538 = vector.broadcast %add3A_403 : f32 to vector<16xf32>
      %parallel_loop3A_1539 = arith.select %parallel_loop3A_1537, %parallel_loop3A_1538, %parallel_loop3A_1535 : vector<16xi1>, vector<16xf32>
      %parallel_loop3A_1540 = vector.broadcast %reduce_min3A_272 : f32 to vector<16xf32>
      %parallel_loop3A_1541 = arith.cmpf oge, %parallel_loop3A_1530, %parallel_loop3A_1540 : vector<16xf32>
      %parallel_loop3A_1542 = vector.broadcast %add3A_406 : f32 to vector<16xf32>
      %parallel_loop3A_1543 = arith.select %parallel_loop3A_1541, %parallel_loop3A_1542, %parallel_loop3A_1539 : vector<16xi1>, vector<16xf32>
      %parallel_loop3A_1544 = vector.broadcast %reduce_min3A_282 : f32 to vector<16xf32>
      %parallel_loop3A_1545 = arith.cmpf oge, %parallel_loop3A_1530, %parallel_loop3A_1544 : vector<16xf32>
      %parallel_loop3A_1546 = vector.broadcast %add3A_409 : f32 to vector<16xf32>
      %parallel_loop3A_1547 = arith.select %parallel_loop3A_1545, %parallel_loop3A_1546, %parallel_loop3A_1543 : vector<16xi1>, vector<16xf32>
      %parallel_loop3A_1548 = vector.broadcast %reduce_min3A_292 : f32 to vector<16xf32>
      %parallel_loop3A_1549 = arith.cmpf oge, %parallel_loop3A_1530, %parallel_loop3A_1548 : vector<16xf32>
      %parallel_loop3A_1550 = vector.broadcast %add3A_412 : f32 to vector<16xf32>
      %parallel_loop3A_1551 = arith.select %parallel_loop3A_1549, %parallel_loop3A_1550, %parallel_loop3A_1547 : vector<16xi1>, vector<16xf32>
      %parallel_loop3A_1552 = vector.broadcast %reduce_min3A_302 : f32 to vector<16xf32>
      %parallel_loop3A_1553 = arith.cmpf oge, %parallel_loop3A_1530, %parallel_loop3A_1552 : vector<16xf32>
      %parallel_loop3A_1554 = vector.broadcast %add3A_415 : f32 to vector<16xf32>
      %parallel_loop3A_1555 = arith.select %parallel_loop3A_1553, %parallel_loop3A_1554, %parallel_loop3A_1551 : vector<16xi1>, vector<16xf32>
      %parallel_loop3A_1556 = vector.broadcast %reduce_min3A_312 : f32 to vector<16xf32>
      %parallel_loop3A_1557 = arith.cmpf oge, %parallel_loop3A_1530, %parallel_loop3A_1556 : vector<16xf32>
      %parallel_loop3A_1558 = vector.broadcast %add3A_418 : f32 to vector<16xf32>
      %parallel_loop3A_1559 = arith.select %parallel_loop3A_1557, %parallel_loop3A_1558, %parallel_loop3A_1555 : vector<16xi1>, vector<16xf32>
      %parallel_loop3A_1560 = arith.index_cast %parallel_loop3A_1422 : i32 to index
      %parallel_loop3A_1561 = arith.constant 48 : index
      %parallel_loop3A_1562 = tpu.vector_load %arg6[%parallel_loop3A_1560, %parallel_loop3A_1561] {strides = array<i32>} : memref<224x224xf32, #tpu.memory_space<vmem>>, vector<16xf32>,
      tpu.vector_store %arg6[%parallel_loop3A_1560, %parallel_loop3A_1561], %parallel_loop3A_1559 {strides = array<i32>} : memref<224x224xf32, #tpu.memory_space<vmem>>, vector<16xf32>,
      %parallel_loop3A_1563 = arith.index_cast %parallel_loop3A_1422 : i32 to index
      %parallel_loop3A_1564 = arith.constant 64 : index
      %parallel_loop3A_1565 = tpu.vector_load %arg6[%parallel_loop3A_1563, %parallel_loop3A_1564] {strides = array<i32>} : memref<224x224xf32, #tpu.memory_space<vmem>>, vector<16xf32>,
      %parallel_loop3A_1566 = vector.broadcast %add3A_397 : f32 to vector<16xf32>
      %parallel_loop3A_1567 = vector.broadcast %reduce_min3A_252 : f32 to vector<16xf32>
      %parallel_loop3A_1568 = arith.cmpf oge, %parallel_loop3A_1565, %parallel_loop3A_1567 : vector<16xf32>
      %parallel_loop3A_1569 = vector.broadcast %add3A_400 : f32 to vector<16xf32>
      %parallel_loop3A_1570 = arith.select %parallel_loop3A_1568, %parallel_loop3A_1569, %parallel_loop3A_1566 : vector<16xi1>, vector<16xf32>
      %parallel_loop3A_1571 = vector.broadcast %reduce_min3A_262 : f32 to vector<16xf32>
      %parallel_loop3A_1572 = arith.cmpf oge, %parallel_loop3A_1565, %parallel_loop3A_1571 : vector<16xf32>
      %parallel_loop3A_1573 = vector.broadcast %add3A_403 : f32 to vector<16xf32>
      %parallel_loop3A_1574 = arith.select %parallel_loop3A_1572, %parallel_loop3A_1573, %parallel_loop3A_1570 : vector<16xi1>, vector<16xf32>
      %parallel_loop3A_1575 = vector.broadcast %reduce_min3A_272 : f32 to vector<16xf32>
      %parallel_loop3A_1576 = arith.cmpf oge, %parallel_loop3A_1565, %parallel_loop3A_1575 : vector<16xf32>
      %parallel_loop3A_1577 = vector.broadcast %add3A_406 : f32 to vector<16xf32>
      %parallel_loop3A_1578 = arith.select %parallel_loop3A_1576, %parallel_loop3A_1577, %parallel_loop3A_1574 : vector<16xi1>, vector<16xf32>
      %parallel_loop3A_1579 = vector.broadcast %reduce_min3A_282 : f32 to vector<16xf32>
      %parallel_loop3A_1580 = arith.cmpf oge, %parallel_loop3A_1565, %parallel_loop3A_1579 : vector<16xf32>
      %parallel_loop3A_1581 = vector.broadcast %add3A_409 : f32 to vector<16xf32>
      %parallel_loop3A_1582 = arith.select %parallel_loop3A_1580, %parallel_loop3A_1581, %parallel_loop3A_1578 : vector<16xi1>, vector<16xf32>
      %parallel_loop3A_1583 = vector.broadcast %reduce_min3A_292 : f32 to vector<16xf32>
      %parallel_loop3A_1584 = arith.cmpf oge, %parallel_loop3A_1565, %parallel_loop3A_1583 : vector<16xf32>
      %parallel_loop3A_1585 = vector.broadcast %add3A_412 : f32 to vector<16xf32>
      %parallel_loop3A_1586 = arith.select %parallel_loop3A_1584, %parallel_loop3A_1585, %parallel_loop3A_1582 : vector<16xi1>, vector<16xf32>
      %parallel_loop3A_1587 = vector.broadcast %reduce_min3A_302 : f32 to vector<16xf32>
      %parallel_loop3A_1588 = arith.cmpf oge, %parallel_loop3A_1565, %parallel_loop3A_1587 : vector<16xf32>
      %parallel_loop3A_1589 = vector.broadcast %add3A_415 : f32 to vector<16xf32>
      %parallel_loop3A_1590 = arith.select %parallel_loop3A_1588, %parallel_loop3A_1589, %parallel_loop3A_1586 : vector<16xi1>, vector<16xf32>
      %parallel_loop3A_1591 = vector.broadcast %reduce_min3A_312 : f32 to vector<16xf32>
      %parallel_loop3A_1592 = arith.cmpf oge, %parallel_loop3A_1565, %parallel_loop3A_1591 : vector<16xf32>
      %parallel_loop3A_1593 = vector.broadcast %add3A_418 : f32 to vector<16xf32>
      %parallel_loop3A_1594 = arith.select %parallel_loop3A_1592, %parallel_loop3A_1593, %parallel_loop3A_1590 : vector<16xi1>, vector<16xf32>
      %parallel_loop3A_1595 = arith.index_cast %parallel_loop3A_1422 : i32 to index
      %parallel_loop3A_1596 = arith.constant 64 : index
      %parallel_loop3A_1597 = tpu.vector_load %arg6[%parallel_loop3A_1595, %parallel_loop3A_1596] {strides = array<i32>} : memref<224x224xf32, #tpu.memory_space<vmem>>, vector<16xf32>,
      tpu.vector_store %arg6[%parallel_loop3A_1595, %parallel_loop3A_1596], %parallel_loop3A_1594 {strides = array<i32>} : memref<224x224xf32, #tpu.memory_space<vmem>>, vector<16xf32>,
      %parallel_loop3A_1598 = arith.index_cast %parallel_loop3A_1422 : i32 to index
      %parallel_loop3A_1599 = arith.constant 80 : index
      %parallel_loop3A_1600 = tpu.vector_load %arg6[%parallel_loop3A_1598, %parallel_loop3A_1599] {strides = array<i32>} : memref<224x224xf32, #tpu.memory_space<vmem>>, vector<16xf32>,
      %parallel_loop3A_1601 = vector.broadcast %add3A_397 : f32 to vector<16xf32>
      %parallel_loop3A_1602 = vector.broadcast %reduce_min3A_252 : f32 to vector<16xf32>
      %parallel_loop3A_1603 = arith.cmpf oge, %parallel_loop3A_1600, %parallel_loop3A_1602 : vector<16xf32>
      %parallel_loop3A_1604 = vector.broadcast %add3A_400 : f32 to vector<16xf32>
      %parallel_loop3A_1605 = arith.select %parallel_loop3A_1603, %parallel_loop3A_1604, %parallel_loop3A_1601 : vector<16xi1>, vector<16xf32>
      %parallel_loop3A_1606 = vector.broadcast %reduce_min3A_262 : f32 to vector<16xf32>
      %parallel_loop3A_1607 = arith.cmpf oge, %parallel_loop3A_1600, %parallel_loop3A_1606 : vector<16xf32>
      %parallel_loop3A_1608 = vector.broadcast %add3A_403 : f32 to vector<16xf32>
      %parallel_loop3A_1609 = arith.select %parallel_loop3A_1607, %parallel_loop3A_1608, %parallel_loop3A_1605 : vector<16xi1>, vector<16xf32>
      %parallel_loop3A_1610 = vector.broadcast %reduce_min3A_272 : f32 to vector<16xf32>
      %parallel_loop3A_1611 = arith.cmpf oge, %parallel_loop3A_1600, %parallel_loop3A_1610 : vector<16xf32>
      %parallel_loop3A_1612 = vector.broadcast %add3A_406 : f32 to vector<16xf32>
      %parallel_loop3A_1613 = arith.select %parallel_loop3A_1611, %parallel_loop3A_1612, %parallel_loop3A_1609 : vector<16xi1>, vector<16xf32>
      %parallel_loop3A_1614 = vector.broadcast %reduce_min3A_282 : f32 to vector<16xf32>
      %parallel_loop3A_1615 = arith.cmpf oge, %parallel_loop3A_1600, %parallel_loop3A_1614 : vector<16xf32>
      %parallel_loop3A_1616 = vector.broadcast %add3A_409 : f32 to vector<16xf32>
      %parallel_loop3A_1617 = arith.select %parallel_loop3A_1615, %parallel_loop3A_1616, %parallel_loop3A_1613 : vector<16xi1>, vector<16xf32>
      %parallel_loop3A_1618 = vector.broadcast %reduce_min3A_292 : f32 to vector<16xf32>
      %parallel_loop3A_1619 = arith.cmpf oge, %parallel_loop3A_1600, %parallel_loop3A_1618 : vector<16xf32>
      %parallel_loop3A_1620 = vector.broadcast %add3A_412 : f32 to vector<16xf32>
      %parallel_loop3A_1621 = arith.select %parallel_loop3A_1619, %parallel_loop3A_1620, %parallel_loop3A_1617 : vector<16xi1>, vector<16xf32>
      %parallel_loop3A_1622 = vector.broadcast %reduce_min3A_302 : f32 to vector<16xf32>
      %parallel_loop3A_1623 = arith.cmpf oge, %parallel_loop3A_1600, %parallel_loop3A_1622 : vector<16xf32>
      %parallel_loop3A_1624 = vector.broadcast %add3A_415 : f32 to vector<16xf32>
      %parallel_loop3A_1625 = arith.select %parallel_loop3A_1623, %parallel_loop3A_1624, %parallel_loop3A_1621 : vector<16xi1>, vector<16xf32>
      %parallel_loop3A_1626 = vector.broadcast %reduce_min3A_312 : f32 to vector<16xf32>
      %parallel_loop3A_1627 = arith.cmpf oge, %parallel_loop3A_1600, %parallel_loop3A_1626 : vector<16xf32>
      %parallel_loop3A_1628 = vector.broadcast %add3A_418 : f32 to vector<16xf32>
      %parallel_loop3A_1629 = arith.select %parallel_loop3A_1627, %parallel_loop3A_1628, %parallel_loop3A_1625 : vector<16xi1>, vector<16xf32>
      %parallel_loop3A_1630 = arith.index_cast %parallel_loop3A_1422 : i32 to index
      %parallel_loop3A_1631 = arith.constant 80 : index
      %parallel_loop3A_1632 = tpu.vector_load %arg6[%parallel_loop3A_1630, %parallel_loop3A_1631] {strides = array<i32>} : memref<224x224xf32, #tpu.memory_space<vmem>>, vector<16xf32>,
      tpu.vector_store %arg6[%parallel_loop3A_1630, %parallel_loop3A_1631], %parallel_loop3A_1629 {strides = array<i32>} : memref<224x224xf32, #tpu.memory_space<vmem>>, vector<16xf32>,
      %parallel_loop3A_1633 = arith.index_cast %parallel_loop3A_1422 : i32 to index
      %parallel_loop3A_1634 = arith.constant 96 : index
      %parallel_loop3A_1635 = tpu.vector_load %arg6[%parallel_loop3A_1633, %parallel_loop3A_1634] {strides = array<i32>} : memref<224x224xf32, #tpu.memory_space<vmem>>, vector<16xf32>,
      %parallel_loop3A_1636 = vector.broadcast %add3A_397 : f32 to vector<16xf32>
      %parallel_loop3A_1637 = vector.broadcast %reduce_min3A_252 : f32 to vector<16xf32>
      %parallel_loop3A_1638 = arith.cmpf oge, %parallel_loop3A_1635, %parallel_loop3A_1637 : vector<16xf32>
      %parallel_loop3A_1639 = vector.broadcast %add3A_400 : f32 to vector<16xf32>
      %parallel_loop3A_1640 = arith.select %parallel_loop3A_1638, %parallel_loop3A_1639, %parallel_loop3A_1636 : vector<16xi1>, vector<16xf32>
      %parallel_loop3A_1641 = vector.broadcast %reduce_min3A_262 : f32 to vector<16xf32>
      %parallel_loop3A_1642 = arith.cmpf oge, %parallel_loop3A_1635, %parallel_loop3A_1641 : vector<16xf32>
      %parallel_loop3A_1643 = vector.broadcast %add3A_403 : f32 to vector<16xf32>
      %parallel_loop3A_1644 = arith.select %parallel_loop3A_1642, %parallel_loop3A_1643, %parallel_loop3A_1640 : vector<16xi1>, vector<16xf32>
      %parallel_loop3A_1645 = vector.broadcast %reduce_min3A_272 : f32 to vector<16xf32>
      %parallel_loop3A_1646 = arith.cmpf oge, %parallel_loop3A_1635, %parallel_loop3A_1645 : vector<16xf32>
      %parallel_loop3A_1647 = vector.broadcast %add3A_406 : f32 to vector<16xf32>
      %parallel_loop3A_1648 = arith.select %parallel_loop3A_1646, %parallel_loop3A_1647, %parallel_loop3A_1644 : vector<16xi1>, vector<16xf32>
      %parallel_loop3A_1649 = vector.broadcast %reduce_min3A_282 : f32 to vector<16xf32>
      %parallel_loop3A_1650 = arith.cmpf oge, %parallel_loop3A_1635, %parallel_loop3A_1649 : vector<16xf32>
      %parallel_loop3A_1651 = vector.broadcast %add3A_409 : f32 to vector<16xf32>
      %parallel_loop3A_1652 = arith.select %parallel_loop3A_1650, %parallel_loop3A_1651, %parallel_loop3A_1648 : vector<16xi1>, vector<16xf32>
      %parallel_loop3A_1653 = vector.broadcast %reduce_min3A_292 : f32 to vector<16xf32>
      %parallel_loop3A_1654 = arith.cmpf oge, %parallel_loop3A_1635, %parallel_loop3A_1653 : vector<16xf32>
      %parallel_loop3A_1655 = vector.broadcast %add3A_412 : f32 to vector<16xf32>
      %parallel_loop3A_1656 = arith.select %parallel_loop3A_1654, %parallel_loop3A_1655, %parallel_loop3A_1652 : vector<16xi1>, vector<16xf32>
      %parallel_loop3A_1657 = vector.broadcast %reduce_min3A_302 : f32 to vector<16xf32>
      %parallel_loop3A_1658 = arith.cmpf oge, %parallel_loop3A_1635, %parallel_loop3A_1657 : vector<16xf32>
      %parallel_loop3A_1659 = vector.broadcast %add3A_415 : f32 to vector<16xf32>
      %parallel_loop3A_1660 = arith.select %parallel_loop3A_1658, %parallel_loop3A_1659, %parallel_loop3A_1656 : vector<16xi1>, vector<16xf32>
      %parallel_loop3A_1661 = vector.broadcast %reduce_min3A_312 : f32 to vector<16xf32>
      %parallel_loop3A_1662 = arith.cmpf oge, %parallel_loop3A_1635, %parallel_loop3A_1661 : vector<16xf32>
      %parallel_loop3A_1663 = vector.broadcast %add3A_418 : f32 to vector<16xf32>
      %parallel_loop3A_1664 = arith.select %parallel_loop3A_1662, %parallel_loop3A_1663, %parallel_loop3A_1660 : vector<16xi1>, vector<16xf32>
      %parallel_loop3A_1665 = arith.index_cast %parallel_loop3A_1422 : i32 to index
      %parallel_loop3A_1666 = arith.constant 96 : index
      %parallel_loop3A_1667 = tpu.vector_load %arg6[%parallel_loop3A_1665, %parallel_loop3A_1666] {strides = array<i32>} : memref<224x224xf32, #tpu.memory_space<vmem>>, vector<16xf32>,
      tpu.vector_store %arg6[%parallel_loop3A_1665, %parallel_loop3A_1666], %parallel_loop3A_1664 {strides = array<i32>} : memref<224x224xf32, #tpu.memory_space<vmem>>, vector<16xf32>,
      %parallel_loop3A_1668 = arith.index_cast %parallel_loop3A_1422 : i32 to index
      %parallel_loop3A_1669 = arith.constant 112 : index
      %parallel_loop3A_1670 = tpu.vector_load %arg6[%parallel_loop3A_1668, %parallel_loop3A_1669] {strides = array<i32>} : memref<224x224xf32, #tpu.memory_space<vmem>>, vector<16xf32>,
      %parallel_loop3A_1671 = vector.broadcast %add3A_397 : f32 to vector<16xf32>
      %parallel_loop3A_1672 = vector.broadcast %reduce_min3A_252 : f32 to vector<16xf32>
      %parallel_loop3A_1673 = arith.cmpf oge, %parallel_loop3A_1670, %parallel_loop3A_1672 : vector<16xf32>
      %parallel_loop3A_1674 = vector.broadcast %add3A_400 : f32 to vector<16xf32>
      %parallel_loop3A_1675 = arith.select %parallel_loop3A_1673, %parallel_loop3A_1674, %parallel_loop3A_1671 : vector<16xi1>, vector<16xf32>
      %parallel_loop3A_1676 = vector.broadcast %reduce_min3A_262 : f32 to vector<16xf32>
      %parallel_loop3A_1677 = arith.cmpf oge, %parallel_loop3A_1670, %parallel_loop3A_1676 : vector<16xf32>
      %parallel_loop3A_1678 = vector.broadcast %add3A_403 : f32 to vector<16xf32>
      %parallel_loop3A_1679 = arith.select %parallel_loop3A_1677, %parallel_loop3A_1678, %parallel_loop3A_1675 : vector<16xi1>, vector<16xf32>
      %parallel_loop3A_1680 = vector.broadcast %reduce_min3A_272 : f32 to vector<16xf32>
      %parallel_loop3A_1681 = arith.cmpf oge, %parallel_loop3A_1670, %parallel_loop3A_1680 : vector<16xf32>
      %parallel_loop3A_1682 = vector.broadcast %add3A_406 : f32 to vector<16xf32>
      %parallel_loop3A_1683 = arith.select %parallel_loop3A_1681, %parallel_loop3A_1682, %parallel_loop3A_1679 : vector<16xi1>, vector<16xf32>
      %parallel_loop3A_1684 = vector.broadcast %reduce_min3A_282 : f32 to vector<16xf32>
      %parallel_loop3A_1685 = arith.cmpf oge, %parallel_loop3A_1670, %parallel_loop3A_1684 : vector<16xf32>
      %parallel_loop3A_1686 = vector.broadcast %add3A_409 : f32 to vector<16xf32>
      %parallel_loop3A_1687 = arith.select %parallel_loop3A_1685, %parallel_loop3A_1686, %parallel_loop3A_1683 : vector<16xi1>, vector<16xf32>
      %parallel_loop3A_1688 = vector.broadcast %reduce_min3A_292 : f32 to vector<16xf32>
      %parallel_loop3A_1689 = arith.cmpf oge, %parallel_loop3A_1670, %parallel_loop3A_1688 : vector<16xf32>
      %parallel_loop3A_1690 = vector.broadcast %add3A_412 : f32 to vector<16xf32>
      %parallel_loop3A_1691 = arith.select %parallel_loop3A_1689, %parallel_loop3A_1690, %parallel_loop3A_1687 : vector<16xi1>, vector<16xf32>
      %parallel_loop3A_1692 = vector.broadcast %reduce_min3A_302 : f32 to vector<16xf32>
      %parallel_loop3A_1693 = arith.cmpf oge, %parallel_loop3A_1670, %parallel_loop3A_1692 : vector<16xf32>
      %parallel_loop3A_1694 = vector.broadcast %add3A_415 : f32 to vector<16xf32>
      %parallel_loop3A_1695 = arith.select %parallel_loop3A_1693, %parallel_loop3A_1694, %parallel_loop3A_1691 : vector<16xi1>, vector<16xf32>
      %parallel_loop3A_1696 = vector.broadcast %reduce_min3A_312 : f32 to vector<16xf32>
      %parallel_loop3A_1697 = arith.cmpf oge, %parallel_loop3A_1670, %parallel_loop3A_1696 : vector<16xf32>
      %parallel_loop3A_1698 = vector.broadcast %add3A_418 : f32 to vector<16xf32>
      %parallel_loop3A_1699 = arith.select %parallel_loop3A_1697, %parallel_loop3A_1698, %parallel_loop3A_1695 : vector<16xi1>, vector<16xf32>
      %parallel_loop3A_1700 = arith.index_cast %parallel_loop3A_1422 : i32 to index
      %parallel_loop3A_1701 = arith.constant 112 : index
      %parallel_loop3A_1702 = tpu.vector_load %arg6[%parallel_loop3A_1700, %parallel_loop3A_1701] {strides = array<i32>} : memref<224x224xf32, #tpu.memory_space<vmem>>, vector<16xf32>,
      tpu.vector_store %arg6[%parallel_loop3A_1700, %parallel_loop3A_1701], %parallel_loop3A_1699 {strides = array<i32>} : memref<224x224xf32, #tpu.memory_space<vmem>>, vector<16xf32>,
      %parallel_loop3A_1703 = arith.index_cast %parallel_loop3A_1422 : i32 to index
      %parallel_loop3A_1704 = arith.constant 128 : index
      %parallel_loop3A_1705 = tpu.vector_load %arg6[%parallel_loop3A_1703, %parallel_loop3A_1704] {strides = array<i32>} : memref<224x224xf32, #tpu.memory_space<vmem>>, vector<16xf32>,
      %parallel_loop3A_1706 = vector.broadcast %add3A_397 : f32 to vector<16xf32>
      %parallel_loop3A_1707 = vector.broadcast %reduce_min3A_252 : f32 to vector<16xf32>
      %parallel_loop3A_1708 = arith.cmpf oge, %parallel_loop3A_1705, %parallel_loop3A_1707 : vector<16xf32>
      %parallel_loop3A_1709 = vector.broadcast %add3A_400 : f32 to vector<16xf32>
      %parallel_loop3A_1710 = arith.select %parallel_loop3A_1708, %parallel_loop3A_1709, %parallel_loop3A_1706 : vector<16xi1>, vector<16xf32>
      %parallel_loop3A_1711 = vector.broadcast %reduce_min3A_262 : f32 to vector<16xf32>
      %parallel_loop3A_1712 = arith.cmpf oge, %parallel_loop3A_1705, %parallel_loop3A_1711 : vector<16xf32>
      %parallel_loop3A_1713 = vector.broadcast %add3A_403 : f32 to vector<16xf32>
      %parallel_loop3A_1714 = arith.select %parallel_loop3A_1712, %parallel_loop3A_1713, %parallel_loop3A_1710 : vector<16xi1>, vector<16xf32>
      %parallel_loop3A_1715 = vector.broadcast %reduce_min3A_272 : f32 to vector<16xf32>
      %parallel_loop3A_1716 = arith.cmpf oge, %parallel_loop3A_1705, %parallel_loop3A_1715 : vector<16xf32>
      %parallel_loop3A_1717 = vector.broadcast %add3A_406 : f32 to vector<16xf32>
      %parallel_loop3A_1718 = arith.select %parallel_loop3A_1716, %parallel_loop3A_1717, %parallel_loop3A_1714 : vector<16xi1>, vector<16xf32>
      %parallel_loop3A_1719 = vector.broadcast %reduce_min3A_282 : f32 to vector<16xf32>
      %parallel_loop3A_1720 = arith.cmpf oge, %parallel_loop3A_1705, %parallel_loop3A_1719 : vector<16xf32>
      %parallel_loop3A_1721 = vector.broadcast %add3A_409 : f32 to vector<16xf32>
      %parallel_loop3A_1722 = arith.select %parallel_loop3A_1720, %parallel_loop3A_1721, %parallel_loop3A_1718 : vector<16xi1>, vector<16xf32>
      %parallel_loop3A_1723 = vector.broadcast %reduce_min3A_292 : f32 to vector<16xf32>
      %parallel_loop3A_1724 = arith.cmpf oge, %parallel_loop3A_1705, %parallel_loop3A_1723 : vector<16xf32>
      %parallel_loop3A_1725 = vector.broadcast %add3A_412 : f32 to vector<16xf32>
      %parallel_loop3A_1726 = arith.select %parallel_loop3A_1724, %parallel_loop3A_1725, %parallel_loop3A_1722 : vector<16xi1>, vector<16xf32>
      %parallel_loop3A_1727 = vector.broadcast %reduce_min3A_302 : f32 to vector<16xf32>
      %parallel_loop3A_1728 = arith.cmpf oge, %parallel_loop3A_1705, %parallel_loop3A_1727 : vector<16xf32>
      %parallel_loop3A_1729 = vector.broadcast %add3A_415 : f32 to vector<16xf32>
      %parallel_loop3A_1730 = arith.select %parallel_loop3A_1728, %parallel_loop3A_1729, %parallel_loop3A_1726 : vector<16xi1>, vector<16xf32>
      %parallel_loop3A_1731 = vector.broadcast %reduce_min3A_312 : f32 to vector<16xf32>
      %parallel_loop3A_1732 = arith.cmpf oge, %parallel_loop3A_1705, %parallel_loop3A_1731 : vector<16xf32>
      %parallel_loop3A_1733 = vector.broadcast %add3A_418 : f32 to vector<16xf32>
      %parallel_loop3A_1734 = arith.select %parallel_loop3A_1732, %parallel_loop3A_1733, %parallel_loop3A_1730 : vector<16xi1>, vector<16xf32>
      %parallel_loop3A_1735 = arith.index_cast %parallel_loop3A_1422 : i32 to index
      %parallel_loop3A_1736 = arith.constant 128 : index
      %parallel_loop3A_1737 = tpu.vector_load %arg6[%parallel_loop3A_1735, %parallel_loop3A_1736] {strides = array<i32>} : memref<224x224xf32, #tpu.memory_space<vmem>>, vector<16xf32>,
      tpu.vector_store %arg6[%parallel_loop3A_1735, %parallel_loop3A_1736], %parallel_loop3A_1734 {strides = array<i32>} : memref<224x224xf32, #tpu.memory_space<vmem>>, vector<16xf32>,
      %parallel_loop3A_1738 = arith.index_cast %parallel_loop3A_1422 : i32 to index
      %parallel_loop3A_1739 = arith.constant 144 : index
      %parallel_loop3A_1740 = tpu.vector_load %arg6[%parallel_loop3A_1738, %parallel_loop3A_1739] {strides = array<i32>} : memref<224x224xf32, #tpu.memory_space<vmem>>, vector<16xf32>,
      %parallel_loop3A_1741 = vector.broadcast %add3A_397 : f32 to vector<16xf32>
      %parallel_loop3A_1742 = vector.broadcast %reduce_min3A_252 : f32 to vector<16xf32>
      %parallel_loop3A_1743 = arith.cmpf oge, %parallel_loop3A_1740, %parallel_loop3A_1742 : vector<16xf32>
      %parallel_loop3A_1744 = vector.broadcast %add3A_400 : f32 to vector<16xf32>
      %parallel_loop3A_1745 = arith.select %parallel_loop3A_1743, %parallel_loop3A_1744, %parallel_loop3A_1741 : vector<16xi1>, vector<16xf32>
      %parallel_loop3A_1746 = vector.broadcast %reduce_min3A_262 : f32 to vector<16xf32>
      %parallel_loop3A_1747 = arith.cmpf oge, %parallel_loop3A_1740, %parallel_loop3A_1746 : vector<16xf32>
      %parallel_loop3A_1748 = vector.broadcast %add3A_403 : f32 to vector<16xf32>
      %parallel_loop3A_1749 = arith.select %parallel_loop3A_1747, %parallel_loop3A_1748, %parallel_loop3A_1745 : vector<16xi1>, vector<16xf32>
      %parallel_loop3A_1750 = vector.broadcast %reduce_min3A_272 : f32 to vector<16xf32>
      %parallel_loop3A_1751 = arith.cmpf oge, %parallel_loop3A_1740, %parallel_loop3A_1750 : vector<16xf32>
      %parallel_loop3A_1752 = vector.broadcast %add3A_406 : f32 to vector<16xf32>
      %parallel_loop3A_1753 = arith.select %parallel_loop3A_1751, %parallel_loop3A_1752, %parallel_loop3A_1749 : vector<16xi1>, vector<16xf32>
      %parallel_loop3A_1754 = vector.broadcast %reduce_min3A_282 : f32 to vector<16xf32>
      %parallel_loop3A_1755 = arith.cmpf oge, %parallel_loop3A_1740, %parallel_loop3A_1754 : vector<16xf32>
      %parallel_loop3A_1756 = vector.broadcast %add3A_409 : f32 to vector<16xf32>
      %parallel_loop3A_1757 = arith.select %parallel_loop3A_1755, %parallel_loop3A_1756, %parallel_loop3A_1753 : vector<16xi1>, vector<16xf32>
      %parallel_loop3A_1758 = vector.broadcast %reduce_min3A_292 : f32 to vector<16xf32>
      %parallel_loop3A_1759 = arith.cmpf oge, %parallel_loop3A_1740, %parallel_loop3A_1758 : vector<16xf32>
      %parallel_loop3A_1760 = vector.broadcast %add3A_412 : f32 to vector<16xf32>
      %parallel_loop3A_1761 = arith.select %parallel_loop3A_1759, %parallel_loop3A_1760, %parallel_loop3A_1757 : vector<16xi1>, vector<16xf32>
      %parallel_loop3A_1762 = vector.broadcast %reduce_min3A_302 : f32 to vector<16xf32>
      %parallel_loop3A_1763 = arith.cmpf oge, %parallel_loop3A_1740, %parallel_loop3A_1762 : vector<16xf32>
      %parallel_loop3A_1764 = vector.broadcast %add3A_415 : f32 to vector<16xf32>
      %parallel_loop3A_1765 = arith.select %parallel_loop3A_1763, %parallel_loop3A_1764, %parallel_loop3A_1761 : vector<16xi1>, vector<16xf32>
      %parallel_loop3A_1766 = vector.broadcast %reduce_min3A_312 : f32 to vector<16xf32>
      %parallel_loop3A_1767 = arith.cmpf oge, %parallel_loop3A_1740, %parallel_loop3A_1766 : vector<16xf32>
      %parallel_loop3A_1768 = vector.broadcast %add3A_418 : f32 to vector<16xf32>
      %parallel_loop3A_1769 = arith.select %parallel_loop3A_1767, %parallel_loop3A_1768, %parallel_loop3A_1765 : vector<16xi1>, vector<16xf32>
      %parallel_loop3A_1770 = arith.index_cast %parallel_loop3A_1422 : i32 to index
      %parallel_loop3A_1771 = arith.constant 144 : index
      %parallel_loop3A_1772 = tpu.vector_load %arg6[%parallel_loop3A_1770, %parallel_loop3A_1771] {strides = array<i32>} : memref<224x224xf32, #tpu.memory_space<vmem>>, vector<16xf32>,
      tpu.vector_store %arg6[%parallel_loop3A_1770, %parallel_loop3A_1771], %parallel_loop3A_1769 {strides = array<i32>} : memref<224x224xf32, #tpu.memory_space<vmem>>, vector<16xf32>,
      %parallel_loop3A_1773 = arith.index_cast %parallel_loop3A_1422 : i32 to index
      %parallel_loop3A_1774 = arith.constant 160 : index
      %parallel_loop3A_1775 = tpu.vector_load %arg6[%parallel_loop3A_1773, %parallel_loop3A_1774] {strides = array<i32>} : memref<224x224xf32, #tpu.memory_space<vmem>>, vector<16xf32>,
      %parallel_loop3A_1776 = vector.broadcast %add3A_397 : f32 to vector<16xf32>
      %parallel_loop3A_1777 = vector.broadcast %reduce_min3A_252 : f32 to vector<16xf32>
      %parallel_loop3A_1778 = arith.cmpf oge, %parallel_loop3A_1775, %parallel_loop3A_1777 : vector<16xf32>
      %parallel_loop3A_1779 = vector.broadcast %add3A_400 : f32 to vector<16xf32>
      %parallel_loop3A_1780 = arith.select %parallel_loop3A_1778, %parallel_loop3A_1779, %parallel_loop3A_1776 : vector<16xi1>, vector<16xf32>
      %parallel_loop3A_1781 = vector.broadcast %reduce_min3A_262 : f32 to vector<16xf32>
      %parallel_loop3A_1782 = arith.cmpf oge, %parallel_loop3A_1775, %parallel_loop3A_1781 : vector<16xf32>
      %parallel_loop3A_1783 = vector.broadcast %add3A_403 : f32 to vector<16xf32>
      %parallel_loop3A_1784 = arith.select %parallel_loop3A_1782, %parallel_loop3A_1783, %parallel_loop3A_1780 : vector<16xi1>, vector<16xf32>
      %parallel_loop3A_1785 = vector.broadcast %reduce_min3A_272 : f32 to vector<16xf32>
      %parallel_loop3A_1786 = arith.cmpf oge, %parallel_loop3A_1775, %parallel_loop3A_1785 : vector<16xf32>
      %parallel_loop3A_1787 = vector.broadcast %add3A_406 : f32 to vector<16xf32>
      %parallel_loop3A_1788 = arith.select %parallel_loop3A_1786, %parallel_loop3A_1787, %parallel_loop3A_1784 : vector<16xi1>, vector<16xf32>
      %parallel_loop3A_1789 = vector.broadcast %reduce_min3A_282 : f32 to vector<16xf32>
      %parallel_loop3A_1790 = arith.cmpf oge, %parallel_loop3A_1775, %parallel_loop3A_1789 : vector<16xf32>
      %parallel_loop3A_1791 = vector.broadcast %add3A_409 : f32 to vector<16xf32>
      %parallel_loop3A_1792 = arith.select %parallel_loop3A_1790, %parallel_loop3A_1791, %parallel_loop3A_1788 : vector<16xi1>, vector<16xf32>
      %parallel_loop3A_1793 = vector.broadcast %reduce_min3A_292 : f32 to vector<16xf32>
      %parallel_loop3A_1794 = arith.cmpf oge, %parallel_loop3A_1775, %parallel_loop3A_1793 : vector<16xf32>
      %parallel_loop3A_1795 = vector.broadcast %add3A_412 : f32 to vector<16xf32>
      %parallel_loop3A_1796 = arith.select %parallel_loop3A_1794, %parallel_loop3A_1795, %parallel_loop3A_1792 : vector<16xi1>, vector<16xf32>
      %parallel_loop3A_1797 = vector.broadcast %reduce_min3A_302 : f32 to vector<16xf32>
      %parallel_loop3A_1798 = arith.cmpf oge, %parallel_loop3A_1775, %parallel_loop3A_1797 : vector<16xf32>
      %parallel_loop3A_1799 = vector.broadcast %add3A_415 : f32 to vector<16xf32>
      %parallel_loop3A_1800 = arith.select %parallel_loop3A_1798, %parallel_loop3A_1799, %parallel_loop3A_1796 : vector<16xi1>, vector<16xf32>
      %parallel_loop3A_1801 = vector.broadcast %reduce_min3A_312 : f32 to vector<16xf32>
      %parallel_loop3A_1802 = arith.cmpf oge, %parallel_loop3A_1775, %parallel_loop3A_1801 : vector<16xf32>
      %parallel_loop3A_1803 = vector.broadcast %add3A_418 : f32 to vector<16xf32>
      %parallel_loop3A_1804 = arith.select %parallel_loop3A_1802, %parallel_loop3A_1803, %parallel_loop3A_1800 : vector<16xi1>, vector<16xf32>
      %parallel_loop3A_1805 = arith.index_cast %parallel_loop3A_1422 : i32 to index
      %parallel_loop3A_1806 = arith.constant 160 : index
      %parallel_loop3A_1807 = tpu.vector_load %arg6[%parallel_loop3A_1805, %parallel_loop3A_1806] {strides = array<i32>} : memref<224x224xf32, #tpu.memory_space<vmem>>, vector<16xf32>,
      tpu.vector_store %arg6[%parallel_loop3A_1805, %parallel_loop3A_1806], %parallel_loop3A_1804 {strides = array<i32>} : memref<224x224xf32, #tpu.memory_space<vmem>>, vector<16xf32>,
      %parallel_loop3A_1808 = arith.index_cast %parallel_loop3A_1422 : i32 to index
      %parallel_loop3A_1809 = arith.constant 176 : index
      %parallel_loop3A_1810 = tpu.vector_load %arg6[%parallel_loop3A_1808, %parallel_loop3A_1809] {strides = array<i32>} : memref<224x224xf32, #tpu.memory_space<vmem>>, vector<16xf32>,
      %parallel_loop3A_1811 = vector.broadcast %add3A_397 : f32 to vector<16xf32>
      %parallel_loop3A_1812 = vector.broadcast %reduce_min3A_252 : f32 to vector<16xf32>
      %parallel_loop3A_1813 = arith.cmpf oge, %parallel_loop3A_1810, %parallel_loop3A_1812 : vector<16xf32>
      %parallel_loop3A_1814 = vector.broadcast %add3A_400 : f32 to vector<16xf32>
      %parallel_loop3A_1815 = arith.select %parallel_loop3A_1813, %parallel_loop3A_1814, %parallel_loop3A_1811 : vector<16xi1>, vector<16xf32>
      %parallel_loop3A_1816 = vector.broadcast %reduce_min3A_262 : f32 to vector<16xf32>
      %parallel_loop3A_1817 = arith.cmpf oge, %parallel_loop3A_1810, %parallel_loop3A_1816 : vector<16xf32>
      %parallel_loop3A_1818 = vector.broadcast %add3A_403 : f32 to vector<16xf32>
      %parallel_loop3A_1819 = arith.select %parallel_loop3A_1817, %parallel_loop3A_1818, %parallel_loop3A_1815 : vector<16xi1>, vector<16xf32>
      %parallel_loop3A_1820 = vector.broadcast %reduce_min3A_272 : f32 to vector<16xf32>
      %parallel_loop3A_1821 = arith.cmpf oge, %parallel_loop3A_1810, %parallel_loop3A_1820 : vector<16xf32>
      %parallel_loop3A_1822 = vector.broadcast %add3A_406 : f32 to vector<16xf32>
      %parallel_loop3A_1823 = arith.select %parallel_loop3A_1821, %parallel_loop3A_1822, %parallel_loop3A_1819 : vector<16xi1>, vector<16xf32>
      %parallel_loop3A_1824 = vector.broadcast %reduce_min3A_282 : f32 to vector<16xf32>
      %parallel_loop3A_1825 = arith.cmpf oge, %parallel_loop3A_1810, %parallel_loop3A_1824 : vector<16xf32>
      %parallel_loop3A_1826 = vector.broadcast %add3A_409 : f32 to vector<16xf32>
      %parallel_loop3A_1827 = arith.select %parallel_loop3A_1825, %parallel_loop3A_1826, %parallel_loop3A_1823 : vector<16xi1>, vector<16xf32>
      %parallel_loop3A_1828 = vector.broadcast %reduce_min3A_292 : f32 to vector<16xf32>
      %parallel_loop3A_1829 = arith.cmpf oge, %parallel_loop3A_1810, %parallel_loop3A_1828 : vector<16xf32>
      %parallel_loop3A_1830 = vector.broadcast %add3A_412 : f32 to vector<16xf32>
      %parallel_loop3A_1831 = arith.select %parallel_loop3A_1829, %parallel_loop3A_1830, %parallel_loop3A_1827 : vector<16xi1>, vector<16xf32>
      %parallel_loop3A_1832 = vector.broadcast %reduce_min3A_302 : f32 to vector<16xf32>
      %parallel_loop3A_1833 = arith.cmpf oge, %parallel_loop3A_1810, %parallel_loop3A_1832 : vector<16xf32>
      %parallel_loop3A_1834 = vector.broadcast %add3A_415 : f32 to vector<16xf32>
      %parallel_loop3A_1835 = arith.select %parallel_loop3A_1833, %parallel_loop3A_1834, %parallel_loop3A_1831 : vector<16xi1>, vector<16xf32>
      %parallel_loop3A_1836 = vector.broadcast %reduce_min3A_312 : f32 to vector<16xf32>
      %parallel_loop3A_1837 = arith.cmpf oge, %parallel_loop3A_1810, %parallel_loop3A_1836 : vector<16xf32>
      %parallel_loop3A_1838 = vector.broadcast %add3A_418 : f32 to vector<16xf32>
      %parallel_loop3A_1839 = arith.select %parallel_loop3A_1837, %parallel_loop3A_1838, %parallel_loop3A_1835 : vector<16xi1>, vector<16xf32>
      %parallel_loop3A_1840 = arith.index_cast %parallel_loop3A_1422 : i32 to index
      %parallel_loop3A_1841 = arith.constant 176 : index
      %parallel_loop3A_1842 = tpu.vector_load %arg6[%parallel_loop3A_1840, %parallel_loop3A_1841] {strides = array<i32>} : memref<224x224xf32, #tpu.memory_space<vmem>>, vector<16xf32>,
      tpu.vector_store %arg6[%parallel_loop3A_1840, %parallel_loop3A_1841], %parallel_loop3A_1839 {strides = array<i32>} : memref<224x224xf32, #tpu.memory_space<vmem>>, vector<16xf32>,
      %parallel_loop3A_1843 = arith.index_cast %parallel_loop3A_1422 : i32 to index
      %parallel_loop3A_1844 = arith.constant 192 : index
      %parallel_loop3A_1845 = tpu.vector_load %arg6[%parallel_loop3A_1843, %parallel_loop3A_1844] {strides = array<i32>} : memref<224x224xf32, #tpu.memory_space<vmem>>, vector<16xf32>,
      %parallel_loop3A_1846 = vector.broadcast %add3A_397 : f32 to vector<16xf32>
      %parallel_loop3A_1847 = vector.broadcast %reduce_min3A_252 : f32 to vector<16xf32>
      %parallel_loop3A_1848 = arith.cmpf oge, %parallel_loop3A_1845, %parallel_loop3A_1847 : vector<16xf32>
      %parallel_loop3A_1849 = vector.broadcast %add3A_400 : f32 to vector<16xf32>
      %parallel_loop3A_1850 = arith.select %parallel_loop3A_1848, %parallel_loop3A_1849, %parallel_loop3A_1846 : vector<16xi1>, vector<16xf32>
      %parallel_loop3A_1851 = vector.broadcast %reduce_min3A_262 : f32 to vector<16xf32>
      %parallel_loop3A_1852 = arith.cmpf oge, %parallel_loop3A_1845, %parallel_loop3A_1851 : vector<16xf32>
      %parallel_loop3A_1853 = vector.broadcast %add3A_403 : f32 to vector<16xf32>
      %parallel_loop3A_1854 = arith.select %parallel_loop3A_1852, %parallel_loop3A_1853, %parallel_loop3A_1850 : vector<16xi1>, vector<16xf32>
      %parallel_loop3A_1855 = vector.broadcast %reduce_min3A_272 : f32 to vector<16xf32>
      %parallel_loop3A_1856 = arith.cmpf oge, %parallel_loop3A_1845, %parallel_loop3A_1855 : vector<16xf32>
      %parallel_loop3A_1857 = vector.broadcast %add3A_406 : f32 to vector<16xf32>
      %parallel_loop3A_1858 = arith.select %parallel_loop3A_1856, %parallel_loop3A_1857, %parallel_loop3A_1854 : vector<16xi1>, vector<16xf32>
      %parallel_loop3A_1859 = vector.broadcast %reduce_min3A_282 : f32 to vector<16xf32>
      %parallel_loop3A_1860 = arith.cmpf oge, %parallel_loop3A_1845, %parallel_loop3A_1859 : vector<16xf32>
      %parallel_loop3A_1861 = vector.broadcast %add3A_409 : f32 to vector<16xf32>
      %parallel_loop3A_1862 = arith.select %parallel_loop3A_1860, %parallel_loop3A_1861, %parallel_loop3A_1858 : vector<16xi1>, vector<16xf32>
      %parallel_loop3A_1863 = vector.broadcast %reduce_min3A_292 : f32 to vector<16xf32>
      %parallel_loop3A_1864 = arith.cmpf oge, %parallel_loop3A_1845, %parallel_loop3A_1863 : vector<16xf32>
      %parallel_loop3A_1865 = vector.broadcast %add3A_412 : f32 to vector<16xf32>
      %parallel_loop3A_1866 = arith.select %parallel_loop3A_1864, %parallel_loop3A_1865, %parallel_loop3A_1862 : vector<16xi1>, vector<16xf32>
      %parallel_loop3A_1867 = vector.broadcast %reduce_min3A_302 : f32 to vector<16xf32>
      %parallel_loop3A_1868 = arith.cmpf oge, %parallel_loop3A_1845, %parallel_loop3A_1867 : vector<16xf32>
      %parallel_loop3A_1869 = vector.broadcast %add3A_415 : f32 to vector<16xf32>
      %parallel_loop3A_1870 = arith.select %parallel_loop3A_1868, %parallel_loop3A_1869, %parallel_loop3A_1866 : vector<16xi1>, vector<16xf32>
      %parallel_loop3A_1871 = vector.broadcast %reduce_min3A_312 : f32 to vector<16xf32>
      %parallel_loop3A_1872 = arith.cmpf oge, %parallel_loop3A_1845, %parallel_loop3A_1871 : vector<16xf32>
      %parallel_loop3A_1873 = vector.broadcast %add3A_418 : f32 to vector<16xf32>
      %parallel_loop3A_1874 = arith.select %parallel_loop3A_1872, %parallel_loop3A_1873, %parallel_loop3A_1870 : vector<16xi1>, vector<16xf32>
      %parallel_loop3A_1875 = arith.index_cast %parallel_loop3A_1422 : i32 to index
      %parallel_loop3A_1876 = arith.constant 192 : index
      %parallel_loop3A_1877 = tpu.vector_load %arg6[%parallel_loop3A_1875, %parallel_loop3A_1876] {strides = array<i32>} : memref<224x224xf32, #tpu.memory_space<vmem>>, vector<16xf32>,
      tpu.vector_store %arg6[%parallel_loop3A_1875, %parallel_loop3A_1876], %parallel_loop3A_1874 {strides = array<i32>} : memref<224x224xf32, #tpu.memory_space<vmem>>, vector<16xf32>,
      %parallel_loop3A_1878 = arith.index_cast %parallel_loop3A_1422 : i32 to index
      %parallel_loop3A_1879 = arith.constant 208 : index
      %parallel_loop3A_1880 = tpu.vector_load %arg6[%parallel_loop3A_1878, %parallel_loop3A_1879] {strides = array<i32>} : memref<224x224xf32, #tpu.memory_space<vmem>>, vector<16xf32>,
      %parallel_loop3A_1881 = vector.broadcast %add3A_397 : f32 to vector<16xf32>
      %parallel_loop3A_1882 = vector.broadcast %reduce_min3A_252 : f32 to vector<16xf32>
      %parallel_loop3A_1883 = arith.cmpf oge, %parallel_loop3A_1880, %parallel_loop3A_1882 : vector<16xf32>
      %parallel_loop3A_1884 = vector.broadcast %add3A_400 : f32 to vector<16xf32>
      %parallel_loop3A_1885 = arith.select %parallel_loop3A_1883, %parallel_loop3A_1884, %parallel_loop3A_1881 : vector<16xi1>, vector<16xf32>
      %parallel_loop3A_1886 = vector.broadcast %reduce_min3A_262 : f32 to vector<16xf32>
      %parallel_loop3A_1887 = arith.cmpf oge, %parallel_loop3A_1880, %parallel_loop3A_1886 : vector<16xf32>
      %parallel_loop3A_1888 = vector.broadcast %add3A_403 : f32 to vector<16xf32>
      %parallel_loop3A_1889 = arith.select %parallel_loop3A_1887, %parallel_loop3A_1888, %parallel_loop3A_1885 : vector<16xi1>, vector<16xf32>
      %parallel_loop3A_1890 = vector.broadcast %reduce_min3A_272 : f32 to vector<16xf32>
      %parallel_loop3A_1891 = arith.cmpf oge, %parallel_loop3A_1880, %parallel_loop3A_1890 : vector<16xf32>
      %parallel_loop3A_1892 = vector.broadcast %add3A_406 : f32 to vector<16xf32>
      %parallel_loop3A_1893 = arith.select %parallel_loop3A_1891, %parallel_loop3A_1892, %parallel_loop3A_1889 : vector<16xi1>, vector<16xf32>
      %parallel_loop3A_1894 = vector.broadcast %reduce_min3A_282 : f32 to vector<16xf32>
      %parallel_loop3A_1895 = arith.cmpf oge, %parallel_loop3A_1880, %parallel_loop3A_1894 : vector<16xf32>
      %parallel_loop3A_1896 = vector.broadcast %add3A_409 : f32 to vector<16xf32>
      %parallel_loop3A_1897 = arith.select %parallel_loop3A_1895, %parallel_loop3A_1896, %parallel_loop3A_1893 : vector<16xi1>, vector<16xf32>
      %parallel_loop3A_1898 = vector.broadcast %reduce_min3A_292 : f32 to vector<16xf32>
      %parallel_loop3A_1899 = arith.cmpf oge, %parallel_loop3A_1880, %parallel_loop3A_1898 : vector<16xf32>
      %parallel_loop3A_1900 = vector.broadcast %add3A_412 : f32 to vector<16xf32>
      %parallel_loop3A_1901 = arith.select %parallel_loop3A_1899, %parallel_loop3A_1900, %parallel_loop3A_1897 : vector<16xi1>, vector<16xf32>
      %parallel_loop3A_1902 = vector.broadcast %reduce_min3A_302 : f32 to vector<16xf32>
      %parallel_loop3A_1903 = arith.cmpf oge, %parallel_loop3A_1880, %parallel_loop3A_1902 : vector<16xf32>
      %parallel_loop3A_1904 = vector.broadcast %add3A_415 : f32 to vector<16xf32>
      %parallel_loop3A_1905 = arith.select %parallel_loop3A_1903, %parallel_loop3A_1904, %parallel_loop3A_1901 : vector<16xi1>, vector<16xf32>
      %parallel_loop3A_1906 = vector.broadcast %reduce_min3A_312 : f32 to vector<16xf32>
      %parallel_loop3A_1907 = arith.cmpf oge, %parallel_loop3A_1880, %parallel_loop3A_1906 : vector<16xf32>
      %parallel_loop3A_1908 = vector.broadcast %add3A_418 : f32 to vector<16xf32>
      %parallel_loop3A_1909 = arith.select %parallel_loop3A_1907, %parallel_loop3A_1908, %parallel_loop3A_1905 : vector<16xi1>, vector<16xf32>
      %parallel_loop3A_1910 = arith.index_cast %parallel_loop3A_1422 : i32 to index
      %parallel_loop3A_1911 = arith.constant 208 : index
      %parallel_loop3A_1912 = tpu.vector_load %arg6[%parallel_loop3A_1910, %parallel_loop3A_1911] {strides = array<i32>} : memref<224x224xf32, #tpu.memory_space<vmem>>, vector<16xf32>,
      tpu.vector_store %arg6[%parallel_loop3A_1910, %parallel_loop3A_1911], %parallel_loop3A_1909 {strides = array<i32>} : memref<224x224xf32, #tpu.memory_space<vmem>>, vector<16xf32>,
    } {sc.loop_unroll_factor = 1 : i64, sc.parallel_access}
    %jit3A_422 = arith.constant 3 : i32
    %div3A_423 = arith.divsi %add3A_99, %jit3A_422 : i32
    %sign3A_424 = arith.constant 0 : i32
    %sign3A_425 = arith.cmpi sgt, %add3A_99, %sign3A_424 : i32
    %sign3A_426 = arith.extui %sign3A_425 : i1 to i32
    %sign3A_427 = arith.constant 0 : i32
    %sign3A_428 = arith.cmpi slt, %add3A_99, %sign3A_427 : i32
    %sign3A_429 = arith.extui %sign3A_428 : i1 to i32
    %sign3A_430 = arith.subi %sign3A_426, %sign3A_429 : i32
    %sign3A_431 = arith.constant 0 : i32
    %sign3A_432 = arith.cmpi sgt, %jit3A_422, %sign3A_431 : i32
    %sign3A_433 = arith.extui %sign3A_432 : i1 to i32
    %sign3A_434 = arith.constant 0 : i32
    %sign3A_435 = arith.cmpi slt, %jit3A_422, %sign3A_434 : i32
    %sign3A_436 = arith.extui %sign3A_435 : i1 to i32
    %sign3A_437 = arith.subi %sign3A_433, %sign3A_436 : i32
    %ne3A_438 = arith.cmpi ne, %sign3A_430, %sign3A_437 : i32
    %rem3A_439 = arith.remsi %add3A_99, %jit3A_422 : i32
    %ne3A_440 = arith.constant 0 : i32
    %ne3A_441 = arith.cmpi ne, %rem3A_439, %ne3A_440 : i32
    %and3A_442 = arith.andi %ne3A_438, %ne3A_441 : i1
    %sub3A_443 = arith.constant 1 : i32
    %sub3A_444 = arith.subi %div3A_423, %sub3A_443 : i32
    %select_n3A_445 = arith.select %and3A_442, %sub3A_444, %div3A_423 : i32
    %jit3A_446 = arith.constant 3 : i32
    %eq3A_447 = arith.constant 0 : i32
    %eq3A_448 = arith.cmpi eq, %jit3A_446, %eq3A_447 : i32
    %jit3A_449 = arith.constant 1 : i32
    %select_n3A_450 = arith.select %eq3A_448, %jit3A_449, %jit3A_446 : i32
    %rem3A_451 = arith.remsi %add3A_99, %select_n3A_450 : i32
    %ne3A_452 = arith.constant 0 : i32
    %ne3A_453 = arith.cmpi ne, %rem3A_451, %ne3A_452 : i32
    %lt3A_454 = arith.constant 0 : i32
    %lt3A_455 = arith.cmpi slt, %rem3A_451, %lt3A_454 : i32
    %lt3A_456 = arith.constant 0 : i32
    %lt3A_457 = arith.cmpi slt, %select_n3A_450, %lt3A_456 : i32
    %ne3A_458 = arith.xori %lt3A_455, %lt3A_457 : i1
    %and3A_459 = arith.andi %ne3A_458, %ne3A_453 : i1
    %add3A_460 = arith.addi %rem3A_451, %select_n3A_450 : i32
    %select_n3A_461 = arith.select %and3A_459, %add3A_460, %rem3A_451 : i32
    %dma_start3A_462 = arith.constant 0 : i32
    %dma_start3A_463 = arith.constant 0 : i32
    %dma_start3A_464 = tpu.memref_slice %arg5[%select_n3A_445, %select_n3A_461, %dma_start3A_462, %dma_start3A_463] : memref<32x3x224x224xf32, #tpu.memory_space<hbm>> -> memref<1x1x224x224xf32, #tpu.memory_space<hbm>>
    %dma_start3A_465 = tpu.memref_squeeze %dma_start3A_464 : memref<1x1x224x224xf32, #tpu.memory_space<hbm>> -> memref<224x224xf32, #tpu.memory_space<hbm>>
    %dma_start3A_466 = arith.constant 0 : i32
    %dma_start3A_467 = arith.constant 0 : i32
    %dma_start3A_468 = tpu.memref_slice %arg5[%select_n3A_445, %select_n3A_461, %dma_start3A_466, %dma_start3A_467] : memref<32x3x224x224xf32, #tpu.memory_space<hbm>> -> memref<1x1x224x224xf32, #tpu.memory_space<hbm>>
    %dma_start3A_469 = tpu.memref_squeeze %dma_start3A_468 : memref<1x1x224x224xf32, #tpu.memory_space<hbm>> -> memref<224x224xf32, #tpu.memory_space<hbm>>
    tpu.enqueue_dma source(%arg6 : memref<224x224xf32, #tpu.memory_space<vmem>>) target(%dma_start3A_469 : memref<224x224xf32, #tpu.memory_space<hbm>>) target_semaphore(%arg12 : memref<!tpu.dma_semaphore, #tpu.memory_space<semaphore_mem>>)
    %add3A_470 = arith.constant 1 : i32
    %add3A_471 = arith.addi %mul3A_2, %add3A_470 : i32
    %jit3A_472 = arith.constant 3 : i32
    %div3A_473 = arith.divsi %add3A_471, %jit3A_472 : i32
    %sign3A_474 = arith.constant 0 : i32
    %sign3A_475 = arith.cmpi sgt, %add3A_471, %sign3A_474 : i32
    %sign3A_476 = arith.extui %sign3A_475 : i1 to i32
    %sign3A_477 = arith.constant 0 : i32
    %sign3A_478 = arith.cmpi slt, %add3A_471, %sign3A_477 : i32
    %sign3A_479 = arith.extui %sign3A_478 : i1 to i32
    %sign3A_480 = arith.subi %sign3A_476, %sign3A_479 : i32
    %sign3A_481 = arith.constant 0 : i32
    %sign3A_482 = arith.cmpi sgt, %jit3A_472, %sign3A_481 : i32
    %sign3A_483 = arith.extui %sign3A_482 : i1 to i32
    %sign3A_484 = arith.constant 0 : i32
    %sign3A_485 = arith.cmpi slt, %jit3A_472, %sign3A_484 : i32
    %sign3A_486 = arith.extui %sign3A_485 : i1 to i32
    %sign3A_487 = arith.subi %sign3A_483, %sign3A_486 : i32
    %ne3A_488 = arith.cmpi ne, %sign3A_480, %sign3A_487 : i32
    %rem3A_489 = arith.remsi %add3A_471, %jit3A_472 : i32
    %ne3A_490 = arith.constant 0 : i32
    %ne3A_491 = arith.cmpi ne, %rem3A_489, %ne3A_490 : i32
    %and3A_492 = arith.andi %ne3A_488, %ne3A_491 : i1
    %sub3A_493 = arith.constant 1 : i32
    %sub3A_494 = arith.subi %div3A_473, %sub3A_493 : i32
    %select_n3A_495 = arith.select %and3A_492, %sub3A_494, %div3A_473 : i32
    %jit3A_496 = arith.constant 3 : i32
    %eq3A_497 = arith.constant 0 : i32
    %eq3A_498 = arith.cmpi eq, %jit3A_496, %eq3A_497 : i32
    %jit3A_499 = arith.constant 1 : i32
    %select_n3A_500 = arith.select %eq3A_498, %jit3A_499, %jit3A_496 : i32
    %rem3A_501 = arith.remsi %add3A_471, %select_n3A_500 : i32
    %ne3A_502 = arith.constant 0 : i32
    %ne3A_503 = arith.cmpi ne, %rem3A_501, %ne3A_502 : i32
    %lt3A_504 = arith.constant 0 : i32
    %lt3A_505 = arith.cmpi slt, %rem3A_501, %lt3A_504 : i32
    %lt3A_506 = arith.constant 0 : i32
    %lt3A_507 = arith.cmpi slt, %select_n3A_500, %lt3A_506 : i32
    %ne3A_508 = arith.xori %lt3A_505, %lt3A_507 : i1
    %and3A_509 = arith.andi %ne3A_508, %ne3A_503 : i1
    %add3A_510 = arith.addi %rem3A_501, %select_n3A_500 : i32
    %select_n3A_511 = arith.select %and3A_509, %add3A_510, %rem3A_501 : i32
    %dma_wait3A_512 = arith.constant 0 : i32
    %dma_wait3A_513 = arith.constant 0 : i32
    %dma_wait3A_514 = tpu.memref_slice %arg2[%select_n3A_495, %select_n3A_511, %dma_wait3A_512, %dma_wait3A_513] : memref<32x3x224x224xf32, #tpu.memory_space<hbm>> -> memref<1x1x224x224xf32, #tpu.memory_space<hbm>>
    %dma_wait3A_515 = tpu.memref_squeeze %dma_wait3A_514 : memref<1x1x224x224xf32, #tpu.memory_space<hbm>> -> memref<224x224xf32, #tpu.memory_space<hbm>>
    %dma_wait3A_516 = arith.constant 0 : i32
    %dma_wait3A_517 = arith.constant 0 : i32
    %dma_wait3A_518 = tpu.memref_slice %arg2[%select_n3A_495, %select_n3A_511, %dma_wait3A_516, %dma_wait3A_517] : memref<32x3x224x224xf32, #tpu.memory_space<hbm>> -> memref<1x1x224x224xf32, #tpu.memory_space<hbm>>
    %dma_wait3A_519 = tpu.memref_squeeze %dma_wait3A_518 : memref<1x1x224x224xf32, #tpu.memory_space<hbm>> -> memref<224x224xf32, #tpu.memory_space<hbm>>
    tpu.wait_dma2 semaphore(%arg11 : memref<!tpu.dma_semaphore, #tpu.memory_space<semaphore_mem>>) src(%dma_wait3A_519 : memref<224x224xf32, #tpu.memory_space<hbm>>) dst(%arg7 : memref<224x224xf32, #tpu.memory_space<vmem>>)
    %broadcast_in_dim3A_520 = arith.constant 0x7F800000 : f32
    %broadcast_in_dim3A_521 = vector.broadcast %broadcast_in_dim3A_520 : f32 to vector<16xf32>
    %broadcast_in_dim3A_522 = arith.constant 0x7F800000 : f32
    %broadcast_in_dim3A_523 = vector.broadcast %broadcast_in_dim3A_522 : f32 to vector<16xf32>
    %broadcast_in_dim3A_524 = arith.constant 0x7F800000 : f32
    %broadcast_in_dim3A_525 = vector.broadcast %broadcast_in_dim3A_524 : f32 to vector<16xf32>
    %broadcast_in_dim3A_526 = arith.constant 0x7F800000 : f32
    %broadcast_in_dim3A_527 = vector.broadcast %broadcast_in_dim3A_526 : f32 to vector<16xf32>
    %broadcast_in_dim3A_528 = arith.constant 0x7F800000 : f32
    %broadcast_in_dim3A_529 = vector.broadcast %broadcast_in_dim3A_528 : f32 to vector<16xf32>
    %broadcast_in_dim3A_530 = arith.constant 0x7F800000 : f32
    %broadcast_in_dim3A_531 = vector.broadcast %broadcast_in_dim3A_530 : f32 to vector<16xf32>
    %broadcast_in_dim3A_532 = arith.constant 0x7F800000 : f32
    %broadcast_in_dim3A_533 = vector.broadcast %broadcast_in_dim3A_532 : f32 to vector<16xf32>
    %broadcast_in_dim3A_534 = arith.constant 0x7F800000 : f32
    %broadcast_in_dim3A_535 = vector.broadcast %broadcast_in_dim3A_534 : f32 to vector<16xf32>
    %neg3A_536 = arith.constant 0.000000e+00 : f32
    %neg3A_537 = arith.constant 0x7F800000 : f32
    %neg3A_538 = arith.subf %neg3A_536, %neg3A_537 : f32
    %broadcast_in_dim3A_539 = vector.broadcast %neg3A_538 : f32 to vector<16xf32>
    %neg3A_540 = arith.constant 0.000000e+00 : f32
    %neg3A_541 = arith.constant 0x7F800000 : f32
    %neg3A_542 = arith.subf %neg3A_540, %neg3A_541 : f32
    %broadcast_in_dim3A_543 = vector.broadcast %neg3A_542 : f32 to vector<16xf32>
    %neg3A_544 = arith.constant 0.000000e+00 : f32
    %neg3A_545 = arith.constant 0x7F800000 : f32
    %neg3A_546 = arith.subf %neg3A_544, %neg3A_545 : f32
    %broadcast_in_dim3A_547 = vector.broadcast %neg3A_546 : f32 to vector<16xf32>
    %neg3A_548 = arith.constant 0.000000e+00 : f32
    %neg3A_549 = arith.constant 0x7F800000 : f32
    %neg3A_550 = arith.subf %neg3A_548, %neg3A_549 : f32
    %broadcast_in_dim3A_551 = vector.broadcast %neg3A_550 : f32 to vector<16xf32>
    %neg3A_552 = arith.constant 0.000000e+00 : f32
    %neg3A_553 = arith.constant 0x7F800000 : f32
    %neg3A_554 = arith.subf %neg3A_552, %neg3A_553 : f32
    %broadcast_in_dim3A_555 = vector.broadcast %neg3A_554 : f32 to vector<16xf32>
    %neg3A_556 = arith.constant 0.000000e+00 : f32
    %neg3A_557 = arith.constant 0x7F800000 : f32
    %neg3A_558 = arith.subf %neg3A_556, %neg3A_557 : f32
    %broadcast_in_dim3A_559 = vector.broadcast %neg3A_558 : f32 to vector<16xf32>
    %neg3A_560 = arith.constant 0.000000e+00 : f32
    %neg3A_561 = arith.constant 0x7F800000 : f32
    %neg3A_562 = arith.subf %neg3A_560, %neg3A_561 : f32
    %broadcast_in_dim3A_563 = vector.broadcast %neg3A_562 : f32 to vector<16xf32>
    %neg3A_564 = arith.constant 0.000000e+00 : f32
    %neg3A_565 = arith.constant 0x7F800000 : f32
    %neg3A_566 = arith.subf %neg3A_564, %neg3A_565 : f32
    %broadcast_in_dim3A_567 = vector.broadcast %neg3A_566 : f32 to vector<16xf32>
    %parallel_loop3A_568 = arith.constant 0 : i32
    %parallel_loop3A_569 = arith.constant 224 : i32
    %parallel_loop3A_570 = arith.constant 1 : i32
    %parallel_loop3A_571:16 = scf.for %parallel_loop3A_1422 = %parallel_loop3A_568 to %parallel_loop3A_569 step %parallel_loop3A_570 iter_args(%parallel_loop3A_1423 = %broadcast_in_dim3A_521, %parallel_loop3A_1424 = %broadcast_in_dim3A_523, %parallel_loop3A_1425 = %broadcast_in_dim3A_525, %parallel_loop3A_1426 = %broadcast_in_dim3A_527, %parallel_loop3A_1427 = %broadcast_in_dim3A_529, %parallel_loop3A_1428 = %broadcast_in_dim3A_531, %parallel_loop3A_1429 = %broadcast_in_dim3A_533, %parallel_loop3A_1430 = %broadcast_in_dim3A_535, %parallel_loop3A_1431 = %broadcast_in_dim3A_539, %parallel_loop3A_1432 = %broadcast_in_dim3A_543, %parallel_loop3A_1433 = %broadcast_in_dim3A_547, %parallel_loop3A_1434 = %broadcast_in_dim3A_551, %parallel_loop3A_1435 = %broadcast_in_dim3A_555, %parallel_loop3A_1436 = %broadcast_in_dim3A_559, %parallel_loop3A_1437 = %broadcast_in_dim3A_563, %parallel_loop3A_1438 = %broadcast_in_dim3A_567) -> (vector<16xf32>, vector<16xf32>, vector<16xf32>, vector<16xf32>, vector<16xf32>, vector<16xf32>, vector<16xf32>, vector<16xf32>, vector<16xf32>, vector<16xf32>, vector<16xf32>, vector<16xf32>, vector<16xf32>, vector<16xf32>, vector<16xf32>, vector<16xf32>)  : i32 {
      %parallel_loop3A_1439 = arith.index_cast %parallel_loop3A_1422 : i32 to index
      %parallel_loop3A_1440 = arith.constant 0 : index
      %parallel_loop3A_1441 = tpu.vector_load %arg7[%parallel_loop3A_1439, %parallel_loop3A_1440] {strides = array<i32>} : memref<224x224xf32, #tpu.memory_space<vmem>>, vector<16xf32>,
      %parallel_loop3A_1442 = arith.minimumf %parallel_loop3A_1423, %parallel_loop3A_1441 : vector<16xf32>
      %parallel_loop3A_1443 = arith.maximumf %parallel_loop3A_1431, %parallel_loop3A_1441 : vector<16xf32>
      %parallel_loop3A_1444 = arith.index_cast %parallel_loop3A_1422 : i32 to index
      %parallel_loop3A_1445 = arith.constant 16 : index
      %parallel_loop3A_1446 = tpu.vector_load %arg7[%parallel_loop3A_1444, %parallel_loop3A_1445] {strides = array<i32>} : memref<224x224xf32, #tpu.memory_space<vmem>>, vector<16xf32>,
      %parallel_loop3A_1447 = arith.minimumf %parallel_loop3A_1424, %parallel_loop3A_1446 : vector<16xf32>
      %parallel_loop3A_1448 = arith.maximumf %parallel_loop3A_1432, %parallel_loop3A_1446 : vector<16xf32>
      %parallel_loop3A_1449 = arith.index_cast %parallel_loop3A_1422 : i32 to index
      %parallel_loop3A_1450 = arith.constant 32 : index
      %parallel_loop3A_1451 = tpu.vector_load %arg7[%parallel_loop3A_1449, %parallel_loop3A_1450] {strides = array<i32>} : memref<224x224xf32, #tpu.memory_space<vmem>>, vector<16xf32>,
      %parallel_loop3A_1452 = arith.minimumf %parallel_loop3A_1425, %parallel_loop3A_1451 : vector<16xf32>
      %parallel_loop3A_1453 = arith.maximumf %parallel_loop3A_1433, %parallel_loop3A_1451 : vector<16xf32>
      %parallel_loop3A_1454 = arith.index_cast %parallel_loop3A_1422 : i32 to index
      %parallel_loop3A_1455 = arith.constant 48 : index
      %parallel_loop3A_1456 = tpu.vector_load %arg7[%parallel_loop3A_1454, %parallel_loop3A_1455] {strides = array<i32>} : memref<224x224xf32, #tpu.memory_space<vmem>>, vector<16xf32>,
      %parallel_loop3A_1457 = arith.minimumf %parallel_loop3A_1426, %parallel_loop3A_1456 : vector<16xf32>
      %parallel_loop3A_1458 = arith.maximumf %parallel_loop3A_1434, %parallel_loop3A_1456 : vector<16xf32>
      %parallel_loop3A_1459 = arith.index_cast %parallel_loop3A_1422 : i32 to index
      %parallel_loop3A_1460 = arith.constant 64 : index
      %parallel_loop3A_1461 = tpu.vector_load %arg7[%parallel_loop3A_1459, %parallel_loop3A_1460] {strides = array<i32>} : memref<224x224xf32, #tpu.memory_space<vmem>>, vector<16xf32>,
      %parallel_loop3A_1462 = arith.minimumf %parallel_loop3A_1427, %parallel_loop3A_1461 : vector<16xf32>
      %parallel_loop3A_1463 = arith.maximumf %parallel_loop3A_1435, %parallel_loop3A_1461 : vector<16xf32>
      %parallel_loop3A_1464 = arith.index_cast %parallel_loop3A_1422 : i32 to index
      %parallel_loop3A_1465 = arith.constant 80 : index
      %parallel_loop3A_1466 = tpu.vector_load %arg7[%parallel_loop3A_1464, %parallel_loop3A_1465] {strides = array<i32>} : memref<224x224xf32, #tpu.memory_space<vmem>>, vector<16xf32>,
      %parallel_loop3A_1467 = arith.minimumf %parallel_loop3A_1428, %parallel_loop3A_1466 : vector<16xf32>
      %parallel_loop3A_1468 = arith.maximumf %parallel_loop3A_1436, %parallel_loop3A_1466 : vector<16xf32>
      %parallel_loop3A_1469 = arith.index_cast %parallel_loop3A_1422 : i32 to index
      %parallel_loop3A_1470 = arith.constant 96 : index
      %parallel_loop3A_1471 = tpu.vector_load %arg7[%parallel_loop3A_1469, %parallel_loop3A_1470] {strides = array<i32>} : memref<224x224xf32, #tpu.memory_space<vmem>>, vector<16xf32>,
      %parallel_loop3A_1472 = arith.minimumf %parallel_loop3A_1429, %parallel_loop3A_1471 : vector<16xf32>
      %parallel_loop3A_1473 = arith.maximumf %parallel_loop3A_1437, %parallel_loop3A_1471 : vector<16xf32>
      %parallel_loop3A_1474 = arith.index_cast %parallel_loop3A_1422 : i32 to index
      %parallel_loop3A_1475 = arith.constant 112 : index
      %parallel_loop3A_1476 = tpu.vector_load %arg7[%parallel_loop3A_1474, %parallel_loop3A_1475] {strides = array<i32>} : memref<224x224xf32, #tpu.memory_space<vmem>>, vector<16xf32>,
      %parallel_loop3A_1477 = arith.minimumf %parallel_loop3A_1430, %parallel_loop3A_1476 : vector<16xf32>
      %parallel_loop3A_1478 = arith.maximumf %parallel_loop3A_1438, %parallel_loop3A_1476 : vector<16xf32>
      %parallel_loop3A_1479 = arith.index_cast %parallel_loop3A_1422 : i32 to index
      %parallel_loop3A_1480 = arith.constant 128 : index
      %parallel_loop3A_1481 = tpu.vector_load %arg7[%parallel_loop3A_1479, %parallel_loop3A_1480] {strides = array<i32>} : memref<224x224xf32, #tpu.memory_space<vmem>>, vector<16xf32>,
      %parallel_loop3A_1482 = arith.minimumf %parallel_loop3A_1442, %parallel_loop3A_1481 : vector<16xf32>
      %parallel_loop3A_1483 = arith.maximumf %parallel_loop3A_1443, %parallel_loop3A_1481 : vector<16xf32>
      %parallel_loop3A_1484 = arith.index_cast %parallel_loop3A_1422 : i32 to index
      %parallel_loop3A_1485 = arith.constant 144 : index
      %parallel_loop3A_1486 = tpu.vector_load %arg7[%parallel_loop3A_1484, %parallel_loop3A_1485] {strides = array<i32>} : memref<224x224xf32, #tpu.memory_space<vmem>>, vector<16xf32>,
      %parallel_loop3A_1487 = arith.minimumf %parallel_loop3A_1447, %parallel_loop3A_1486 : vector<16xf32>
      %parallel_loop3A_1488 = arith.maximumf %parallel_loop3A_1448, %parallel_loop3A_1486 : vector<16xf32>
      %parallel_loop3A_1489 = arith.index_cast %parallel_loop3A_1422 : i32 to index
      %parallel_loop3A_1490 = arith.constant 160 : index
      %parallel_loop3A_1491 = tpu.vector_load %arg7[%parallel_loop3A_1489, %parallel_loop3A_1490] {strides = array<i32>} : memref<224x224xf32, #tpu.memory_space<vmem>>, vector<16xf32>,
      %parallel_loop3A_1492 = arith.minimumf %parallel_loop3A_1452, %parallel_loop3A_1491 : vector<16xf32>
      %parallel_loop3A_1493 = arith.maximumf %parallel_loop3A_1453, %parallel_loop3A_1491 : vector<16xf32>
      %parallel_loop3A_1494 = arith.index_cast %parallel_loop3A_1422 : i32 to index
      %parallel_loop3A_1495 = arith.constant 176 : index
      %parallel_loop3A_1496 = tpu.vector_load %arg7[%parallel_loop3A_1494, %parallel_loop3A_1495] {strides = array<i32>} : memref<224x224xf32, #tpu.memory_space<vmem>>, vector<16xf32>,
      %parallel_loop3A_1497 = arith.minimumf %parallel_loop3A_1457, %parallel_loop3A_1496 : vector<16xf32>
      %parallel_loop3A_1498 = arith.maximumf %parallel_loop3A_1458, %parallel_loop3A_1496 : vector<16xf32>
      %parallel_loop3A_1499 = arith.index_cast %parallel_loop3A_1422 : i32 to index
      %parallel_loop3A_1500 = arith.constant 192 : index
      %parallel_loop3A_1501 = tpu.vector_load %arg7[%parallel_loop3A_1499, %parallel_loop3A_1500] {strides = array<i32>} : memref<224x224xf32, #tpu.memory_space<vmem>>, vector<16xf32>,
      %parallel_loop3A_1502 = arith.minimumf %parallel_loop3A_1462, %parallel_loop3A_1501 : vector<16xf32>
      %parallel_loop3A_1503 = arith.maximumf %parallel_loop3A_1463, %parallel_loop3A_1501 : vector<16xf32>
      %parallel_loop3A_1504 = arith.index_cast %parallel_loop3A_1422 : i32 to index
      %parallel_loop3A_1505 = arith.constant 208 : index
      %parallel_loop3A_1506 = tpu.vector_load %arg7[%parallel_loop3A_1504, %parallel_loop3A_1505] {strides = array<i32>} : memref<224x224xf32, #tpu.memory_space<vmem>>, vector<16xf32>,
      %parallel_loop3A_1507 = arith.minimumf %parallel_loop3A_1467, %parallel_loop3A_1506 : vector<16xf32>
      %parallel_loop3A_1508 = arith.maximumf %parallel_loop3A_1468, %parallel_loop3A_1506 : vector<16xf32>
      scf.yield %parallel_loop3A_1482, %parallel_loop3A_1487, %parallel_loop3A_1492, %parallel_loop3A_1497, %parallel_loop3A_1502, %parallel_loop3A_1507, %parallel_loop3A_1472, %parallel_loop3A_1477, %parallel_loop3A_1483, %parallel_loop3A_1488, %parallel_loop3A_1493, %parallel_loop3A_1498, %parallel_loop3A_1503, %parallel_loop3A_1508, %parallel_loop3A_1473, %parallel_loop3A_1478 : vector<16xf32>, vector<16xf32>, vector<16xf32>, vector<16xf32>, vector<16xf32>, vector<16xf32>, vector<16xf32>, vector<16xf32>, vector<16xf32>, vector<16xf32>, vector<16xf32>, vector<16xf32>, vector<16xf32>, vector<16xf32>, vector<16xf32>, vector<16xf32>
    } {sc.loop_unroll_factor = 1 : i64, sc.parallel_access}
    %min3A_572 = arith.minimumf %parallel_loop3A_571#0, %parallel_loop3A_571#1 : vector<16xf32>
    %min3A_573 = arith.minimumf %parallel_loop3A_571#2, %parallel_loop3A_571#3 : vector<16xf32>
    %min3A_574 = arith.minimumf %parallel_loop3A_571#4, %parallel_loop3A_571#5 : vector<16xf32>
    %min3A_575 = arith.minimumf %parallel_loop3A_571#6, %parallel_loop3A_571#7 : vector<16xf32>
    %max3A_576 = arith.maximumf %parallel_loop3A_571#8, %parallel_loop3A_571#9 : vector<16xf32>
    %max3A_577 = arith.maximumf %parallel_loop3A_571#10, %parallel_loop3A_571#11 : vector<16xf32>
    %max3A_578 = arith.maximumf %parallel_loop3A_571#12, %parallel_loop3A_571#13 : vector<16xf32>
    %max3A_579 = arith.maximumf %parallel_loop3A_571#14, %parallel_loop3A_571#15 : vector<16xf32>
    %min3A_580 = arith.minimumf %min3A_572, %min3A_573 : vector<16xf32>
    %min3A_581 = arith.minimumf %min3A_574, %min3A_575 : vector<16xf32>
    %max3A_582 = arith.maximumf %max3A_576, %max3A_577 : vector<16xf32>
    %max3A_583 = arith.maximumf %max3A_578, %max3A_579 : vector<16xf32>
    %min3A_584 = arith.minimumf %min3A_580, %min3A_581 : vector<16xf32>
    %max3A_585 = arith.maximumf %max3A_582, %max3A_583 : vector<16xf32>
    %reduce_min3A_586 = arith.constant true
    %reduce_min3A_587 = vector.broadcast %reduce_min3A_586 : i1 to vector<16xi1>
    %reduce_min3A_588 = tpu.scan <min>, %min3A_584 masked %reduce_min3A_587 : vector<16xf32>, vector<16xi1> -> vector<16xf32>
    %reduce_min3A_589 = vector.extract %reduce_min3A_588[15] : f32 from vector<16xf32>
    %reduce_max3A_590 = arith.constant true
    %reduce_max3A_591 = vector.broadcast %reduce_max3A_590 : i1 to vector<16xi1>
    %reduce_max3A_592 = tpu.scan <max>, %max3A_585 masked %reduce_max3A_591 : vector<16xf32>, vector<16xi1> -> vector<16xf32>
    %reduce_max3A_593 = vector.extract %reduce_max3A_592[15] : f32 from vector<16xf32>
    %mul3A_594 = arith.constant 7 : i32
    %mul3A_595 = arith.muli %add3A_471, %mul3A_594 : i32
    %get3A_596 = arith.index_cast %mul3A_595 : i32 to index
    %get3A_597 = tpu.vector_load %arg8[%get3A_596] {strides = array<i32>} : memref<688xf32, #tpu.memory_space<vmem>>, vector<16xf32>,
    %mul3A_598 = arith.constant 8 : i32
    %mul3A_599 = arith.muli %add3A_471, %mul3A_598 : i32
    %get3A_600 = arith.index_cast %mul3A_599 : i32 to index
    %get3A_601 = tpu.vector_load %arg9[%get3A_600] {strides = array<i32>} : memref<784xf32, #tpu.memory_space<vmem>>, vector<16xf32>,
    %lt3A_602 = arith.constant 7 : i32
    %lt3A_603 = vector.broadcast %lt3A_602 : i32 to vector<16xi32>
    %lt3A_604 = arith.cmpi slt, %iota3A, %lt3A_603 : vector<16xi32>
    %sub3A_605 = arith.subf %reduce_max3A_593, %reduce_min3A_589 : f32
    %mul3A_606 = vector.broadcast %sub3A_605 : f32 to vector<16xf32>
    %mul3A_607 = arith.mulf %get3A_597, %mul3A_606 : vector<16xf32>
    %add3A_608 = vector.broadcast %reduce_min3A_589 : f32 to vector<16xf32>
    %add3A_609 = arith.addf %mul3A_607, %add3A_608 : vector<16xf32>
    %jit3A_610 = arith.constant 0x7F800000 : f32
    %broadcast_in_dim3A_611 = vector.broadcast %jit3A_610 : f32 to vector<16xf32>
    %select_n3A_612 = arith.select %lt3A_604, %add3A_609, %broadcast_in_dim3A_611 : vector<16xi1>, vector<16xf32>
    %sort3A_613 = arith.constant dense<true> : vector<16xi1>
    %sort3A_614, %sort3A_615, %sort3A_616 = tpu.sort %select_n3A_612, %select_n3A_612 masked %sort3A_613 : (vector<16xf32>, vector<16xf32>, vector<16xi1>) -> (vector<16xi1>, vector<16xf32>, vector<16xf32>)
    %eq3A_617 = arith.constant 0 : i32
    %eq3A_618 = vector.broadcast %eq3A_617 : i32 to vector<16xi32>
    %eq3A_619 = arith.cmpi eq, %iota3A, %eq3A_618 : vector<16xi32>
    %jit3A_620 = arith.constant 0x7F800000 : f32
    %broadcast_in_dim3A_621 = vector.broadcast %jit3A_620 : f32 to vector<16xf32>
    %select_n3A_622 = arith.select %eq3A_619, %sort3A_615, %broadcast_in_dim3A_621 : vector<16xi1>, vector<16xf32>
    %reduce_min3A_623 = arith.constant true
    %reduce_min3A_624 = vector.broadcast %reduce_min3A_623 : i1 to vector<16xi1>
    %reduce_min3A_625 = tpu.scan <min>, %select_n3A_622 masked %reduce_min3A_624 : vector<16xf32>, vector<16xi1> -> vector<16xf32>
    %reduce_min3A_626 = vector.extract %reduce_min3A_625[15] : f32 from vector<16xf32>
    %eq3A_627 = arith.constant 1 : i32
    %eq3A_628 = vector.broadcast %eq3A_627 : i32 to vector<16xi32>
    %eq3A_629 = arith.cmpi eq, %iota3A, %eq3A_628 : vector<16xi32>
    %jit3A_630 = arith.constant 0x7F800000 : f32
    %broadcast_in_dim3A_631 = vector.broadcast %jit3A_630 : f32 to vector<16xf32>
    %select_n3A_632 = arith.select %eq3A_629, %sort3A_615, %broadcast_in_dim3A_631 : vector<16xi1>, vector<16xf32>
    %reduce_min3A_633 = arith.constant true
    %reduce_min3A_634 = vector.broadcast %reduce_min3A_633 : i1 to vector<16xi1>
    %reduce_min3A_635 = tpu.scan <min>, %select_n3A_632 masked %reduce_min3A_634 : vector<16xf32>, vector<16xi1> -> vector<16xf32>
    %reduce_min3A_636 = vector.extract %reduce_min3A_635[15] : f32 from vector<16xf32>
    %eq3A_637 = arith.constant 2 : i32
    %eq3A_638 = vector.broadcast %eq3A_637 : i32 to vector<16xi32>
    %eq3A_639 = arith.cmpi eq, %iota3A, %eq3A_638 : vector<16xi32>
    %jit3A_640 = arith.constant 0x7F800000 : f32
    %broadcast_in_dim3A_641 = vector.broadcast %jit3A_640 : f32 to vector<16xf32>
    %select_n3A_642 = arith.select %eq3A_639, %sort3A_615, %broadcast_in_dim3A_641 : vector<16xi1>, vector<16xf32>
    %reduce_min3A_643 = arith.constant true
    %reduce_min3A_644 = vector.broadcast %reduce_min3A_643 : i1 to vector<16xi1>
    %reduce_min3A_645 = tpu.scan <min>, %select_n3A_642 masked %reduce_min3A_644 : vector<16xf32>, vector<16xi1> -> vector<16xf32>
    %reduce_min3A_646 = vector.extract %reduce_min3A_645[15] : f32 from vector<16xf32>
    %eq3A_647 = arith.constant 3 : i32
    %eq3A_648 = vector.broadcast %eq3A_647 : i32 to vector<16xi32>
    %eq3A_649 = arith.cmpi eq, %iota3A, %eq3A_648 : vector<16xi32>
    %jit3A_650 = arith.constant 0x7F800000 : f32
    %broadcast_in_dim3A_651 = vector.broadcast %jit3A_650 : f32 to vector<16xf32>
    %select_n3A_652 = arith.select %eq3A_649, %sort3A_615, %broadcast_in_dim3A_651 : vector<16xi1>, vector<16xf32>
    %reduce_min3A_653 = arith.constant true
    %reduce_min3A_654 = vector.broadcast %reduce_min3A_653 : i1 to vector<16xi1>
    %reduce_min3A_655 = tpu.scan <min>, %select_n3A_652 masked %reduce_min3A_654 : vector<16xf32>, vector<16xi1> -> vector<16xf32>
    %reduce_min3A_656 = vector.extract %reduce_min3A_655[15] : f32 from vector<16xf32>
    %eq3A_657 = arith.constant 4 : i32
    %eq3A_658 = vector.broadcast %eq3A_657 : i32 to vector<16xi32>
    %eq3A_659 = arith.cmpi eq, %iota3A, %eq3A_658 : vector<16xi32>
    %jit3A_660 = arith.constant 0x7F800000 : f32
    %broadcast_in_dim3A_661 = vector.broadcast %jit3A_660 : f32 to vector<16xf32>
    %select_n3A_662 = arith.select %eq3A_659, %sort3A_615, %broadcast_in_dim3A_661 : vector<16xi1>, vector<16xf32>
    %reduce_min3A_663 = arith.constant true
    %reduce_min3A_664 = vector.broadcast %reduce_min3A_663 : i1 to vector<16xi1>
    %reduce_min3A_665 = tpu.scan <min>, %select_n3A_662 masked %reduce_min3A_664 : vector<16xf32>, vector<16xi1> -> vector<16xf32>
    %reduce_min3A_666 = vector.extract %reduce_min3A_665[15] : f32 from vector<16xf32>
    %eq3A_667 = arith.constant 5 : i32
    %eq3A_668 = vector.broadcast %eq3A_667 : i32 to vector<16xi32>
    %eq3A_669 = arith.cmpi eq, %iota3A, %eq3A_668 : vector<16xi32>
    %jit3A_670 = arith.constant 0x7F800000 : f32
    %broadcast_in_dim3A_671 = vector.broadcast %jit3A_670 : f32 to vector<16xf32>
    %select_n3A_672 = arith.select %eq3A_669, %sort3A_615, %broadcast_in_dim3A_671 : vector<16xi1>, vector<16xf32>
    %reduce_min3A_673 = arith.constant true
    %reduce_min3A_674 = vector.broadcast %reduce_min3A_673 : i1 to vector<16xi1>
    %reduce_min3A_675 = tpu.scan <min>, %select_n3A_672 masked %reduce_min3A_674 : vector<16xf32>, vector<16xi1> -> vector<16xf32>
    %reduce_min3A_676 = vector.extract %reduce_min3A_675[15] : f32 from vector<16xf32>
    %eq3A_677 = arith.constant 6 : i32
    %eq3A_678 = vector.broadcast %eq3A_677 : i32 to vector<16xi32>
    %eq3A_679 = arith.cmpi eq, %iota3A, %eq3A_678 : vector<16xi32>
    %jit3A_680 = arith.constant 0x7F800000 : f32
    %broadcast_in_dim3A_681 = vector.broadcast %jit3A_680 : f32 to vector<16xf32>
    %select_n3A_682 = arith.select %eq3A_679, %sort3A_615, %broadcast_in_dim3A_681 : vector<16xi1>, vector<16xf32>
    %reduce_min3A_683 = arith.constant true
    %reduce_min3A_684 = vector.broadcast %reduce_min3A_683 : i1 to vector<16xi1>
    %reduce_min3A_685 = tpu.scan <min>, %select_n3A_682 masked %reduce_min3A_684 : vector<16xf32>, vector<16xi1> -> vector<16xf32>
    %reduce_min3A_686 = vector.extract %reduce_min3A_685[15] : f32 from vector<16xf32>
    %eq3A_687 = arith.constant 0 : i32
    %eq3A_688 = vector.broadcast %eq3A_687 : i32 to vector<16xi32>
    %eq3A_689 = arith.cmpi eq, %iota3A, %eq3A_688 : vector<16xi32>
    %jit3A_690 = arith.constant 0x7F800000 : f32
    %broadcast_in_dim3A_691 = vector.broadcast %jit3A_690 : f32 to vector<16xf32>
    %select_n3A_692 = arith.select %eq3A_689, %get3A_601, %broadcast_in_dim3A_691 : vector<16xi1>, vector<16xf32>
    %reduce_min3A_693 = arith.constant true
    %reduce_min3A_694 = vector.broadcast %reduce_min3A_693 : i1 to vector<16xi1>
    %reduce_min3A_695 = tpu.scan <min>, %select_n3A_692 masked %reduce_min3A_694 : vector<16xf32>, vector<16xi1> -> vector<16xf32>
    %reduce_min3A_696 = vector.extract %reduce_min3A_695[15] : f32 from vector<16xf32>
    %eq3A_697 = arith.constant 1 : i32
    %eq3A_698 = vector.broadcast %eq3A_697 : i32 to vector<16xi32>
    %eq3A_699 = arith.cmpi eq, %iota3A, %eq3A_698 : vector<16xi32>
    %jit3A_700 = arith.constant 0x7F800000 : f32
    %broadcast_in_dim3A_701 = vector.broadcast %jit3A_700 : f32 to vector<16xf32>
    %select_n3A_702 = arith.select %eq3A_699, %get3A_601, %broadcast_in_dim3A_701 : vector<16xi1>, vector<16xf32>
    %reduce_min3A_703 = arith.constant true
    %reduce_min3A_704 = vector.broadcast %reduce_min3A_703 : i1 to vector<16xi1>
    %reduce_min3A_705 = tpu.scan <min>, %select_n3A_702 masked %reduce_min3A_704 : vector<16xf32>, vector<16xi1> -> vector<16xf32>
    %reduce_min3A_706 = vector.extract %reduce_min3A_705[15] : f32 from vector<16xf32>
    %eq3A_707 = arith.constant 2 : i32
    %eq3A_708 = vector.broadcast %eq3A_707 : i32 to vector<16xi32>
    %eq3A_709 = arith.cmpi eq, %iota3A, %eq3A_708 : vector<16xi32>
    %jit3A_710 = arith.constant 0x7F800000 : f32
    %broadcast_in_dim3A_711 = vector.broadcast %jit3A_710 : f32 to vector<16xf32>
    %select_n3A_712 = arith.select %eq3A_709, %get3A_601, %broadcast_in_dim3A_711 : vector<16xi1>, vector<16xf32>
    %reduce_min3A_713 = arith.constant true
    %reduce_min3A_714 = vector.broadcast %reduce_min3A_713 : i1 to vector<16xi1>
    %reduce_min3A_715 = tpu.scan <min>, %select_n3A_712 masked %reduce_min3A_714 : vector<16xf32>, vector<16xi1> -> vector<16xf32>
    %reduce_min3A_716 = vector.extract %reduce_min3A_715[15] : f32 from vector<16xf32>
    %eq3A_717 = arith.constant 3 : i32
    %eq3A_718 = vector.broadcast %eq3A_717 : i32 to vector<16xi32>
    %eq3A_719 = arith.cmpi eq, %iota3A, %eq3A_718 : vector<16xi32>
    %jit3A_720 = arith.constant 0x7F800000 : f32
    %broadcast_in_dim3A_721 = vector.broadcast %jit3A_720 : f32 to vector<16xf32>
    %select_n3A_722 = arith.select %eq3A_719, %get3A_601, %broadcast_in_dim3A_721 : vector<16xi1>, vector<16xf32>
    %reduce_min3A_723 = arith.constant true
    %reduce_min3A_724 = vector.broadcast %reduce_min3A_723 : i1 to vector<16xi1>
    %reduce_min3A_725 = tpu.scan <min>, %select_n3A_722 masked %reduce_min3A_724 : vector<16xf32>, vector<16xi1> -> vector<16xf32>
    %reduce_min3A_726 = vector.extract %reduce_min3A_725[15] : f32 from vector<16xf32>
    %eq3A_727 = arith.constant 4 : i32
    %eq3A_728 = vector.broadcast %eq3A_727 : i32 to vector<16xi32>
    %eq3A_729 = arith.cmpi eq, %iota3A, %eq3A_728 : vector<16xi32>
    %jit3A_730 = arith.constant 0x7F800000 : f32
    %broadcast_in_dim3A_731 = vector.broadcast %jit3A_730 : f32 to vector<16xf32>
    %select_n3A_732 = arith.select %eq3A_729, %get3A_601, %broadcast_in_dim3A_731 : vector<16xi1>, vector<16xf32>
    %reduce_min3A_733 = arith.constant true
    %reduce_min3A_734 = vector.broadcast %reduce_min3A_733 : i1 to vector<16xi1>
    %reduce_min3A_735 = tpu.scan <min>, %select_n3A_732 masked %reduce_min3A_734 : vector<16xf32>, vector<16xi1> -> vector<16xf32>
    %reduce_min3A_736 = vector.extract %reduce_min3A_735[15] : f32 from vector<16xf32>
    %eq3A_737 = arith.constant 5 : i32
    %eq3A_738 = vector.broadcast %eq3A_737 : i32 to vector<16xi32>
    %eq3A_739 = arith.cmpi eq, %iota3A, %eq3A_738 : vector<16xi32>
    %jit3A_740 = arith.constant 0x7F800000 : f32
    %broadcast_in_dim3A_741 = vector.broadcast %jit3A_740 : f32 to vector<16xf32>
    %select_n3A_742 = arith.select %eq3A_739, %get3A_601, %broadcast_in_dim3A_741 : vector<16xi1>, vector<16xf32>
    %reduce_min3A_743 = arith.constant true
    %reduce_min3A_744 = vector.broadcast %reduce_min3A_743 : i1 to vector<16xi1>
    %reduce_min3A_745 = tpu.scan <min>, %select_n3A_742 masked %reduce_min3A_744 : vector<16xf32>, vector<16xi1> -> vector<16xf32>
    %reduce_min3A_746 = vector.extract %reduce_min3A_745[15] : f32 from vector<16xf32>
    %eq3A_747 = arith.constant 6 : i32
    %eq3A_748 = vector.broadcast %eq3A_747 : i32 to vector<16xi32>
    %eq3A_749 = arith.cmpi eq, %iota3A, %eq3A_748 : vector<16xi32>
    %jit3A_750 = arith.constant 0x7F800000 : f32
    %broadcast_in_dim3A_751 = vector.broadcast %jit3A_750 : f32 to vector<16xf32>
    %select_n3A_752 = arith.select %eq3A_749, %get3A_601, %broadcast_in_dim3A_751 : vector<16xi1>, vector<16xf32>
    %reduce_min3A_753 = arith.constant true
    %reduce_min3A_754 = vector.broadcast %reduce_min3A_753 : i1 to vector<16xi1>
    %reduce_min3A_755 = tpu.scan <min>, %select_n3A_752 masked %reduce_min3A_754 : vector<16xf32>, vector<16xi1> -> vector<16xf32>
    %reduce_min3A_756 = vector.extract %reduce_min3A_755[15] : f32 from vector<16xf32>
    %eq3A_757 = arith.constant 7 : i32
    %eq3A_758 = vector.broadcast %eq3A_757 : i32 to vector<16xi32>
    %eq3A_759 = arith.cmpi eq, %iota3A, %eq3A_758 : vector<16xi32>
    %jit3A_760 = arith.constant 0x7F800000 : f32
    %broadcast_in_dim3A_761 = vector.broadcast %jit3A_760 : f32 to vector<16xf32>
    %select_n3A_762 = arith.select %eq3A_759, %get3A_601, %broadcast_in_dim3A_761 : vector<16xi1>, vector<16xf32>
    %reduce_min3A_763 = arith.constant true
    %reduce_min3A_764 = vector.broadcast %reduce_min3A_763 : i1 to vector<16xi1>
    %reduce_min3A_765 = tpu.scan <min>, %select_n3A_762 masked %reduce_min3A_764 : vector<16xf32>, vector<16xi1> -> vector<16xf32>
    %reduce_min3A_766 = vector.extract %reduce_min3A_765[15] : f32 from vector<16xf32>
    %add3A_767 = arith.constant 9.99999997E-7 : f32
    %add3A_768 = arith.addf %reduce_max3A_593, %add3A_767 : f32
    %sub3A_769 = arith.subf %reduce_min3A_626, %reduce_min3A_589 : f32
    %mul3A_770 = arith.mulf %reduce_min3A_696, %sub3A_769 : f32
    %add3A_771 = arith.addf %reduce_min3A_589, %mul3A_770 : f32
    %sub3A_772 = arith.subf %reduce_min3A_636, %reduce_min3A_626 : f32
    %mul3A_773 = arith.mulf %reduce_min3A_706, %sub3A_772 : f32
    %add3A_774 = arith.addf %reduce_min3A_626, %mul3A_773 : f32
    %sub3A_775 = arith.subf %reduce_min3A_646, %reduce_min3A_636 : f32
    %mul3A_776 = arith.mulf %reduce_min3A_716, %sub3A_775 : f32
    %add3A_777 = arith.addf %reduce_min3A_636, %mul3A_776 : f32
    %sub3A_778 = arith.subf %reduce_min3A_656, %reduce_min3A_646 : f32
    %mul3A_779 = arith.mulf %reduce_min3A_726, %sub3A_778 : f32
    %add3A_780 = arith.addf %reduce_min3A_646, %mul3A_779 : f32
    %sub3A_781 = arith.subf %reduce_min3A_666, %reduce_min3A_656 : f32
    %mul3A_782 = arith.mulf %reduce_min3A_736, %sub3A_781 : f32
    %add3A_783 = arith.addf %reduce_min3A_656, %mul3A_782 : f32
    %sub3A_784 = arith.subf %reduce_min3A_676, %reduce_min3A_666 : f32
    %mul3A_785 = arith.mulf %reduce_min3A_746, %sub3A_784 : f32
    %add3A_786 = arith.addf %reduce_min3A_666, %mul3A_785 : f32
    %sub3A_787 = arith.subf %reduce_min3A_686, %reduce_min3A_676 : f32
    %mul3A_788 = arith.mulf %reduce_min3A_756, %sub3A_787 : f32
    %add3A_789 = arith.addf %reduce_min3A_676, %mul3A_788 : f32
    %sub3A_790 = arith.subf %add3A_768, %reduce_min3A_686 : f32
    %mul3A_791 = arith.mulf %reduce_min3A_766, %sub3A_790 : f32
    %add3A_792 = arith.addf %reduce_min3A_686, %mul3A_791 : f32
    %sub3A_793 = arith.constant 1 : i32
    %sub3A_794 = arith.subi %add3A_471, %sub3A_793 : i32
    %jit3A_795 = arith.constant 3 : i32
    %div3A_796 = arith.divsi %sub3A_794, %jit3A_795 : i32
    %sign3A_797 = arith.constant 0 : i32
    %sign3A_798 = arith.cmpi sgt, %sub3A_794, %sign3A_797 : i32
    %sign3A_799 = arith.extui %sign3A_798 : i1 to i32
    %sign3A_800 = arith.constant 0 : i32
    %sign3A_801 = arith.cmpi slt, %sub3A_794, %sign3A_800 : i32
    %sign3A_802 = arith.extui %sign3A_801 : i1 to i32
    %sign3A_803 = arith.subi %sign3A_799, %sign3A_802 : i32
    %sign3A_804 = arith.constant 0 : i32
    %sign3A_805 = arith.cmpi sgt, %jit3A_795, %sign3A_804 : i32
    %sign3A_806 = arith.extui %sign3A_805 : i1 to i32
    %sign3A_807 = arith.constant 0 : i32
    %sign3A_808 = arith.cmpi slt, %jit3A_795, %sign3A_807 : i32
    %sign3A_809 = arith.extui %sign3A_808 : i1 to i32
    %sign3A_810 = arith.subi %sign3A_806, %sign3A_809 : i32
    %ne3A_811 = arith.cmpi ne, %sign3A_803, %sign3A_810 : i32
    %rem3A_812 = arith.remsi %sub3A_794, %jit3A_795 : i32
    %ne3A_813 = arith.constant 0 : i32
    %ne3A_814 = arith.cmpi ne, %rem3A_812, %ne3A_813 : i32
    %and3A_815 = arith.andi %ne3A_811, %ne3A_814 : i1
    %sub3A_816 = arith.constant 1 : i32
    %sub3A_817 = arith.subi %div3A_796, %sub3A_816 : i32
    %select_n3A_818 = arith.select %and3A_815, %sub3A_817, %div3A_796 : i32
    %jit3A_819 = arith.constant 3 : i32
    %eq3A_820 = arith.constant 0 : i32
    %eq3A_821 = arith.cmpi eq, %jit3A_819, %eq3A_820 : i32
    %jit3A_822 = arith.constant 1 : i32
    %select_n3A_823 = arith.select %eq3A_821, %jit3A_822, %jit3A_819 : i32
    %rem3A_824 = arith.remsi %sub3A_794, %select_n3A_823 : i32
    %ne3A_825 = arith.constant 0 : i32
    %ne3A_826 = arith.cmpi ne, %rem3A_824, %ne3A_825 : i32
    %lt3A_827 = arith.constant 0 : i32
    %lt3A_828 = arith.cmpi slt, %rem3A_824, %lt3A_827 : i32
    %lt3A_829 = arith.constant 0 : i32
    %lt3A_830 = arith.cmpi slt, %select_n3A_823, %lt3A_829 : i32
    %ne3A_831 = arith.xori %lt3A_828, %lt3A_830 : i1
    %and3A_832 = arith.andi %ne3A_831, %ne3A_826 : i1
    %add3A_833 = arith.addi %rem3A_824, %select_n3A_823 : i32
    %select_n3A_834 = arith.select %and3A_832, %add3A_833, %rem3A_824 : i32
    %dma_wait3A_835 = arith.constant 0 : i32
    %dma_wait3A_836 = arith.constant 0 : i32
    %dma_wait3A_837 = tpu.memref_slice %arg5[%select_n3A_818, %select_n3A_834, %dma_wait3A_835, %dma_wait3A_836] : memref<32x3x224x224xf32, #tpu.memory_space<hbm>> -> memref<1x1x224x224xf32, #tpu.memory_space<hbm>>
    %dma_wait3A_838 = tpu.memref_squeeze %dma_wait3A_837 : memref<1x1x224x224xf32, #tpu.memory_space<hbm>> -> memref<224x224xf32, #tpu.memory_space<hbm>>
    %dma_wait3A_839 = arith.constant 0 : i32
    %dma_wait3A_840 = arith.constant 0 : i32
    %dma_wait3A_841 = tpu.memref_slice %arg5[%select_n3A_818, %select_n3A_834, %dma_wait3A_839, %dma_wait3A_840] : memref<32x3x224x224xf32, #tpu.memory_space<hbm>> -> memref<1x1x224x224xf32, #tpu.memory_space<hbm>>
    %dma_wait3A_842 = tpu.memref_squeeze %dma_wait3A_841 : memref<1x1x224x224xf32, #tpu.memory_space<hbm>> -> memref<224x224xf32, #tpu.memory_space<hbm>>
    tpu.wait_dma2 semaphore(%arg12 : memref<!tpu.dma_semaphore, #tpu.memory_space<semaphore_mem>>) src(%arg6 : memref<224x224xf32, #tpu.memory_space<vmem>>) dst(%dma_wait3A_842 : memref<224x224xf32, #tpu.memory_space<hbm>>)
    %add3A_843 = arith.constant 1 : i32
    %add3A_844 = arith.addi %add3A_471, %add3A_843 : i32
    %jit3A_845 = arith.constant 3 : i32
    %div3A_846 = arith.divsi %add3A_844, %jit3A_845 : i32
    %sign3A_847 = arith.constant 0 : i32
    %sign3A_848 = arith.cmpi sgt, %add3A_844, %sign3A_847 : i32
    %sign3A_849 = arith.extui %sign3A_848 : i1 to i32
    %sign3A_850 = arith.constant 0 : i32
    %sign3A_851 = arith.cmpi slt, %add3A_844, %sign3A_850 : i32
    %sign3A_852 = arith.extui %sign3A_851 : i1 to i32
    %sign3A_853 = arith.subi %sign3A_849, %sign3A_852 : i32
    %sign3A_854 = arith.constant 0 : i32
    %sign3A_855 = arith.cmpi sgt, %jit3A_845, %sign3A_854 : i32
    %sign3A_856 = arith.extui %sign3A_855 : i1 to i32
    %sign3A_857 = arith.constant 0 : i32
    %sign3A_858 = arith.cmpi slt, %jit3A_845, %sign3A_857 : i32
    %sign3A_859 = arith.extui %sign3A_858 : i1 to i32
    %sign3A_860 = arith.subi %sign3A_856, %sign3A_859 : i32
    %ne3A_861 = arith.cmpi ne, %sign3A_853, %sign3A_860 : i32
    %rem3A_862 = arith.remsi %add3A_844, %jit3A_845 : i32
    %ne3A_863 = arith.constant 0 : i32
    %ne3A_864 = arith.cmpi ne, %rem3A_862, %ne3A_863 : i32
    %and3A_865 = arith.andi %ne3A_861, %ne3A_864 : i1
    %sub3A_866 = arith.constant 1 : i32
    %sub3A_867 = arith.subi %div3A_846, %sub3A_866 : i32
    %select_n3A_868 = arith.select %and3A_865, %sub3A_867, %div3A_846 : i32
    %jit3A_869 = arith.constant 3 : i32
    %eq3A_870 = arith.constant 0 : i32
    %eq3A_871 = arith.cmpi eq, %jit3A_869, %eq3A_870 : i32
    %jit3A_872 = arith.constant 1 : i32
    %select_n3A_873 = arith.select %eq3A_871, %jit3A_872, %jit3A_869 : i32
    %rem3A_874 = arith.remsi %add3A_844, %select_n3A_873 : i32
    %ne3A_875 = arith.constant 0 : i32
    %ne3A_876 = arith.cmpi ne, %rem3A_874, %ne3A_875 : i32
    %lt3A_877 = arith.constant 0 : i32
    %lt3A_878 = arith.cmpi slt, %rem3A_874, %lt3A_877 : i32
    %lt3A_879 = arith.constant 0 : i32
    %lt3A_880 = arith.cmpi slt, %select_n3A_873, %lt3A_879 : i32
    %ne3A_881 = arith.xori %lt3A_878, %lt3A_880 : i1
    %and3A_882 = arith.andi %ne3A_881, %ne3A_876 : i1
    %add3A_883 = arith.addi %rem3A_874, %select_n3A_873 : i32
    %select_n3A_884 = arith.select %and3A_882, %add3A_883, %rem3A_874 : i32
    %dma_start3A_885 = arith.constant 0 : i32
    %dma_start3A_886 = arith.constant 0 : i32
    %dma_start3A_887 = tpu.memref_slice %arg2[%select_n3A_868, %select_n3A_884, %dma_start3A_885, %dma_start3A_886] : memref<32x3x224x224xf32, #tpu.memory_space<hbm>> -> memref<1x1x224x224xf32, #tpu.memory_space<hbm>>
    %dma_start3A_888 = tpu.memref_squeeze %dma_start3A_887 : memref<1x1x224x224xf32, #tpu.memory_space<hbm>> -> memref<224x224xf32, #tpu.memory_space<hbm>>
    %dma_start3A_889 = arith.constant 0 : i32
    %dma_start3A_890 = arith.constant 0 : i32
    %dma_start3A_891 = tpu.memref_slice %arg2[%select_n3A_868, %select_n3A_884, %dma_start3A_889, %dma_start3A_890] : memref<32x3x224x224xf32, #tpu.memory_space<hbm>> -> memref<1x1x224x224xf32, #tpu.memory_space<hbm>>
    %dma_start3A_892 = tpu.memref_squeeze %dma_start3A_891 : memref<1x1x224x224xf32, #tpu.memory_space<hbm>> -> memref<224x224xf32, #tpu.memory_space<hbm>>
    tpu.enqueue_dma source(%dma_start3A_892 : memref<224x224xf32, #tpu.memory_space<hbm>>) target(%arg6 : memref<224x224xf32, #tpu.memory_space<vmem>>) target_semaphore(%arg10 : memref<!tpu.dma_semaphore, #tpu.memory_space<semaphore_mem>>)
    %parallel_loop3A_893 = arith.constant 0 : i32
    %parallel_loop3A_894 = arith.constant 224 : i32
    %parallel_loop3A_895 = arith.constant 1 : i32
    scf.for %parallel_loop3A_1422 = %parallel_loop3A_893 to %parallel_loop3A_894 step %parallel_loop3A_895  : i32 {
      %parallel_loop3A_1423 = arith.index_cast %parallel_loop3A_1422 : i32 to index
      %parallel_loop3A_1424 = arith.constant 0 : index
      %parallel_loop3A_1425 = tpu.vector_load %arg7[%parallel_loop3A_1423, %parallel_loop3A_1424] {strides = array<i32>} : memref<224x224xf32, #tpu.memory_space<vmem>>, vector<16xf32>,
      %parallel_loop3A_1426 = vector.broadcast %add3A_771 : f32 to vector<16xf32>
      %parallel_loop3A_1427 = vector.broadcast %reduce_min3A_626 : f32 to vector<16xf32>
      %parallel_loop3A_1428 = arith.cmpf oge, %parallel_loop3A_1425, %parallel_loop3A_1427 : vector<16xf32>
      %parallel_loop3A_1429 = vector.broadcast %add3A_774 : f32 to vector<16xf32>
      %parallel_loop3A_1430 = arith.select %parallel_loop3A_1428, %parallel_loop3A_1429, %parallel_loop3A_1426 : vector<16xi1>, vector<16xf32>
      %parallel_loop3A_1431 = vector.broadcast %reduce_min3A_636 : f32 to vector<16xf32>
      %parallel_loop3A_1432 = arith.cmpf oge, %parallel_loop3A_1425, %parallel_loop3A_1431 : vector<16xf32>
      %parallel_loop3A_1433 = vector.broadcast %add3A_777 : f32 to vector<16xf32>
      %parallel_loop3A_1434 = arith.select %parallel_loop3A_1432, %parallel_loop3A_1433, %parallel_loop3A_1430 : vector<16xi1>, vector<16xf32>
      %parallel_loop3A_1435 = vector.broadcast %reduce_min3A_646 : f32 to vector<16xf32>
      %parallel_loop3A_1436 = arith.cmpf oge, %parallel_loop3A_1425, %parallel_loop3A_1435 : vector<16xf32>
      %parallel_loop3A_1437 = vector.broadcast %add3A_780 : f32 to vector<16xf32>
      %parallel_loop3A_1438 = arith.select %parallel_loop3A_1436, %parallel_loop3A_1437, %parallel_loop3A_1434 : vector<16xi1>, vector<16xf32>
      %parallel_loop3A_1439 = vector.broadcast %reduce_min3A_656 : f32 to vector<16xf32>
      %parallel_loop3A_1440 = arith.cmpf oge, %parallel_loop3A_1425, %parallel_loop3A_1439 : vector<16xf32>
      %parallel_loop3A_1441 = vector.broadcast %add3A_783 : f32 to vector<16xf32>
      %parallel_loop3A_1442 = arith.select %parallel_loop3A_1440, %parallel_loop3A_1441, %parallel_loop3A_1438 : vector<16xi1>, vector<16xf32>
      %parallel_loop3A_1443 = vector.broadcast %reduce_min3A_666 : f32 to vector<16xf32>
      %parallel_loop3A_1444 = arith.cmpf oge, %parallel_loop3A_1425, %parallel_loop3A_1443 : vector<16xf32>
      %parallel_loop3A_1445 = vector.broadcast %add3A_786 : f32 to vector<16xf32>
      %parallel_loop3A_1446 = arith.select %parallel_loop3A_1444, %parallel_loop3A_1445, %parallel_loop3A_1442 : vector<16xi1>, vector<16xf32>
      %parallel_loop3A_1447 = vector.broadcast %reduce_min3A_676 : f32 to vector<16xf32>
      %parallel_loop3A_1448 = arith.cmpf oge, %parallel_loop3A_1425, %parallel_loop3A_1447 : vector<16xf32>
      %parallel_loop3A_1449 = vector.broadcast %add3A_789 : f32 to vector<16xf32>
      %parallel_loop3A_1450 = arith.select %parallel_loop3A_1448, %parallel_loop3A_1449, %parallel_loop3A_1446 : vector<16xi1>, vector<16xf32>
      %parallel_loop3A_1451 = vector.broadcast %reduce_min3A_686 : f32 to vector<16xf32>
      %parallel_loop3A_1452 = arith.cmpf oge, %parallel_loop3A_1425, %parallel_loop3A_1451 : vector<16xf32>
      %parallel_loop3A_1453 = vector.broadcast %add3A_792 : f32 to vector<16xf32>
      %parallel_loop3A_1454 = arith.select %parallel_loop3A_1452, %parallel_loop3A_1453, %parallel_loop3A_1450 : vector<16xi1>, vector<16xf32>
      %parallel_loop3A_1455 = arith.index_cast %parallel_loop3A_1422 : i32 to index
      %parallel_loop3A_1456 = arith.constant 0 : index
      %parallel_loop3A_1457 = tpu.vector_load %arg7[%parallel_loop3A_1455, %parallel_loop3A_1456] {strides = array<i32>} : memref<224x224xf32, #tpu.memory_space<vmem>>, vector<16xf32>,
      tpu.vector_store %arg7[%parallel_loop3A_1455, %parallel_loop3A_1456], %parallel_loop3A_1454 {strides = array<i32>} : memref<224x224xf32, #tpu.memory_space<vmem>>, vector<16xf32>,
      %parallel_loop3A_1458 = arith.index_cast %parallel_loop3A_1422 : i32 to index
      %parallel_loop3A_1459 = arith.constant 16 : index
      %parallel_loop3A_1460 = tpu.vector_load %arg7[%parallel_loop3A_1458, %parallel_loop3A_1459] {strides = array<i32>} : memref<224x224xf32, #tpu.memory_space<vmem>>, vector<16xf32>,
      %parallel_loop3A_1461 = vector.broadcast %add3A_771 : f32 to vector<16xf32>
      %parallel_loop3A_1462 = vector.broadcast %reduce_min3A_626 : f32 to vector<16xf32>
      %parallel_loop3A_1463 = arith.cmpf oge, %parallel_loop3A_1460, %parallel_loop3A_1462 : vector<16xf32>
      %parallel_loop3A_1464 = vector.broadcast %add3A_774 : f32 to vector<16xf32>
      %parallel_loop3A_1465 = arith.select %parallel_loop3A_1463, %parallel_loop3A_1464, %parallel_loop3A_1461 : vector<16xi1>, vector<16xf32>
      %parallel_loop3A_1466 = vector.broadcast %reduce_min3A_636 : f32 to vector<16xf32>
      %parallel_loop3A_1467 = arith.cmpf oge, %parallel_loop3A_1460, %parallel_loop3A_1466 : vector<16xf32>
      %parallel_loop3A_1468 = vector.broadcast %add3A_777 : f32 to vector<16xf32>
      %parallel_loop3A_1469 = arith.select %parallel_loop3A_1467, %parallel_loop3A_1468, %parallel_loop3A_1465 : vector<16xi1>, vector<16xf32>
      %parallel_loop3A_1470 = vector.broadcast %reduce_min3A_646 : f32 to vector<16xf32>
      %parallel_loop3A_1471 = arith.cmpf oge, %parallel_loop3A_1460, %parallel_loop3A_1470 : vector<16xf32>
      %parallel_loop3A_1472 = vector.broadcast %add3A_780 : f32 to vector<16xf32>
      %parallel_loop3A_1473 = arith.select %parallel_loop3A_1471, %parallel_loop3A_1472, %parallel_loop3A_1469 : vector<16xi1>, vector<16xf32>
      %parallel_loop3A_1474 = vector.broadcast %reduce_min3A_656 : f32 to vector<16xf32>
      %parallel_loop3A_1475 = arith.cmpf oge, %parallel_loop3A_1460, %parallel_loop3A_1474 : vector<16xf32>
      %parallel_loop3A_1476 = vector.broadcast %add3A_783 : f32 to vector<16xf32>
      %parallel_loop3A_1477 = arith.select %parallel_loop3A_1475, %parallel_loop3A_1476, %parallel_loop3A_1473 : vector<16xi1>, vector<16xf32>
      %parallel_loop3A_1478 = vector.broadcast %reduce_min3A_666 : f32 to vector<16xf32>
      %parallel_loop3A_1479 = arith.cmpf oge, %parallel_loop3A_1460, %parallel_loop3A_1478 : vector<16xf32>
      %parallel_loop3A_1480 = vector.broadcast %add3A_786 : f32 to vector<16xf32>
      %parallel_loop3A_1481 = arith.select %parallel_loop3A_1479, %parallel_loop3A_1480, %parallel_loop3A_1477 : vector<16xi1>, vector<16xf32>
      %parallel_loop3A_1482 = vector.broadcast %reduce_min3A_676 : f32 to vector<16xf32>
      %parallel_loop3A_1483 = arith.cmpf oge, %parallel_loop3A_1460, %parallel_loop3A_1482 : vector<16xf32>
      %parallel_loop3A_1484 = vector.broadcast %add3A_789 : f32 to vector<16xf32>
      %parallel_loop3A_1485 = arith.select %parallel_loop3A_1483, %parallel_loop3A_1484, %parallel_loop3A_1481 : vector<16xi1>, vector<16xf32>
      %parallel_loop3A_1486 = vector.broadcast %reduce_min3A_686 : f32 to vector<16xf32>
      %parallel_loop3A_1487 = arith.cmpf oge, %parallel_loop3A_1460, %parallel_loop3A_1486 : vector<16xf32>
      %parallel_loop3A_1488 = vector.broadcast %add3A_792 : f32 to vector<16xf32>
      %parallel_loop3A_1489 = arith.select %parallel_loop3A_1487, %parallel_loop3A_1488, %parallel_loop3A_1485 : vector<16xi1>, vector<16xf32>
      %parallel_loop3A_1490 = arith.index_cast %parallel_loop3A_1422 : i32 to index
      %parallel_loop3A_1491 = arith.constant 16 : index
      %parallel_loop3A_1492 = tpu.vector_load %arg7[%parallel_loop3A_1490, %parallel_loop3A_1491] {strides = array<i32>} : memref<224x224xf32, #tpu.memory_space<vmem>>, vector<16xf32>,
      tpu.vector_store %arg7[%parallel_loop3A_1490, %parallel_loop3A_1491], %parallel_loop3A_1489 {strides = array<i32>} : memref<224x224xf32, #tpu.memory_space<vmem>>, vector<16xf32>,
      %parallel_loop3A_1493 = arith.index_cast %parallel_loop3A_1422 : i32 to index
      %parallel_loop3A_1494 = arith.constant 32 : index
      %parallel_loop3A_1495 = tpu.vector_load %arg7[%parallel_loop3A_1493, %parallel_loop3A_1494] {strides = array<i32>} : memref<224x224xf32, #tpu.memory_space<vmem>>, vector<16xf32>,
      %parallel_loop3A_1496 = vector.broadcast %add3A_771 : f32 to vector<16xf32>
      %parallel_loop3A_1497 = vector.broadcast %reduce_min3A_626 : f32 to vector<16xf32>
      %parallel_loop3A_1498 = arith.cmpf oge, %parallel_loop3A_1495, %parallel_loop3A_1497 : vector<16xf32>
      %parallel_loop3A_1499 = vector.broadcast %add3A_774 : f32 to vector<16xf32>
      %parallel_loop3A_1500 = arith.select %parallel_loop3A_1498, %parallel_loop3A_1499, %parallel_loop3A_1496 : vector<16xi1>, vector<16xf32>
      %parallel_loop3A_1501 = vector.broadcast %reduce_min3A_636 : f32 to vector<16xf32>
      %parallel_loop3A_1502 = arith.cmpf oge, %parallel_loop3A_1495, %parallel_loop3A_1501 : vector<16xf32>
      %parallel_loop3A_1503 = vector.broadcast %add3A_777 : f32 to vector<16xf32>
      %parallel_loop3A_1504 = arith.select %parallel_loop3A_1502, %parallel_loop3A_1503, %parallel_loop3A_1500 : vector<16xi1>, vector<16xf32>
      %parallel_loop3A_1505 = vector.broadcast %reduce_min3A_646 : f32 to vector<16xf32>
      %parallel_loop3A_1506 = arith.cmpf oge, %parallel_loop3A_1495, %parallel_loop3A_1505 : vector<16xf32>
      %parallel_loop3A_1507 = vector.broadcast %add3A_780 : f32 to vector<16xf32>
      %parallel_loop3A_1508 = arith.select %parallel_loop3A_1506, %parallel_loop3A_1507, %parallel_loop3A_1504 : vector<16xi1>, vector<16xf32>
      %parallel_loop3A_1509 = vector.broadcast %reduce_min3A_656 : f32 to vector<16xf32>
      %parallel_loop3A_1510 = arith.cmpf oge, %parallel_loop3A_1495, %parallel_loop3A_1509 : vector<16xf32>
      %parallel_loop3A_1511 = vector.broadcast %add3A_783 : f32 to vector<16xf32>
      %parallel_loop3A_1512 = arith.select %parallel_loop3A_1510, %parallel_loop3A_1511, %parallel_loop3A_1508 : vector<16xi1>, vector<16xf32>
      %parallel_loop3A_1513 = vector.broadcast %reduce_min3A_666 : f32 to vector<16xf32>
      %parallel_loop3A_1514 = arith.cmpf oge, %parallel_loop3A_1495, %parallel_loop3A_1513 : vector<16xf32>
      %parallel_loop3A_1515 = vector.broadcast %add3A_786 : f32 to vector<16xf32>
      %parallel_loop3A_1516 = arith.select %parallel_loop3A_1514, %parallel_loop3A_1515, %parallel_loop3A_1512 : vector<16xi1>, vector<16xf32>
      %parallel_loop3A_1517 = vector.broadcast %reduce_min3A_676 : f32 to vector<16xf32>
      %parallel_loop3A_1518 = arith.cmpf oge, %parallel_loop3A_1495, %parallel_loop3A_1517 : vector<16xf32>
      %parallel_loop3A_1519 = vector.broadcast %add3A_789 : f32 to vector<16xf32>
      %parallel_loop3A_1520 = arith.select %parallel_loop3A_1518, %parallel_loop3A_1519, %parallel_loop3A_1516 : vector<16xi1>, vector<16xf32>
      %parallel_loop3A_1521 = vector.broadcast %reduce_min3A_686 : f32 to vector<16xf32>
      %parallel_loop3A_1522 = arith.cmpf oge, %parallel_loop3A_1495, %parallel_loop3A_1521 : vector<16xf32>
      %parallel_loop3A_1523 = vector.broadcast %add3A_792 : f32 to vector<16xf32>
      %parallel_loop3A_1524 = arith.select %parallel_loop3A_1522, %parallel_loop3A_1523, %parallel_loop3A_1520 : vector<16xi1>, vector<16xf32>
      %parallel_loop3A_1525 = arith.index_cast %parallel_loop3A_1422 : i32 to index
      %parallel_loop3A_1526 = arith.constant 32 : index
      %parallel_loop3A_1527 = tpu.vector_load %arg7[%parallel_loop3A_1525, %parallel_loop3A_1526] {strides = array<i32>} : memref<224x224xf32, #tpu.memory_space<vmem>>, vector<16xf32>,
      tpu.vector_store %arg7[%parallel_loop3A_1525, %parallel_loop3A_1526], %parallel_loop3A_1524 {strides = array<i32>} : memref<224x224xf32, #tpu.memory_space<vmem>>, vector<16xf32>,
      %parallel_loop3A_1528 = arith.index_cast %parallel_loop3A_1422 : i32 to index
      %parallel_loop3A_1529 = arith.constant 48 : index
      %parallel_loop3A_1530 = tpu.vector_load %arg7[%parallel_loop3A_1528, %parallel_loop3A_1529] {strides = array<i32>} : memref<224x224xf32, #tpu.memory_space<vmem>>, vector<16xf32>,
      %parallel_loop3A_1531 = vector.broadcast %add3A_771 : f32 to vector<16xf32>
      %parallel_loop3A_1532 = vector.broadcast %reduce_min3A_626 : f32 to vector<16xf32>
      %parallel_loop3A_1533 = arith.cmpf oge, %parallel_loop3A_1530, %parallel_loop3A_1532 : vector<16xf32>
      %parallel_loop3A_1534 = vector.broadcast %add3A_774 : f32 to vector<16xf32>
      %parallel_loop3A_1535 = arith.select %parallel_loop3A_1533, %parallel_loop3A_1534, %parallel_loop3A_1531 : vector<16xi1>, vector<16xf32>
      %parallel_loop3A_1536 = vector.broadcast %reduce_min3A_636 : f32 to vector<16xf32>
      %parallel_loop3A_1537 = arith.cmpf oge, %parallel_loop3A_1530, %parallel_loop3A_1536 : vector<16xf32>
      %parallel_loop3A_1538 = vector.broadcast %add3A_777 : f32 to vector<16xf32>
      %parallel_loop3A_1539 = arith.select %parallel_loop3A_1537, %parallel_loop3A_1538, %parallel_loop3A_1535 : vector<16xi1>, vector<16xf32>
      %parallel_loop3A_1540 = vector.broadcast %reduce_min3A_646 : f32 to vector<16xf32>
      %parallel_loop3A_1541 = arith.cmpf oge, %parallel_loop3A_1530, %parallel_loop3A_1540 : vector<16xf32>
      %parallel_loop3A_1542 = vector.broadcast %add3A_780 : f32 to vector<16xf32>
      %parallel_loop3A_1543 = arith.select %parallel_loop3A_1541, %parallel_loop3A_1542, %parallel_loop3A_1539 : vector<16xi1>, vector<16xf32>
      %parallel_loop3A_1544 = vector.broadcast %reduce_min3A_656 : f32 to vector<16xf32>
      %parallel_loop3A_1545 = arith.cmpf oge, %parallel_loop3A_1530, %parallel_loop3A_1544 : vector<16xf32>
      %parallel_loop3A_1546 = vector.broadcast %add3A_783 : f32 to vector<16xf32>
      %parallel_loop3A_1547 = arith.select %parallel_loop3A_1545, %parallel_loop3A_1546, %parallel_loop3A_1543 : vector<16xi1>, vector<16xf32>
      %parallel_loop3A_1548 = vector.broadcast %reduce_min3A_666 : f32 to vector<16xf32>
      %parallel_loop3A_1549 = arith.cmpf oge, %parallel_loop3A_1530, %parallel_loop3A_1548 : vector<16xf32>
      %parallel_loop3A_1550 = vector.broadcast %add3A_786 : f32 to vector<16xf32>
      %parallel_loop3A_1551 = arith.select %parallel_loop3A_1549, %parallel_loop3A_1550, %parallel_loop3A_1547 : vector<16xi1>, vector<16xf32>
      %parallel_loop3A_1552 = vector.broadcast %reduce_min3A_676 : f32 to vector<16xf32>
      %parallel_loop3A_1553 = arith.cmpf oge, %parallel_loop3A_1530, %parallel_loop3A_1552 : vector<16xf32>
      %parallel_loop3A_1554 = vector.broadcast %add3A_789 : f32 to vector<16xf32>
      %parallel_loop3A_1555 = arith.select %parallel_loop3A_1553, %parallel_loop3A_1554, %parallel_loop3A_1551 : vector<16xi1>, vector<16xf32>
      %parallel_loop3A_1556 = vector.broadcast %reduce_min3A_686 : f32 to vector<16xf32>
      %parallel_loop3A_1557 = arith.cmpf oge, %parallel_loop3A_1530, %parallel_loop3A_1556 : vector<16xf32>
      %parallel_loop3A_1558 = vector.broadcast %add3A_792 : f32 to vector<16xf32>
      %parallel_loop3A_1559 = arith.select %parallel_loop3A_1557, %parallel_loop3A_1558, %parallel_loop3A_1555 : vector<16xi1>, vector<16xf32>
      %parallel_loop3A_1560 = arith.index_cast %parallel_loop3A_1422 : i32 to index
      %parallel_loop3A_1561 = arith.constant 48 : index
      %parallel_loop3A_1562 = tpu.vector_load %arg7[%parallel_loop3A_1560, %parallel_loop3A_1561] {strides = array<i32>} : memref<224x224xf32, #tpu.memory_space<vmem>>, vector<16xf32>,
      tpu.vector_store %arg7[%parallel_loop3A_1560, %parallel_loop3A_1561], %parallel_loop3A_1559 {strides = array<i32>} : memref<224x224xf32, #tpu.memory_space<vmem>>, vector<16xf32>,
      %parallel_loop3A_1563 = arith.index_cast %parallel_loop3A_1422 : i32 to index
      %parallel_loop3A_1564 = arith.constant 64 : index
      %parallel_loop3A_1565 = tpu.vector_load %arg7[%parallel_loop3A_1563, %parallel_loop3A_1564] {strides = array<i32>} : memref<224x224xf32, #tpu.memory_space<vmem>>, vector<16xf32>,
      %parallel_loop3A_1566 = vector.broadcast %add3A_771 : f32 to vector<16xf32>
      %parallel_loop3A_1567 = vector.broadcast %reduce_min3A_626 : f32 to vector<16xf32>
      %parallel_loop3A_1568 = arith.cmpf oge, %parallel_loop3A_1565, %parallel_loop3A_1567 : vector<16xf32>
      %parallel_loop3A_1569 = vector.broadcast %add3A_774 : f32 to vector<16xf32>
      %parallel_loop3A_1570 = arith.select %parallel_loop3A_1568, %parallel_loop3A_1569, %parallel_loop3A_1566 : vector<16xi1>, vector<16xf32>
      %parallel_loop3A_1571 = vector.broadcast %reduce_min3A_636 : f32 to vector<16xf32>
      %parallel_loop3A_1572 = arith.cmpf oge, %parallel_loop3A_1565, %parallel_loop3A_1571 : vector<16xf32>
      %parallel_loop3A_1573 = vector.broadcast %add3A_777 : f32 to vector<16xf32>
      %parallel_loop3A_1574 = arith.select %parallel_loop3A_1572, %parallel_loop3A_1573, %parallel_loop3A_1570 : vector<16xi1>, vector<16xf32>
      %parallel_loop3A_1575 = vector.broadcast %reduce_min3A_646 : f32 to vector<16xf32>
      %parallel_loop3A_1576 = arith.cmpf oge, %parallel_loop3A_1565, %parallel_loop3A_1575 : vector<16xf32>
      %parallel_loop3A_1577 = vector.broadcast %add3A_780 : f32 to vector<16xf32>
      %parallel_loop3A_1578 = arith.select %parallel_loop3A_1576, %parallel_loop3A_1577, %parallel_loop3A_1574 : vector<16xi1>, vector<16xf32>
      %parallel_loop3A_1579 = vector.broadcast %reduce_min3A_656 : f32 to vector<16xf32>
      %parallel_loop3A_1580 = arith.cmpf oge, %parallel_loop3A_1565, %parallel_loop3A_1579 : vector<16xf32>
      %parallel_loop3A_1581 = vector.broadcast %add3A_783 : f32 to vector<16xf32>
      %parallel_loop3A_1582 = arith.select %parallel_loop3A_1580, %parallel_loop3A_1581, %parallel_loop3A_1578 : vector<16xi1>, vector<16xf32>
      %parallel_loop3A_1583 = vector.broadcast %reduce_min3A_666 : f32 to vector<16xf32>
      %parallel_loop3A_1584 = arith.cmpf oge, %parallel_loop3A_1565, %parallel_loop3A_1583 : vector<16xf32>
      %parallel_loop3A_1585 = vector.broadcast %add3A_786 : f32 to vector<16xf32>
      %parallel_loop3A_1586 = arith.select %parallel_loop3A_1584, %parallel_loop3A_1585, %parallel_loop3A_1582 : vector<16xi1>, vector<16xf32>
      %parallel_loop3A_1587 = vector.broadcast %reduce_min3A_676 : f32 to vector<16xf32>
      %parallel_loop3A_1588 = arith.cmpf oge, %parallel_loop3A_1565, %parallel_loop3A_1587 : vector<16xf32>
      %parallel_loop3A_1589 = vector.broadcast %add3A_789 : f32 to vector<16xf32>
      %parallel_loop3A_1590 = arith.select %parallel_loop3A_1588, %parallel_loop3A_1589, %parallel_loop3A_1586 : vector<16xi1>, vector<16xf32>
      %parallel_loop3A_1591 = vector.broadcast %reduce_min3A_686 : f32 to vector<16xf32>
      %parallel_loop3A_1592 = arith.cmpf oge, %parallel_loop3A_1565, %parallel_loop3A_1591 : vector<16xf32>
      %parallel_loop3A_1593 = vector.broadcast %add3A_792 : f32 to vector<16xf32>
      %parallel_loop3A_1594 = arith.select %parallel_loop3A_1592, %parallel_loop3A_1593, %parallel_loop3A_1590 : vector<16xi1>, vector<16xf32>
      %parallel_loop3A_1595 = arith.index_cast %parallel_loop3A_1422 : i32 to index
      %parallel_loop3A_1596 = arith.constant 64 : index
      %parallel_loop3A_1597 = tpu.vector_load %arg7[%parallel_loop3A_1595, %parallel_loop3A_1596] {strides = array<i32>} : memref<224x224xf32, #tpu.memory_space<vmem>>, vector<16xf32>,
      tpu.vector_store %arg7[%parallel_loop3A_1595, %parallel_loop3A_1596], %parallel_loop3A_1594 {strides = array<i32>} : memref<224x224xf32, #tpu.memory_space<vmem>>, vector<16xf32>,
      %parallel_loop3A_1598 = arith.index_cast %parallel_loop3A_1422 : i32 to index
      %parallel_loop3A_1599 = arith.constant 80 : index
      %parallel_loop3A_1600 = tpu.vector_load %arg7[%parallel_loop3A_1598, %parallel_loop3A_1599] {strides = array<i32>} : memref<224x224xf32, #tpu.memory_space<vmem>>, vector<16xf32>,
      %parallel_loop3A_1601 = vector.broadcast %add3A_771 : f32 to vector<16xf32>
      %parallel_loop3A_1602 = vector.broadcast %reduce_min3A_626 : f32 to vector<16xf32>
      %parallel_loop3A_1603 = arith.cmpf oge, %parallel_loop3A_1600, %parallel_loop3A_1602 : vector<16xf32>
      %parallel_loop3A_1604 = vector.broadcast %add3A_774 : f32 to vector<16xf32>
      %parallel_loop3A_1605 = arith.select %parallel_loop3A_1603, %parallel_loop3A_1604, %parallel_loop3A_1601 : vector<16xi1>, vector<16xf32>
      %parallel_loop3A_1606 = vector.broadcast %reduce_min3A_636 : f32 to vector<16xf32>
      %parallel_loop3A_1607 = arith.cmpf oge, %parallel_loop3A_1600, %parallel_loop3A_1606 : vector<16xf32>
      %parallel_loop3A_1608 = vector.broadcast %add3A_777 : f32 to vector<16xf32>
      %parallel_loop3A_1609 = arith.select %parallel_loop3A_1607, %parallel_loop3A_1608, %parallel_loop3A_1605 : vector<16xi1>, vector<16xf32>
      %parallel_loop3A_1610 = vector.broadcast %reduce_min3A_646 : f32 to vector<16xf32>
      %parallel_loop3A_1611 = arith.cmpf oge, %parallel_loop3A_1600, %parallel_loop3A_1610 : vector<16xf32>
      %parallel_loop3A_1612 = vector.broadcast %add3A_780 : f32 to vector<16xf32>
      %parallel_loop3A_1613 = arith.select %parallel_loop3A_1611, %parallel_loop3A_1612, %parallel_loop3A_1609 : vector<16xi1>, vector<16xf32>
      %parallel_loop3A_1614 = vector.broadcast %reduce_min3A_656 : f32 to vector<16xf32>
      %parallel_loop3A_1615 = arith.cmpf oge, %parallel_loop3A_1600, %parallel_loop3A_1614 : vector<16xf32>
      %parallel_loop3A_1616 = vector.broadcast %add3A_783 : f32 to vector<16xf32>
      %parallel_loop3A_1617 = arith.select %parallel_loop3A_1615, %parallel_loop3A_1616, %parallel_loop3A_1613 : vector<16xi1>, vector<16xf32>
      %parallel_loop3A_1618 = vector.broadcast %reduce_min3A_666 : f32 to vector<16xf32>
      %parallel_loop3A_1619 = arith.cmpf oge, %parallel_loop3A_1600, %parallel_loop3A_1618 : vector<16xf32>
      %parallel_loop3A_1620 = vector.broadcast %add3A_786 : f32 to vector<16xf32>
      %parallel_loop3A_1621 = arith.select %parallel_loop3A_1619, %parallel_loop3A_1620, %parallel_loop3A_1617 : vector<16xi1>, vector<16xf32>
      %parallel_loop3A_1622 = vector.broadcast %reduce_min3A_676 : f32 to vector<16xf32>
      %parallel_loop3A_1623 = arith.cmpf oge, %parallel_loop3A_1600, %parallel_loop3A_1622 : vector<16xf32>
      %parallel_loop3A_1624 = vector.broadcast %add3A_789 : f32 to vector<16xf32>
      %parallel_loop3A_1625 = arith.select %parallel_loop3A_1623, %parallel_loop3A_1624, %parallel_loop3A_1621 : vector<16xi1>, vector<16xf32>
      %parallel_loop3A_1626 = vector.broadcast %reduce_min3A_686 : f32 to vector<16xf32>
      %parallel_loop3A_1627 = arith.cmpf oge, %parallel_loop3A_1600, %parallel_loop3A_1626 : vector<16xf32>
      %parallel_loop3A_1628 = vector.broadcast %add3A_792 : f32 to vector<16xf32>
      %parallel_loop3A_1629 = arith.select %parallel_loop3A_1627, %parallel_loop3A_1628, %parallel_loop3A_1625 : vector<16xi1>, vector<16xf32>
      %parallel_loop3A_1630 = arith.index_cast %parallel_loop3A_1422 : i32 to index
      %parallel_loop3A_1631 = arith.constant 80 : index
      %parallel_loop3A_1632 = tpu.vector_load %arg7[%parallel_loop3A_1630, %parallel_loop3A_1631] {strides = array<i32>} : memref<224x224xf32, #tpu.memory_space<vmem>>, vector<16xf32>,
      tpu.vector_store %arg7[%parallel_loop3A_1630, %parallel_loop3A_1631], %parallel_loop3A_1629 {strides = array<i32>} : memref<224x224xf32, #tpu.memory_space<vmem>>, vector<16xf32>,
      %parallel_loop3A_1633 = arith.index_cast %parallel_loop3A_1422 : i32 to index
      %parallel_loop3A_1634 = arith.constant 96 : index
      %parallel_loop3A_1635 = tpu.vector_load %arg7[%parallel_loop3A_1633, %parallel_loop3A_1634] {strides = array<i32>} : memref<224x224xf32, #tpu.memory_space<vmem>>, vector<16xf32>,
      %parallel_loop3A_1636 = vector.broadcast %add3A_771 : f32 to vector<16xf32>
      %parallel_loop3A_1637 = vector.broadcast %reduce_min3A_626 : f32 to vector<16xf32>
      %parallel_loop3A_1638 = arith.cmpf oge, %parallel_loop3A_1635, %parallel_loop3A_1637 : vector<16xf32>
      %parallel_loop3A_1639 = vector.broadcast %add3A_774 : f32 to vector<16xf32>
      %parallel_loop3A_1640 = arith.select %parallel_loop3A_1638, %parallel_loop3A_1639, %parallel_loop3A_1636 : vector<16xi1>, vector<16xf32>
      %parallel_loop3A_1641 = vector.broadcast %reduce_min3A_636 : f32 to vector<16xf32>
      %parallel_loop3A_1642 = arith.cmpf oge, %parallel_loop3A_1635, %parallel_loop3A_1641 : vector<16xf32>
      %parallel_loop3A_1643 = vector.broadcast %add3A_777 : f32 to vector<16xf32>
      %parallel_loop3A_1644 = arith.select %parallel_loop3A_1642, %parallel_loop3A_1643, %parallel_loop3A_1640 : vector<16xi1>, vector<16xf32>
      %parallel_loop3A_1645 = vector.broadcast %reduce_min3A_646 : f32 to vector<16xf32>
      %parallel_loop3A_1646 = arith.cmpf oge, %parallel_loop3A_1635, %parallel_loop3A_1645 : vector<16xf32>
      %parallel_loop3A_1647 = vector.broadcast %add3A_780 : f32 to vector<16xf32>
      %parallel_loop3A_1648 = arith.select %parallel_loop3A_1646, %parallel_loop3A_1647, %parallel_loop3A_1644 : vector<16xi1>, vector<16xf32>
      %parallel_loop3A_1649 = vector.broadcast %reduce_min3A_656 : f32 to vector<16xf32>
      %parallel_loop3A_1650 = arith.cmpf oge, %parallel_loop3A_1635, %parallel_loop3A_1649 : vector<16xf32>
      %parallel_loop3A_1651 = vector.broadcast %add3A_783 : f32 to vector<16xf32>
      %parallel_loop3A_1652 = arith.select %parallel_loop3A_1650, %parallel_loop3A_1651, %parallel_loop3A_1648 : vector<16xi1>, vector<16xf32>
      %parallel_loop3A_1653 = vector.broadcast %reduce_min3A_666 : f32 to vector<16xf32>
      %parallel_loop3A_1654 = arith.cmpf oge, %parallel_loop3A_1635, %parallel_loop3A_1653 : vector<16xf32>
      %parallel_loop3A_1655 = vector.broadcast %add3A_786 : f32 to vector<16xf32>
      %parallel_loop3A_1656 = arith.select %parallel_loop3A_1654, %parallel_loop3A_1655, %parallel_loop3A_1652 : vector<16xi1>, vector<16xf32>
      %parallel_loop3A_1657 = vector.broadcast %reduce_min3A_676 : f32 to vector<16xf32>
      %parallel_loop3A_1658 = arith.cmpf oge, %parallel_loop3A_1635, %parallel_loop3A_1657 : vector<16xf32>
      %parallel_loop3A_1659 = vector.broadcast %add3A_789 : f32 to vector<16xf32>
      %parallel_loop3A_1660 = arith.select %parallel_loop3A_1658, %parallel_loop3A_1659, %parallel_loop3A_1656 : vector<16xi1>, vector<16xf32>
      %parallel_loop3A_1661 = vector.broadcast %reduce_min3A_686 : f32 to vector<16xf32>
      %parallel_loop3A_1662 = arith.cmpf oge, %parallel_loop3A_1635, %parallel_loop3A_1661 : vector<16xf32>
      %parallel_loop3A_1663 = vector.broadcast %add3A_792 : f32 to vector<16xf32>
      %parallel_loop3A_1664 = arith.select %parallel_loop3A_1662, %parallel_loop3A_1663, %parallel_loop3A_1660 : vector<16xi1>, vector<16xf32>
      %parallel_loop3A_1665 = arith.index_cast %parallel_loop3A_1422 : i32 to index
      %parallel_loop3A_1666 = arith.constant 96 : index
      %parallel_loop3A_1667 = tpu.vector_load %arg7[%parallel_loop3A_1665, %parallel_loop3A_1666] {strides = array<i32>} : memref<224x224xf32, #tpu.memory_space<vmem>>, vector<16xf32>,
      tpu.vector_store %arg7[%parallel_loop3A_1665, %parallel_loop3A_1666], %parallel_loop3A_1664 {strides = array<i32>} : memref<224x224xf32, #tpu.memory_space<vmem>>, vector<16xf32>,
      %parallel_loop3A_1668 = arith.index_cast %parallel_loop3A_1422 : i32 to index
      %parallel_loop3A_1669 = arith.constant 112 : index
      %parallel_loop3A_1670 = tpu.vector_load %arg7[%parallel_loop3A_1668, %parallel_loop3A_1669] {strides = array<i32>} : memref<224x224xf32, #tpu.memory_space<vmem>>, vector<16xf32>,
      %parallel_loop3A_1671 = vector.broadcast %add3A_771 : f32 to vector<16xf32>
      %parallel_loop3A_1672 = vector.broadcast %reduce_min3A_626 : f32 to vector<16xf32>
      %parallel_loop3A_1673 = arith.cmpf oge, %parallel_loop3A_1670, %parallel_loop3A_1672 : vector<16xf32>
      %parallel_loop3A_1674 = vector.broadcast %add3A_774 : f32 to vector<16xf32>
      %parallel_loop3A_1675 = arith.select %parallel_loop3A_1673, %parallel_loop3A_1674, %parallel_loop3A_1671 : vector<16xi1>, vector<16xf32>
      %parallel_loop3A_1676 = vector.broadcast %reduce_min3A_636 : f32 to vector<16xf32>
      %parallel_loop3A_1677 = arith.cmpf oge, %parallel_loop3A_1670, %parallel_loop3A_1676 : vector<16xf32>
      %parallel_loop3A_1678 = vector.broadcast %add3A_777 : f32 to vector<16xf32>
      %parallel_loop3A_1679 = arith.select %parallel_loop3A_1677, %parallel_loop3A_1678, %parallel_loop3A_1675 : vector<16xi1>, vector<16xf32>
      %parallel_loop3A_1680 = vector.broadcast %reduce_min3A_646 : f32 to vector<16xf32>
      %parallel_loop3A_1681 = arith.cmpf oge, %parallel_loop3A_1670, %parallel_loop3A_1680 : vector<16xf32>
      %parallel_loop3A_1682 = vector.broadcast %add3A_780 : f32 to vector<16xf32>
      %parallel_loop3A_1683 = arith.select %parallel_loop3A_1681, %parallel_loop3A_1682, %parallel_loop3A_1679 : vector<16xi1>, vector<16xf32>
      %parallel_loop3A_1684 = vector.broadcast %reduce_min3A_656 : f32 to vector<16xf32>
      %parallel_loop3A_1685 = arith.cmpf oge, %parallel_loop3A_1670, %parallel_loop3A_1684 : vector<16xf32>
      %parallel_loop3A_1686 = vector.broadcast %add3A_783 : f32 to vector<16xf32>
      %parallel_loop3A_1687 = arith.select %parallel_loop3A_1685, %parallel_loop3A_1686, %parallel_loop3A_1683 : vector<16xi1>, vector<16xf32>
      %parallel_loop3A_1688 = vector.broadcast %reduce_min3A_666 : f32 to vector<16xf32>
      %parallel_loop3A_1689 = arith.cmpf oge, %parallel_loop3A_1670, %parallel_loop3A_1688 : vector<16xf32>
      %parallel_loop3A_1690 = vector.broadcast %add3A_786 : f32 to vector<16xf32>
      %parallel_loop3A_1691 = arith.select %parallel_loop3A_1689, %parallel_loop3A_1690, %parallel_loop3A_1687 : vector<16xi1>, vector<16xf32>
      %parallel_loop3A_1692 = vector.broadcast %reduce_min3A_676 : f32 to vector<16xf32>
      %parallel_loop3A_1693 = arith.cmpf oge, %parallel_loop3A_1670, %parallel_loop3A_1692 : vector<16xf32>
      %parallel_loop3A_1694 = vector.broadcast %add3A_789 : f32 to vector<16xf32>
      %parallel_loop3A_1695 = arith.select %parallel_loop3A_1693, %parallel_loop3A_1694, %parallel_loop3A_1691 : vector<16xi1>, vector<16xf32>
      %parallel_loop3A_1696 = vector.broadcast %reduce_min3A_686 : f32 to vector<16xf32>
      %parallel_loop3A_1697 = arith.cmpf oge, %parallel_loop3A_1670, %parallel_loop3A_1696 : vector<16xf32>
      %parallel_loop3A_1698 = vector.broadcast %add3A_792 : f32 to vector<16xf32>
      %parallel_loop3A_1699 = arith.select %parallel_loop3A_1697, %parallel_loop3A_1698, %parallel_loop3A_1695 : vector<16xi1>, vector<16xf32>
      %parallel_loop3A_1700 = arith.index_cast %parallel_loop3A_1422 : i32 to index
      %parallel_loop3A_1701 = arith.constant 112 : index
      %parallel_loop3A_1702 = tpu.vector_load %arg7[%parallel_loop3A_1700, %parallel_loop3A_1701] {strides = array<i32>} : memref<224x224xf32, #tpu.memory_space<vmem>>, vector<16xf32>,
      tpu.vector_store %arg7[%parallel_loop3A_1700, %parallel_loop3A_1701], %parallel_loop3A_1699 {strides = array<i32>} : memref<224x224xf32, #tpu.memory_space<vmem>>, vector<16xf32>,
      %parallel_loop3A_1703 = arith.index_cast %parallel_loop3A_1422 : i32 to index
      %parallel_loop3A_1704 = arith.constant 128 : index
      %parallel_loop3A_1705 = tpu.vector_load %arg7[%parallel_loop3A_1703, %parallel_loop3A_1704] {strides = array<i32>} : memref<224x224xf32, #tpu.memory_space<vmem>>, vector<16xf32>,
      %parallel_loop3A_1706 = vector.broadcast %add3A_771 : f32 to vector<16xf32>
      %parallel_loop3A_1707 = vector.broadcast %reduce_min3A_626 : f32 to vector<16xf32>
      %parallel_loop3A_1708 = arith.cmpf oge, %parallel_loop3A_1705, %parallel_loop3A_1707 : vector<16xf32>
      %parallel_loop3A_1709 = vector.broadcast %add3A_774 : f32 to vector<16xf32>
      %parallel_loop3A_1710 = arith.select %parallel_loop3A_1708, %parallel_loop3A_1709, %parallel_loop3A_1706 : vector<16xi1>, vector<16xf32>
      %parallel_loop3A_1711 = vector.broadcast %reduce_min3A_636 : f32 to vector<16xf32>
      %parallel_loop3A_1712 = arith.cmpf oge, %parallel_loop3A_1705, %parallel_loop3A_1711 : vector<16xf32>
      %parallel_loop3A_1713 = vector.broadcast %add3A_777 : f32 to vector<16xf32>
      %parallel_loop3A_1714 = arith.select %parallel_loop3A_1712, %parallel_loop3A_1713, %parallel_loop3A_1710 : vector<16xi1>, vector<16xf32>
      %parallel_loop3A_1715 = vector.broadcast %reduce_min3A_646 : f32 to vector<16xf32>
      %parallel_loop3A_1716 = arith.cmpf oge, %parallel_loop3A_1705, %parallel_loop3A_1715 : vector<16xf32>
      %parallel_loop3A_1717 = vector.broadcast %add3A_780 : f32 to vector<16xf32>
      %parallel_loop3A_1718 = arith.select %parallel_loop3A_1716, %parallel_loop3A_1717, %parallel_loop3A_1714 : vector<16xi1>, vector<16xf32>
      %parallel_loop3A_1719 = vector.broadcast %reduce_min3A_656 : f32 to vector<16xf32>
      %parallel_loop3A_1720 = arith.cmpf oge, %parallel_loop3A_1705, %parallel_loop3A_1719 : vector<16xf32>
      %parallel_loop3A_1721 = vector.broadcast %add3A_783 : f32 to vector<16xf32>
      %parallel_loop3A_1722 = arith.select %parallel_loop3A_1720, %parallel_loop3A_1721, %parallel_loop3A_1718 : vector<16xi1>, vector<16xf32>
      %parallel_loop3A_1723 = vector.broadcast %reduce_min3A_666 : f32 to vector<16xf32>
      %parallel_loop3A_1724 = arith.cmpf oge, %parallel_loop3A_1705, %parallel_loop3A_1723 : vector<16xf32>
      %parallel_loop3A_1725 = vector.broadcast %add3A_786 : f32 to vector<16xf32>
      %parallel_loop3A_1726 = arith.select %parallel_loop3A_1724, %parallel_loop3A_1725, %parallel_loop3A_1722 : vector<16xi1>, vector<16xf32>
      %parallel_loop3A_1727 = vector.broadcast %reduce_min3A_676 : f32 to vector<16xf32>
      %parallel_loop3A_1728 = arith.cmpf oge, %parallel_loop3A_1705, %parallel_loop3A_1727 : vector<16xf32>
      %parallel_loop3A_1729 = vector.broadcast %add3A_789 : f32 to vector<16xf32>
      %parallel_loop3A_1730 = arith.select %parallel_loop3A_1728, %parallel_loop3A_1729, %parallel_loop3A_1726 : vector<16xi1>, vector<16xf32>
      %parallel_loop3A_1731 = vector.broadcast %reduce_min3A_686 : f32 to vector<16xf32>
      %parallel_loop3A_1732 = arith.cmpf oge, %parallel_loop3A_1705, %parallel_loop3A_1731 : vector<16xf32>
      %parallel_loop3A_1733 = vector.broadcast %add3A_792 : f32 to vector<16xf32>
      %parallel_loop3A_1734 = arith.select %parallel_loop3A_1732, %parallel_loop3A_1733, %parallel_loop3A_1730 : vector<16xi1>, vector<16xf32>
      %parallel_loop3A_1735 = arith.index_cast %parallel_loop3A_1422 : i32 to index
      %parallel_loop3A_1736 = arith.constant 128 : index
      %parallel_loop3A_1737 = tpu.vector_load %arg7[%parallel_loop3A_1735, %parallel_loop3A_1736] {strides = array<i32>} : memref<224x224xf32, #tpu.memory_space<vmem>>, vector<16xf32>,
      tpu.vector_store %arg7[%parallel_loop3A_1735, %parallel_loop3A_1736], %parallel_loop3A_1734 {strides = array<i32>} : memref<224x224xf32, #tpu.memory_space<vmem>>, vector<16xf32>,
      %parallel_loop3A_1738 = arith.index_cast %parallel_loop3A_1422 : i32 to index
      %parallel_loop3A_1739 = arith.constant 144 : index
      %parallel_loop3A_1740 = tpu.vector_load %arg7[%parallel_loop3A_1738, %parallel_loop3A_1739] {strides = array<i32>} : memref<224x224xf32, #tpu.memory_space<vmem>>, vector<16xf32>,
      %parallel_loop3A_1741 = vector.broadcast %add3A_771 : f32 to vector<16xf32>
      %parallel_loop3A_1742 = vector.broadcast %reduce_min3A_626 : f32 to vector<16xf32>
      %parallel_loop3A_1743 = arith.cmpf oge, %parallel_loop3A_1740, %parallel_loop3A_1742 : vector<16xf32>
      %parallel_loop3A_1744 = vector.broadcast %add3A_774 : f32 to vector<16xf32>
      %parallel_loop3A_1745 = arith.select %parallel_loop3A_1743, %parallel_loop3A_1744, %parallel_loop3A_1741 : vector<16xi1>, vector<16xf32>
      %parallel_loop3A_1746 = vector.broadcast %reduce_min3A_636 : f32 to vector<16xf32>
      %parallel_loop3A_1747 = arith.cmpf oge, %parallel_loop3A_1740, %parallel_loop3A_1746 : vector<16xf32>
      %parallel_loop3A_1748 = vector.broadcast %add3A_777 : f32 to vector<16xf32>
      %parallel_loop3A_1749 = arith.select %parallel_loop3A_1747, %parallel_loop3A_1748, %parallel_loop3A_1745 : vector<16xi1>, vector<16xf32>
      %parallel_loop3A_1750 = vector.broadcast %reduce_min3A_646 : f32 to vector<16xf32>
      %parallel_loop3A_1751 = arith.cmpf oge, %parallel_loop3A_1740, %parallel_loop3A_1750 : vector<16xf32>
      %parallel_loop3A_1752 = vector.broadcast %add3A_780 : f32 to vector<16xf32>
      %parallel_loop3A_1753 = arith.select %parallel_loop3A_1751, %parallel_loop3A_1752, %parallel_loop3A_1749 : vector<16xi1>, vector<16xf32>
      %parallel_loop3A_1754 = vector.broadcast %reduce_min3A_656 : f32 to vector<16xf32>
      %parallel_loop3A_1755 = arith.cmpf oge, %parallel_loop3A_1740, %parallel_loop3A_1754 : vector<16xf32>
      %parallel_loop3A_1756 = vector.broadcast %add3A_783 : f32 to vector<16xf32>
      %parallel_loop3A_1757 = arith.select %parallel_loop3A_1755, %parallel_loop3A_1756, %parallel_loop3A_1753 : vector<16xi1>, vector<16xf32>
      %parallel_loop3A_1758 = vector.broadcast %reduce_min3A_666 : f32 to vector<16xf32>
      %parallel_loop3A_1759 = arith.cmpf oge, %parallel_loop3A_1740, %parallel_loop3A_1758 : vector<16xf32>
      %parallel_loop3A_1760 = vector.broadcast %add3A_786 : f32 to vector<16xf32>
      %parallel_loop3A_1761 = arith.select %parallel_loop3A_1759, %parallel_loop3A_1760, %parallel_loop3A_1757 : vector<16xi1>, vector<16xf32>
      %parallel_loop3A_1762 = vector.broadcast %reduce_min3A_676 : f32 to vector<16xf32>
      %parallel_loop3A_1763 = arith.cmpf oge, %parallel_loop3A_1740, %parallel_loop3A_1762 : vector<16xf32>
      %parallel_loop3A_1764 = vector.broadcast %add3A_789 : f32 to vector<16xf32>
      %parallel_loop3A_1765 = arith.select %parallel_loop3A_1763, %parallel_loop3A_1764, %parallel_loop3A_1761 : vector<16xi1>, vector<16xf32>
      %parallel_loop3A_1766 = vector.broadcast %reduce_min3A_686 : f32 to vector<16xf32>
      %parallel_loop3A_1767 = arith.cmpf oge, %parallel_loop3A_1740, %parallel_loop3A_1766 : vector<16xf32>
      %parallel_loop3A_1768 = vector.broadcast %add3A_792 : f32 to vector<16xf32>
      %parallel_loop3A_1769 = arith.select %parallel_loop3A_1767, %parallel_loop3A_1768, %parallel_loop3A_1765 : vector<16xi1>, vector<16xf32>
      %parallel_loop3A_1770 = arith.index_cast %parallel_loop3A_1422 : i32 to index
      %parallel_loop3A_1771 = arith.constant 144 : index
      %parallel_loop3A_1772 = tpu.vector_load %arg7[%parallel_loop3A_1770, %parallel_loop3A_1771] {strides = array<i32>} : memref<224x224xf32, #tpu.memory_space<vmem>>, vector<16xf32>,
      tpu.vector_store %arg7[%parallel_loop3A_1770, %parallel_loop3A_1771], %parallel_loop3A_1769 {strides = array<i32>} : memref<224x224xf32, #tpu.memory_space<vmem>>, vector<16xf32>,
      %parallel_loop3A_1773 = arith.index_cast %parallel_loop3A_1422 : i32 to index
      %parallel_loop3A_1774 = arith.constant 160 : index
      %parallel_loop3A_1775 = tpu.vector_load %arg7[%parallel_loop3A_1773, %parallel_loop3A_1774] {strides = array<i32>} : memref<224x224xf32, #tpu.memory_space<vmem>>, vector<16xf32>,
      %parallel_loop3A_1776 = vector.broadcast %add3A_771 : f32 to vector<16xf32>
      %parallel_loop3A_1777 = vector.broadcast %reduce_min3A_626 : f32 to vector<16xf32>
      %parallel_loop3A_1778 = arith.cmpf oge, %parallel_loop3A_1775, %parallel_loop3A_1777 : vector<16xf32>
      %parallel_loop3A_1779 = vector.broadcast %add3A_774 : f32 to vector<16xf32>
      %parallel_loop3A_1780 = arith.select %parallel_loop3A_1778, %parallel_loop3A_1779, %parallel_loop3A_1776 : vector<16xi1>, vector<16xf32>
      %parallel_loop3A_1781 = vector.broadcast %reduce_min3A_636 : f32 to vector<16xf32>
      %parallel_loop3A_1782 = arith.cmpf oge, %parallel_loop3A_1775, %parallel_loop3A_1781 : vector<16xf32>
      %parallel_loop3A_1783 = vector.broadcast %add3A_777 : f32 to vector<16xf32>
      %parallel_loop3A_1784 = arith.select %parallel_loop3A_1782, %parallel_loop3A_1783, %parallel_loop3A_1780 : vector<16xi1>, vector<16xf32>
      %parallel_loop3A_1785 = vector.broadcast %reduce_min3A_646 : f32 to vector<16xf32>
      %parallel_loop3A_1786 = arith.cmpf oge, %parallel_loop3A_1775, %parallel_loop3A_1785 : vector<16xf32>
      %parallel_loop3A_1787 = vector.broadcast %add3A_780 : f32 to vector<16xf32>
      %parallel_loop3A_1788 = arith.select %parallel_loop3A_1786, %parallel_loop3A_1787, %parallel_loop3A_1784 : vector<16xi1>, vector<16xf32>
      %parallel_loop3A_1789 = vector.broadcast %reduce_min3A_656 : f32 to vector<16xf32>
      %parallel_loop3A_1790 = arith.cmpf oge, %parallel_loop3A_1775, %parallel_loop3A_1789 : vector<16xf32>
      %parallel_loop3A_1791 = vector.broadcast %add3A_783 : f32 to vector<16xf32>
      %parallel_loop3A_1792 = arith.select %parallel_loop3A_1790, %parallel_loop3A_1791, %parallel_loop3A_1788 : vector<16xi1>, vector<16xf32>
      %parallel_loop3A_1793 = vector.broadcast %reduce_min3A_666 : f32 to vector<16xf32>
      %parallel_loop3A_1794 = arith.cmpf oge, %parallel_loop3A_1775, %parallel_loop3A_1793 : vector<16xf32>
      %parallel_loop3A_1795 = vector.broadcast %add3A_786 : f32 to vector<16xf32>
      %parallel_loop3A_1796 = arith.select %parallel_loop3A_1794, %parallel_loop3A_1795, %parallel_loop3A_1792 : vector<16xi1>, vector<16xf32>
      %parallel_loop3A_1797 = vector.broadcast %reduce_min3A_676 : f32 to vector<16xf32>
      %parallel_loop3A_1798 = arith.cmpf oge, %parallel_loop3A_1775, %parallel_loop3A_1797 : vector<16xf32>
      %parallel_loop3A_1799 = vector.broadcast %add3A_789 : f32 to vector<16xf32>
      %parallel_loop3A_1800 = arith.select %parallel_loop3A_1798, %parallel_loop3A_1799, %parallel_loop3A_1796 : vector<16xi1>, vector<16xf32>
      %parallel_loop3A_1801 = vector.broadcast %reduce_min3A_686 : f32 to vector<16xf32>
      %parallel_loop3A_1802 = arith.cmpf oge, %parallel_loop3A_1775, %parallel_loop3A_1801 : vector<16xf32>
      %parallel_loop3A_1803 = vector.broadcast %add3A_792 : f32 to vector<16xf32>
      %parallel_loop3A_1804 = arith.select %parallel_loop3A_1802, %parallel_loop3A_1803, %parallel_loop3A_1800 : vector<16xi1>, vector<16xf32>
      %parallel_loop3A_1805 = arith.index_cast %parallel_loop3A_1422 : i32 to index
      %parallel_loop3A_1806 = arith.constant 160 : index
      %parallel_loop3A_1807 = tpu.vector_load %arg7[%parallel_loop3A_1805, %parallel_loop3A_1806] {strides = array<i32>} : memref<224x224xf32, #tpu.memory_space<vmem>>, vector<16xf32>,
      tpu.vector_store %arg7[%parallel_loop3A_1805, %parallel_loop3A_1806], %parallel_loop3A_1804 {strides = array<i32>} : memref<224x224xf32, #tpu.memory_space<vmem>>, vector<16xf32>,
      %parallel_loop3A_1808 = arith.index_cast %parallel_loop3A_1422 : i32 to index
      %parallel_loop3A_1809 = arith.constant 176 : index
      %parallel_loop3A_1810 = tpu.vector_load %arg7[%parallel_loop3A_1808, %parallel_loop3A_1809] {strides = array<i32>} : memref<224x224xf32, #tpu.memory_space<vmem>>, vector<16xf32>,
      %parallel_loop3A_1811 = vector.broadcast %add3A_771 : f32 to vector<16xf32>
      %parallel_loop3A_1812 = vector.broadcast %reduce_min3A_626 : f32 to vector<16xf32>
      %parallel_loop3A_1813 = arith.cmpf oge, %parallel_loop3A_1810, %parallel_loop3A_1812 : vector<16xf32>
      %parallel_loop3A_1814 = vector.broadcast %add3A_774 : f32 to vector<16xf32>
      %parallel_loop3A_1815 = arith.select %parallel_loop3A_1813, %parallel_loop3A_1814, %parallel_loop3A_1811 : vector<16xi1>, vector<16xf32>
      %parallel_loop3A_1816 = vector.broadcast %reduce_min3A_636 : f32 to vector<16xf32>
      %parallel_loop3A_1817 = arith.cmpf oge, %parallel_loop3A_1810, %parallel_loop3A_1816 : vector<16xf32>
      %parallel_loop3A_1818 = vector.broadcast %add3A_777 : f32 to vector<16xf32>
      %parallel_loop3A_1819 = arith.select %parallel_loop3A_1817, %parallel_loop3A_1818, %parallel_loop3A_1815 : vector<16xi1>, vector<16xf32>
      %parallel_loop3A_1820 = vector.broadcast %reduce_min3A_646 : f32 to vector<16xf32>
      %parallel_loop3A_1821 = arith.cmpf oge, %parallel_loop3A_1810, %parallel_loop3A_1820 : vector<16xf32>
      %parallel_loop3A_1822 = vector.broadcast %add3A_780 : f32 to vector<16xf32>
      %parallel_loop3A_1823 = arith.select %parallel_loop3A_1821, %parallel_loop3A_1822, %parallel_loop3A_1819 : vector<16xi1>, vector<16xf32>
      %parallel_loop3A_1824 = vector.broadcast %reduce_min3A_656 : f32 to vector<16xf32>
      %parallel_loop3A_1825 = arith.cmpf oge, %parallel_loop3A_1810, %parallel_loop3A_1824 : vector<16xf32>
      %parallel_loop3A_1826 = vector.broadcast %add3A_783 : f32 to vector<16xf32>
      %parallel_loop3A_1827 = arith.select %parallel_loop3A_1825, %parallel_loop3A_1826, %parallel_loop3A_1823 : vector<16xi1>, vector<16xf32>
      %parallel_loop3A_1828 = vector.broadcast %reduce_min3A_666 : f32 to vector<16xf32>
      %parallel_loop3A_1829 = arith.cmpf oge, %parallel_loop3A_1810, %parallel_loop3A_1828 : vector<16xf32>
      %parallel_loop3A_1830 = vector.broadcast %add3A_786 : f32 to vector<16xf32>
      %parallel_loop3A_1831 = arith.select %parallel_loop3A_1829, %parallel_loop3A_1830, %parallel_loop3A_1827 : vector<16xi1>, vector<16xf32>
      %parallel_loop3A_1832 = vector.broadcast %reduce_min3A_676 : f32 to vector<16xf32>
      %parallel_loop3A_1833 = arith.cmpf oge, %parallel_loop3A_1810, %parallel_loop3A_1832 : vector<16xf32>
      %parallel_loop3A_1834 = vector.broadcast %add3A_789 : f32 to vector<16xf32>
      %parallel_loop3A_1835 = arith.select %parallel_loop3A_1833, %parallel_loop3A_1834, %parallel_loop3A_1831 : vector<16xi1>, vector<16xf32>
      %parallel_loop3A_1836 = vector.broadcast %reduce_min3A_686 : f32 to vector<16xf32>
      %parallel_loop3A_1837 = arith.cmpf oge, %parallel_loop3A_1810, %parallel_loop3A_1836 : vector<16xf32>
      %parallel_loop3A_1838 = vector.broadcast %add3A_792 : f32 to vector<16xf32>
      %parallel_loop3A_1839 = arith.select %parallel_loop3A_1837, %parallel_loop3A_1838, %parallel_loop3A_1835 : vector<16xi1>, vector<16xf32>
      %parallel_loop3A_1840 = arith.index_cast %parallel_loop3A_1422 : i32 to index
      %parallel_loop3A_1841 = arith.constant 176 : index
      %parallel_loop3A_1842 = tpu.vector_load %arg7[%parallel_loop3A_1840, %parallel_loop3A_1841] {strides = array<i32>} : memref<224x224xf32, #tpu.memory_space<vmem>>, vector<16xf32>,
      tpu.vector_store %arg7[%parallel_loop3A_1840, %parallel_loop3A_1841], %parallel_loop3A_1839 {strides = array<i32>} : memref<224x224xf32, #tpu.memory_space<vmem>>, vector<16xf32>,
      %parallel_loop3A_1843 = arith.index_cast %parallel_loop3A_1422 : i32 to index
      %parallel_loop3A_1844 = arith.constant 192 : index
      %parallel_loop3A_1845 = tpu.vector_load %arg7[%parallel_loop3A_1843, %parallel_loop3A_1844] {strides = array<i32>} : memref<224x224xf32, #tpu.memory_space<vmem>>, vector<16xf32>,
      %parallel_loop3A_1846 = vector.broadcast %add3A_771 : f32 to vector<16xf32>
      %parallel_loop3A_1847 = vector.broadcast %reduce_min3A_626 : f32 to vector<16xf32>
      %parallel_loop3A_1848 = arith.cmpf oge, %parallel_loop3A_1845, %parallel_loop3A_1847 : vector<16xf32>
      %parallel_loop3A_1849 = vector.broadcast %add3A_774 : f32 to vector<16xf32>
      %parallel_loop3A_1850 = arith.select %parallel_loop3A_1848, %parallel_loop3A_1849, %parallel_loop3A_1846 : vector<16xi1>, vector<16xf32>
      %parallel_loop3A_1851 = vector.broadcast %reduce_min3A_636 : f32 to vector<16xf32>
      %parallel_loop3A_1852 = arith.cmpf oge, %parallel_loop3A_1845, %parallel_loop3A_1851 : vector<16xf32>
      %parallel_loop3A_1853 = vector.broadcast %add3A_777 : f32 to vector<16xf32>
      %parallel_loop3A_1854 = arith.select %parallel_loop3A_1852, %parallel_loop3A_1853, %parallel_loop3A_1850 : vector<16xi1>, vector<16xf32>
      %parallel_loop3A_1855 = vector.broadcast %reduce_min3A_646 : f32 to vector<16xf32>
      %parallel_loop3A_1856 = arith.cmpf oge, %parallel_loop3A_1845, %parallel_loop3A_1855 : vector<16xf32>
      %parallel_loop3A_1857 = vector.broadcast %add3A_780 : f32 to vector<16xf32>
      %parallel_loop3A_1858 = arith.select %parallel_loop3A_1856, %parallel_loop3A_1857, %parallel_loop3A_1854 : vector<16xi1>, vector<16xf32>
      %parallel_loop3A_1859 = vector.broadcast %reduce_min3A_656 : f32 to vector<16xf32>
      %parallel_loop3A_1860 = arith.cmpf oge, %parallel_loop3A_1845, %parallel_loop3A_1859 : vector<16xf32>
      %parallel_loop3A_1861 = vector.broadcast %add3A_783 : f32 to vector<16xf32>
      %parallel_loop3A_1862 = arith.select %parallel_loop3A_1860, %parallel_loop3A_1861, %parallel_loop3A_1858 : vector<16xi1>, vector<16xf32>
      %parallel_loop3A_1863 = vector.broadcast %reduce_min3A_666 : f32 to vector<16xf32>
      %parallel_loop3A_1864 = arith.cmpf oge, %parallel_loop3A_1845, %parallel_loop3A_1863 : vector<16xf32>
      %parallel_loop3A_1865 = vector.broadcast %add3A_786 : f32 to vector<16xf32>
      %parallel_loop3A_1866 = arith.select %parallel_loop3A_1864, %parallel_loop3A_1865, %parallel_loop3A_1862 : vector<16xi1>, vector<16xf32>
      %parallel_loop3A_1867 = vector.broadcast %reduce_min3A_676 : f32 to vector<16xf32>
      %parallel_loop3A_1868 = arith.cmpf oge, %parallel_loop3A_1845, %parallel_loop3A_1867 : vector<16xf32>
      %parallel_loop3A_1869 = vector.broadcast %add3A_789 : f32 to vector<16xf32>
      %parallel_loop3A_1870 = arith.select %parallel_loop3A_1868, %parallel_loop3A_1869, %parallel_loop3A_1866 : vector<16xi1>, vector<16xf32>
      %parallel_loop3A_1871 = vector.broadcast %reduce_min3A_686 : f32 to vector<16xf32>
      %parallel_loop3A_1872 = arith.cmpf oge, %parallel_loop3A_1845, %parallel_loop3A_1871 : vector<16xf32>
      %parallel_loop3A_1873 = vector.broadcast %add3A_792 : f32 to vector<16xf32>
      %parallel_loop3A_1874 = arith.select %parallel_loop3A_1872, %parallel_loop3A_1873, %parallel_loop3A_1870 : vector<16xi1>, vector<16xf32>
      %parallel_loop3A_1875 = arith.index_cast %parallel_loop3A_1422 : i32 to index
      %parallel_loop3A_1876 = arith.constant 192 : index
      %parallel_loop3A_1877 = tpu.vector_load %arg7[%parallel_loop3A_1875, %parallel_loop3A_1876] {strides = array<i32>} : memref<224x224xf32, #tpu.memory_space<vmem>>, vector<16xf32>,
      tpu.vector_store %arg7[%parallel_loop3A_1875, %parallel_loop3A_1876], %parallel_loop3A_1874 {strides = array<i32>} : memref<224x224xf32, #tpu.memory_space<vmem>>, vector<16xf32>,
      %parallel_loop3A_1878 = arith.index_cast %parallel_loop3A_1422 : i32 to index
      %parallel_loop3A_1879 = arith.constant 208 : index
      %parallel_loop3A_1880 = tpu.vector_load %arg7[%parallel_loop3A_1878, %parallel_loop3A_1879] {strides = array<i32>} : memref<224x224xf32, #tpu.memory_space<vmem>>, vector<16xf32>,
      %parallel_loop3A_1881 = vector.broadcast %add3A_771 : f32 to vector<16xf32>
      %parallel_loop3A_1882 = vector.broadcast %reduce_min3A_626 : f32 to vector<16xf32>
      %parallel_loop3A_1883 = arith.cmpf oge, %parallel_loop3A_1880, %parallel_loop3A_1882 : vector<16xf32>
      %parallel_loop3A_1884 = vector.broadcast %add3A_774 : f32 to vector<16xf32>
      %parallel_loop3A_1885 = arith.select %parallel_loop3A_1883, %parallel_loop3A_1884, %parallel_loop3A_1881 : vector<16xi1>, vector<16xf32>
      %parallel_loop3A_1886 = vector.broadcast %reduce_min3A_636 : f32 to vector<16xf32>
      %parallel_loop3A_1887 = arith.cmpf oge, %parallel_loop3A_1880, %parallel_loop3A_1886 : vector<16xf32>
      %parallel_loop3A_1888 = vector.broadcast %add3A_777 : f32 to vector<16xf32>
      %parallel_loop3A_1889 = arith.select %parallel_loop3A_1887, %parallel_loop3A_1888, %parallel_loop3A_1885 : vector<16xi1>, vector<16xf32>
      %parallel_loop3A_1890 = vector.broadcast %reduce_min3A_646 : f32 to vector<16xf32>
      %parallel_loop3A_1891 = arith.cmpf oge, %parallel_loop3A_1880, %parallel_loop3A_1890 : vector<16xf32>
      %parallel_loop3A_1892 = vector.broadcast %add3A_780 : f32 to vector<16xf32>
      %parallel_loop3A_1893 = arith.select %parallel_loop3A_1891, %parallel_loop3A_1892, %parallel_loop3A_1889 : vector<16xi1>, vector<16xf32>
      %parallel_loop3A_1894 = vector.broadcast %reduce_min3A_656 : f32 to vector<16xf32>
      %parallel_loop3A_1895 = arith.cmpf oge, %parallel_loop3A_1880, %parallel_loop3A_1894 : vector<16xf32>
      %parallel_loop3A_1896 = vector.broadcast %add3A_783 : f32 to vector<16xf32>
      %parallel_loop3A_1897 = arith.select %parallel_loop3A_1895, %parallel_loop3A_1896, %parallel_loop3A_1893 : vector<16xi1>, vector<16xf32>
      %parallel_loop3A_1898 = vector.broadcast %reduce_min3A_666 : f32 to vector<16xf32>
      %parallel_loop3A_1899 = arith.cmpf oge, %parallel_loop3A_1880, %parallel_loop3A_1898 : vector<16xf32>
      %parallel_loop3A_1900 = vector.broadcast %add3A_786 : f32 to vector<16xf32>
      %parallel_loop3A_1901 = arith.select %parallel_loop3A_1899, %parallel_loop3A_1900, %parallel_loop3A_1897 : vector<16xi1>, vector<16xf32>
      %parallel_loop3A_1902 = vector.broadcast %reduce_min3A_676 : f32 to vector<16xf32>
      %parallel_loop3A_1903 = arith.cmpf oge, %parallel_loop3A_1880, %parallel_loop3A_1902 : vector<16xf32>
      %parallel_loop3A_1904 = vector.broadcast %add3A_789 : f32 to vector<16xf32>
      %parallel_loop3A_1905 = arith.select %parallel_loop3A_1903, %parallel_loop3A_1904, %parallel_loop3A_1901 : vector<16xi1>, vector<16xf32>
      %parallel_loop3A_1906 = vector.broadcast %reduce_min3A_686 : f32 to vector<16xf32>
      %parallel_loop3A_1907 = arith.cmpf oge, %parallel_loop3A_1880, %parallel_loop3A_1906 : vector<16xf32>
      %parallel_loop3A_1908 = vector.broadcast %add3A_792 : f32 to vector<16xf32>
      %parallel_loop3A_1909 = arith.select %parallel_loop3A_1907, %parallel_loop3A_1908, %parallel_loop3A_1905 : vector<16xi1>, vector<16xf32>
      %parallel_loop3A_1910 = arith.index_cast %parallel_loop3A_1422 : i32 to index
      %parallel_loop3A_1911 = arith.constant 208 : index
      %parallel_loop3A_1912 = tpu.vector_load %arg7[%parallel_loop3A_1910, %parallel_loop3A_1911] {strides = array<i32>} : memref<224x224xf32, #tpu.memory_space<vmem>>, vector<16xf32>,
      tpu.vector_store %arg7[%parallel_loop3A_1910, %parallel_loop3A_1911], %parallel_loop3A_1909 {strides = array<i32>} : memref<224x224xf32, #tpu.memory_space<vmem>>, vector<16xf32>,
    } {sc.loop_unroll_factor = 1 : i64, sc.parallel_access}
    %jit3A_896 = arith.constant 3 : i32
    %div3A_897 = arith.divsi %add3A_471, %jit3A_896 : i32
    %sign3A_898 = arith.constant 0 : i32
    %sign3A_899 = arith.cmpi sgt, %add3A_471, %sign3A_898 : i32
    %sign3A_900 = arith.extui %sign3A_899 : i1 to i32
    %sign3A_901 = arith.constant 0 : i32
    %sign3A_902 = arith.cmpi slt, %add3A_471, %sign3A_901 : i32
    %sign3A_903 = arith.extui %sign3A_902 : i1 to i32
    %sign3A_904 = arith.subi %sign3A_900, %sign3A_903 : i32
    %sign3A_905 = arith.constant 0 : i32
    %sign3A_906 = arith.cmpi sgt, %jit3A_896, %sign3A_905 : i32
    %sign3A_907 = arith.extui %sign3A_906 : i1 to i32
    %sign3A_908 = arith.constant 0 : i32
    %sign3A_909 = arith.cmpi slt, %jit3A_896, %sign3A_908 : i32
    %sign3A_910 = arith.extui %sign3A_909 : i1 to i32
    %sign3A_911 = arith.subi %sign3A_907, %sign3A_910 : i32
    %ne3A_912 = arith.cmpi ne, %sign3A_904, %sign3A_911 : i32
    %rem3A_913 = arith.remsi %add3A_471, %jit3A_896 : i32
    %ne3A_914 = arith.constant 0 : i32
    %ne3A_915 = arith.cmpi ne, %rem3A_913, %ne3A_914 : i32
    %and3A_916 = arith.andi %ne3A_912, %ne3A_915 : i1
    %sub3A_917 = arith.constant 1 : i32
    %sub3A_918 = arith.subi %div3A_897, %sub3A_917 : i32
    %select_n3A_919 = arith.select %and3A_916, %sub3A_918, %div3A_897 : i32
    %jit3A_920 = arith.constant 3 : i32
    %eq3A_921 = arith.constant 0 : i32
    %eq3A_922 = arith.cmpi eq, %jit3A_920, %eq3A_921 : i32
    %jit3A_923 = arith.constant 1 : i32
    %select_n3A_924 = arith.select %eq3A_922, %jit3A_923, %jit3A_920 : i32
    %rem3A_925 = arith.remsi %add3A_471, %select_n3A_924 : i32
    %ne3A_926 = arith.constant 0 : i32
    %ne3A_927 = arith.cmpi ne, %rem3A_925, %ne3A_926 : i32
    %lt3A_928 = arith.constant 0 : i32
    %lt3A_929 = arith.cmpi slt, %rem3A_925, %lt3A_928 : i32
    %lt3A_930 = arith.constant 0 : i32
    %lt3A_931 = arith.cmpi slt, %select_n3A_924, %lt3A_930 : i32
    %ne3A_932 = arith.xori %lt3A_929, %lt3A_931 : i1
    %and3A_933 = arith.andi %ne3A_932, %ne3A_927 : i1
    %add3A_934 = arith.addi %rem3A_925, %select_n3A_924 : i32
    %select_n3A_935 = arith.select %and3A_933, %add3A_934, %rem3A_925 : i32
    %dma_start3A_936 = arith.constant 0 : i32
    %dma_start3A_937 = arith.constant 0 : i32
    %dma_start3A_938 = tpu.memref_slice %arg5[%select_n3A_919, %select_n3A_935, %dma_start3A_936, %dma_start3A_937] : memref<32x3x224x224xf32, #tpu.memory_space<hbm>> -> memref<1x1x224x224xf32, #tpu.memory_space<hbm>>
    %dma_start3A_939 = tpu.memref_squeeze %dma_start3A_938 : memref<1x1x224x224xf32, #tpu.memory_space<hbm>> -> memref<224x224xf32, #tpu.memory_space<hbm>>
    %dma_start3A_940 = arith.constant 0 : i32
    %dma_start3A_941 = arith.constant 0 : i32
    %dma_start3A_942 = tpu.memref_slice %arg5[%select_n3A_919, %select_n3A_935, %dma_start3A_940, %dma_start3A_941] : memref<32x3x224x224xf32, #tpu.memory_space<hbm>> -> memref<1x1x224x224xf32, #tpu.memory_space<hbm>>
    %dma_start3A_943 = tpu.memref_squeeze %dma_start3A_942 : memref<1x1x224x224xf32, #tpu.memory_space<hbm>> -> memref<224x224xf32, #tpu.memory_space<hbm>>
    tpu.enqueue_dma source(%arg7 : memref<224x224xf32, #tpu.memory_space<vmem>>) target(%dma_start3A_943 : memref<224x224xf32, #tpu.memory_space<hbm>>) target_semaphore(%arg13 : memref<!tpu.dma_semaphore, #tpu.memory_space<semaphore_mem>>)
    %add3A_944 = arith.constant 2 : i32
    %add3A_945 = arith.addi %mul3A_2, %add3A_944 : i32
    %jit3A_946 = arith.constant 3 : i32
    %div3A_947 = arith.divsi %add3A_945, %jit3A_946 : i32
    %sign3A_948 = arith.constant 0 : i32
    %sign3A_949 = arith.cmpi sgt, %add3A_945, %sign3A_948 : i32
    %sign3A_950 = arith.extui %sign3A_949 : i1 to i32
    %sign3A_951 = arith.constant 0 : i32
    %sign3A_952 = arith.cmpi slt, %add3A_945, %sign3A_951 : i32
    %sign3A_953 = arith.extui %sign3A_952 : i1 to i32
    %sign3A_954 = arith.subi %sign3A_950, %sign3A_953 : i32
    %sign3A_955 = arith.constant 0 : i32
    %sign3A_956 = arith.cmpi sgt, %jit3A_946, %sign3A_955 : i32
    %sign3A_957 = arith.extui %sign3A_956 : i1 to i32
    %sign3A_958 = arith.constant 0 : i32
    %sign3A_959 = arith.cmpi slt, %jit3A_946, %sign3A_958 : i32
    %sign3A_960 = arith.extui %sign3A_959 : i1 to i32
    %sign3A_961 = arith.subi %sign3A_957, %sign3A_960 : i32
    %ne3A_962 = arith.cmpi ne, %sign3A_954, %sign3A_961 : i32
    %rem3A_963 = arith.remsi %add3A_945, %jit3A_946 : i32
    %ne3A_964 = arith.constant 0 : i32
    %ne3A_965 = arith.cmpi ne, %rem3A_963, %ne3A_964 : i32
    %and3A_966 = arith.andi %ne3A_962, %ne3A_965 : i1
    %sub3A_967 = arith.constant 1 : i32
    %sub3A_968 = arith.subi %div3A_947, %sub3A_967 : i32
    %select_n3A_969 = arith.select %and3A_966, %sub3A_968, %div3A_947 : i32
    %jit3A_970 = arith.constant 3 : i32
    %eq3A_971 = arith.constant 0 : i32
    %eq3A_972 = arith.cmpi eq, %jit3A_970, %eq3A_971 : i32
    %jit3A_973 = arith.constant 1 : i32
    %select_n3A_974 = arith.select %eq3A_972, %jit3A_973, %jit3A_970 : i32
    %rem3A_975 = arith.remsi %add3A_945, %select_n3A_974 : i32
    %ne3A_976 = arith.constant 0 : i32
    %ne3A_977 = arith.cmpi ne, %rem3A_975, %ne3A_976 : i32
    %lt3A_978 = arith.constant 0 : i32
    %lt3A_979 = arith.cmpi slt, %rem3A_975, %lt3A_978 : i32
    %lt3A_980 = arith.constant 0 : i32
    %lt3A_981 = arith.cmpi slt, %select_n3A_974, %lt3A_980 : i32
    %ne3A_982 = arith.xori %lt3A_979, %lt3A_981 : i1
    %and3A_983 = arith.andi %ne3A_982, %ne3A_977 : i1
    %add3A_984 = arith.addi %rem3A_975, %select_n3A_974 : i32
    %select_n3A_985 = arith.select %and3A_983, %add3A_984, %rem3A_975 : i32
    %dma_wait3A_986 = arith.constant 0 : i32
    %dma_wait3A_987 = arith.constant 0 : i32
    %dma_wait3A_988 = tpu.memref_slice %arg2[%select_n3A_969, %select_n3A_985, %dma_wait3A_986, %dma_wait3A_987] : memref<32x3x224x224xf32, #tpu.memory_space<hbm>> -> memref<1x1x224x224xf32, #tpu.memory_space<hbm>>
    %dma_wait3A_989 = tpu.memref_squeeze %dma_wait3A_988 : memref<1x1x224x224xf32, #tpu.memory_space<hbm>> -> memref<224x224xf32, #tpu.memory_space<hbm>>
    %dma_wait3A_990 = arith.constant 0 : i32
    %dma_wait3A_991 = arith.constant 0 : i32
    %dma_wait3A_992 = tpu.memref_slice %arg2[%select_n3A_969, %select_n3A_985, %dma_wait3A_990, %dma_wait3A_991] : memref<32x3x224x224xf32, #tpu.memory_space<hbm>> -> memref<1x1x224x224xf32, #tpu.memory_space<hbm>>
    %dma_wait3A_993 = tpu.memref_squeeze %dma_wait3A_992 : memref<1x1x224x224xf32, #tpu.memory_space<hbm>> -> memref<224x224xf32, #tpu.memory_space<hbm>>
    tpu.wait_dma2 semaphore(%arg10 : memref<!tpu.dma_semaphore, #tpu.memory_space<semaphore_mem>>) src(%dma_wait3A_993 : memref<224x224xf32, #tpu.memory_space<hbm>>) dst(%arg6 : memref<224x224xf32, #tpu.memory_space<vmem>>)
    %broadcast_in_dim3A_994 = arith.constant 0x7F800000 : f32
    %broadcast_in_dim3A_995 = vector.broadcast %broadcast_in_dim3A_994 : f32 to vector<16xf32>
    %broadcast_in_dim3A_996 = arith.constant 0x7F800000 : f32
    %broadcast_in_dim3A_997 = vector.broadcast %broadcast_in_dim3A_996 : f32 to vector<16xf32>
    %broadcast_in_dim3A_998 = arith.constant 0x7F800000 : f32
    %broadcast_in_dim3A_999 = vector.broadcast %broadcast_in_dim3A_998 : f32 to vector<16xf32>
    %broadcast_in_dim3A_1000 = arith.constant 0x7F800000 : f32
    %broadcast_in_dim3A_1001 = vector.broadcast %broadcast_in_dim3A_1000 : f32 to vector<16xf32>
    %broadcast_in_dim3A_1002 = arith.constant 0x7F800000 : f32
    %broadcast_in_dim3A_1003 = vector.broadcast %broadcast_in_dim3A_1002 : f32 to vector<16xf32>
    %broadcast_in_dim3A_1004 = arith.constant 0x7F800000 : f32
    %broadcast_in_dim3A_1005 = vector.broadcast %broadcast_in_dim3A_1004 : f32 to vector<16xf32>
    %broadcast_in_dim3A_1006 = arith.constant 0x7F800000 : f32
    %broadcast_in_dim3A_1007 = vector.broadcast %broadcast_in_dim3A_1006 : f32 to vector<16xf32>
    %broadcast_in_dim3A_1008 = arith.constant 0x7F800000 : f32
    %broadcast_in_dim3A_1009 = vector.broadcast %broadcast_in_dim3A_1008 : f32 to vector<16xf32>
    %neg3A_1010 = arith.constant 0.000000e+00 : f32
    %neg3A_1011 = arith.constant 0x7F800000 : f32
    %neg3A_1012 = arith.subf %neg3A_1010, %neg3A_1011 : f32
    %broadcast_in_dim3A_1013 = vector.broadcast %neg3A_1012 : f32 to vector<16xf32>
    %neg3A_1014 = arith.constant 0.000000e+00 : f32
    %neg3A_1015 = arith.constant 0x7F800000 : f32
    %neg3A_1016 = arith.subf %neg3A_1014, %neg3A_1015 : f32
    %broadcast_in_dim3A_1017 = vector.broadcast %neg3A_1016 : f32 to vector<16xf32>
    %neg3A_1018 = arith.constant 0.000000e+00 : f32
    %neg3A_1019 = arith.constant 0x7F800000 : f32
    %neg3A_1020 = arith.subf %neg3A_1018, %neg3A_1019 : f32
    %broadcast_in_dim3A_1021 = vector.broadcast %neg3A_1020 : f32 to vector<16xf32>
    %neg3A_1022 = arith.constant 0.000000e+00 : f32
    %neg3A_1023 = arith.constant 0x7F800000 : f32
    %neg3A_1024 = arith.subf %neg3A_1022, %neg3A_1023 : f32
    %broadcast_in_dim3A_1025 = vector.broadcast %neg3A_1024 : f32 to vector<16xf32>
    %neg3A_1026 = arith.constant 0.000000e+00 : f32
    %neg3A_1027 = arith.constant 0x7F800000 : f32
    %neg3A_1028 = arith.subf %neg3A_1026, %neg3A_1027 : f32
    %broadcast_in_dim3A_1029 = vector.broadcast %neg3A_1028 : f32 to vector<16xf32>
    %neg3A_1030 = arith.constant 0.000000e+00 : f32
    %neg3A_1031 = arith.constant 0x7F800000 : f32
    %neg3A_1032 = arith.subf %neg3A_1030, %neg3A_1031 : f32
    %broadcast_in_dim3A_1033 = vector.broadcast %neg3A_1032 : f32 to vector<16xf32>
    %neg3A_1034 = arith.constant 0.000000e+00 : f32
    %neg3A_1035 = arith.constant 0x7F800000 : f32
    %neg3A_1036 = arith.subf %neg3A_1034, %neg3A_1035 : f32
    %broadcast_in_dim3A_1037 = vector.broadcast %neg3A_1036 : f32 to vector<16xf32>
    %neg3A_1038 = arith.constant 0.000000e+00 : f32
    %neg3A_1039 = arith.constant 0x7F800000 : f32
    %neg3A_1040 = arith.subf %neg3A_1038, %neg3A_1039 : f32
    %broadcast_in_dim3A_1041 = vector.broadcast %neg3A_1040 : f32 to vector<16xf32>
    %parallel_loop3A_1042 = arith.constant 0 : i32
    %parallel_loop3A_1043 = arith.constant 224 : i32
    %parallel_loop3A_1044 = arith.constant 1 : i32
    %parallel_loop3A_1045:16 = scf.for %parallel_loop3A_1422 = %parallel_loop3A_1042 to %parallel_loop3A_1043 step %parallel_loop3A_1044 iter_args(%parallel_loop3A_1423 = %broadcast_in_dim3A_995, %parallel_loop3A_1424 = %broadcast_in_dim3A_997, %parallel_loop3A_1425 = %broadcast_in_dim3A_999, %parallel_loop3A_1426 = %broadcast_in_dim3A_1001, %parallel_loop3A_1427 = %broadcast_in_dim3A_1003, %parallel_loop3A_1428 = %broadcast_in_dim3A_1005, %parallel_loop3A_1429 = %broadcast_in_dim3A_1007, %parallel_loop3A_1430 = %broadcast_in_dim3A_1009, %parallel_loop3A_1431 = %broadcast_in_dim3A_1013, %parallel_loop3A_1432 = %broadcast_in_dim3A_1017, %parallel_loop3A_1433 = %broadcast_in_dim3A_1021, %parallel_loop3A_1434 = %broadcast_in_dim3A_1025, %parallel_loop3A_1435 = %broadcast_in_dim3A_1029, %parallel_loop3A_1436 = %broadcast_in_dim3A_1033, %parallel_loop3A_1437 = %broadcast_in_dim3A_1037, %parallel_loop3A_1438 = %broadcast_in_dim3A_1041) -> (vector<16xf32>, vector<16xf32>, vector<16xf32>, vector<16xf32>, vector<16xf32>, vector<16xf32>, vector<16xf32>, vector<16xf32>, vector<16xf32>, vector<16xf32>, vector<16xf32>, vector<16xf32>, vector<16xf32>, vector<16xf32>, vector<16xf32>, vector<16xf32>)  : i32 {
      %parallel_loop3A_1439 = arith.index_cast %parallel_loop3A_1422 : i32 to index
      %parallel_loop3A_1440 = arith.constant 0 : index
      %parallel_loop3A_1441 = tpu.vector_load %arg6[%parallel_loop3A_1439, %parallel_loop3A_1440] {strides = array<i32>} : memref<224x224xf32, #tpu.memory_space<vmem>>, vector<16xf32>,
      %parallel_loop3A_1442 = arith.minimumf %parallel_loop3A_1423, %parallel_loop3A_1441 : vector<16xf32>
      %parallel_loop3A_1443 = arith.maximumf %parallel_loop3A_1431, %parallel_loop3A_1441 : vector<16xf32>
      %parallel_loop3A_1444 = arith.index_cast %parallel_loop3A_1422 : i32 to index
      %parallel_loop3A_1445 = arith.constant 16 : index
      %parallel_loop3A_1446 = tpu.vector_load %arg6[%parallel_loop3A_1444, %parallel_loop3A_1445] {strides = array<i32>} : memref<224x224xf32, #tpu.memory_space<vmem>>, vector<16xf32>,
      %parallel_loop3A_1447 = arith.minimumf %parallel_loop3A_1424, %parallel_loop3A_1446 : vector<16xf32>
      %parallel_loop3A_1448 = arith.maximumf %parallel_loop3A_1432, %parallel_loop3A_1446 : vector<16xf32>
      %parallel_loop3A_1449 = arith.index_cast %parallel_loop3A_1422 : i32 to index
      %parallel_loop3A_1450 = arith.constant 32 : index
      %parallel_loop3A_1451 = tpu.vector_load %arg6[%parallel_loop3A_1449, %parallel_loop3A_1450] {strides = array<i32>} : memref<224x224xf32, #tpu.memory_space<vmem>>, vector<16xf32>,
      %parallel_loop3A_1452 = arith.minimumf %parallel_loop3A_1425, %parallel_loop3A_1451 : vector<16xf32>
      %parallel_loop3A_1453 = arith.maximumf %parallel_loop3A_1433, %parallel_loop3A_1451 : vector<16xf32>
      %parallel_loop3A_1454 = arith.index_cast %parallel_loop3A_1422 : i32 to index
      %parallel_loop3A_1455 = arith.constant 48 : index
      %parallel_loop3A_1456 = tpu.vector_load %arg6[%parallel_loop3A_1454, %parallel_loop3A_1455] {strides = array<i32>} : memref<224x224xf32, #tpu.memory_space<vmem>>, vector<16xf32>,
      %parallel_loop3A_1457 = arith.minimumf %parallel_loop3A_1426, %parallel_loop3A_1456 : vector<16xf32>
      %parallel_loop3A_1458 = arith.maximumf %parallel_loop3A_1434, %parallel_loop3A_1456 : vector<16xf32>
      %parallel_loop3A_1459 = arith.index_cast %parallel_loop3A_1422 : i32 to index
      %parallel_loop3A_1460 = arith.constant 64 : index
      %parallel_loop3A_1461 = tpu.vector_load %arg6[%parallel_loop3A_1459, %parallel_loop3A_1460] {strides = array<i32>} : memref<224x224xf32, #tpu.memory_space<vmem>>, vector<16xf32>,
      %parallel_loop3A_1462 = arith.minimumf %parallel_loop3A_1427, %parallel_loop3A_1461 : vector<16xf32>
      %parallel_loop3A_1463 = arith.maximumf %parallel_loop3A_1435, %parallel_loop3A_1461 : vector<16xf32>
      %parallel_loop3A_1464 = arith.index_cast %parallel_loop3A_1422 : i32 to index
      %parallel_loop3A_1465 = arith.constant 80 : index
      %parallel_loop3A_1466 = tpu.vector_load %arg6[%parallel_loop3A_1464, %parallel_loop3A_1465] {strides = array<i32>} : memref<224x224xf32, #tpu.memory_space<vmem>>, vector<16xf32>,
      %parallel_loop3A_1467 = arith.minimumf %parallel_loop3A_1428, %parallel_loop3A_1466 : vector<16xf32>
      %parallel_loop3A_1468 = arith.maximumf %parallel_loop3A_1436, %parallel_loop3A_1466 : vector<16xf32>
      %parallel_loop3A_1469 = arith.index_cast %parallel_loop3A_1422 : i32 to index
      %parallel_loop3A_1470 = arith.constant 96 : index
      %parallel_loop3A_1471 = tpu.vector_load %arg6[%parallel_loop3A_1469, %parallel_loop3A_1470] {strides = array<i32>} : memref<224x224xf32, #tpu.memory_space<vmem>>, vector<16xf32>,
      %parallel_loop3A_1472 = arith.minimumf %parallel_loop3A_1429, %parallel_loop3A_1471 : vector<16xf32>
      %parallel_loop3A_1473 = arith.maximumf %parallel_loop3A_1437, %parallel_loop3A_1471 : vector<16xf32>
      %parallel_loop3A_1474 = arith.index_cast %parallel_loop3A_1422 : i32 to index
      %parallel_loop3A_1475 = arith.constant 112 : index
      %parallel_loop3A_1476 = tpu.vector_load %arg6[%parallel_loop3A_1474, %parallel_loop3A_1475] {strides = array<i32>} : memref<224x224xf32, #tpu.memory_space<vmem>>, vector<16xf32>,
      %parallel_loop3A_1477 = arith.minimumf %parallel_loop3A_1430, %parallel_loop3A_1476 : vector<16xf32>
      %parallel_loop3A_1478 = arith.maximumf %parallel_loop3A_1438, %parallel_loop3A_1476 : vector<16xf32>
      %parallel_loop3A_1479 = arith.index_cast %parallel_loop3A_1422 : i32 to index
      %parallel_loop3A_1480 = arith.constant 128 : index
      %parallel_loop3A_1481 = tpu.vector_load %arg6[%parallel_loop3A_1479, %parallel_loop3A_1480] {strides = array<i32>} : memref<224x224xf32, #tpu.memory_space<vmem>>, vector<16xf32>,
      %parallel_loop3A_1482 = arith.minimumf %parallel_loop3A_1442, %parallel_loop3A_1481 : vector<16xf32>
      %parallel_loop3A_1483 = arith.maximumf %parallel_loop3A_1443, %parallel_loop3A_1481 : vector<16xf32>
      %parallel_loop3A_1484 = arith.index_cast %parallel_loop3A_1422 : i32 to index
      %parallel_loop3A_1485 = arith.constant 144 : index
      %parallel_loop3A_1486 = tpu.vector_load %arg6[%parallel_loop3A_1484, %parallel_loop3A_1485] {strides = array<i32>} : memref<224x224xf32, #tpu.memory_space<vmem>>, vector<16xf32>,
      %parallel_loop3A_1487 = arith.minimumf %parallel_loop3A_1447, %parallel_loop3A_1486 : vector<16xf32>
      %parallel_loop3A_1488 = arith.maximumf %parallel_loop3A_1448, %parallel_loop3A_1486 : vector<16xf32>
      %parallel_loop3A_1489 = arith.index_cast %parallel_loop3A_1422 : i32 to index
      %parallel_loop3A_1490 = arith.constant 160 : index
      %parallel_loop3A_1491 = tpu.vector_load %arg6[%parallel_loop3A_1489, %parallel_loop3A_1490] {strides = array<i32>} : memref<224x224xf32, #tpu.memory_space<vmem>>, vector<16xf32>,
      %parallel_loop3A_1492 = arith.minimumf %parallel_loop3A_1452, %parallel_loop3A_1491 : vector<16xf32>
      %parallel_loop3A_1493 = arith.maximumf %parallel_loop3A_1453, %parallel_loop3A_1491 : vector<16xf32>
      %parallel_loop3A_1494 = arith.index_cast %parallel_loop3A_1422 : i32 to index
      %parallel_loop3A_1495 = arith.constant 176 : index
      %parallel_loop3A_1496 = tpu.vector_load %arg6[%parallel_loop3A_1494, %parallel_loop3A_1495] {strides = array<i32>} : memref<224x224xf32, #tpu.memory_space<vmem>>, vector<16xf32>,
      %parallel_loop3A_1497 = arith.minimumf %parallel_loop3A_1457, %parallel_loop3A_1496 : vector<16xf32>
      %parallel_loop3A_1498 = arith.maximumf %parallel_loop3A_1458, %parallel_loop3A_1496 : vector<16xf32>
      %parallel_loop3A_1499 = arith.index_cast %parallel_loop3A_1422 : i32 to index
      %parallel_loop3A_1500 = arith.constant 192 : index
      %parallel_loop3A_1501 = tpu.vector_load %arg6[%parallel_loop3A_1499, %parallel_loop3A_1500] {strides = array<i32>} : memref<224x224xf32, #tpu.memory_space<vmem>>, vector<16xf32>,
      %parallel_loop3A_1502 = arith.minimumf %parallel_loop3A_1462, %parallel_loop3A_1501 : vector<16xf32>
      %parallel_loop3A_1503 = arith.maximumf %parallel_loop3A_1463, %parallel_loop3A_1501 : vector<16xf32>
      %parallel_loop3A_1504 = arith.index_cast %parallel_loop3A_1422 : i32 to index
      %parallel_loop3A_1505 = arith.constant 208 : index
      %parallel_loop3A_1506 = tpu.vector_load %arg6[%parallel_loop3A_1504, %parallel_loop3A_1505] {strides = array<i32>} : memref<224x224xf32, #tpu.memory_space<vmem>>, vector<16xf32>,
      %parallel_loop3A_1507 = arith.minimumf %parallel_loop3A_1467, %parallel_loop3A_1506 : vector<16xf32>
      %parallel_loop3A_1508 = arith.maximumf %parallel_loop3A_1468, %parallel_loop3A_1506 : vector<16xf32>
      scf.yield %parallel_loop3A_1482, %parallel_loop3A_1487, %parallel_loop3A_1492, %parallel_loop3A_1497, %parallel_loop3A_1502, %parallel_loop3A_1507, %parallel_loop3A_1472, %parallel_loop3A_1477, %parallel_loop3A_1483, %parallel_loop3A_1488, %parallel_loop3A_1493, %parallel_loop3A_1498, %parallel_loop3A_1503, %parallel_loop3A_1508, %parallel_loop3A_1473, %parallel_loop3A_1478 : vector<16xf32>, vector<16xf32>, vector<16xf32>, vector<16xf32>, vector<16xf32>, vector<16xf32>, vector<16xf32>, vector<16xf32>, vector<16xf32>, vector<16xf32>, vector<16xf32>, vector<16xf32>, vector<16xf32>, vector<16xf32>, vector<16xf32>, vector<16xf32>
    } {sc.loop_unroll_factor = 1 : i64, sc.parallel_access}
    %min3A_1046 = arith.minimumf %parallel_loop3A_1045#0, %parallel_loop3A_1045#1 : vector<16xf32>
    %min3A_1047 = arith.minimumf %parallel_loop3A_1045#2, %parallel_loop3A_1045#3 : vector<16xf32>
    %min3A_1048 = arith.minimumf %parallel_loop3A_1045#4, %parallel_loop3A_1045#5 : vector<16xf32>
    %min3A_1049 = arith.minimumf %parallel_loop3A_1045#6, %parallel_loop3A_1045#7 : vector<16xf32>
    %max3A_1050 = arith.maximumf %parallel_loop3A_1045#8, %parallel_loop3A_1045#9 : vector<16xf32>
    %max3A_1051 = arith.maximumf %parallel_loop3A_1045#10, %parallel_loop3A_1045#11 : vector<16xf32>
    %max3A_1052 = arith.maximumf %parallel_loop3A_1045#12, %parallel_loop3A_1045#13 : vector<16xf32>
    %max3A_1053 = arith.maximumf %parallel_loop3A_1045#14, %parallel_loop3A_1045#15 : vector<16xf32>
    %min3A_1054 = arith.minimumf %min3A_1046, %min3A_1047 : vector<16xf32>
    %min3A_1055 = arith.minimumf %min3A_1048, %min3A_1049 : vector<16xf32>
    %max3A_1056 = arith.maximumf %max3A_1050, %max3A_1051 : vector<16xf32>
    %max3A_1057 = arith.maximumf %max3A_1052, %max3A_1053 : vector<16xf32>
    %min3A_1058 = arith.minimumf %min3A_1054, %min3A_1055 : vector<16xf32>
    %max3A_1059 = arith.maximumf %max3A_1056, %max3A_1057 : vector<16xf32>
    %reduce_min3A_1060 = arith.constant true
    %reduce_min3A_1061 = vector.broadcast %reduce_min3A_1060 : i1 to vector<16xi1>
    %reduce_min3A_1062 = tpu.scan <min>, %min3A_1058 masked %reduce_min3A_1061 : vector<16xf32>, vector<16xi1> -> vector<16xf32>
    %reduce_min3A_1063 = vector.extract %reduce_min3A_1062[15] : f32 from vector<16xf32>
    %reduce_max3A_1064 = arith.constant true
    %reduce_max3A_1065 = vector.broadcast %reduce_max3A_1064 : i1 to vector<16xi1>
    %reduce_max3A_1066 = tpu.scan <max>, %max3A_1059 masked %reduce_max3A_1065 : vector<16xf32>, vector<16xi1> -> vector<16xf32>
    %reduce_max3A_1067 = vector.extract %reduce_max3A_1066[15] : f32 from vector<16xf32>
    %mul3A_1068 = arith.constant 7 : i32
    %mul3A_1069 = arith.muli %add3A_945, %mul3A_1068 : i32
    %get3A_1070 = arith.index_cast %mul3A_1069 : i32 to index
    %get3A_1071 = tpu.vector_load %arg8[%get3A_1070] {strides = array<i32>} : memref<688xf32, #tpu.memory_space<vmem>>, vector<16xf32>,
    %mul3A_1072 = arith.constant 8 : i32
    %mul3A_1073 = arith.muli %add3A_945, %mul3A_1072 : i32
    %get3A_1074 = arith.index_cast %mul3A_1073 : i32 to index
    %get3A_1075 = tpu.vector_load %arg9[%get3A_1074] {strides = array<i32>} : memref<784xf32, #tpu.memory_space<vmem>>, vector<16xf32>,
    %lt3A_1076 = arith.constant 7 : i32
    %lt3A_1077 = vector.broadcast %lt3A_1076 : i32 to vector<16xi32>
    %lt3A_1078 = arith.cmpi slt, %iota3A, %lt3A_1077 : vector<16xi32>
    %sub3A_1079 = arith.subf %reduce_max3A_1067, %reduce_min3A_1063 : f32
    %mul3A_1080 = vector.broadcast %sub3A_1079 : f32 to vector<16xf32>
    %mul3A_1081 = arith.mulf %get3A_1071, %mul3A_1080 : vector<16xf32>
    %add3A_1082 = vector.broadcast %reduce_min3A_1063 : f32 to vector<16xf32>
    %add3A_1083 = arith.addf %mul3A_1081, %add3A_1082 : vector<16xf32>
    %jit3A_1084 = arith.constant 0x7F800000 : f32
    %broadcast_in_dim3A_1085 = vector.broadcast %jit3A_1084 : f32 to vector<16xf32>
    %select_n3A_1086 = arith.select %lt3A_1078, %add3A_1083, %broadcast_in_dim3A_1085 : vector<16xi1>, vector<16xf32>
    %sort3A_1087 = arith.constant dense<true> : vector<16xi1>
    %sort3A_1088, %sort3A_1089, %sort3A_1090 = tpu.sort %select_n3A_1086, %select_n3A_1086 masked %sort3A_1087 : (vector<16xf32>, vector<16xf32>, vector<16xi1>) -> (vector<16xi1>, vector<16xf32>, vector<16xf32>)
    %eq3A_1091 = arith.constant 0 : i32
    %eq3A_1092 = vector.broadcast %eq3A_1091 : i32 to vector<16xi32>
    %eq3A_1093 = arith.cmpi eq, %iota3A, %eq3A_1092 : vector<16xi32>
    %jit3A_1094 = arith.constant 0x7F800000 : f32
    %broadcast_in_dim3A_1095 = vector.broadcast %jit3A_1094 : f32 to vector<16xf32>
    %select_n3A_1096 = arith.select %eq3A_1093, %sort3A_1089, %broadcast_in_dim3A_1095 : vector<16xi1>, vector<16xf32>
    %reduce_min3A_1097 = arith.constant true
    %reduce_min3A_1098 = vector.broadcast %reduce_min3A_1097 : i1 to vector<16xi1>
    %reduce_min3A_1099 = tpu.scan <min>, %select_n3A_1096 masked %reduce_min3A_1098 : vector<16xf32>, vector<16xi1> -> vector<16xf32>
    %reduce_min3A_1100 = vector.extract %reduce_min3A_1099[15] : f32 from vector<16xf32>
    %eq3A_1101 = arith.constant 1 : i32
    %eq3A_1102 = vector.broadcast %eq3A_1101 : i32 to vector<16xi32>
    %eq3A_1103 = arith.cmpi eq, %iota3A, %eq3A_1102 : vector<16xi32>
    %jit3A_1104 = arith.constant 0x7F800000 : f32
    %broadcast_in_dim3A_1105 = vector.broadcast %jit3A_1104 : f32 to vector<16xf32>
    %select_n3A_1106 = arith.select %eq3A_1103, %sort3A_1089, %broadcast_in_dim3A_1105 : vector<16xi1>, vector<16xf32>
    %reduce_min3A_1107 = arith.constant true
    %reduce_min3A_1108 = vector.broadcast %reduce_min3A_1107 : i1 to vector<16xi1>
    %reduce_min3A_1109 = tpu.scan <min>, %select_n3A_1106 masked %reduce_min3A_1108 : vector<16xf32>, vector<16xi1> -> vector<16xf32>
    %reduce_min3A_1110 = vector.extract %reduce_min3A_1109[15] : f32 from vector<16xf32>
    %eq3A_1111 = arith.constant 2 : i32
    %eq3A_1112 = vector.broadcast %eq3A_1111 : i32 to vector<16xi32>
    %eq3A_1113 = arith.cmpi eq, %iota3A, %eq3A_1112 : vector<16xi32>
    %jit3A_1114 = arith.constant 0x7F800000 : f32
    %broadcast_in_dim3A_1115 = vector.broadcast %jit3A_1114 : f32 to vector<16xf32>
    %select_n3A_1116 = arith.select %eq3A_1113, %sort3A_1089, %broadcast_in_dim3A_1115 : vector<16xi1>, vector<16xf32>
    %reduce_min3A_1117 = arith.constant true
    %reduce_min3A_1118 = vector.broadcast %reduce_min3A_1117 : i1 to vector<16xi1>
    %reduce_min3A_1119 = tpu.scan <min>, %select_n3A_1116 masked %reduce_min3A_1118 : vector<16xf32>, vector<16xi1> -> vector<16xf32>
    %reduce_min3A_1120 = vector.extract %reduce_min3A_1119[15] : f32 from vector<16xf32>
    %eq3A_1121 = arith.constant 3 : i32
    %eq3A_1122 = vector.broadcast %eq3A_1121 : i32 to vector<16xi32>
    %eq3A_1123 = arith.cmpi eq, %iota3A, %eq3A_1122 : vector<16xi32>
    %jit3A_1124 = arith.constant 0x7F800000 : f32
    %broadcast_in_dim3A_1125 = vector.broadcast %jit3A_1124 : f32 to vector<16xf32>
    %select_n3A_1126 = arith.select %eq3A_1123, %sort3A_1089, %broadcast_in_dim3A_1125 : vector<16xi1>, vector<16xf32>
    %reduce_min3A_1127 = arith.constant true
    %reduce_min3A_1128 = vector.broadcast %reduce_min3A_1127 : i1 to vector<16xi1>
    %reduce_min3A_1129 = tpu.scan <min>, %select_n3A_1126 masked %reduce_min3A_1128 : vector<16xf32>, vector<16xi1> -> vector<16xf32>
    %reduce_min3A_1130 = vector.extract %reduce_min3A_1129[15] : f32 from vector<16xf32>
    %eq3A_1131 = arith.constant 4 : i32
    %eq3A_1132 = vector.broadcast %eq3A_1131 : i32 to vector<16xi32>
    %eq3A_1133 = arith.cmpi eq, %iota3A, %eq3A_1132 : vector<16xi32>
    %jit3A_1134 = arith.constant 0x7F800000 : f32
    %broadcast_in_dim3A_1135 = vector.broadcast %jit3A_1134 : f32 to vector<16xf32>
    %select_n3A_1136 = arith.select %eq3A_1133, %sort3A_1089, %broadcast_in_dim3A_1135 : vector<16xi1>, vector<16xf32>
    %reduce_min3A_1137 = arith.constant true
    %reduce_min3A_1138 = vector.broadcast %reduce_min3A_1137 : i1 to vector<16xi1>
    %reduce_min3A_1139 = tpu.scan <min>, %select_n3A_1136 masked %reduce_min3A_1138 : vector<16xf32>, vector<16xi1> -> vector<16xf32>
    %reduce_min3A_1140 = vector.extract %reduce_min3A_1139[15] : f32 from vector<16xf32>
    %eq3A_1141 = arith.constant 5 : i32
    %eq3A_1142 = vector.broadcast %eq3A_1141 : i32 to vector<16xi32>
    %eq3A_1143 = arith.cmpi eq, %iota3A, %eq3A_1142 : vector<16xi32>
    %jit3A_1144 = arith.constant 0x7F800000 : f32
    %broadcast_in_dim3A_1145 = vector.broadcast %jit3A_1144 : f32 to vector<16xf32>
    %select_n3A_1146 = arith.select %eq3A_1143, %sort3A_1089, %broadcast_in_dim3A_1145 : vector<16xi1>, vector<16xf32>
    %reduce_min3A_1147 = arith.constant true
    %reduce_min3A_1148 = vector.broadcast %reduce_min3A_1147 : i1 to vector<16xi1>
    %reduce_min3A_1149 = tpu.scan <min>, %select_n3A_1146 masked %reduce_min3A_1148 : vector<16xf32>, vector<16xi1> -> vector<16xf32>
    %reduce_min3A_1150 = vector.extract %reduce_min3A_1149[15] : f32 from vector<16xf32>
    %eq3A_1151 = arith.constant 6 : i32
    %eq3A_1152 = vector.broadcast %eq3A_1151 : i32 to vector<16xi32>
    %eq3A_1153 = arith.cmpi eq, %iota3A, %eq3A_1152 : vector<16xi32>
    %jit3A_1154 = arith.constant 0x7F800000 : f32
    %broadcast_in_dim3A_1155 = vector.broadcast %jit3A_1154 : f32 to vector<16xf32>
    %select_n3A_1156 = arith.select %eq3A_1153, %sort3A_1089, %broadcast_in_dim3A_1155 : vector<16xi1>, vector<16xf32>
    %reduce_min3A_1157 = arith.constant true
    %reduce_min3A_1158 = vector.broadcast %reduce_min3A_1157 : i1 to vector<16xi1>
    %reduce_min3A_1159 = tpu.scan <min>, %select_n3A_1156 masked %reduce_min3A_1158 : vector<16xf32>, vector<16xi1> -> vector<16xf32>
    %reduce_min3A_1160 = vector.extract %reduce_min3A_1159[15] : f32 from vector<16xf32>
    %eq3A_1161 = arith.constant 0 : i32
    %eq3A_1162 = vector.broadcast %eq3A_1161 : i32 to vector<16xi32>
    %eq3A_1163 = arith.cmpi eq, %iota3A, %eq3A_1162 : vector<16xi32>
    %jit3A_1164 = arith.constant 0x7F800000 : f32
    %broadcast_in_dim3A_1165 = vector.broadcast %jit3A_1164 : f32 to vector<16xf32>
    %select_n3A_1166 = arith.select %eq3A_1163, %get3A_1075, %broadcast_in_dim3A_1165 : vector<16xi1>, vector<16xf32>
    %reduce_min3A_1167 = arith.constant true
    %reduce_min3A_1168 = vector.broadcast %reduce_min3A_1167 : i1 to vector<16xi1>
    %reduce_min3A_1169 = tpu.scan <min>, %select_n3A_1166 masked %reduce_min3A_1168 : vector<16xf32>, vector<16xi1> -> vector<16xf32>
    %reduce_min3A_1170 = vector.extract %reduce_min3A_1169[15] : f32 from vector<16xf32>
    %eq3A_1171 = arith.constant 1 : i32
    %eq3A_1172 = vector.broadcast %eq3A_1171 : i32 to vector<16xi32>
    %eq3A_1173 = arith.cmpi eq, %iota3A, %eq3A_1172 : vector<16xi32>
    %jit3A_1174 = arith.constant 0x7F800000 : f32
    %broadcast_in_dim3A_1175 = vector.broadcast %jit3A_1174 : f32 to vector<16xf32>
    %select_n3A_1176 = arith.select %eq3A_1173, %get3A_1075, %broadcast_in_dim3A_1175 : vector<16xi1>, vector<16xf32>
    %reduce_min3A_1177 = arith.constant true
    %reduce_min3A_1178 = vector.broadcast %reduce_min3A_1177 : i1 to vector<16xi1>
    %reduce_min3A_1179 = tpu.scan <min>, %select_n3A_1176 masked %reduce_min3A_1178 : vector<16xf32>, vector<16xi1> -> vector<16xf32>
    %reduce_min3A_1180 = vector.extract %reduce_min3A_1179[15] : f32 from vector<16xf32>
    %eq3A_1181 = arith.constant 2 : i32
    %eq3A_1182 = vector.broadcast %eq3A_1181 : i32 to vector<16xi32>
    %eq3A_1183 = arith.cmpi eq, %iota3A, %eq3A_1182 : vector<16xi32>
    %jit3A_1184 = arith.constant 0x7F800000 : f32
    %broadcast_in_dim3A_1185 = vector.broadcast %jit3A_1184 : f32 to vector<16xf32>
    %select_n3A_1186 = arith.select %eq3A_1183, %get3A_1075, %broadcast_in_dim3A_1185 : vector<16xi1>, vector<16xf32>
    %reduce_min3A_1187 = arith.constant true
    %reduce_min3A_1188 = vector.broadcast %reduce_min3A_1187 : i1 to vector<16xi1>
    %reduce_min3A_1189 = tpu.scan <min>, %select_n3A_1186 masked %reduce_min3A_1188 : vector<16xf32>, vector<16xi1> -> vector<16xf32>
    %reduce_min3A_1190 = vector.extract %reduce_min3A_1189[15] : f32 from vector<16xf32>
    %eq3A_1191 = arith.constant 3 : i32
    %eq3A_1192 = vector.broadcast %eq3A_1191 : i32 to vector<16xi32>
    %eq3A_1193 = arith.cmpi eq, %iota3A, %eq3A_1192 : vector<16xi32>
    %jit3A_1194 = arith.constant 0x7F800000 : f32
    %broadcast_in_dim3A_1195 = vector.broadcast %jit3A_1194 : f32 to vector<16xf32>
    %select_n3A_1196 = arith.select %eq3A_1193, %get3A_1075, %broadcast_in_dim3A_1195 : vector<16xi1>, vector<16xf32>
    %reduce_min3A_1197 = arith.constant true
    %reduce_min3A_1198 = vector.broadcast %reduce_min3A_1197 : i1 to vector<16xi1>
    %reduce_min3A_1199 = tpu.scan <min>, %select_n3A_1196 masked %reduce_min3A_1198 : vector<16xf32>, vector<16xi1> -> vector<16xf32>
    %reduce_min3A_1200 = vector.extract %reduce_min3A_1199[15] : f32 from vector<16xf32>
    %eq3A_1201 = arith.constant 4 : i32
    %eq3A_1202 = vector.broadcast %eq3A_1201 : i32 to vector<16xi32>
    %eq3A_1203 = arith.cmpi eq, %iota3A, %eq3A_1202 : vector<16xi32>
    %jit3A_1204 = arith.constant 0x7F800000 : f32
    %broadcast_in_dim3A_1205 = vector.broadcast %jit3A_1204 : f32 to vector<16xf32>
    %select_n3A_1206 = arith.select %eq3A_1203, %get3A_1075, %broadcast_in_dim3A_1205 : vector<16xi1>, vector<16xf32>
    %reduce_min3A_1207 = arith.constant true
    %reduce_min3A_1208 = vector.broadcast %reduce_min3A_1207 : i1 to vector<16xi1>
    %reduce_min3A_1209 = tpu.scan <min>, %select_n3A_1206 masked %reduce_min3A_1208 : vector<16xf32>, vector<16xi1> -> vector<16xf32>
    %reduce_min3A_1210 = vector.extract %reduce_min3A_1209[15] : f32 from vector<16xf32>
    %eq3A_1211 = arith.constant 5 : i32
    %eq3A_1212 = vector.broadcast %eq3A_1211 : i32 to vector<16xi32>
    %eq3A_1213 = arith.cmpi eq, %iota3A, %eq3A_1212 : vector<16xi32>
    %jit3A_1214 = arith.constant 0x7F800000 : f32
    %broadcast_in_dim3A_1215 = vector.broadcast %jit3A_1214 : f32 to vector<16xf32>
    %select_n3A_1216 = arith.select %eq3A_1213, %get3A_1075, %broadcast_in_dim3A_1215 : vector<16xi1>, vector<16xf32>
    %reduce_min3A_1217 = arith.constant true
    %reduce_min3A_1218 = vector.broadcast %reduce_min3A_1217 : i1 to vector<16xi1>
    %reduce_min3A_1219 = tpu.scan <min>, %select_n3A_1216 masked %reduce_min3A_1218 : vector<16xf32>, vector<16xi1> -> vector<16xf32>
    %reduce_min3A_1220 = vector.extract %reduce_min3A_1219[15] : f32 from vector<16xf32>
    %eq3A_1221 = arith.constant 6 : i32
    %eq3A_1222 = vector.broadcast %eq3A_1221 : i32 to vector<16xi32>
    %eq3A_1223 = arith.cmpi eq, %iota3A, %eq3A_1222 : vector<16xi32>
    %jit3A_1224 = arith.constant 0x7F800000 : f32
    %broadcast_in_dim3A_1225 = vector.broadcast %jit3A_1224 : f32 to vector<16xf32>
    %select_n3A_1226 = arith.select %eq3A_1223, %get3A_1075, %broadcast_in_dim3A_1225 : vector<16xi1>, vector<16xf32>
    %reduce_min3A_1227 = arith.constant true
    %reduce_min3A_1228 = vector.broadcast %reduce_min3A_1227 : i1 to vector<16xi1>
    %reduce_min3A_1229 = tpu.scan <min>, %select_n3A_1226 masked %reduce_min3A_1228 : vector<16xf32>, vector<16xi1> -> vector<16xf32>
    %reduce_min3A_1230 = vector.extract %reduce_min3A_1229[15] : f32 from vector<16xf32>
    %eq3A_1231 = arith.constant 7 : i32
    %eq3A_1232 = vector.broadcast %eq3A_1231 : i32 to vector<16xi32>
    %eq3A_1233 = arith.cmpi eq, %iota3A, %eq3A_1232 : vector<16xi32>
    %jit3A_1234 = arith.constant 0x7F800000 : f32
    %broadcast_in_dim3A_1235 = vector.broadcast %jit3A_1234 : f32 to vector<16xf32>
    %select_n3A_1236 = arith.select %eq3A_1233, %get3A_1075, %broadcast_in_dim3A_1235 : vector<16xi1>, vector<16xf32>
    %reduce_min3A_1237 = arith.constant true
    %reduce_min3A_1238 = vector.broadcast %reduce_min3A_1237 : i1 to vector<16xi1>
    %reduce_min3A_1239 = tpu.scan <min>, %select_n3A_1236 masked %reduce_min3A_1238 : vector<16xf32>, vector<16xi1> -> vector<16xf32>
    %reduce_min3A_1240 = vector.extract %reduce_min3A_1239[15] : f32 from vector<16xf32>
    %add3A_1241 = arith.constant 9.99999997E-7 : f32
    %add3A_1242 = arith.addf %reduce_max3A_1067, %add3A_1241 : f32
    %sub3A_1243 = arith.subf %reduce_min3A_1100, %reduce_min3A_1063 : f32
    %mul3A_1244 = arith.mulf %reduce_min3A_1170, %sub3A_1243 : f32
    %add3A_1245 = arith.addf %reduce_min3A_1063, %mul3A_1244 : f32
    %sub3A_1246 = arith.subf %reduce_min3A_1110, %reduce_min3A_1100 : f32
    %mul3A_1247 = arith.mulf %reduce_min3A_1180, %sub3A_1246 : f32
    %add3A_1248 = arith.addf %reduce_min3A_1100, %mul3A_1247 : f32
    %sub3A_1249 = arith.subf %reduce_min3A_1120, %reduce_min3A_1110 : f32
    %mul3A_1250 = arith.mulf %reduce_min3A_1190, %sub3A_1249 : f32
    %add3A_1251 = arith.addf %reduce_min3A_1110, %mul3A_1250 : f32
    %sub3A_1252 = arith.subf %reduce_min3A_1130, %reduce_min3A_1120 : f32
    %mul3A_1253 = arith.mulf %reduce_min3A_1200, %sub3A_1252 : f32
    %add3A_1254 = arith.addf %reduce_min3A_1120, %mul3A_1253 : f32
    %sub3A_1255 = arith.subf %reduce_min3A_1140, %reduce_min3A_1130 : f32
    %mul3A_1256 = arith.mulf %reduce_min3A_1210, %sub3A_1255 : f32
    %add3A_1257 = arith.addf %reduce_min3A_1130, %mul3A_1256 : f32
    %sub3A_1258 = arith.subf %reduce_min3A_1150, %reduce_min3A_1140 : f32
    %mul3A_1259 = arith.mulf %reduce_min3A_1220, %sub3A_1258 : f32
    %add3A_1260 = arith.addf %reduce_min3A_1140, %mul3A_1259 : f32
    %sub3A_1261 = arith.subf %reduce_min3A_1160, %reduce_min3A_1150 : f32
    %mul3A_1262 = arith.mulf %reduce_min3A_1230, %sub3A_1261 : f32
    %add3A_1263 = arith.addf %reduce_min3A_1150, %mul3A_1262 : f32
    %sub3A_1264 = arith.subf %add3A_1242, %reduce_min3A_1160 : f32
    %mul3A_1265 = arith.mulf %reduce_min3A_1240, %sub3A_1264 : f32
    %add3A_1266 = arith.addf %reduce_min3A_1160, %mul3A_1265 : f32
    %parallel_loop3A_1267 = arith.constant 0 : i32
    %parallel_loop3A_1268 = arith.constant 224 : i32
    %parallel_loop3A_1269 = arith.constant 1 : i32
    scf.for %parallel_loop3A_1422 = %parallel_loop3A_1267 to %parallel_loop3A_1268 step %parallel_loop3A_1269  : i32 {
      %parallel_loop3A_1423 = arith.index_cast %parallel_loop3A_1422 : i32 to index
      %parallel_loop3A_1424 = arith.constant 0 : index
      %parallel_loop3A_1425 = tpu.vector_load %arg6[%parallel_loop3A_1423, %parallel_loop3A_1424] {strides = array<i32>} : memref<224x224xf32, #tpu.memory_space<vmem>>, vector<16xf32>,
      %parallel_loop3A_1426 = vector.broadcast %add3A_1245 : f32 to vector<16xf32>
      %parallel_loop3A_1427 = vector.broadcast %reduce_min3A_1100 : f32 to vector<16xf32>
      %parallel_loop3A_1428 = arith.cmpf oge, %parallel_loop3A_1425, %parallel_loop3A_1427 : vector<16xf32>
      %parallel_loop3A_1429 = vector.broadcast %add3A_1248 : f32 to vector<16xf32>
      %parallel_loop3A_1430 = arith.select %parallel_loop3A_1428, %parallel_loop3A_1429, %parallel_loop3A_1426 : vector<16xi1>, vector<16xf32>
      %parallel_loop3A_1431 = vector.broadcast %reduce_min3A_1110 : f32 to vector<16xf32>
      %parallel_loop3A_1432 = arith.cmpf oge, %parallel_loop3A_1425, %parallel_loop3A_1431 : vector<16xf32>
      %parallel_loop3A_1433 = vector.broadcast %add3A_1251 : f32 to vector<16xf32>
      %parallel_loop3A_1434 = arith.select %parallel_loop3A_1432, %parallel_loop3A_1433, %parallel_loop3A_1430 : vector<16xi1>, vector<16xf32>
      %parallel_loop3A_1435 = vector.broadcast %reduce_min3A_1120 : f32 to vector<16xf32>
      %parallel_loop3A_1436 = arith.cmpf oge, %parallel_loop3A_1425, %parallel_loop3A_1435 : vector<16xf32>
      %parallel_loop3A_1437 = vector.broadcast %add3A_1254 : f32 to vector<16xf32>
      %parallel_loop3A_1438 = arith.select %parallel_loop3A_1436, %parallel_loop3A_1437, %parallel_loop3A_1434 : vector<16xi1>, vector<16xf32>
      %parallel_loop3A_1439 = vector.broadcast %reduce_min3A_1130 : f32 to vector<16xf32>
      %parallel_loop3A_1440 = arith.cmpf oge, %parallel_loop3A_1425, %parallel_loop3A_1439 : vector<16xf32>
      %parallel_loop3A_1441 = vector.broadcast %add3A_1257 : f32 to vector<16xf32>
      %parallel_loop3A_1442 = arith.select %parallel_loop3A_1440, %parallel_loop3A_1441, %parallel_loop3A_1438 : vector<16xi1>, vector<16xf32>
      %parallel_loop3A_1443 = vector.broadcast %reduce_min3A_1140 : f32 to vector<16xf32>
      %parallel_loop3A_1444 = arith.cmpf oge, %parallel_loop3A_1425, %parallel_loop3A_1443 : vector<16xf32>
      %parallel_loop3A_1445 = vector.broadcast %add3A_1260 : f32 to vector<16xf32>
      %parallel_loop3A_1446 = arith.select %parallel_loop3A_1444, %parallel_loop3A_1445, %parallel_loop3A_1442 : vector<16xi1>, vector<16xf32>
      %parallel_loop3A_1447 = vector.broadcast %reduce_min3A_1150 : f32 to vector<16xf32>
      %parallel_loop3A_1448 = arith.cmpf oge, %parallel_loop3A_1425, %parallel_loop3A_1447 : vector<16xf32>
      %parallel_loop3A_1449 = vector.broadcast %add3A_1263 : f32 to vector<16xf32>
      %parallel_loop3A_1450 = arith.select %parallel_loop3A_1448, %parallel_loop3A_1449, %parallel_loop3A_1446 : vector<16xi1>, vector<16xf32>
      %parallel_loop3A_1451 = vector.broadcast %reduce_min3A_1160 : f32 to vector<16xf32>
      %parallel_loop3A_1452 = arith.cmpf oge, %parallel_loop3A_1425, %parallel_loop3A_1451 : vector<16xf32>
      %parallel_loop3A_1453 = vector.broadcast %add3A_1266 : f32 to vector<16xf32>
      %parallel_loop3A_1454 = arith.select %parallel_loop3A_1452, %parallel_loop3A_1453, %parallel_loop3A_1450 : vector<16xi1>, vector<16xf32>
      %parallel_loop3A_1455 = arith.index_cast %parallel_loop3A_1422 : i32 to index
      %parallel_loop3A_1456 = arith.constant 0 : index
      %parallel_loop3A_1457 = tpu.vector_load %arg6[%parallel_loop3A_1455, %parallel_loop3A_1456] {strides = array<i32>} : memref<224x224xf32, #tpu.memory_space<vmem>>, vector<16xf32>,
      tpu.vector_store %arg6[%parallel_loop3A_1455, %parallel_loop3A_1456], %parallel_loop3A_1454 {strides = array<i32>} : memref<224x224xf32, #tpu.memory_space<vmem>>, vector<16xf32>,
      %parallel_loop3A_1458 = arith.index_cast %parallel_loop3A_1422 : i32 to index
      %parallel_loop3A_1459 = arith.constant 16 : index
      %parallel_loop3A_1460 = tpu.vector_load %arg6[%parallel_loop3A_1458, %parallel_loop3A_1459] {strides = array<i32>} : memref<224x224xf32, #tpu.memory_space<vmem>>, vector<16xf32>,
      %parallel_loop3A_1461 = vector.broadcast %add3A_1245 : f32 to vector<16xf32>
      %parallel_loop3A_1462 = vector.broadcast %reduce_min3A_1100 : f32 to vector<16xf32>
      %parallel_loop3A_1463 = arith.cmpf oge, %parallel_loop3A_1460, %parallel_loop3A_1462 : vector<16xf32>
      %parallel_loop3A_1464 = vector.broadcast %add3A_1248 : f32 to vector<16xf32>
      %parallel_loop3A_1465 = arith.select %parallel_loop3A_1463, %parallel_loop3A_1464, %parallel_loop3A_1461 : vector<16xi1>, vector<16xf32>
      %parallel_loop3A_1466 = vector.broadcast %reduce_min3A_1110 : f32 to vector<16xf32>
      %parallel_loop3A_1467 = arith.cmpf oge, %parallel_loop3A_1460, %parallel_loop3A_1466 : vector<16xf32>
      %parallel_loop3A_1468 = vector.broadcast %add3A_1251 : f32 to vector<16xf32>
      %parallel_loop3A_1469 = arith.select %parallel_loop3A_1467, %parallel_loop3A_1468, %parallel_loop3A_1465 : vector<16xi1>, vector<16xf32>
      %parallel_loop3A_1470 = vector.broadcast %reduce_min3A_1120 : f32 to vector<16xf32>
      %parallel_loop3A_1471 = arith.cmpf oge, %parallel_loop3A_1460, %parallel_loop3A_1470 : vector<16xf32>
      %parallel_loop3A_1472 = vector.broadcast %add3A_1254 : f32 to vector<16xf32>
      %parallel_loop3A_1473 = arith.select %parallel_loop3A_1471, %parallel_loop3A_1472, %parallel_loop3A_1469 : vector<16xi1>, vector<16xf32>
      %parallel_loop3A_1474 = vector.broadcast %reduce_min3A_1130 : f32 to vector<16xf32>
      %parallel_loop3A_1475 = arith.cmpf oge, %parallel_loop3A_1460, %parallel_loop3A_1474 : vector<16xf32>
      %parallel_loop3A_1476 = vector.broadcast %add3A_1257 : f32 to vector<16xf32>
      %parallel_loop3A_1477 = arith.select %parallel_loop3A_1475, %parallel_loop3A_1476, %parallel_loop3A_1473 : vector<16xi1>, vector<16xf32>
      %parallel_loop3A_1478 = vector.broadcast %reduce_min3A_1140 : f32 to vector<16xf32>
      %parallel_loop3A_1479 = arith.cmpf oge, %parallel_loop3A_1460, %parallel_loop3A_1478 : vector<16xf32>
      %parallel_loop3A_1480 = vector.broadcast %add3A_1260 : f32 to vector<16xf32>
      %parallel_loop3A_1481 = arith.select %parallel_loop3A_1479, %parallel_loop3A_1480, %parallel_loop3A_1477 : vector<16xi1>, vector<16xf32>
      %parallel_loop3A_1482 = vector.broadcast %reduce_min3A_1150 : f32 to vector<16xf32>
      %parallel_loop3A_1483 = arith.cmpf oge, %parallel_loop3A_1460, %parallel_loop3A_1482 : vector<16xf32>
      %parallel_loop3A_1484 = vector.broadcast %add3A_1263 : f32 to vector<16xf32>
      %parallel_loop3A_1485 = arith.select %parallel_loop3A_1483, %parallel_loop3A_1484, %parallel_loop3A_1481 : vector<16xi1>, vector<16xf32>
      %parallel_loop3A_1486 = vector.broadcast %reduce_min3A_1160 : f32 to vector<16xf32>
      %parallel_loop3A_1487 = arith.cmpf oge, %parallel_loop3A_1460, %parallel_loop3A_1486 : vector<16xf32>
      %parallel_loop3A_1488 = vector.broadcast %add3A_1266 : f32 to vector<16xf32>
      %parallel_loop3A_1489 = arith.select %parallel_loop3A_1487, %parallel_loop3A_1488, %parallel_loop3A_1485 : vector<16xi1>, vector<16xf32>
      %parallel_loop3A_1490 = arith.index_cast %parallel_loop3A_1422 : i32 to index
      %parallel_loop3A_1491 = arith.constant 16 : index
      %parallel_loop3A_1492 = tpu.vector_load %arg6[%parallel_loop3A_1490, %parallel_loop3A_1491] {strides = array<i32>} : memref<224x224xf32, #tpu.memory_space<vmem>>, vector<16xf32>,
      tpu.vector_store %arg6[%parallel_loop3A_1490, %parallel_loop3A_1491], %parallel_loop3A_1489 {strides = array<i32>} : memref<224x224xf32, #tpu.memory_space<vmem>>, vector<16xf32>,
      %parallel_loop3A_1493 = arith.index_cast %parallel_loop3A_1422 : i32 to index
      %parallel_loop3A_1494 = arith.constant 32 : index
      %parallel_loop3A_1495 = tpu.vector_load %arg6[%parallel_loop3A_1493, %parallel_loop3A_1494] {strides = array<i32>} : memref<224x224xf32, #tpu.memory_space<vmem>>, vector<16xf32>,
      %parallel_loop3A_1496 = vector.broadcast %add3A_1245 : f32 to vector<16xf32>
      %parallel_loop3A_1497 = vector.broadcast %reduce_min3A_1100 : f32 to vector<16xf32>
      %parallel_loop3A_1498 = arith.cmpf oge, %parallel_loop3A_1495, %parallel_loop3A_1497 : vector<16xf32>
      %parallel_loop3A_1499 = vector.broadcast %add3A_1248 : f32 to vector<16xf32>
      %parallel_loop3A_1500 = arith.select %parallel_loop3A_1498, %parallel_loop3A_1499, %parallel_loop3A_1496 : vector<16xi1>, vector<16xf32>
      %parallel_loop3A_1501 = vector.broadcast %reduce_min3A_1110 : f32 to vector<16xf32>
      %parallel_loop3A_1502 = arith.cmpf oge, %parallel_loop3A_1495, %parallel_loop3A_1501 : vector<16xf32>
      %parallel_loop3A_1503 = vector.broadcast %add3A_1251 : f32 to vector<16xf32>
      %parallel_loop3A_1504 = arith.select %parallel_loop3A_1502, %parallel_loop3A_1503, %parallel_loop3A_1500 : vector<16xi1>, vector<16xf32>
      %parallel_loop3A_1505 = vector.broadcast %reduce_min3A_1120 : f32 to vector<16xf32>
      %parallel_loop3A_1506 = arith.cmpf oge, %parallel_loop3A_1495, %parallel_loop3A_1505 : vector<16xf32>
      %parallel_loop3A_1507 = vector.broadcast %add3A_1254 : f32 to vector<16xf32>
      %parallel_loop3A_1508 = arith.select %parallel_loop3A_1506, %parallel_loop3A_1507, %parallel_loop3A_1504 : vector<16xi1>, vector<16xf32>
      %parallel_loop3A_1509 = vector.broadcast %reduce_min3A_1130 : f32 to vector<16xf32>
      %parallel_loop3A_1510 = arith.cmpf oge, %parallel_loop3A_1495, %parallel_loop3A_1509 : vector<16xf32>
      %parallel_loop3A_1511 = vector.broadcast %add3A_1257 : f32 to vector<16xf32>
      %parallel_loop3A_1512 = arith.select %parallel_loop3A_1510, %parallel_loop3A_1511, %parallel_loop3A_1508 : vector<16xi1>, vector<16xf32>
      %parallel_loop3A_1513 = vector.broadcast %reduce_min3A_1140 : f32 to vector<16xf32>
      %parallel_loop3A_1514 = arith.cmpf oge, %parallel_loop3A_1495, %parallel_loop3A_1513 : vector<16xf32>
      %parallel_loop3A_1515 = vector.broadcast %add3A_1260 : f32 to vector<16xf32>
      %parallel_loop3A_1516 = arith.select %parallel_loop3A_1514, %parallel_loop3A_1515, %parallel_loop3A_1512 : vector<16xi1>, vector<16xf32>
      %parallel_loop3A_1517 = vector.broadcast %reduce_min3A_1150 : f32 to vector<16xf32>
      %parallel_loop3A_1518 = arith.cmpf oge, %parallel_loop3A_1495, %parallel_loop3A_1517 : vector<16xf32>
      %parallel_loop3A_1519 = vector.broadcast %add3A_1263 : f32 to vector<16xf32>
      %parallel_loop3A_1520 = arith.select %parallel_loop3A_1518, %parallel_loop3A_1519, %parallel_loop3A_1516 : vector<16xi1>, vector<16xf32>
      %parallel_loop3A_1521 = vector.broadcast %reduce_min3A_1160 : f32 to vector<16xf32>
      %parallel_loop3A_1522 = arith.cmpf oge, %parallel_loop3A_1495, %parallel_loop3A_1521 : vector<16xf32>
      %parallel_loop3A_1523 = vector.broadcast %add3A_1266 : f32 to vector<16xf32>
      %parallel_loop3A_1524 = arith.select %parallel_loop3A_1522, %parallel_loop3A_1523, %parallel_loop3A_1520 : vector<16xi1>, vector<16xf32>
      %parallel_loop3A_1525 = arith.index_cast %parallel_loop3A_1422 : i32 to index
      %parallel_loop3A_1526 = arith.constant 32 : index
      %parallel_loop3A_1527 = tpu.vector_load %arg6[%parallel_loop3A_1525, %parallel_loop3A_1526] {strides = array<i32>} : memref<224x224xf32, #tpu.memory_space<vmem>>, vector<16xf32>,
      tpu.vector_store %arg6[%parallel_loop3A_1525, %parallel_loop3A_1526], %parallel_loop3A_1524 {strides = array<i32>} : memref<224x224xf32, #tpu.memory_space<vmem>>, vector<16xf32>,
      %parallel_loop3A_1528 = arith.index_cast %parallel_loop3A_1422 : i32 to index
      %parallel_loop3A_1529 = arith.constant 48 : index
      %parallel_loop3A_1530 = tpu.vector_load %arg6[%parallel_loop3A_1528, %parallel_loop3A_1529] {strides = array<i32>} : memref<224x224xf32, #tpu.memory_space<vmem>>, vector<16xf32>,
      %parallel_loop3A_1531 = vector.broadcast %add3A_1245 : f32 to vector<16xf32>
      %parallel_loop3A_1532 = vector.broadcast %reduce_min3A_1100 : f32 to vector<16xf32>
      %parallel_loop3A_1533 = arith.cmpf oge, %parallel_loop3A_1530, %parallel_loop3A_1532 : vector<16xf32>
      %parallel_loop3A_1534 = vector.broadcast %add3A_1248 : f32 to vector<16xf32>
      %parallel_loop3A_1535 = arith.select %parallel_loop3A_1533, %parallel_loop3A_1534, %parallel_loop3A_1531 : vector<16xi1>, vector<16xf32>
      %parallel_loop3A_1536 = vector.broadcast %reduce_min3A_1110 : f32 to vector<16xf32>
      %parallel_loop3A_1537 = arith.cmpf oge, %parallel_loop3A_1530, %parallel_loop3A_1536 : vector<16xf32>
      %parallel_loop3A_1538 = vector.broadcast %add3A_1251 : f32 to vector<16xf32>
      %parallel_loop3A_1539 = arith.select %parallel_loop3A_1537, %parallel_loop3A_1538, %parallel_loop3A_1535 : vector<16xi1>, vector<16xf32>
      %parallel_loop3A_1540 = vector.broadcast %reduce_min3A_1120 : f32 to vector<16xf32>
      %parallel_loop3A_1541 = arith.cmpf oge, %parallel_loop3A_1530, %parallel_loop3A_1540 : vector<16xf32>
      %parallel_loop3A_1542 = vector.broadcast %add3A_1254 : f32 to vector<16xf32>
      %parallel_loop3A_1543 = arith.select %parallel_loop3A_1541, %parallel_loop3A_1542, %parallel_loop3A_1539 : vector<16xi1>, vector<16xf32>
      %parallel_loop3A_1544 = vector.broadcast %reduce_min3A_1130 : f32 to vector<16xf32>
      %parallel_loop3A_1545 = arith.cmpf oge, %parallel_loop3A_1530, %parallel_loop3A_1544 : vector<16xf32>
      %parallel_loop3A_1546 = vector.broadcast %add3A_1257 : f32 to vector<16xf32>
      %parallel_loop3A_1547 = arith.select %parallel_loop3A_1545, %parallel_loop3A_1546, %parallel_loop3A_1543 : vector<16xi1>, vector<16xf32>
      %parallel_loop3A_1548 = vector.broadcast %reduce_min3A_1140 : f32 to vector<16xf32>
      %parallel_loop3A_1549 = arith.cmpf oge, %parallel_loop3A_1530, %parallel_loop3A_1548 : vector<16xf32>
      %parallel_loop3A_1550 = vector.broadcast %add3A_1260 : f32 to vector<16xf32>
      %parallel_loop3A_1551 = arith.select %parallel_loop3A_1549, %parallel_loop3A_1550, %parallel_loop3A_1547 : vector<16xi1>, vector<16xf32>
      %parallel_loop3A_1552 = vector.broadcast %reduce_min3A_1150 : f32 to vector<16xf32>
      %parallel_loop3A_1553 = arith.cmpf oge, %parallel_loop3A_1530, %parallel_loop3A_1552 : vector<16xf32>
      %parallel_loop3A_1554 = vector.broadcast %add3A_1263 : f32 to vector<16xf32>
      %parallel_loop3A_1555 = arith.select %parallel_loop3A_1553, %parallel_loop3A_1554, %parallel_loop3A_1551 : vector<16xi1>, vector<16xf32>
      %parallel_loop3A_1556 = vector.broadcast %reduce_min3A_1160 : f32 to vector<16xf32>
      %parallel_loop3A_1557 = arith.cmpf oge, %parallel_loop3A_1530, %parallel_loop3A_1556 : vector<16xf32>
      %parallel_loop3A_1558 = vector.broadcast %add3A_1266 : f32 to vector<16xf32>
      %parallel_loop3A_1559 = arith.select %parallel_loop3A_1557, %parallel_loop3A_1558, %parallel_loop3A_1555 : vector<16xi1>, vector<16xf32>
      %parallel_loop3A_1560 = arith.index_cast %parallel_loop3A_1422 : i32 to index
      %parallel_loop3A_1561 = arith.constant 48 : index
      %parallel_loop3A_1562 = tpu.vector_load %arg6[%parallel_loop3A_1560, %parallel_loop3A_1561] {strides = array<i32>} : memref<224x224xf32, #tpu.memory_space<vmem>>, vector<16xf32>,
      tpu.vector_store %arg6[%parallel_loop3A_1560, %parallel_loop3A_1561], %parallel_loop3A_1559 {strides = array<i32>} : memref<224x224xf32, #tpu.memory_space<vmem>>, vector<16xf32>,
      %parallel_loop3A_1563 = arith.index_cast %parallel_loop3A_1422 : i32 to index
      %parallel_loop3A_1564 = arith.constant 64 : index
      %parallel_loop3A_1565 = tpu.vector_load %arg6[%parallel_loop3A_1563, %parallel_loop3A_1564] {strides = array<i32>} : memref<224x224xf32, #tpu.memory_space<vmem>>, vector<16xf32>,
      %parallel_loop3A_1566 = vector.broadcast %add3A_1245 : f32 to vector<16xf32>
      %parallel_loop3A_1567 = vector.broadcast %reduce_min3A_1100 : f32 to vector<16xf32>
      %parallel_loop3A_1568 = arith.cmpf oge, %parallel_loop3A_1565, %parallel_loop3A_1567 : vector<16xf32>
      %parallel_loop3A_1569 = vector.broadcast %add3A_1248 : f32 to vector<16xf32>
      %parallel_loop3A_1570 = arith.select %parallel_loop3A_1568, %parallel_loop3A_1569, %parallel_loop3A_1566 : vector<16xi1>, vector<16xf32>
      %parallel_loop3A_1571 = vector.broadcast %reduce_min3A_1110 : f32 to vector<16xf32>
      %parallel_loop3A_1572 = arith.cmpf oge, %parallel_loop3A_1565, %parallel_loop3A_1571 : vector<16xf32>
      %parallel_loop3A_1573 = vector.broadcast %add3A_1251 : f32 to vector<16xf32>
      %parallel_loop3A_1574 = arith.select %parallel_loop3A_1572, %parallel_loop3A_1573, %parallel_loop3A_1570 : vector<16xi1>, vector<16xf32>
      %parallel_loop3A_1575 = vector.broadcast %reduce_min3A_1120 : f32 to vector<16xf32>
      %parallel_loop3A_1576 = arith.cmpf oge, %parallel_loop3A_1565, %parallel_loop3A_1575 : vector<16xf32>
      %parallel_loop3A_1577 = vector.broadcast %add3A_1254 : f32 to vector<16xf32>
      %parallel_loop3A_1578 = arith.select %parallel_loop3A_1576, %parallel_loop3A_1577, %parallel_loop3A_1574 : vector<16xi1>, vector<16xf32>
      %parallel_loop3A_1579 = vector.broadcast %reduce_min3A_1130 : f32 to vector<16xf32>
      %parallel_loop3A_1580 = arith.cmpf oge, %parallel_loop3A_1565, %parallel_loop3A_1579 : vector<16xf32>
      %parallel_loop3A_1581 = vector.broadcast %add3A_1257 : f32 to vector<16xf32>
      %parallel_loop3A_1582 = arith.select %parallel_loop3A_1580, %parallel_loop3A_1581, %parallel_loop3A_1578 : vector<16xi1>, vector<16xf32>
      %parallel_loop3A_1583 = vector.broadcast %reduce_min3A_1140 : f32 to vector<16xf32>
      %parallel_loop3A_1584 = arith.cmpf oge, %parallel_loop3A_1565, %parallel_loop3A_1583 : vector<16xf32>
      %parallel_loop3A_1585 = vector.broadcast %add3A_1260 : f32 to vector<16xf32>
      %parallel_loop3A_1586 = arith.select %parallel_loop3A_1584, %parallel_loop3A_1585, %parallel_loop3A_1582 : vector<16xi1>, vector<16xf32>
      %parallel_loop3A_1587 = vector.broadcast %reduce_min3A_1150 : f32 to vector<16xf32>
      %parallel_loop3A_1588 = arith.cmpf oge, %parallel_loop3A_1565, %parallel_loop3A_1587 : vector<16xf32>
      %parallel_loop3A_1589 = vector.broadcast %add3A_1263 : f32 to vector<16xf32>
      %parallel_loop3A_1590 = arith.select %parallel_loop3A_1588, %parallel_loop3A_1589, %parallel_loop3A_1586 : vector<16xi1>, vector<16xf32>
      %parallel_loop3A_1591 = vector.broadcast %reduce_min3A_1160 : f32 to vector<16xf32>
      %parallel_loop3A_1592 = arith.cmpf oge, %parallel_loop3A_1565, %parallel_loop3A_1591 : vector<16xf32>
      %parallel_loop3A_1593 = vector.broadcast %add3A_1266 : f32 to vector<16xf32>
      %parallel_loop3A_1594 = arith.select %parallel_loop3A_1592, %parallel_loop3A_1593, %parallel_loop3A_1590 : vector<16xi1>, vector<16xf32>
      %parallel_loop3A_1595 = arith.index_cast %parallel_loop3A_1422 : i32 to index
      %parallel_loop3A_1596 = arith.constant 64 : index
      %parallel_loop3A_1597 = tpu.vector_load %arg6[%parallel_loop3A_1595, %parallel_loop3A_1596] {strides = array<i32>} : memref<224x224xf32, #tpu.memory_space<vmem>>, vector<16xf32>,
      tpu.vector_store %arg6[%parallel_loop3A_1595, %parallel_loop3A_1596], %parallel_loop3A_1594 {strides = array<i32>} : memref<224x224xf32, #tpu.memory_space<vmem>>, vector<16xf32>,
      %parallel_loop3A_1598 = arith.index_cast %parallel_loop3A_1422 : i32 to index
      %parallel_loop3A_1599 = arith.constant 80 : index
      %parallel_loop3A_1600 = tpu.vector_load %arg6[%parallel_loop3A_1598, %parallel_loop3A_1599] {strides = array<i32>} : memref<224x224xf32, #tpu.memory_space<vmem>>, vector<16xf32>,
      %parallel_loop3A_1601 = vector.broadcast %add3A_1245 : f32 to vector<16xf32>
      %parallel_loop3A_1602 = vector.broadcast %reduce_min3A_1100 : f32 to vector<16xf32>
      %parallel_loop3A_1603 = arith.cmpf oge, %parallel_loop3A_1600, %parallel_loop3A_1602 : vector<16xf32>
      %parallel_loop3A_1604 = vector.broadcast %add3A_1248 : f32 to vector<16xf32>
      %parallel_loop3A_1605 = arith.select %parallel_loop3A_1603, %parallel_loop3A_1604, %parallel_loop3A_1601 : vector<16xi1>, vector<16xf32>
      %parallel_loop3A_1606 = vector.broadcast %reduce_min3A_1110 : f32 to vector<16xf32>
      %parallel_loop3A_1607 = arith.cmpf oge, %parallel_loop3A_1600, %parallel_loop3A_1606 : vector<16xf32>
      %parallel_loop3A_1608 = vector.broadcast %add3A_1251 : f32 to vector<16xf32>
      %parallel_loop3A_1609 = arith.select %parallel_loop3A_1607, %parallel_loop3A_1608, %parallel_loop3A_1605 : vector<16xi1>, vector<16xf32>
      %parallel_loop3A_1610 = vector.broadcast %reduce_min3A_1120 : f32 to vector<16xf32>
      %parallel_loop3A_1611 = arith.cmpf oge, %parallel_loop3A_1600, %parallel_loop3A_1610 : vector<16xf32>
      %parallel_loop3A_1612 = vector.broadcast %add3A_1254 : f32 to vector<16xf32>
      %parallel_loop3A_1613 = arith.select %parallel_loop3A_1611, %parallel_loop3A_1612, %parallel_loop3A_1609 : vector<16xi1>, vector<16xf32>
      %parallel_loop3A_1614 = vector.broadcast %reduce_min3A_1130 : f32 to vector<16xf32>
      %parallel_loop3A_1615 = arith.cmpf oge, %parallel_loop3A_1600, %parallel_loop3A_1614 : vector<16xf32>
      %parallel_loop3A_1616 = vector.broadcast %add3A_1257 : f32 to vector<16xf32>
      %parallel_loop3A_1617 = arith.select %parallel_loop3A_1615, %parallel_loop3A_1616, %parallel_loop3A_1613 : vector<16xi1>, vector<16xf32>
      %parallel_loop3A_1618 = vector.broadcast %reduce_min3A_1140 : f32 to vector<16xf32>
      %parallel_loop3A_1619 = arith.cmpf oge, %parallel_loop3A_1600, %parallel_loop3A_1618 : vector<16xf32>
      %parallel_loop3A_1620 = vector.broadcast %add3A_1260 : f32 to vector<16xf32>
      %parallel_loop3A_1621 = arith.select %parallel_loop3A_1619, %parallel_loop3A_1620, %parallel_loop3A_1617 : vector<16xi1>, vector<16xf32>
      %parallel_loop3A_1622 = vector.broadcast %reduce_min3A_1150 : f32 to vector<16xf32>
      %parallel_loop3A_1623 = arith.cmpf oge, %parallel_loop3A_1600, %parallel_loop3A_1622 : vector<16xf32>
      %parallel_loop3A_1624 = vector.broadcast %add3A_1263 : f32 to vector<16xf32>
      %parallel_loop3A_1625 = arith.select %parallel_loop3A_1623, %parallel_loop3A_1624, %parallel_loop3A_1621 : vector<16xi1>, vector<16xf32>
      %parallel_loop3A_1626 = vector.broadcast %reduce_min3A_1160 : f32 to vector<16xf32>
      %parallel_loop3A_1627 = arith.cmpf oge, %parallel_loop3A_1600, %parallel_loop3A_1626 : vector<16xf32>
      %parallel_loop3A_1628 = vector.broadcast %add3A_1266 : f32 to vector<16xf32>
      %parallel_loop3A_1629 = arith.select %parallel_loop3A_1627, %parallel_loop3A_1628, %parallel_loop3A_1625 : vector<16xi1>, vector<16xf32>
      %parallel_loop3A_1630 = arith.index_cast %parallel_loop3A_1422 : i32 to index
      %parallel_loop3A_1631 = arith.constant 80 : index
      %parallel_loop3A_1632 = tpu.vector_load %arg6[%parallel_loop3A_1630, %parallel_loop3A_1631] {strides = array<i32>} : memref<224x224xf32, #tpu.memory_space<vmem>>, vector<16xf32>,
      tpu.vector_store %arg6[%parallel_loop3A_1630, %parallel_loop3A_1631], %parallel_loop3A_1629 {strides = array<i32>} : memref<224x224xf32, #tpu.memory_space<vmem>>, vector<16xf32>,
      %parallel_loop3A_1633 = arith.index_cast %parallel_loop3A_1422 : i32 to index
      %parallel_loop3A_1634 = arith.constant 96 : index
      %parallel_loop3A_1635 = tpu.vector_load %arg6[%parallel_loop3A_1633, %parallel_loop3A_1634] {strides = array<i32>} : memref<224x224xf32, #tpu.memory_space<vmem>>, vector<16xf32>,
      %parallel_loop3A_1636 = vector.broadcast %add3A_1245 : f32 to vector<16xf32>
      %parallel_loop3A_1637 = vector.broadcast %reduce_min3A_1100 : f32 to vector<16xf32>
      %parallel_loop3A_1638 = arith.cmpf oge, %parallel_loop3A_1635, %parallel_loop3A_1637 : vector<16xf32>
      %parallel_loop3A_1639 = vector.broadcast %add3A_1248 : f32 to vector<16xf32>
      %parallel_loop3A_1640 = arith.select %parallel_loop3A_1638, %parallel_loop3A_1639, %parallel_loop3A_1636 : vector<16xi1>, vector<16xf32>
      %parallel_loop3A_1641 = vector.broadcast %reduce_min3A_1110 : f32 to vector<16xf32>
      %parallel_loop3A_1642 = arith.cmpf oge, %parallel_loop3A_1635, %parallel_loop3A_1641 : vector<16xf32>
      %parallel_loop3A_1643 = vector.broadcast %add3A_1251 : f32 to vector<16xf32>
      %parallel_loop3A_1644 = arith.select %parallel_loop3A_1642, %parallel_loop3A_1643, %parallel_loop3A_1640 : vector<16xi1>, vector<16xf32>
      %parallel_loop3A_1645 = vector.broadcast %reduce_min3A_1120 : f32 to vector<16xf32>
      %parallel_loop3A_1646 = arith.cmpf oge, %parallel_loop3A_1635, %parallel_loop3A_1645 : vector<16xf32>
      %parallel_loop3A_1647 = vector.broadcast %add3A_1254 : f32 to vector<16xf32>
      %parallel_loop3A_1648 = arith.select %parallel_loop3A_1646, %parallel_loop3A_1647, %parallel_loop3A_1644 : vector<16xi1>, vector<16xf32>
      %parallel_loop3A_1649 = vector.broadcast %reduce_min3A_1130 : f32 to vector<16xf32>
      %parallel_loop3A_1650 = arith.cmpf oge, %parallel_loop3A_1635, %parallel_loop3A_1649 : vector<16xf32>
      %parallel_loop3A_1651 = vector.broadcast %add3A_1257 : f32 to vector<16xf32>
      %parallel_loop3A_1652 = arith.select %parallel_loop3A_1650, %parallel_loop3A_1651, %parallel_loop3A_1648 : vector<16xi1>, vector<16xf32>
      %parallel_loop3A_1653 = vector.broadcast %reduce_min3A_1140 : f32 to vector<16xf32>
      %parallel_loop3A_1654 = arith.cmpf oge, %parallel_loop3A_1635, %parallel_loop3A_1653 : vector<16xf32>
      %parallel_loop3A_1655 = vector.broadcast %add3A_1260 : f32 to vector<16xf32>
      %parallel_loop3A_1656 = arith.select %parallel_loop3A_1654, %parallel_loop3A_1655, %parallel_loop3A_1652 : vector<16xi1>, vector<16xf32>
      %parallel_loop3A_1657 = vector.broadcast %reduce_min3A_1150 : f32 to vector<16xf32>
      %parallel_loop3A_1658 = arith.cmpf oge, %parallel_loop3A_1635, %parallel_loop3A_1657 : vector<16xf32>
      %parallel_loop3A_1659 = vector.broadcast %add3A_1263 : f32 to vector<16xf32>
      %parallel_loop3A_1660 = arith.select %parallel_loop3A_1658, %parallel_loop3A_1659, %parallel_loop3A_1656 : vector<16xi1>, vector<16xf32>
      %parallel_loop3A_1661 = vector.broadcast %reduce_min3A_1160 : f32 to vector<16xf32>
      %parallel_loop3A_1662 = arith.cmpf oge, %parallel_loop3A_1635, %parallel_loop3A_1661 : vector<16xf32>
      %parallel_loop3A_1663 = vector.broadcast %add3A_1266 : f32 to vector<16xf32>
      %parallel_loop3A_1664 = arith.select %parallel_loop3A_1662, %parallel_loop3A_1663, %parallel_loop3A_1660 : vector<16xi1>, vector<16xf32>
      %parallel_loop3A_1665 = arith.index_cast %parallel_loop3A_1422 : i32 to index
      %parallel_loop3A_1666 = arith.constant 96 : index
      %parallel_loop3A_1667 = tpu.vector_load %arg6[%parallel_loop3A_1665, %parallel_loop3A_1666] {strides = array<i32>} : memref<224x224xf32, #tpu.memory_space<vmem>>, vector<16xf32>,
      tpu.vector_store %arg6[%parallel_loop3A_1665, %parallel_loop3A_1666], %parallel_loop3A_1664 {strides = array<i32>} : memref<224x224xf32, #tpu.memory_space<vmem>>, vector<16xf32>,
      %parallel_loop3A_1668 = arith.index_cast %parallel_loop3A_1422 : i32 to index
      %parallel_loop3A_1669 = arith.constant 112 : index
      %parallel_loop3A_1670 = tpu.vector_load %arg6[%parallel_loop3A_1668, %parallel_loop3A_1669] {strides = array<i32>} : memref<224x224xf32, #tpu.memory_space<vmem>>, vector<16xf32>,
      %parallel_loop3A_1671 = vector.broadcast %add3A_1245 : f32 to vector<16xf32>
      %parallel_loop3A_1672 = vector.broadcast %reduce_min3A_1100 : f32 to vector<16xf32>
      %parallel_loop3A_1673 = arith.cmpf oge, %parallel_loop3A_1670, %parallel_loop3A_1672 : vector<16xf32>
      %parallel_loop3A_1674 = vector.broadcast %add3A_1248 : f32 to vector<16xf32>
      %parallel_loop3A_1675 = arith.select %parallel_loop3A_1673, %parallel_loop3A_1674, %parallel_loop3A_1671 : vector<16xi1>, vector<16xf32>
      %parallel_loop3A_1676 = vector.broadcast %reduce_min3A_1110 : f32 to vector<16xf32>
      %parallel_loop3A_1677 = arith.cmpf oge, %parallel_loop3A_1670, %parallel_loop3A_1676 : vector<16xf32>
      %parallel_loop3A_1678 = vector.broadcast %add3A_1251 : f32 to vector<16xf32>
      %parallel_loop3A_1679 = arith.select %parallel_loop3A_1677, %parallel_loop3A_1678, %parallel_loop3A_1675 : vector<16xi1>, vector<16xf32>
      %parallel_loop3A_1680 = vector.broadcast %reduce_min3A_1120 : f32 to vector<16xf32>
      %parallel_loop3A_1681 = arith.cmpf oge, %parallel_loop3A_1670, %parallel_loop3A_1680 : vector<16xf32>
      %parallel_loop3A_1682 = vector.broadcast %add3A_1254 : f32 to vector<16xf32>
      %parallel_loop3A_1683 = arith.select %parallel_loop3A_1681, %parallel_loop3A_1682, %parallel_loop3A_1679 : vector<16xi1>, vector<16xf32>
      %parallel_loop3A_1684 = vector.broadcast %reduce_min3A_1130 : f32 to vector<16xf32>
      %parallel_loop3A_1685 = arith.cmpf oge, %parallel_loop3A_1670, %parallel_loop3A_1684 : vector<16xf32>
      %parallel_loop3A_1686 = vector.broadcast %add3A_1257 : f32 to vector<16xf32>
      %parallel_loop3A_1687 = arith.select %parallel_loop3A_1685, %parallel_loop3A_1686, %parallel_loop3A_1683 : vector<16xi1>, vector<16xf32>
      %parallel_loop3A_1688 = vector.broadcast %reduce_min3A_1140 : f32 to vector<16xf32>
      %parallel_loop3A_1689 = arith.cmpf oge, %parallel_loop3A_1670, %parallel_loop3A_1688 : vector<16xf32>
      %parallel_loop3A_1690 = vector.broadcast %add3A_1260 : f32 to vector<16xf32>
      %parallel_loop3A_1691 = arith.select %parallel_loop3A_1689, %parallel_loop3A_1690, %parallel_loop3A_1687 : vector<16xi1>, vector<16xf32>
      %parallel_loop3A_1692 = vector.broadcast %reduce_min3A_1150 : f32 to vector<16xf32>
      %parallel_loop3A_1693 = arith.cmpf oge, %parallel_loop3A_1670, %parallel_loop3A_1692 : vector<16xf32>
      %parallel_loop3A_1694 = vector.broadcast %add3A_1263 : f32 to vector<16xf32>
      %parallel_loop3A_1695 = arith.select %parallel_loop3A_1693, %parallel_loop3A_1694, %parallel_loop3A_1691 : vector<16xi1>, vector<16xf32>
      %parallel_loop3A_1696 = vector.broadcast %reduce_min3A_1160 : f32 to vector<16xf32>
      %parallel_loop3A_1697 = arith.cmpf oge, %parallel_loop3A_1670, %parallel_loop3A_1696 : vector<16xf32>
      %parallel_loop3A_1698 = vector.broadcast %add3A_1266 : f32 to vector<16xf32>
      %parallel_loop3A_1699 = arith.select %parallel_loop3A_1697, %parallel_loop3A_1698, %parallel_loop3A_1695 : vector<16xi1>, vector<16xf32>
      %parallel_loop3A_1700 = arith.index_cast %parallel_loop3A_1422 : i32 to index
      %parallel_loop3A_1701 = arith.constant 112 : index
      %parallel_loop3A_1702 = tpu.vector_load %arg6[%parallel_loop3A_1700, %parallel_loop3A_1701] {strides = array<i32>} : memref<224x224xf32, #tpu.memory_space<vmem>>, vector<16xf32>,
      tpu.vector_store %arg6[%parallel_loop3A_1700, %parallel_loop3A_1701], %parallel_loop3A_1699 {strides = array<i32>} : memref<224x224xf32, #tpu.memory_space<vmem>>, vector<16xf32>,
      %parallel_loop3A_1703 = arith.index_cast %parallel_loop3A_1422 : i32 to index
      %parallel_loop3A_1704 = arith.constant 128 : index
      %parallel_loop3A_1705 = tpu.vector_load %arg6[%parallel_loop3A_1703, %parallel_loop3A_1704] {strides = array<i32>} : memref<224x224xf32, #tpu.memory_space<vmem>>, vector<16xf32>,
      %parallel_loop3A_1706 = vector.broadcast %add3A_1245 : f32 to vector<16xf32>
      %parallel_loop3A_1707 = vector.broadcast %reduce_min3A_1100 : f32 to vector<16xf32>
      %parallel_loop3A_1708 = arith.cmpf oge, %parallel_loop3A_1705, %parallel_loop3A_1707 : vector<16xf32>
      %parallel_loop3A_1709 = vector.broadcast %add3A_1248 : f32 to vector<16xf32>
      %parallel_loop3A_1710 = arith.select %parallel_loop3A_1708, %parallel_loop3A_1709, %parallel_loop3A_1706 : vector<16xi1>, vector<16xf32>
      %parallel_loop3A_1711 = vector.broadcast %reduce_min3A_1110 : f32 to vector<16xf32>
      %parallel_loop3A_1712 = arith.cmpf oge, %parallel_loop3A_1705, %parallel_loop3A_1711 : vector<16xf32>
      %parallel_loop3A_1713 = vector.broadcast %add3A_1251 : f32 to vector<16xf32>
      %parallel_loop3A_1714 = arith.select %parallel_loop3A_1712, %parallel_loop3A_1713, %parallel_loop3A_1710 : vector<16xi1>, vector<16xf32>
      %parallel_loop3A_1715 = vector.broadcast %reduce_min3A_1120 : f32 to vector<16xf32>
      %parallel_loop3A_1716 = arith.cmpf oge, %parallel_loop3A_1705, %parallel_loop3A_1715 : vector<16xf32>
      %parallel_loop3A_1717 = vector.broadcast %add3A_1254 : f32 to vector<16xf32>
      %parallel_loop3A_1718 = arith.select %parallel_loop3A_1716, %parallel_loop3A_1717, %parallel_loop3A_1714 : vector<16xi1>, vector<16xf32>
      %parallel_loop3A_1719 = vector.broadcast %reduce_min3A_1130 : f32 to vector<16xf32>
      %parallel_loop3A_1720 = arith.cmpf oge, %parallel_loop3A_1705, %parallel_loop3A_1719 : vector<16xf32>
      %parallel_loop3A_1721 = vector.broadcast %add3A_1257 : f32 to vector<16xf32>
      %parallel_loop3A_1722 = arith.select %parallel_loop3A_1720, %parallel_loop3A_1721, %parallel_loop3A_1718 : vector<16xi1>, vector<16xf32>
      %parallel_loop3A_1723 = vector.broadcast %reduce_min3A_1140 : f32 to vector<16xf32>
      %parallel_loop3A_1724 = arith.cmpf oge, %parallel_loop3A_1705, %parallel_loop3A_1723 : vector<16xf32>
      %parallel_loop3A_1725 = vector.broadcast %add3A_1260 : f32 to vector<16xf32>
      %parallel_loop3A_1726 = arith.select %parallel_loop3A_1724, %parallel_loop3A_1725, %parallel_loop3A_1722 : vector<16xi1>, vector<16xf32>
      %parallel_loop3A_1727 = vector.broadcast %reduce_min3A_1150 : f32 to vector<16xf32>
      %parallel_loop3A_1728 = arith.cmpf oge, %parallel_loop3A_1705, %parallel_loop3A_1727 : vector<16xf32>
      %parallel_loop3A_1729 = vector.broadcast %add3A_1263 : f32 to vector<16xf32>
      %parallel_loop3A_1730 = arith.select %parallel_loop3A_1728, %parallel_loop3A_1729, %parallel_loop3A_1726 : vector<16xi1>, vector<16xf32>
      %parallel_loop3A_1731 = vector.broadcast %reduce_min3A_1160 : f32 to vector<16xf32>
      %parallel_loop3A_1732 = arith.cmpf oge, %parallel_loop3A_1705, %parallel_loop3A_1731 : vector<16xf32>
      %parallel_loop3A_1733 = vector.broadcast %add3A_1266 : f32 to vector<16xf32>
      %parallel_loop3A_1734 = arith.select %parallel_loop3A_1732, %parallel_loop3A_1733, %parallel_loop3A_1730 : vector<16xi1>, vector<16xf32>
      %parallel_loop3A_1735 = arith.index_cast %parallel_loop3A_1422 : i32 to index
      %parallel_loop3A_1736 = arith.constant 128 : index
      %parallel_loop3A_1737 = tpu.vector_load %arg6[%parallel_loop3A_1735, %parallel_loop3A_1736] {strides = array<i32>} : memref<224x224xf32, #tpu.memory_space<vmem>>, vector<16xf32>,
      tpu.vector_store %arg6[%parallel_loop3A_1735, %parallel_loop3A_1736], %parallel_loop3A_1734 {strides = array<i32>} : memref<224x224xf32, #tpu.memory_space<vmem>>, vector<16xf32>,
      %parallel_loop3A_1738 = arith.index_cast %parallel_loop3A_1422 : i32 to index
      %parallel_loop3A_1739 = arith.constant 144 : index
      %parallel_loop3A_1740 = tpu.vector_load %arg6[%parallel_loop3A_1738, %parallel_loop3A_1739] {strides = array<i32>} : memref<224x224xf32, #tpu.memory_space<vmem>>, vector<16xf32>,
      %parallel_loop3A_1741 = vector.broadcast %add3A_1245 : f32 to vector<16xf32>
      %parallel_loop3A_1742 = vector.broadcast %reduce_min3A_1100 : f32 to vector<16xf32>
      %parallel_loop3A_1743 = arith.cmpf oge, %parallel_loop3A_1740, %parallel_loop3A_1742 : vector<16xf32>
      %parallel_loop3A_1744 = vector.broadcast %add3A_1248 : f32 to vector<16xf32>
      %parallel_loop3A_1745 = arith.select %parallel_loop3A_1743, %parallel_loop3A_1744, %parallel_loop3A_1741 : vector<16xi1>, vector<16xf32>
      %parallel_loop3A_1746 = vector.broadcast %reduce_min3A_1110 : f32 to vector<16xf32>
      %parallel_loop3A_1747 = arith.cmpf oge, %parallel_loop3A_1740, %parallel_loop3A_1746 : vector<16xf32>
      %parallel_loop3A_1748 = vector.broadcast %add3A_1251 : f32 to vector<16xf32>
      %parallel_loop3A_1749 = arith.select %parallel_loop3A_1747, %parallel_loop3A_1748, %parallel_loop3A_1745 : vector<16xi1>, vector<16xf32>
      %parallel_loop3A_1750 = vector.broadcast %reduce_min3A_1120 : f32 to vector<16xf32>
      %parallel_loop3A_1751 = arith.cmpf oge, %parallel_loop3A_1740, %parallel_loop3A_1750 : vector<16xf32>
      %parallel_loop3A_1752 = vector.broadcast %add3A_1254 : f32 to vector<16xf32>
      %parallel_loop3A_1753 = arith.select %parallel_loop3A_1751, %parallel_loop3A_1752, %parallel_loop3A_1749 : vector<16xi1>, vector<16xf32>
      %parallel_loop3A_1754 = vector.broadcast %reduce_min3A_1130 : f32 to vector<16xf32>
      %parallel_loop3A_1755 = arith.cmpf oge, %parallel_loop3A_1740, %parallel_loop3A_1754 : vector<16xf32>
      %parallel_loop3A_1756 = vector.broadcast %add3A_1257 : f32 to vector<16xf32>
      %parallel_loop3A_1757 = arith.select %parallel_loop3A_1755, %parallel_loop3A_1756, %parallel_loop3A_1753 : vector<16xi1>, vector<16xf32>
      %parallel_loop3A_1758 = vector.broadcast %reduce_min3A_1140 : f32 to vector<16xf32>
      %parallel_loop3A_1759 = arith.cmpf oge, %parallel_loop3A_1740, %parallel_loop3A_1758 : vector<16xf32>
      %parallel_loop3A_1760 = vector.broadcast %add3A_1260 : f32 to vector<16xf32>
      %parallel_loop3A_1761 = arith.select %parallel_loop3A_1759, %parallel_loop3A_1760, %parallel_loop3A_1757 : vector<16xi1>, vector<16xf32>
      %parallel_loop3A_1762 = vector.broadcast %reduce_min3A_1150 : f32 to vector<16xf32>
      %parallel_loop3A_1763 = arith.cmpf oge, %parallel_loop3A_1740, %parallel_loop3A_1762 : vector<16xf32>
      %parallel_loop3A_1764 = vector.broadcast %add3A_1263 : f32 to vector<16xf32>
      %parallel_loop3A_1765 = arith.select %parallel_loop3A_1763, %parallel_loop3A_1764, %parallel_loop3A_1761 : vector<16xi1>, vector<16xf32>
      %parallel_loop3A_1766 = vector.broadcast %reduce_min3A_1160 : f32 to vector<16xf32>
      %parallel_loop3A_1767 = arith.cmpf oge, %parallel_loop3A_1740, %parallel_loop3A_1766 : vector<16xf32>
      %parallel_loop3A_1768 = vector.broadcast %add3A_1266 : f32 to vector<16xf32>
      %parallel_loop3A_1769 = arith.select %parallel_loop3A_1767, %parallel_loop3A_1768, %parallel_loop3A_1765 : vector<16xi1>, vector<16xf32>
      %parallel_loop3A_1770 = arith.index_cast %parallel_loop3A_1422 : i32 to index
      %parallel_loop3A_1771 = arith.constant 144 : index
      %parallel_loop3A_1772 = tpu.vector_load %arg6[%parallel_loop3A_1770, %parallel_loop3A_1771] {strides = array<i32>} : memref<224x224xf32, #tpu.memory_space<vmem>>, vector<16xf32>,
      tpu.vector_store %arg6[%parallel_loop3A_1770, %parallel_loop3A_1771], %parallel_loop3A_1769 {strides = array<i32>} : memref<224x224xf32, #tpu.memory_space<vmem>>, vector<16xf32>,
      %parallel_loop3A_1773 = arith.index_cast %parallel_loop3A_1422 : i32 to index
      %parallel_loop3A_1774 = arith.constant 160 : index
      %parallel_loop3A_1775 = tpu.vector_load %arg6[%parallel_loop3A_1773, %parallel_loop3A_1774] {strides = array<i32>} : memref<224x224xf32, #tpu.memory_space<vmem>>, vector<16xf32>,
      %parallel_loop3A_1776 = vector.broadcast %add3A_1245 : f32 to vector<16xf32>
      %parallel_loop3A_1777 = vector.broadcast %reduce_min3A_1100 : f32 to vector<16xf32>
      %parallel_loop3A_1778 = arith.cmpf oge, %parallel_loop3A_1775, %parallel_loop3A_1777 : vector<16xf32>
      %parallel_loop3A_1779 = vector.broadcast %add3A_1248 : f32 to vector<16xf32>
      %parallel_loop3A_1780 = arith.select %parallel_loop3A_1778, %parallel_loop3A_1779, %parallel_loop3A_1776 : vector<16xi1>, vector<16xf32>
      %parallel_loop3A_1781 = vector.broadcast %reduce_min3A_1110 : f32 to vector<16xf32>
      %parallel_loop3A_1782 = arith.cmpf oge, %parallel_loop3A_1775, %parallel_loop3A_1781 : vector<16xf32>
      %parallel_loop3A_1783 = vector.broadcast %add3A_1251 : f32 to vector<16xf32>
      %parallel_loop3A_1784 = arith.select %parallel_loop3A_1782, %parallel_loop3A_1783, %parallel_loop3A_1780 : vector<16xi1>, vector<16xf32>
      %parallel_loop3A_1785 = vector.broadcast %reduce_min3A_1120 : f32 to vector<16xf32>
      %parallel_loop3A_1786 = arith.cmpf oge, %parallel_loop3A_1775, %parallel_loop3A_1785 : vector<16xf32>
      %parallel_loop3A_1787 = vector.broadcast %add3A_1254 : f32 to vector<16xf32>
      %parallel_loop3A_1788 = arith.select %parallel_loop3A_1786, %parallel_loop3A_1787, %parallel_loop3A_1784 : vector<16xi1>, vector<16xf32>
      %parallel_loop3A_1789 = vector.broadcast %reduce_min3A_1130 : f32 to vector<16xf32>
      %parallel_loop3A_1790 = arith.cmpf oge, %parallel_loop3A_1775, %parallel_loop3A_1789 : vector<16xf32>
      %parallel_loop3A_1791 = vector.broadcast %add3A_1257 : f32 to vector<16xf32>
      %parallel_loop3A_1792 = arith.select %parallel_loop3A_1790, %parallel_loop3A_1791, %parallel_loop3A_1788 : vector<16xi1>, vector<16xf32>
      %parallel_loop3A_1793 = vector.broadcast %reduce_min3A_1140 : f32 to vector<16xf32>
      %parallel_loop3A_1794 = arith.cmpf oge, %parallel_loop3A_1775, %parallel_loop3A_1793 : vector<16xf32>
      %parallel_loop3A_1795 = vector.broadcast %add3A_1260 : f32 to vector<16xf32>
      %parallel_loop3A_1796 = arith.select %parallel_loop3A_1794, %parallel_loop3A_1795, %parallel_loop3A_1792 : vector<16xi1>, vector<16xf32>
      %parallel_loop3A_1797 = vector.broadcast %reduce_min3A_1150 : f32 to vector<16xf32>
      %parallel_loop3A_1798 = arith.cmpf oge, %parallel_loop3A_1775, %parallel_loop3A_1797 : vector<16xf32>
      %parallel_loop3A_1799 = vector.broadcast %add3A_1263 : f32 to vector<16xf32>
      %parallel_loop3A_1800 = arith.select %parallel_loop3A_1798, %parallel_loop3A_1799, %parallel_loop3A_1796 : vector<16xi1>, vector<16xf32>
      %parallel_loop3A_1801 = vector.broadcast %reduce_min3A_1160 : f32 to vector<16xf32>
      %parallel_loop3A_1802 = arith.cmpf oge, %parallel_loop3A_1775, %parallel_loop3A_1801 : vector<16xf32>
      %parallel_loop3A_1803 = vector.broadcast %add3A_1266 : f32 to vector<16xf32>
      %parallel_loop3A_1804 = arith.select %parallel_loop3A_1802, %parallel_loop3A_1803, %parallel_loop3A_1800 : vector<16xi1>, vector<16xf32>
      %parallel_loop3A_1805 = arith.index_cast %parallel_loop3A_1422 : i32 to index
      %parallel_loop3A_1806 = arith.constant 160 : index
      %parallel_loop3A_1807 = tpu.vector_load %arg6[%parallel_loop3A_1805, %parallel_loop3A_1806] {strides = array<i32>} : memref<224x224xf32, #tpu.memory_space<vmem>>, vector<16xf32>,
      tpu.vector_store %arg6[%parallel_loop3A_1805, %parallel_loop3A_1806], %parallel_loop3A_1804 {strides = array<i32>} : memref<224x224xf32, #tpu.memory_space<vmem>>, vector<16xf32>,
      %parallel_loop3A_1808 = arith.index_cast %parallel_loop3A_1422 : i32 to index
      %parallel_loop3A_1809 = arith.constant 176 : index
      %parallel_loop3A_1810 = tpu.vector_load %arg6[%parallel_loop3A_1808, %parallel_loop3A_1809] {strides = array<i32>} : memref<224x224xf32, #tpu.memory_space<vmem>>, vector<16xf32>,
      %parallel_loop3A_1811 = vector.broadcast %add3A_1245 : f32 to vector<16xf32>
      %parallel_loop3A_1812 = vector.broadcast %reduce_min3A_1100 : f32 to vector<16xf32>
      %parallel_loop3A_1813 = arith.cmpf oge, %parallel_loop3A_1810, %parallel_loop3A_1812 : vector<16xf32>
      %parallel_loop3A_1814 = vector.broadcast %add3A_1248 : f32 to vector<16xf32>
      %parallel_loop3A_1815 = arith.select %parallel_loop3A_1813, %parallel_loop3A_1814, %parallel_loop3A_1811 : vector<16xi1>, vector<16xf32>
      %parallel_loop3A_1816 = vector.broadcast %reduce_min3A_1110 : f32 to vector<16xf32>
      %parallel_loop3A_1817 = arith.cmpf oge, %parallel_loop3A_1810, %parallel_loop3A_1816 : vector<16xf32>
      %parallel_loop3A_1818 = vector.broadcast %add3A_1251 : f32 to vector<16xf32>
      %parallel_loop3A_1819 = arith.select %parallel_loop3A_1817, %parallel_loop3A_1818, %parallel_loop3A_1815 : vector<16xi1>, vector<16xf32>
      %parallel_loop3A_1820 = vector.broadcast %reduce_min3A_1120 : f32 to vector<16xf32>
      %parallel_loop3A_1821 = arith.cmpf oge, %parallel_loop3A_1810, %parallel_loop3A_1820 : vector<16xf32>
      %parallel_loop3A_1822 = vector.broadcast %add3A_1254 : f32 to vector<16xf32>
      %parallel_loop3A_1823 = arith.select %parallel_loop3A_1821, %parallel_loop3A_1822, %parallel_loop3A_1819 : vector<16xi1>, vector<16xf32>
      %parallel_loop3A_1824 = vector.broadcast %reduce_min3A_1130 : f32 to vector<16xf32>
      %parallel_loop3A_1825 = arith.cmpf oge, %parallel_loop3A_1810, %parallel_loop3A_1824 : vector<16xf32>
      %parallel_loop3A_1826 = vector.broadcast %add3A_1257 : f32 to vector<16xf32>
      %parallel_loop3A_1827 = arith.select %parallel_loop3A_1825, %parallel_loop3A_1826, %parallel_loop3A_1823 : vector<16xi1>, vector<16xf32>
      %parallel_loop3A_1828 = vector.broadcast %reduce_min3A_1140 : f32 to vector<16xf32>
      %parallel_loop3A_1829 = arith.cmpf oge, %parallel_loop3A_1810, %parallel_loop3A_1828 : vector<16xf32>
      %parallel_loop3A_1830 = vector.broadcast %add3A_1260 : f32 to vector<16xf32>
      %parallel_loop3A_1831 = arith.select %parallel_loop3A_1829, %parallel_loop3A_1830, %parallel_loop3A_1827 : vector<16xi1>, vector<16xf32>
      %parallel_loop3A_1832 = vector.broadcast %reduce_min3A_1150 : f32 to vector<16xf32>
      %parallel_loop3A_1833 = arith.cmpf oge, %parallel_loop3A_1810, %parallel_loop3A_1832 : vector<16xf32>
      %parallel_loop3A_1834 = vector.broadcast %add3A_1263 : f32 to vector<16xf32>
      %parallel_loop3A_1835 = arith.select %parallel_loop3A_1833, %parallel_loop3A_1834, %parallel_loop3A_1831 : vector<16xi1>, vector<16xf32>
      %parallel_loop3A_1836 = vector.broadcast %reduce_min3A_1160 : f32 to vector<16xf32>
      %parallel_loop3A_1837 = arith.cmpf oge, %parallel_loop3A_1810, %parallel_loop3A_1836 : vector<16xf32>
      %parallel_loop3A_1838 = vector.broadcast %add3A_1266 : f32 to vector<16xf32>
      %parallel_loop3A_1839 = arith.select %parallel_loop3A_1837, %parallel_loop3A_1838, %parallel_loop3A_1835 : vector<16xi1>, vector<16xf32>
      %parallel_loop3A_1840 = arith.index_cast %parallel_loop3A_1422 : i32 to index
      %parallel_loop3A_1841 = arith.constant 176 : index
      %parallel_loop3A_1842 = tpu.vector_load %arg6[%parallel_loop3A_1840, %parallel_loop3A_1841] {strides = array<i32>} : memref<224x224xf32, #tpu.memory_space<vmem>>, vector<16xf32>,
      tpu.vector_store %arg6[%parallel_loop3A_1840, %parallel_loop3A_1841], %parallel_loop3A_1839 {strides = array<i32>} : memref<224x224xf32, #tpu.memory_space<vmem>>, vector<16xf32>,
      %parallel_loop3A_1843 = arith.index_cast %parallel_loop3A_1422 : i32 to index
      %parallel_loop3A_1844 = arith.constant 192 : index
      %parallel_loop3A_1845 = tpu.vector_load %arg6[%parallel_loop3A_1843, %parallel_loop3A_1844] {strides = array<i32>} : memref<224x224xf32, #tpu.memory_space<vmem>>, vector<16xf32>,
      %parallel_loop3A_1846 = vector.broadcast %add3A_1245 : f32 to vector<16xf32>
      %parallel_loop3A_1847 = vector.broadcast %reduce_min3A_1100 : f32 to vector<16xf32>
      %parallel_loop3A_1848 = arith.cmpf oge, %parallel_loop3A_1845, %parallel_loop3A_1847 : vector<16xf32>
      %parallel_loop3A_1849 = vector.broadcast %add3A_1248 : f32 to vector<16xf32>
      %parallel_loop3A_1850 = arith.select %parallel_loop3A_1848, %parallel_loop3A_1849, %parallel_loop3A_1846 : vector<16xi1>, vector<16xf32>
      %parallel_loop3A_1851 = vector.broadcast %reduce_min3A_1110 : f32 to vector<16xf32>
      %parallel_loop3A_1852 = arith.cmpf oge, %parallel_loop3A_1845, %parallel_loop3A_1851 : vector<16xf32>
      %parallel_loop3A_1853 = vector.broadcast %add3A_1251 : f32 to vector<16xf32>
      %parallel_loop3A_1854 = arith.select %parallel_loop3A_1852, %parallel_loop3A_1853, %parallel_loop3A_1850 : vector<16xi1>, vector<16xf32>
      %parallel_loop3A_1855 = vector.broadcast %reduce_min3A_1120 : f32 to vector<16xf32>
      %parallel_loop3A_1856 = arith.cmpf oge, %parallel_loop3A_1845, %parallel_loop3A_1855 : vector<16xf32>
      %parallel_loop3A_1857 = vector.broadcast %add3A_1254 : f32 to vector<16xf32>
      %parallel_loop3A_1858 = arith.select %parallel_loop3A_1856, %parallel_loop3A_1857, %parallel_loop3A_1854 : vector<16xi1>, vector<16xf32>
      %parallel_loop3A_1859 = vector.broadcast %reduce_min3A_1130 : f32 to vector<16xf32>
      %parallel_loop3A_1860 = arith.cmpf oge, %parallel_loop3A_1845, %parallel_loop3A_1859 : vector<16xf32>
      %parallel_loop3A_1861 = vector.broadcast %add3A_1257 : f32 to vector<16xf32>
      %parallel_loop3A_1862 = arith.select %parallel_loop3A_1860, %parallel_loop3A_1861, %parallel_loop3A_1858 : vector<16xi1>, vector<16xf32>
      %parallel_loop3A_1863 = vector.broadcast %reduce_min3A_1140 : f32 to vector<16xf32>
      %parallel_loop3A_1864 = arith.cmpf oge, %parallel_loop3A_1845, %parallel_loop3A_1863 : vector<16xf32>
      %parallel_loop3A_1865 = vector.broadcast %add3A_1260 : f32 to vector<16xf32>
      %parallel_loop3A_1866 = arith.select %parallel_loop3A_1864, %parallel_loop3A_1865, %parallel_loop3A_1862 : vector<16xi1>, vector<16xf32>
      %parallel_loop3A_1867 = vector.broadcast %reduce_min3A_1150 : f32 to vector<16xf32>
      %parallel_loop3A_1868 = arith.cmpf oge, %parallel_loop3A_1845, %parallel_loop3A_1867 : vector<16xf32>
      %parallel_loop3A_1869 = vector.broadcast %add3A_1263 : f32 to vector<16xf32>
      %parallel_loop3A_1870 = arith.select %parallel_loop3A_1868, %parallel_loop3A_1869, %parallel_loop3A_1866 : vector<16xi1>, vector<16xf32>
      %parallel_loop3A_1871 = vector.broadcast %reduce_min3A_1160 : f32 to vector<16xf32>
      %parallel_loop3A_1872 = arith.cmpf oge, %parallel_loop3A_1845, %parallel_loop3A_1871 : vector<16xf32>
      %parallel_loop3A_1873 = vector.broadcast %add3A_1266 : f32 to vector<16xf32>
      %parallel_loop3A_1874 = arith.select %parallel_loop3A_1872, %parallel_loop3A_1873, %parallel_loop3A_1870 : vector<16xi1>, vector<16xf32>
      %parallel_loop3A_1875 = arith.index_cast %parallel_loop3A_1422 : i32 to index
      %parallel_loop3A_1876 = arith.constant 192 : index
      %parallel_loop3A_1877 = tpu.vector_load %arg6[%parallel_loop3A_1875, %parallel_loop3A_1876] {strides = array<i32>} : memref<224x224xf32, #tpu.memory_space<vmem>>, vector<16xf32>,
      tpu.vector_store %arg6[%parallel_loop3A_1875, %parallel_loop3A_1876], %parallel_loop3A_1874 {strides = array<i32>} : memref<224x224xf32, #tpu.memory_space<vmem>>, vector<16xf32>,
      %parallel_loop3A_1878 = arith.index_cast %parallel_loop3A_1422 : i32 to index
      %parallel_loop3A_1879 = arith.constant 208 : index
      %parallel_loop3A_1880 = tpu.vector_load %arg6[%parallel_loop3A_1878, %parallel_loop3A_1879] {strides = array<i32>} : memref<224x224xf32, #tpu.memory_space<vmem>>, vector<16xf32>,
      %parallel_loop3A_1881 = vector.broadcast %add3A_1245 : f32 to vector<16xf32>
      %parallel_loop3A_1882 = vector.broadcast %reduce_min3A_1100 : f32 to vector<16xf32>
      %parallel_loop3A_1883 = arith.cmpf oge, %parallel_loop3A_1880, %parallel_loop3A_1882 : vector<16xf32>
      %parallel_loop3A_1884 = vector.broadcast %add3A_1248 : f32 to vector<16xf32>
      %parallel_loop3A_1885 = arith.select %parallel_loop3A_1883, %parallel_loop3A_1884, %parallel_loop3A_1881 : vector<16xi1>, vector<16xf32>
      %parallel_loop3A_1886 = vector.broadcast %reduce_min3A_1110 : f32 to vector<16xf32>
      %parallel_loop3A_1887 = arith.cmpf oge, %parallel_loop3A_1880, %parallel_loop3A_1886 : vector<16xf32>
      %parallel_loop3A_1888 = vector.broadcast %add3A_1251 : f32 to vector<16xf32>
      %parallel_loop3A_1889 = arith.select %parallel_loop3A_1887, %parallel_loop3A_1888, %parallel_loop3A_1885 : vector<16xi1>, vector<16xf32>
      %parallel_loop3A_1890 = vector.broadcast %reduce_min3A_1120 : f32 to vector<16xf32>
      %parallel_loop3A_1891 = arith.cmpf oge, %parallel_loop3A_1880, %parallel_loop3A_1890 : vector<16xf32>
      %parallel_loop3A_1892 = vector.broadcast %add3A_1254 : f32 to vector<16xf32>
      %parallel_loop3A_1893 = arith.select %parallel_loop3A_1891, %parallel_loop3A_1892, %parallel_loop3A_1889 : vector<16xi1>, vector<16xf32>
      %parallel_loop3A_1894 = vector.broadcast %reduce_min3A_1130 : f32 to vector<16xf32>
      %parallel_loop3A_1895 = arith.cmpf oge, %parallel_loop3A_1880, %parallel_loop3A_1894 : vector<16xf32>
      %parallel_loop3A_1896 = vector.broadcast %add3A_1257 : f32 to vector<16xf32>
      %parallel_loop3A_1897 = arith.select %parallel_loop3A_1895, %parallel_loop3A_1896, %parallel_loop3A_1893 : vector<16xi1>, vector<16xf32>
      %parallel_loop3A_1898 = vector.broadcast %reduce_min3A_1140 : f32 to vector<16xf32>
      %parallel_loop3A_1899 = arith.cmpf oge, %parallel_loop3A_1880, %parallel_loop3A_1898 : vector<16xf32>
      %parallel_loop3A_1900 = vector.broadcast %add3A_1260 : f32 to vector<16xf32>
      %parallel_loop3A_1901 = arith.select %parallel_loop3A_1899, %parallel_loop3A_1900, %parallel_loop3A_1897 : vector<16xi1>, vector<16xf32>
      %parallel_loop3A_1902 = vector.broadcast %reduce_min3A_1150 : f32 to vector<16xf32>
      %parallel_loop3A_1903 = arith.cmpf oge, %parallel_loop3A_1880, %parallel_loop3A_1902 : vector<16xf32>
      %parallel_loop3A_1904 = vector.broadcast %add3A_1263 : f32 to vector<16xf32>
      %parallel_loop3A_1905 = arith.select %parallel_loop3A_1903, %parallel_loop3A_1904, %parallel_loop3A_1901 : vector<16xi1>, vector<16xf32>
      %parallel_loop3A_1906 = vector.broadcast %reduce_min3A_1160 : f32 to vector<16xf32>
      %parallel_loop3A_1907 = arith.cmpf oge, %parallel_loop3A_1880, %parallel_loop3A_1906 : vector<16xf32>
      %parallel_loop3A_1908 = vector.broadcast %add3A_1266 : f32 to vector<16xf32>
      %parallel_loop3A_1909 = arith.select %parallel_loop3A_1907, %parallel_loop3A_1908, %parallel_loop3A_1905 : vector<16xi1>, vector<16xf32>
      %parallel_loop3A_1910 = arith.index_cast %parallel_loop3A_1422 : i32 to index
      %parallel_loop3A_1911 = arith.constant 208 : index
      %parallel_loop3A_1912 = tpu.vector_load %arg6[%parallel_loop3A_1910, %parallel_loop3A_1911] {strides = array<i32>} : memref<224x224xf32, #tpu.memory_space<vmem>>, vector<16xf32>,
      tpu.vector_store %arg6[%parallel_loop3A_1910, %parallel_loop3A_1911], %parallel_loop3A_1909 {strides = array<i32>} : memref<224x224xf32, #tpu.memory_space<vmem>>, vector<16xf32>,
    } {sc.loop_unroll_factor = 1 : i64, sc.parallel_access}
    %jit3A_1270 = arith.constant 3 : i32
    %div3A_1271 = arith.divsi %add3A_945, %jit3A_1270 : i32
    %sign3A_1272 = arith.constant 0 : i32
    %sign3A_1273 = arith.cmpi sgt, %add3A_945, %sign3A_1272 : i32
    %sign3A_1274 = arith.extui %sign3A_1273 : i1 to i32
    %sign3A_1275 = arith.constant 0 : i32
    %sign3A_1276 = arith.cmpi slt, %add3A_945, %sign3A_1275 : i32
    %sign3A_1277 = arith.extui %sign3A_1276 : i1 to i32
    %sign3A_1278 = arith.subi %sign3A_1274, %sign3A_1277 : i32
    %sign3A_1279 = arith.constant 0 : i32
    %sign3A_1280 = arith.cmpi sgt, %jit3A_1270, %sign3A_1279 : i32
    %sign3A_1281 = arith.extui %sign3A_1280 : i1 to i32
    %sign3A_1282 = arith.constant 0 : i32
    %sign3A_1283 = arith.cmpi slt, %jit3A_1270, %sign3A_1282 : i32
    %sign3A_1284 = arith.extui %sign3A_1283 : i1 to i32
    %sign3A_1285 = arith.subi %sign3A_1281, %sign3A_1284 : i32
    %ne3A_1286 = arith.cmpi ne, %sign3A_1278, %sign3A_1285 : i32
    %rem3A_1287 = arith.remsi %add3A_945, %jit3A_1270 : i32
    %ne3A_1288 = arith.constant 0 : i32
    %ne3A_1289 = arith.cmpi ne, %rem3A_1287, %ne3A_1288 : i32
    %and3A_1290 = arith.andi %ne3A_1286, %ne3A_1289 : i1
    %sub3A_1291 = arith.constant 1 : i32
    %sub3A_1292 = arith.subi %div3A_1271, %sub3A_1291 : i32
    %select_n3A_1293 = arith.select %and3A_1290, %sub3A_1292, %div3A_1271 : i32
    %jit3A_1294 = arith.constant 3 : i32
    %eq3A_1295 = arith.constant 0 : i32
    %eq3A_1296 = arith.cmpi eq, %jit3A_1294, %eq3A_1295 : i32
    %jit3A_1297 = arith.constant 1 : i32
    %select_n3A_1298 = arith.select %eq3A_1296, %jit3A_1297, %jit3A_1294 : i32
    %rem3A_1299 = arith.remsi %add3A_945, %select_n3A_1298 : i32
    %ne3A_1300 = arith.constant 0 : i32
    %ne3A_1301 = arith.cmpi ne, %rem3A_1299, %ne3A_1300 : i32
    %lt3A_1302 = arith.constant 0 : i32
    %lt3A_1303 = arith.cmpi slt, %rem3A_1299, %lt3A_1302 : i32
    %lt3A_1304 = arith.constant 0 : i32
    %lt3A_1305 = arith.cmpi slt, %select_n3A_1298, %lt3A_1304 : i32
    %ne3A_1306 = arith.xori %lt3A_1303, %lt3A_1305 : i1
    %and3A_1307 = arith.andi %ne3A_1306, %ne3A_1301 : i1
    %add3A_1308 = arith.addi %rem3A_1299, %select_n3A_1298 : i32
    %select_n3A_1309 = arith.select %and3A_1307, %add3A_1308, %rem3A_1299 : i32
    %dma_start3A_1310 = arith.constant 0 : i32
    %dma_start3A_1311 = arith.constant 0 : i32
    %dma_start3A_1312 = tpu.memref_slice %arg5[%select_n3A_1293, %select_n3A_1309, %dma_start3A_1310, %dma_start3A_1311] : memref<32x3x224x224xf32, #tpu.memory_space<hbm>> -> memref<1x1x224x224xf32, #tpu.memory_space<hbm>>
    %dma_start3A_1313 = tpu.memref_squeeze %dma_start3A_1312 : memref<1x1x224x224xf32, #tpu.memory_space<hbm>> -> memref<224x224xf32, #tpu.memory_space<hbm>>
    %dma_start3A_1314 = arith.constant 0 : i32
    %dma_start3A_1315 = arith.constant 0 : i32
    %dma_start3A_1316 = tpu.memref_slice %arg5[%select_n3A_1293, %select_n3A_1309, %dma_start3A_1314, %dma_start3A_1315] : memref<32x3x224x224xf32, #tpu.memory_space<hbm>> -> memref<1x1x224x224xf32, #tpu.memory_space<hbm>>
    %dma_start3A_1317 = tpu.memref_squeeze %dma_start3A_1316 : memref<1x1x224x224xf32, #tpu.memory_space<hbm>> -> memref<224x224xf32, #tpu.memory_space<hbm>>
    tpu.enqueue_dma source(%arg6 : memref<224x224xf32, #tpu.memory_space<vmem>>) target(%dma_start3A_1317 : memref<224x224xf32, #tpu.memory_space<hbm>>) target_semaphore(%arg12 : memref<!tpu.dma_semaphore, #tpu.memory_space<semaphore_mem>>)
    %add3A_1318 = arith.constant 3 : i32
    %add3A_1319 = arith.addi %mul3A_2, %add3A_1318 : i32
    %sub3A_1320 = arith.constant 2 : i32
    %sub3A_1321 = arith.subi %add3A_1319, %sub3A_1320 : i32
    %jit3A_1322 = arith.constant 3 : i32
    %div3A_1323 = arith.divsi %sub3A_1321, %jit3A_1322 : i32
    %sign3A_1324 = arith.constant 0 : i32
    %sign3A_1325 = arith.cmpi sgt, %sub3A_1321, %sign3A_1324 : i32
    %sign3A_1326 = arith.extui %sign3A_1325 : i1 to i32
    %sign3A_1327 = arith.constant 0 : i32
    %sign3A_1328 = arith.cmpi slt, %sub3A_1321, %sign3A_1327 : i32
    %sign3A_1329 = arith.extui %sign3A_1328 : i1 to i32
    %sign3A_1330 = arith.subi %sign3A_1326, %sign3A_1329 : i32
    %sign3A_1331 = arith.constant 0 : i32
    %sign3A_1332 = arith.cmpi sgt, %jit3A_1322, %sign3A_1331 : i32
    %sign3A_1333 = arith.extui %sign3A_1332 : i1 to i32
    %sign3A_1334 = arith.constant 0 : i32
    %sign3A_1335 = arith.cmpi slt, %jit3A_1322, %sign3A_1334 : i32
    %sign3A_1336 = arith.extui %sign3A_1335 : i1 to i32
    %sign3A_1337 = arith.subi %sign3A_1333, %sign3A_1336 : i32
    %ne3A_1338 = arith.cmpi ne, %sign3A_1330, %sign3A_1337 : i32
    %rem3A_1339 = arith.remsi %sub3A_1321, %jit3A_1322 : i32
    %ne3A_1340 = arith.constant 0 : i32
    %ne3A_1341 = arith.cmpi ne, %rem3A_1339, %ne3A_1340 : i32
    %and3A_1342 = arith.andi %ne3A_1338, %ne3A_1341 : i1
    %sub3A_1343 = arith.constant 1 : i32
    %sub3A_1344 = arith.subi %div3A_1323, %sub3A_1343 : i32
    %select_n3A_1345 = arith.select %and3A_1342, %sub3A_1344, %div3A_1323 : i32
    %jit3A_1346 = arith.constant 3 : i32
    %eq3A_1347 = arith.constant 0 : i32
    %eq3A_1348 = arith.cmpi eq, %jit3A_1346, %eq3A_1347 : i32
    %jit3A_1349 = arith.constant 1 : i32
    %select_n3A_1350 = arith.select %eq3A_1348, %jit3A_1349, %jit3A_1346 : i32
    %rem3A_1351 = arith.remsi %sub3A_1321, %select_n3A_1350 : i32
    %ne3A_1352 = arith.constant 0 : i32
    %ne3A_1353 = arith.cmpi ne, %rem3A_1351, %ne3A_1352 : i32
    %lt3A_1354 = arith.constant 0 : i32
    %lt3A_1355 = arith.cmpi slt, %rem3A_1351, %lt3A_1354 : i32
    %lt3A_1356 = arith.constant 0 : i32
    %lt3A_1357 = arith.cmpi slt, %select_n3A_1350, %lt3A_1356 : i32
    %ne3A_1358 = arith.xori %lt3A_1355, %lt3A_1357 : i1
    %and3A_1359 = arith.andi %ne3A_1358, %ne3A_1353 : i1
    %add3A_1360 = arith.addi %rem3A_1351, %select_n3A_1350 : i32
    %select_n3A_1361 = arith.select %and3A_1359, %add3A_1360, %rem3A_1351 : i32
    %dma_wait3A_1362 = arith.constant 0 : i32
    %dma_wait3A_1363 = arith.constant 0 : i32
    %dma_wait3A_1364 = tpu.memref_slice %arg5[%select_n3A_1345, %select_n3A_1361, %dma_wait3A_1362, %dma_wait3A_1363] : memref<32x3x224x224xf32, #tpu.memory_space<hbm>> -> memref<1x1x224x224xf32, #tpu.memory_space<hbm>>
    %dma_wait3A_1365 = tpu.memref_squeeze %dma_wait3A_1364 : memref<1x1x224x224xf32, #tpu.memory_space<hbm>> -> memref<224x224xf32, #tpu.memory_space<hbm>>
    %dma_wait3A_1366 = arith.constant 0 : i32
    %dma_wait3A_1367 = arith.constant 0 : i32
    %dma_wait3A_1368 = tpu.memref_slice %arg5[%select_n3A_1345, %select_n3A_1361, %dma_wait3A_1366, %dma_wait3A_1367] : memref<32x3x224x224xf32, #tpu.memory_space<hbm>> -> memref<1x1x224x224xf32, #tpu.memory_space<hbm>>
    %dma_wait3A_1369 = tpu.memref_squeeze %dma_wait3A_1368 : memref<1x1x224x224xf32, #tpu.memory_space<hbm>> -> memref<224x224xf32, #tpu.memory_space<hbm>>
    tpu.wait_dma2 semaphore(%arg13 : memref<!tpu.dma_semaphore, #tpu.memory_space<semaphore_mem>>) src(%arg7 : memref<224x224xf32, #tpu.memory_space<vmem>>) dst(%dma_wait3A_1369 : memref<224x224xf32, #tpu.memory_space<hbm>>)
    %add3A_1370 = arith.constant 3 : i32
    %add3A_1371 = arith.addi %mul3A_2, %add3A_1370 : i32
    %sub3A_1372 = arith.constant 1 : i32
    %sub3A_1373 = arith.subi %add3A_1371, %sub3A_1372 : i32
    %jit3A_1374 = arith.constant 3 : i32
    %div3A_1375 = arith.divsi %sub3A_1373, %jit3A_1374 : i32
    %sign3A_1376 = arith.constant 0 : i32
    %sign3A_1377 = arith.cmpi sgt, %sub3A_1373, %sign3A_1376 : i32
    %sign3A_1378 = arith.extui %sign3A_1377 : i1 to i32
    %sign3A_1379 = arith.constant 0 : i32
    %sign3A_1380 = arith.cmpi slt, %sub3A_1373, %sign3A_1379 : i32
    %sign3A_1381 = arith.extui %sign3A_1380 : i1 to i32
    %sign3A_1382 = arith.subi %sign3A_1378, %sign3A_1381 : i32
    %sign3A_1383 = arith.constant 0 : i32
    %sign3A_1384 = arith.cmpi sgt, %jit3A_1374, %sign3A_1383 : i32
    %sign3A_1385 = arith.extui %sign3A_1384 : i1 to i32
    %sign3A_1386 = arith.constant 0 : i32
    %sign3A_1387 = arith.cmpi slt, %jit3A_1374, %sign3A_1386 : i32
    %sign3A_1388 = arith.extui %sign3A_1387 : i1 to i32
    %sign3A_1389 = arith.subi %sign3A_1385, %sign3A_1388 : i32
    %ne3A_1390 = arith.cmpi ne, %sign3A_1382, %sign3A_1389 : i32
    %rem3A_1391 = arith.remsi %sub3A_1373, %jit3A_1374 : i32
    %ne3A_1392 = arith.constant 0 : i32
    %ne3A_1393 = arith.cmpi ne, %rem3A_1391, %ne3A_1392 : i32
    %and3A_1394 = arith.andi %ne3A_1390, %ne3A_1393 : i1
    %sub3A_1395 = arith.constant 1 : i32
    %sub3A_1396 = arith.subi %div3A_1375, %sub3A_1395 : i32
    %select_n3A_1397 = arith.select %and3A_1394, %sub3A_1396, %div3A_1375 : i32
    %jit3A_1398 = arith.constant 3 : i32
    %eq3A_1399 = arith.constant 0 : i32
    %eq3A_1400 = arith.cmpi eq, %jit3A_1398, %eq3A_1399 : i32
    %jit3A_1401 = arith.constant 1 : i32
    %select_n3A_1402 = arith.select %eq3A_1400, %jit3A_1401, %jit3A_1398 : i32
    %rem3A_1403 = arith.remsi %sub3A_1373, %select_n3A_1402 : i32
    %ne3A_1404 = arith.constant 0 : i32
    %ne3A_1405 = arith.cmpi ne, %rem3A_1403, %ne3A_1404 : i32
    %lt3A_1406 = arith.constant 0 : i32
    %lt3A_1407 = arith.cmpi slt, %rem3A_1403, %lt3A_1406 : i32
    %lt3A_1408 = arith.constant 0 : i32
    %lt3A_1409 = arith.cmpi slt, %select_n3A_1402, %lt3A_1408 : i32
    %ne3A_1410 = arith.xori %lt3A_1407, %lt3A_1409 : i1
    %and3A_1411 = arith.andi %ne3A_1410, %ne3A_1405 : i1
    %add3A_1412 = arith.addi %rem3A_1403, %select_n3A_1402 : i32
    %select_n3A_1413 = arith.select %and3A_1411, %add3A_1412, %rem3A_1403 : i32
    %dma_wait3A_1414 = arith.constant 0 : i32
    %dma_wait3A_1415 = arith.constant 0 : i32
    %dma_wait3A_1416 = tpu.memref_slice %arg5[%select_n3A_1397, %select_n3A_1413, %dma_wait3A_1414, %dma_wait3A_1415] : memref<32x3x224x224xf32, #tpu.memory_space<hbm>> -> memref<1x1x224x224xf32, #tpu.memory_space<hbm>>
    %dma_wait3A_1417 = tpu.memref_squeeze %dma_wait3A_1416 : memref<1x1x224x224xf32, #tpu.memory_space<hbm>> -> memref<224x224xf32, #tpu.memory_space<hbm>>
    %dma_wait3A_1418 = arith.constant 0 : i32
    %dma_wait3A_1419 = arith.constant 0 : i32
    %dma_wait3A_1420 = tpu.memref_slice %arg5[%select_n3A_1397, %select_n3A_1413, %dma_wait3A_1418, %dma_wait3A_1419] : memref<32x3x224x224xf32, #tpu.memory_space<hbm>> -> memref<1x1x224x224xf32, #tpu.memory_space<hbm>>
    %dma_wait3A_1421 = tpu.memref_squeeze %dma_wait3A_1420 : memref<1x1x224x224xf32, #tpu.memory_space<hbm>> -> memref<224x224xf32, #tpu.memory_space<hbm>>
    tpu.wait_dma2 semaphore(%arg12 : memref<!tpu.dma_semaphore, #tpu.memory_space<semaphore_mem>>) src(%arg6 : memref<224x224xf32, #tpu.memory_space<vmem>>) dst(%dma_wait3A_1421 : memref<224x224xf32, #tpu.memory_space<hbm>>)
    return
  }
}

</mosaic_0001>

<sc_bundles>
// kernel: kernel.3.cloned.1.call-start
scs
__scs_entry_jumppad:
0x0: {  	(pc) =	sbr.rel $0x88, $3  }
0x1: {  	(tag) =	ssettag $0x0;
	lr =	simm.s32 $0x1  }
0x2: {  	[smem:$0x3F9E] =	sst lr;
	_ =	strace $0xD0000000  }
0x3: {  	_ = 	snop  }
0x4: {  	_ = 	snop  }
0x5: {  	_ = 	snop  }
0x6: {  	_ = 	snop  }
0x7: {  	_ = 	snop  }
__scs_overlays_trampoline_lowered:
0x8: {  	[smem:$0x3FAD] =	sst s0  }
0x9: {  	[smem:$0x3FAE] =	sst s1  }
0xa: {  	[smem:$0x3FAF] =	sst s2  }
0xb: {  	[smem:$0x3FB0] =	sst s3  }
0xc: {  	[smem:$0x3FB1] =	sst s4  }
0xd: {  	[smem:$0x3FB2] =	sst s5  }
0xe: {  	[smem:$0x3FB3] =	sst s6  }
0xf: {  	[smem:$0x3FB4] =	sst s7  }
0x10: {  	[smem:$0x3FB5] =	sst s8  }
0x11: {  	[smem:$0x3FB6] =	sst s9;
	s0 =	simm.s32 @!p0 $0x0  }
0x12: {  	s1 =	sld [smem:$0x3F9C];
	s0 =	simm.s32 @p0 $0x1  }
0x13: {  	[smem:$0x3FB7] =	sst s0;
	s0 =	simm.s32 @!p1 $0x0  }
0x14: {  	s2 =	sld [smem:$0x3F9B];
	s0 =	simm.s32 @p1 $0x1  }
0x15: {  	[smem:$0x3FB8] =	sst s0;
	s0 =	simm.s32 @!p2 $0x0  }
0x16: {  	s3 =	sld [smem:$0x3FDB];
	s0 =	simm.s32 @p2 $0x1  }
0x17: {  	s4 =	simm.s32 $0x1BF5;
	[smem:$0x3FBA] =	sst s0  }
0x18: {  	s0 =	sld [smem:$0x3F9D];
	_ =	swait.ge [sflag:s4], $0x0  }
0x19: {  	s7 =	sld [smem:$0x3F9E]  }
0x1a: {  	s8 =	sadd.s32 $0xFFFFE003, lr  }
0x1b: {  	s9 =	sadd.s32 $0xFFFFFEF7, lr;
	s5 =	simm.s32 $0xFFFFFFFF;
	p2 =	slt.u32 s8, $0xFFFFF086  }
0x1c: {  	p1 =	slt.u32 s9, $0xF7A;
	s5 =	simm.s32 @!p2 $0x0  }
0x1d: {  	s5 =	simm.s32 @p1 $0x1;
	p0 =	seq.s32 s7, s2  }
0x1e: {  	s7 =	smul.u32 @!p0 $0xF7A, s2;
	p2 =	seq.s32 @!p0 s5, $0x0  }
0x1f: {  	s9 =	smul.u32 $0xF7A, s1;
	s8 =	simm.s32 @!p0 $0x1BF5;
	p2 =	por !p2, p0  }
0x20: {  	[sflag:s8] =	ssyncset.s32 @!p0 $0xFFFFF086;
	s6 =	sadd.s32 @!p0 s3, s7;
	s7 =	simm.s32 @!p0 $0x108  }
0x21: {  	s3 =	sadd.s32 s3, s9;
	s6 =	sadd.s32 @!p0 $0x88, s6;
	s7 =	simm.s32 @p2 $0x1082  }
0x22: {  	[simem:s7], [sflag:s8] =	dma.local @!p0 [hbm:s6], $0xF7A  }
0x23: {  	s9 =	sor.u32 $0xD0000000, s2;
	s6 =	simm.s32 $0x108;
	_ =	swait.ge @!p0 [sflag:s8], $0x0  }
0x24: {  	s3 =	sadd.s32 $0x88, s3;
	s6 =	simm.s32 @!p1 $0x1082;
	[sflag:s4] =	ssyncset.s32 $0xFFFFF086  }
0x25: {  	[simem:s6], [sflag:s4] =	dma.local [hbm:s3], $0xF7A  }
0x26: {  	[smem:$0x3F9E] =	sst s1;
	(tag) =	ssettag s2;
	_ =	strace s9  }
0x27: {  	s1 =	sld [smem:$0x3FAE]  }
0x28: {  	s2 =	sld [smem:$0x3FAF]  }
0x29: {  	s4 =	sld [smem:$0x3FB1]  }
0x2a: {  	p0 =	seq.s32 s5, $0x0;
	s5 =	sld [smem:$0x3FB2]  }
0x2b: {  	s6 =	sld [smem:$0x3FB3]  }
0x2c: {  	s7 =	sld [smem:$0x3FB4]  }
0x2d: {  	s3 =	simm.s32 $0x108;
	s8 =	sld [smem:$0x3FB5]  }
0x2e: {  	s3 =	simm.s32 @!p0 $0x1082;
	s9 =	sld [smem:$0x3FB6]  }
0x2f: {  	lr =	sadd.s32 s0, s3;
	s0 =	sld [smem:$0x3FAD]  }
0x30: {  	s3 =	sld [smem:$0x3FB0]  }
0x31: {  	[smem:$0x3FB9] =	sst s10  }
0x32: {  	s10 =	sld [smem:$0x3FB7];
	_ =	sdelay $0x3  }
0x33: {  	p0 =	seq.s32 s10, $0x1;
	s10 =	sld [smem:$0x3FB9];
	_ =	sdelay $0x3  }
0x34: {  	[smem:$0x3FB9] =	sst s10  }
0x35: {  	s10 =	sld [smem:$0x3FB8];
	_ =	sdelay $0x3  }
0x36: {  	p1 =	seq.s32 s10, $0x1;
	s10 =	sld [smem:$0x3FB9];
	_ =	sdelay $0x3  }
0x37: {  	[smem:$0x3FB9] =	sst s10  }
0x38: {  	s10 =	sld [smem:$0x3FBA]  }
0x39: {  	_ = 	snop;
	(pc) =	sbr.ind lr, $3  }
0x3a: {  	_ = 	snop  }
0x3b: {  	_ = 	snop  }
0x3c: {  	p2 =	seq.s32 s10, $0x1;
	s10 =	sld [smem:$0x3FB9]  }
0x3d: {  	_ =	shalt  }
0x3e: {  	_ =	shalt  }
0x3f: {  	_ =	shalt  }
0x40: {  	_ =	shalt  }
0x41: {  	_ =	shalt  }
0x42: {  	_ =	shalt  }
0x43: {  	_ =	shalt  }
0x44: {  	_ =	shalt  }
0x45: {  	_ =	shalt  }
0x46: {  	_ =	shalt  }
0x47: {  	_ =	shalt  }
0x48: {  	_ =	shalt  }
0x49: {  	_ =	shalt  }
0x4a: {  	_ =	shalt  }
0x4b: {  	_ =	shalt  }
0x4c: {  	_ =	shalt  }
0x4d: {  	_ =	shalt  }
0x4e: {  	_ =	shalt  }
0x4f: {  	_ =	shalt  }
0x50: {  	_ =	shalt  }
0x51: {  	_ =	shalt  }
0x52: {  	_ =	shalt  }
0x53: {  	_ =	shalt  }
0x54: {  	_ =	shalt  }
0x55: {  	_ =	shalt  }
0x56: {  	_ =	shalt  }
0x57: {  	_ =	shalt  }
0x58: {  	_ =	shalt  }
0x59: {  	_ =	shalt  }
0x5a: {  	_ =	shalt  }
0x5b: {  	_ =	shalt  }
0x5c: {  	_ =	shalt  }
0x5d: {  	_ =	shalt  }
0x5e: {  	_ =	shalt  }
0x5f: {  	_ =	shalt  }
0x60: {  	_ =	shalt  }
0x61: {  	_ =	shalt  }
0x62: {  	_ =	shalt  }
0x63: {  	_ =	shalt  }
0x64: {  	_ =	shalt  }
0x65: {  	_ =	shalt  }
0x66: {  	_ =	shalt  }
0x67: {  	_ =	shalt  }
0x68: {  	_ =	shalt  }
0x69: {  	_ =	shalt  }
0x6a: {  	_ =	shalt  }
0x6b: {  	_ =	shalt  }
0x6c: {  	_ =	shalt  }
0x6d: {  	_ =	shalt  }
0x6e: {  	_ =	shalt  }
0x6f: {  	_ =	shalt  }
0x70: {  	_ =	shalt  }
0x71: {  	_ =	shalt  }
0x72: {  	_ =	shalt  }
0x73: {  	_ =	shalt  }
0x74: {  	_ =	shalt  }
0x75: {  	_ =	shalt  }
0x76: {  	_ =	shalt  }
0x77: {  	_ =	shalt  }
0x78: {  	_ =	shalt  }
0x79: {  	_ =	shalt  }
0x7a: {  	_ =	shalt  }
0x7b: {  	_ =	shalt  }
0x7c: {  	_ =	shalt  }
0x7d: {  	_ =	shalt  }
0x7e: {  	_ =	shalt  }
0x7f: {  	_ =	shalt  }
0x80: {  	_ =	shalt  }
0x81: {  	_ =	shalt  }
0x82: {  	_ =	shalt  }
0x83: {  	_ =	shalt  }
0x84: {  	_ =	shalt  }
0x85: {  	_ =	shalt  }
0x86: {  	_ =	shalt  }
0x87: {  	_ =	shalt  }
.Lfunc_end0:
.L_simem_size_0:
called_computation_lowered:
.L_overlay_start_0:
0x88: {  	s2 =	sld [smem:$0x3FD9]  }
0x89: {  	s3 =	sld [smem:$0x3FFE];
	_ =	sdelay $0x1  }
0x8a: {  	s1 =	srdreg.scid  }
0x8b: {  	s0 =	sand.u32 $0x1, s1  }
0x8c: {  	s18 =	sshll.u32 s0, $0xA;
	s2 =	sadd.s32 s3, s2  }
0x8d: {  	s2 =	sadd.s32 s2, s18  }
0x8e: {  	[smem:$0x3FC5] =	sst s2  }
0x8f: {  	_ = 	snop  }
0x90: {  	s2 =	sld [smem:$0x3FC9]  }
0x91: {  	s19 =	sld [smem:$0x3FC8]  }
0x92: {  	s4 =	sld [smem:$0x3FC7]  }
0x93: {  	s5 =	sld [smem:$0x3FD0];
	(tm) =	ssettm $0x1  }
0x94: {  	s6 =	sld [smem:$0x3FFB];
	_ =	sdelay $0x3  }
0x95: {  	_ =	strace s6  }
0x96: {  	s6 =	sld [smem:$0x3FFC];
	_ =	sdelay $0x3  }
0x97: {  	_ =	strace s6  }
0x98: {  	s6 =	sld [smem:$0x3FFD];
	_ =	sdelay $0x3  }
0x99: {  	_ =	strace s6  }
0x9a: {  	_ =	strace $0x8FFFFFFF  }
0x9b: {  	s20 =	sld [smem:$0x3FDB];
	_ =	sdelay $0x1  }
0x9c: {  	s7 =	simm.s32 $_scs_section_size  }
0x9d: {  	s8 =	simm.s32 $_size__tile_overlayer_lowered;
	s9 =	simm.s32 $_tile_overlayer_lowered  }
0x9e: {  	s23 =	simm.s32 $0x1BFF;
	s22 =	sshll.u32 s9, $0x1;
	s6 =	sadd.s32 s7, s20  }
0x9f: {  	s10 =	simm.s32 $0x0;
	s21 =	sshll.u32 s8, $0x1;
	s8 =	sadd.s32 s22, s6  }
0xa0: {  	[timem:s10], [sflag:s23] =	dma.local [hbm:s8], s21  }
0xa1: {  	_ =	swait.ge [sflag:s23], s21  }
0xa2: {  	s7 =	ssub.s32 $0x0, s21;
	[sflag:s23] =	ssyncset.done $0x0  }
0xa3: {  	[sflag:s23] =	ssyncadd.s32 s7;
	_ =	sdelay $0x1  }
0xa4: {  	s24 =	simm.s32 $0x1B8B  }
0xa5: {  	_ =	swait.ge [sflag:s24], $0x1  }
0xa6: {  	[sflag:s24] =	ssyncset.done $0x0  }
0xa7: {  	s25 =	simm.s32 $0x1B8E;
	[sflag:s24] =	ssyncadd.s32 $0xFFFFFFFF  }
0xa8: {  	s26 =	simm.s32 $execute0_lowered;
	[smem:$0x3FD2] =	sst s25  }
0xa9: {  	s7 =	sshll.u32 s26, $0x1;
	_ =	strace $0x80000046;
	[dreg:$0x1] =	wrdreg $0xFFFFFFFF  }
0xaa: {  	s28 =	simm.s32 $_size_execute0_lowered;
	s6 =	sadd.s32 s6, s7;
	[dreg:$0x0] =	wrdreg $0x0  }
0xab: {  	s7 =	sshll.u32 s28, $0x1;
	[dreg:$0x2] =	wrdreg s6  }
0xac: {  	[dreg:$0x3] =	wrdreg s7  }
0xad: {  	[dreg:$0x4] =	wrdreg $0xC0  }
0xae: {  	_ =	task [dreg:s10], $0x5FFFF  }
0xaf: {  	[dreg:$0x1] =	wrdreg $0xFFFFFFFF  }
0xb0: {  	[dreg:$0x0] =	wrdreg $0x60  }
0xb1: {  	[dreg:$0x2] =	wrdreg s2  }
0xb2: {  	[dreg:$0x3] =	wrdreg s19  }
0xb3: {  	[dreg:$0x4] =	wrdreg s4  }
0xb4: {  	[dreg:$0x5] =	wrdreg s5  }
0xb5: {  	[dreg:$0x6] =	wrdreg $0x9  }
0xb6: {  	_ =	task.clear_ibuf [dreg:s10], $0x7FFFF;
	_ =	strace $0x90000046  }
0xb7: {  	s29 =	simm.s32 $0x9;
	_ =	strace $0x80000048  }
0xb8: {  	_ =	swait.ge [sflag:s29], $0x1  }
0xb9: {  	[sflag:s29] =	ssyncadd.s32 $0xFFFFFFFF  }
0xba: {  	_ =	strace $0x90000048  }
0xbb: {  	_ =	sfence  }
0xbc: {  	s30 =	sld [smem:$0x0];
	_ =	sdelay $0x2  }
0xbd: {  	s31 =	sshll.u32 s1, $0xD;
	s1 =	sshrl.u32 s1, $0x2  }
0xbe: {  	s3 =	sand.u32 $0x4000, s31;
	s1 =	sadd.s32 s1, s30  }
0xbf: {  	s0 =	sor.u32 s3, s0;
	s1 =	sshll.u32 s1, $0x11  }
0xc0: {  	s0 =	sor.u32 s1, s0  }
0xc1: {  	s0 =	sadd.s32 $0x8F2B, s0  }
0xc2: {  	[sflag:s0] =	ssyncadd.remote.s32 $0x1  }
0xc3: {  	_ =	sfence.sel $0xFFFF  }
0xc4: {  	[dreg:$0x0] =	wrdreg $0xFFFFFFFF;
	(pc) =	sbr.abs _section_cstart, $3  }
0xc5: {  	[dreg:$0x1] =	wrdreg $0xFFFFFFFF  }
0xc6: {  	_ =	task.clear_ibuf [dreg:s10], $0x2FFFF;
	_ =	strace $0x9FFFFFFF  }
0xc7: {  	(tm) =	ssettm $0x7FFFFFFF  }
tec
execute0_lowered:
.L_overlay_start_1:
0x0: {  	(tag) =	ssettag $0x1  }
0x1: {  	s1 =	srdreg.scid;
	s0 =	stileid.u32  }
0x2: {  	s2 =	sand.u32 $0x1, s1;
	s20 =	sshll.u32 s0, $0x1  }
0x3: {  	s8 =	sor.u32 s2, s20  }
0x4: {  	s5 =	smul.u32 $0x3, s8  }
0x5: {  	s9 =	rddreg [dreg:$0x0];
	s4 =	smul.u32 $0x201, s8  }
0x6: {  	s12 =	rddreg [dreg:$0x3];
	s13 =	smul.u32 $0x2A000, s8  }
0x7: {  	s17 =	simm.s32 $0x5;
	s2 =	ssub.s32 $0x2, s2;
	s14 =	smul.u32 $0x5400, s8  }
0x8: {  	s19 =	simm.s32 $0x2;
	s23 =	sshrl.u32 s2, $0x1;
	s18 =	smul.u32 $0x60, s8  }
0x9: {  	s2 =	ssub.s32 s2, s23;
	s11 =	sadd.s32 $0x2, s5;
	s4 =	sadd.s32 $0xAB, s4  }
0xa: {  	s10 =	sadd.s32 $0x1, s5;
	s24 =	sadd.s32 s9, s14;
	s6 =	smul.u32 $0xAB, s11  }
0xb: {  	s26 =	sadd.s32 s12, s14;
	s4 =	sshrl.u32 s4, $0x9;
	s20 =	smul.u32 $0x1C, s10  }
0xc: {  	s31 =	smax.u32 s2, $0x1;
	s7 =	smul.u32 $0x3, s4;
	s4 =	simm.s32 $0x0  }
0xd: {  	s18 =	sshrl.u32 s18, $0x2;
	s6 =	sshrl.u32 s6, $0x9;
	[smem:$0x7FF] =	sst s4  }
0xe: {  	s20 =	sshrl.u32 s20, $0x2;
	s21 =	sand.u32 $0x7F, s6;
	s22 =	ssub.s32 s10, s7  }
0xf: {  	_ =	strace $0x80000047;
	[dreg:$0x5] =	wrdreg s24;
	s5 =	smul.u32 $0x3, s21  }
0x10: {  	[dreg:$0x7] =	wrdreg s26;
	s24 =	sshll.u32 s11, $0x5;
	s6 =	sand.u32 $0xFF, s22  }
0x11: {  	[dreg:$0xb] =	wrdreg s31;
	s6 =	smul.u32 $0xE000, s6;
	s5 =	ssub.s32 s11, s5  }
0x12: {  	s26 =	simm.s32 $0x0;
	s21 =	sshll.u32 s10, $0x5;
	s5 =	sand.u32 $0xFF, s5  }
0x13: {  	s22 =	simm.s32 $0x3;
	s6 =	sadd.s32 s13, s6;
	s15 =	smul.u32 $0xE000, s5  }
0x14: {  	s24 =	sshrl.u32 s24, $0x2;
	s21 =	sshrl.u32 s21, $0x2;
	s16 =	sshrl.u32 s6, $0x3  }
0x15: {  	s6 =	smul.u32 $0x54, s8;
	s25 =	sadd.s32 s9, s16;
	s13 =	sadd.s32 s13, s15  }
0x16: {  	s29 =	sadd.s32 s12, s16;
	[dreg:$0x6] =	wrdreg s25;
	s13 =	sshrl.u32 s13, $0x3  }
0x17: {  	s16 =	simm.s32 $0x1;
	[dreg:$0x9] =	wrdreg s29;
	s28 =	sadd.s32 s9, s13  }
0x18: {  	s23 =	sadd.s32 $0x38, s6;
	s30 =	sadd.s32 s12, s13;
	[dreg:$0x8] =	wrdreg s28  }
0x19: {  	vm0 =	vmmov $0x7f;
	vm1 =	vmmov $0x1;
	vm7 =	vcmask $0x171C;
	s25 =	simm.s32 $0x4;
	s23 =	sshrl.u32 s23, $0x2;
	[dreg:$0xa] =	wrdreg s30  }
.LBB2_1:
0x1a: {  	s0 =	rddreg [dreg:$0x5]  }
0x1b: {  	[tilespmem:s4], [sflag:$0x1] =	stream.linear.gather [hbm4b:s0+s4], $0xE000, $0x38;
	[tilespmem:$0x1C680] =	vst v63  }
0x1c: {  	s12 =	rddreg [dreg:$0x6];
	s1 =	simm.s32 $0xE000  }
0x1d: {  	[tilespmem:s1], [sflag:$0x2] =	stream.linear.gather [hbm4b:s12+s4], $0xE000, $0x38;
	[tilespmem:$0x1C680] =	vst v63  }
0x1e: {  	s13 =	rddreg [dreg:$0x1];
	s14 =	simm.s32 $0x1C000  }
0x1f: {  	[tilespmem:s14], [sflag:$0x5] =	stream.linear.gather [hbm4b:s13+s4], $0x2A0, $0x38;
	[tilespmem:$0x1C680] =	vst v63  }
0x20: {  	s15 =	rddreg [dreg:$0x2];
	s31 =	simm.s32 $0x1C300  }
0x21: {  	[tilespmem:s31], [sflag:$0x5] =	stream.linear.gather [hbm4b:s15+s4], $0x300, $0x38;
	[tilespmem:$0x1C680] =	vst v63  }
0x22: {  	_ =	swait.ge [sflag:s16], $0xE000  }
0x23: {  	s2 =	sand.u32 $0xF800, s4;
	s28 =	sand.u32 $0x380, s4;
	[sflag:s16] =	ssyncset.done $0x0  }
0x24: {  	s28 =	sor.u32 s28, s2;
	[sflag:s16] =	ssyncadd.s32 $0xFFFF2000  }
0x25: {  	v19 =	vld [tilespmem:s28+$0x400]  }
0x26: {  	v7 =	vld [tilespmem:s28+$0x410]  }
0x27: {  	v11 =	vld [tilespmem:s28+$0x420]  }
0x28: {  	v12 =	vimm.f32 $+Inf;
	v24 =	vld [tilespmem:s28+$0x0]  }
0x29: {  	v16 =	vimm.f32 $-Inf;
	v17 =	vimm.f32 $+Inf;
	v13 =	vimm.f32 $-Inf;
	v22 =	vld [tilespmem:s28+$0x10]  }
0x2a: {  	v18 =	vimm.f32 $+Inf;
	v14 =	vimm.f32 $-Inf;
	v8 =	vimm.f32 $+Inf;
	v15 =	vld [tilespmem:s28+$0x430]  }
0x2b: {  	v10 =	vimm.f32 $-Inf;
	v9 =	vimm.f32 $+Inf;
	v4 =	vimm.f32 $-Inf;
	v23 =	vld [tilespmem:s28+$0x20]  }
0x2c: {  	v5 =	vimm.f32 $+Inf;
	v6 =	vimm.f32 $-Inf;
	v0 =	vimm.f32 $+Inf;
	v21 =	vld [tilespmem:s28+$0x30]  }
0x2d: {  	s29 =	simm.s32 $0x100;
	s30 =	simm.s32 $0x0;
	v1 =	vimm.f32 $-Inf;
	v2 =	vimm.f32 $+Inf;
	v3 =	vimm.f32 $-Inf;
	v20 =	vld [tilespmem:s28+$0x40]  }
.LBB2_2:
0x2e: {  	p0 =	sne.s32 s29, $0xDF00;
	v12 =	vmin.f32 v12, v24;
	v16 =	vmax.f32 v16, v24;
	v17 =	vmin.f32 v17, v22;
	v24 =	vld [tilespmem:s28+$0x440]  }
0x2f: {  	v25 =	vld [tilespmem:s28+$0x50];
	v12 =	vmin.f32 v12, v19;
	v16 =	vmax.f32 v16, v19;
	v17 =	vmin.f32 v17, v7  }
0x30: {  	v13 =	vmax.f32 v13, v22;
	s30 =	sadd.s32 $0x80, s30;
	v18 =	vmin.f32 v18, v23;
	v14 =	vmax.f32 v14, v23;
	v22 =	vld [tilespmem:s28+$0x450]  }
0x31: {  	s2 =	sand.u32 $0xF800, s29;
	s31 =	sand.u32 $0x380, s30;
	v13 =	vmax.f32 v13, v7;
	v23 =	vld [tilespmem:s28+$0x60];
	v18 =	vmin.f32 v18, v11;
	v14 =	vmax.f32 v14, v11  }
0x32: {  	v7 =	vmin.f32 v8, v21;
	v10 =	vmax.f32 v10, v21;
	v9 =	vmin.f32 v9, v20;
	v21 =	vld [tilespmem:s28+$0x70];
	s28 =	sor.u32 s31, s2  }
0x33: {  	v8 =	vmin.f32 v7, v15;
	v10 =	vmax.f32 v10, v15;
	v19 =	vld [tilespmem:s28+$0x400];
	v9 =	vmin.f32 v9, v24  }
0x34: {  	v4 =	vmax.f32 v4, v20;
	v7 =	vld [tilespmem:s28+$0x410];
	v5 =	vmin.f32 v5, v25;
	v6 =	vmax.f32 v6, v25  }
0x35: {  	v4 =	vmax.f32 v4, v24;
	v11 =	vld [tilespmem:s28+$0x420];
	v5 =	vmin.f32 v5, v22;
	v6 =	vmax.f32 v6, v22  }
0x36: {  	v24 =	vld [tilespmem:s28+$0x0];
	v0 =	vmin.f32 v0, v23;
	v1 =	vmax.f32 v1, v23  }
.Ltmp0:
0x37: {  	v22 =	vld [tilespmem:s28+$0x10];
	v2 =	vmin.f32 v2, v21;
	v3 =	vmax.f32 v3, v21;
	(pc) =	sbr.rel @p0 .LBB2_2-.Ltmp0, $4  }
0x38: {  	v15 =	vld [tilespmem:s28+$0x430]  }
0x39: {  	v23 =	vld [tilespmem:s28+$0x20]  }
0x3a: {  	v21 =	vld [tilespmem:s28+$0x30]  }
0x3b: {  	s29 =	sadd.s32 $0x100, s29;
	v20 =	vld [tilespmem:s28+$0x40]  }
0x3c: {  	v12 =	vmin.f32 v12, v24;
	v16 =	vmax.f32 v16, v24;
	v57 =	vld [tilespmem:s28+$0x440]  }
0x3d: {  	v17 =	vmin.f32 v17, v22;
	v25 =	vld [tilespmem:s28+$0x50];
	v13 =	vmax.f32 v13, v22;
	v12 =	vmin.f32 v12, v19  }
0x3e: {  	v58 =	vld [tilespmem:s28+$0x60];
	v16 =	vmax.f32 v16, v19;
	v17 =	vmin.f32 v17, v7;
	v7 =	vmax.f32 v13, v7  }
0x3f: {  	v19 =	vld [tilespmem:s28+$0x450];
	v18 =	vmin.f32 v18, v23;
	v14 =	vmax.f32 v14, v23;
	v12 =	vmin.f32 v12, v17  }
0x40: {  	v13 =	vmin.f32 v18, v11;
	v11 =	vmax.f32 v14, v11;
	v8 =	vmin.f32 v8, v21  }
0x41: {  	v10 =	vmax.f32 v10, v21;
	v14 =	vld [tilespmem:s28+$0x70];
	v9 =	vmin.f32 v9, v20;
	v8 =	vmin.f32 v8, v15  }
0x42: {  	v10 =	vmax.f32 v10, v15;
	v4 =	vmax.f32 v4, v20;
	v9 =	vmin.f32 v9, v57  }
0x43: {  	v5 =	vmin.f32 v5, v25;
	v6 =	vmax.f32 v6, v25;
	v4 =	vmax.f32 v4, v57  }
0x44: {  	v0 =	vmin.f32 v0, v58;
	v1 =	vmax.f32 v1, v58;
	v5 =	vmin.f32 v5, v19  }
0x45: {  	v8 =	vmin.f32 v13, v8;
	v6 =	vmax.f32 v6, v19;
	v5 =	vmin.f32 v9, v5  }
0x46: {  	v4 =	vmax.f32 v4, v6;
	v2 =	vmin.f32 v2, v14;
	v3 =	vmax.f32 v3, v14  }
0x47: {  	v0 =	vmin.f32 v0, v2;
	v2 =	vmax.f32 v16, v7;
	v7 =	vmax.f32 v11, v10  }
0x48: {  	v1 =	vmax.f32 v1, v3;
	v3 =	vmin.f32 v12, v8;
	v0 =	vmin.f32 v5, v0  }
0x49: {  	v2 =	vmax.f32 v2, v7;
	v1 =	vmax.f32 v4, v1;
	v0 =	vmin.f32 v3, v0  }
0x4a: {  	v1 =	vmax.f32 v2, v1;
	(xrf0) =	vmin.scan.msk.f32 $0xffff, v0  }
0x4b: {  	(xrf0) =	vmax.scan.msk.f32 $0xffff, v1;
	_ =	sdelay $0x4  }
0x4c: {  	v0, _, _ =	vpop (xrf0)  }
0x4d: {  	(v2sf) =	vpush v0, $0xF;
	v1, _, _ =	vpop (xrf0)  }
0x4e: {  	(v2sf) =	vpush v1, $0xF;
	_ =	sdelay $0xd  }
0x4f: {  	s28 =	spop (v2sf)  }
0x50: {  	s29 =	spop (v2sf)  }
0x51: {  	_ =	swait.ge [sflag:s17], $0x2A0  }
0x52: {  	[sflag:s17] =	ssyncset.done $0x0  }
0x53: {  	[sflag:s17] =	ssyncadd.s32 $0xFFFFFD60  }
0x54: {  	_ =	swait.ge [sflag:s17], $0x300  }
0x55: {  	[sflag:s17] =	ssyncset.done $0x0  }
0x56: {  	s2 =	sshrl.u32 s6, $0x2;
	[sflag:s17] =	ssyncadd.s32 $0xFFFFFD00  }
0x57: {  	v1 =	vld [tilespmem:s2+$0x1C000];
	_ =	sdelay $0x2  }
0x58: {  	s10 =	ssub.f32 s29, s28;
	_ =	sdelay $0x1  }
0x59: {  	v0 =	vbroadcast v0, $0xF;
	v1 =	vmul.f32 s10, v1;
	_ =	sdelay $0x1  }
0x5a: {  	v0 =	vadd.f32 v1, v0;
	_ =	sdelay $0x1  }
0x5b: {  	v0 =	vnsel vm0, $0x7F800000, v0  }
0x5c: {  	(xrf1) =	vsort.ascd.msk.f32 $0xffff, v0, v0;
	_ =	sdelay $0xd  }
0x5d: {  	v0, _, _ =	vpop (xrf1)  }
0x5e: {  	vm2 =	vcmask $0x308;
	v1 =	vnsel vm1, $0x7F800000, v0  }
0x5f: {  	vm3 =	vcmask $0x70C;
	(xrf0) =	vmin.scan.msk.f32 $0xffff, v1;
	v1 =	vsel vm2, $0x7F800000, v0  }
0x60: {  	vm4 =	vcmask $0xB10;
	(xrf0) =	vmin.scan.msk.f32 $0xffff, v1;
	v1 =	vsel vm3, $0x7F800000, v0  }
0x61: {  	vm5 =	vcmask $0xF14;
	v2 =	vld [tilespmem:s18+$0x1C300];
	(xrf0) =	vmin.scan.msk.f32 $0xffff, v1;
	v1 =	vsel vm4, $0x7F800000, v0  }
0x62: {  	vm6 =	vcmask $0x1318;
	(xrf0) =	vmin.scan.msk.f32 $0xffff, v1;
	v1 =	vsel vm5, $0x7F800000, v0  }
0x63: {  	(xrf0) =	vmin.scan.msk.f32 $0xffff, v1;
	v1 =	vsel vm6, $0x7F800000, v0;
	_ =	sdelay $0x1  }
0x64: {  	v0 =	vsel vm7, $0x7F800000, v0;
	(xrf0) =	vmin.scan.msk.f32 $0xffff, v1  }
0x65: {  	v1, _, _ =	vpop (xrf0);
	(xrf0) =	vmin.scan.msk.f32 $0xffff, v0;
	v0 =	vnsel vm1, $0x7F800000, v2  }
0x66: {  	v3, _, _ =	vpop (xrf0);
	(xrf0) =	vmin.scan.msk.f32 $0xffff, v0;
	v0 =	vsel vm2, $0x7F800000, v2  }
0x67: {  	(v2sf) =	vpush v1, $0xF;
	v4, _, _ =	vpop (xrf0);
	(xrf0) =	vmin.scan.msk.f32 $0xffff, v0;
	v0 =	vsel vm3, $0x7F800000, v2  }
0x68: {  	(v2sf) =	vpush v3, $0xF;
	v5, _, _ =	vpop (xrf0);
	(xrf0) =	vmin.scan.msk.f32 $0xffff, v0;
	v0 =	vsel vm4, $0x7F800000, v2  }
0x69: {  	(v2sf) =	vpush v4, $0xF  }
0x6a: {  	v6 =	vsel vm5, $0x7F800000, v2;
	(v2sf) =	vpush v5, $0xF;
	v15, _, _ =	vpop (xrf0)  }
0x6b: {  	(xrf0) =	vmin.scan.msk.f32 $0xffff, v0;
	(v2sf) =	vpush v15, $0xF;
	v0, _, _ =	vpop (xrf0)  }
0x6c: {  	(v2sf) =	vpush v0, $0xF;
	v16, _, _ =	vpop (xrf0);
	(xrf0) =	vmin.scan.msk.f32 $0xffff, v6  }
0x6d: {  	v6, _, _ =	vpop (xrf0);
	(v2sf) =	vpush v16, $0xF  }
0x6e: {  	(v2sf) =	vpush v6, $0xF;
	v6 =	vsel vm6, $0x7F800000, v2  }
0x6f: {  	v7, _, _ =	vpop (xrf0)  }
0x70: {  	(v2sf) =	vpush v7, $0xF;
	v7, _, _ =	vpop (xrf0)  }
0x71: {  	(xrf0) =	vmin.scan.msk.f32 $0xffff, v6;
	(v2sf) =	vpush v7, $0xF;
	v6, _, _ =	vpop (xrf0)  }
0x72: {  	(v2sf) =	vpush v6, $0xF;
	v6, _, _ =	vpop (xrf0)  }
0x73: {  	(v2sf) =	vpush v6, $0xF  }
0x74: {  	vm2 =	vcmask $0x1B20  }
0x75: {  	v7 =	vsel vm7, $0x7F800000, v2;
	v2 =	vsel vm2, $0x7F800000, v2;
	_ =	sdelay $0x1  }
0x76: {  	(xrf0) =	vmin.scan.msk.f32 $0xffff, v7;
	s2 =	spop (v2sf)  }
0x77: {  	(xrf0) =	vmin.scan.msk.f32 $0xffff, v2;
	v2, _, _ =	vpop (xrf0);
	s30 =	spop (v2sf)  }
0x78: {  	(v2sf) =	vpush v2, $0xF;
	s31 =	spop (v2sf)  }
0x79: {  	s0 =	spop (v2sf)  }
0x7a: {  	s1 =	spop (v2sf)  }
0x7b: {  	s3 =	spop (v2sf)  }
0x7c: {  	s7 =	ssub.f32 s2, s28;
	s14 =	spop (v2sf)  }
0x7d: {  	s11 =	ssub.f32 s30, s2;
	s15 =	spop (v2sf)  }
0x7e: {  	s13 =	spop (v2sf);
	s7 =	smul.f32 s7, s15  }
0x7f: {  	v2, _, _ =	vpop (xrf0);
	s5 =	spop (v2sf);
	s13 =	smul.f32 s11, s13  }
0x80: {  	(v2sf) =	vpush v2, $0xF;
	s11 =	ssub.f32 s1, s0;
	s8 =	spop (v2sf)  }
0x81: {  	s7 =	sadd.f32 s7, s28;
	s28 =	simm.s32 $0x0;
	s9 =	spop (v2sf)  }
0x82: {  	s9 =	smul.f32 s11, s9;
	s11 =	sand.u32 $0xF800, s28;
	s28 =	sand.u32 $0x380, s28  }
0x83: {  	v2, _, _ =	vpop (xrf0);
	s10 =	ssub.f32 s31, s30;
	s28 =	sor.u32 s28, s11  }
0x84: {  	(v2sf) =	vpush v2, $0xF;
	s12 =	ssub.f32 s0, s31;
	v27 =	vld [tilespmem:s28+$0x450]  }
0x85: {  	s5 =	smul.f32 s10, s5;
	s2 =	sadd.f32 s13, s2;
	v28 =	vld [tilespmem:s28+$0x0]  }
0x86: {  	s8 =	smul.f32 s12, s8;
	s12 =	ssub.f32 s3, s1;
	v20 =	vld [tilespmem:s28+$0x10]  }
0x87: {  	v14 =	vbroadcast v1, $0xF;
	s5 =	sadd.f32 s5, s30;
	s15 =	spop (v2sf);
	v59 =	vld [tilespmem:s28+$0x20]  }
0x88: {  	v10 =	vbroadcast v3, $0xF;
	v9 =	vbroadcast v4, $0xF;
	s8 =	sadd.f32 s8, s31;
	v60 =	vld [tilespmem:s28+$0x30];
	s13 =	smul.f32 s12, s15  }
0x89: {  	v3 =	vbroadcast v0, $0xF;
	v7 =	vbroadcast v5, $0xF;
	s0 =	sadd.f32 s9, s0;
	v61 =	vld [tilespmem:s28+$0x40]  }
0x8a: {  	v5 =	vbroadcast v15, $0xF;
	v2 =	vbroadcast v16, $0xF;
	v62 =	vld [tilespmem:s28+$0x50];
	s1 =	sadd.f32 s13, s1  }
0x8b: {  	v12 =	vmov s7;
	v13 =	vmov s2;
	v11 =	vmov s5;
	v26 =	vld [tilespmem:s28+$0x70]  }
0x8c: {  	v63 =	vld [tilespmem:s28+$0x60];
	v8 =	vmov s8;
	v6 =	vmov s0;
	v4 =	vmov s1  }
0x8d: {  	vm2 =	vge.f32 v27, v14;
	vm3 =	vge.f32 v28, v14;
	vm4 =	vge.f32 v20, v14  }
0x8e: {  	s31 =	ssub.f32 s14, s3;
	v17 =	vld [tilespmem:s28+$0x400];
	vm8 =	vge.f32 v59, v14;
	vm9 =	vge.f32 v60, v14;
	vm10 =	vge.f32 v61, v14  }
0x8f: {  	s29 =	sadd.f32 $9.999999970e-07, s29;
	s10 =	spop (v2sf);
	vm11 =	vge.f32 v62, v14;
	vm12 =	vge.f32 v20, v10;
	vm15 =	vge.f32 v62, v2  }
0x90: {  	s11 =	smul.f32 s31, s10;
	vm14 =	vge.f32 v26, v2;
	v15 =	vsel vm2, v13, v12;
	vm2 =	vge.f32 v27, v10  }
0x91: {  	v18 =	vld [tilespmem:s28+$0x410];
	s12 =	ssub.f32 s29, s14;
	v29 =	vsel vm3, v13, v12;
	vm3 =	vge.f32 v63, v14;
	v30 =	vsel vm4, v13, v12  }
0x92: {  	s13 =	sadd.f32 s11, s3;
	v31 =	vsel vm8, v13, v12;
	v32 =	vsel vm9, v13, v12;
	v33 =	vsel vm10, v13, v12  }
0x93: {  	s30 =	spop (v2sf);
	vm4 =	vge.f32 v17, v14;
	v34 =	vsel vm11, v13, v12;
	vm10 =	vge.f32 v28, v10  }
0x94: {  	s12 =	smul.f32 s12, s30;
	vm8 =	vge.f32 v28, v9;
	vm9 =	vge.f32 v28, v2;
	v1 =	vmov s13  }
0x95: {  	v15 =	vsel vm2, v11, v15;
	vm2 =	vge.f32 v27, v9;
	v35 =	vsel vm3, v13, v12  }
0x96: {  	s14 =	sadd.f32 s12, s14;
	vm3 =	vge.f32 v18, v14;
	v37 =	vsel vm4, v13, v12;
	vm4 =	vge.f32 v28, v7  }
0x97: {  	v29 =	vsel vm10, v11, v29;
	vm10 =	vge.f32 v60, v10;
	v30 =	vsel vm12, v11, v30  }
0x98: {  	vm12 =	vge.f32 v61, v10;
	v0 =	vmov s14;
	v15 =	vsel vm2, v8, v15  }
0x99: {  	vm2 =	vge.f32 v27, v7;
	v38 =	vsel vm3, v13, v12;
	vm3 =	vge.f32 v28, v5  }
0x9a: {  	v32 =	vsel vm10, v11, v32;
	vm10 =	vge.f32 v63, v10;
	v33 =	vsel vm12, v11, v33  }
0x9b: {  	vm12 =	vge.f32 v26, v10;
	v29 =	vsel vm8, v8, v29;
	vm8 =	vge.f32 v61, v9  }
0x9c: {  	v19 =	vld [tilespmem:s28+$0x420];
	v15 =	vsel vm2, v6, v15;
	vm2 =	vge.f32 v27, v5;
	v35 =	vsel vm10, v11, v35  }
0x9d: {  	vm10 =	vge.f32 v18, v10;
	v33 =	vsel vm8, v8, v33;
	vm8 =	vge.f32 v17, v9  }
0x9e: {  	v29 =	vsel vm4, v6, v29;
	v15 =	vsel vm2, v4, v15;
	vm2 =	vge.f32 v27, v3  }
0x9f: {  	vm4 =	vge.f32 v62, v7;
	v16 =	vsel vm2, v1, v15;
	vm2 =	vge.f32 v27, v2;
	v15 =	vld [tilespmem:s28+$0x430]  }
0xa0: {  	v38 =	vsel vm10, v11, v38;
	v27 =	vsel vm2, v0, v16;
	vm2 =	vge.f32 v26, v14;
	v16 =	vld [tilespmem:s28+$0x440]  }
0xa1: {  	v29 =	vsel vm3, v4, v29;
	v36 =	vsel vm2, v13, v12;
	vm2 =	vge.f32 v19, v14  }
0xa2: {  	v39 =	vsel vm2, v13, v12;
	v36 =	vsel vm12, v11, v36;
	vm12 =	vge.f32 v19, v10  }
0xa3: {  	vm3 =	vge.f32 v63, v5;
	v39 =	vsel vm12, v11, v39;
	vm12 =	vge.f32 v60, v9  }
0xa4: {  	vm2 =	vge.f32 v15, v14;
	v32 =	vsel vm12, v8, v32;
	vm12 =	vge.f32 v26, v9  }
0xa5: {  	v40 =	vsel vm2, v13, v12;
	vm11 =	vge.f32 v16, v14;
	vm2 =	vge.f32 v28, v3  }
0xa6: {  	vm10 =	vge.f32 v16, v10;
	v36 =	vsel vm12, v8, v36;
	vm12 =	vge.f32 v15, v9  }
0xa7: {  	vm13 =	vge.f32 v16, v3;
	v28 =	vsel vm11, v13, v12;
	vm11 =	vge.f32 v59, v10  }
0xa8: {  	v31 =	vsel vm11, v11, v31;
	vm11 =	vge.f32 v62, v10;
	v28 =	vsel vm10, v11, v28  }
0xa9: {  	vm10 =	vge.f32 v20, v9;
	v34 =	vsel vm11, v11, v34;
	vm11 =	vge.f32 v17, v10  }
0xaa: {  	v30 =	vsel vm10, v8, v30;
	vm10 =	vge.f32 v62, v9;
	v37 =	vsel vm11, v11, v37  }
0xab: {  	vm11 =	vge.f32 v15, v10;
	v34 =	vsel vm10, v8, v34;
	vm10 =	vge.f32 v18, v9  }
0xac: {  	v40 =	vsel vm11, v11, v40;
	vm11 =	vge.f32 v59, v9;
	v37 =	vsel vm8, v8, v37  }
0xad: {  	vm8 =	vge.f32 v16, v9;
	v38 =	vsel vm10, v8, v38;
	vm10 =	vge.f32 v20, v7  }
0xae: {  	v34 =	vsel vm4, v6, v34;
	vm4 =	vge.f32 v19, v7;
	v31 =	vsel vm11, v8, v31  }
0xaf: {  	vm11 =	vge.f32 v63, v9;
	v40 =	vsel vm12, v8, v40;
	v28 =	vsel vm8, v8, v28  }
0xb0: {  	vm8 =	vge.f32 v59, v7;
	vm12 =	vge.f32 v61, v7;
	v30 =	vsel vm10, v6, v30  }
0xb1: {  	vm10 =	vge.f32 v63, v7;
	v35 =	vsel vm11, v8, v35;
	vm11 =	vge.f32 v19, v9  }
0xb2: {  	v31 =	vsel vm8, v6, v31;
	vm8 =	vge.f32 v26, v7;
	v33 =	vsel vm12, v6, v33  }
0xb3: {  	vm12 =	vge.f32 v18, v7;
	v39 =	vsel vm11, v8, v39;
	vm11 =	vge.f32 v60, v7  }
0xb4: {  	v35 =	vsel vm10, v6, v35;
	vm10 =	vge.f32 v15, v7;
	v36 =	vsel vm8, v6, v36  }
0xb5: {  	vm8 =	vge.f32 v16, v7;
	v38 =	vsel vm12, v6, v38;
	vm12 =	vge.f32 v62, v5  }
0xb6: {  	v32 =	vsel vm11, v6, v32;
	vm11 =	vge.f32 v17, v7;
	v39 =	vsel vm4, v6, v39  }
0xb7: {  	v40 =	vsel vm10, v6, v40;
	v28 =	vsel vm8, v6, v28;
	vm4 =	vge.f32 v20, v5  }
0xb8: {  	vm8 =	vge.f32 v59, v5;
	vm10 =	vge.f32 v60, v5;
	v34 =	vsel vm12, v4, v34  }
0xb9: {  	vm12 =	vge.f32 v15, v5;
	v35 =	vsel vm3, v4, v35;
	vm3 =	vge.f32 v16, v5  }
0xba: {  	v37 =	vsel vm11, v6, v37;
	vm11 =	vge.f32 v61, v5;
	v30 =	vsel vm4, v4, v30  }
0xbb: {  	vm4 =	vge.f32 v26, v5;
	v31 =	vsel vm8, v4, v31;
	vm8 =	vge.f32 v17, v5  }
0xbc: {  	v32 =	vsel vm10, v4, v32;
	vm10 =	vge.f32 v18, v5;
	v45 =	vsel vm12, v4, v40  }
0xbd: {  	v46 =	vsel vm3, v4, v28;
	vm3 =	vge.f32 v20, v3;
	vm12 =	vge.f32 v63, v3  }
0xbe: {  	v40 =	vsel vm2, v1, v29;
	vm2 =	vge.f32 v26, v3;
	v33 =	vsel vm11, v4, v33  }
0xbf: {  	vm11 =	vge.f32 v19, v5;
	v41 =	vsel vm4, v4, v36;
	v42 =	vsel vm8, v4, v37  }
0xc0: {  	v43 =	vsel vm10, v4, v38;
	vm4 =	vge.f32 v59, v3;
	vm8 =	vge.f32 v60, v3  }
0xc1: {  	vm10 =	vge.f32 v61, v3;
	v36 =	vsel vm3, v1, v30;
	vm3 =	vge.f32 v17, v3  }
0xc2: {  	v44 =	vsel vm11, v4, v39;
	vm11 =	vge.f32 v62, v3;
	v38 =	vsel vm4, v1, v31  }
0xc3: {  	vm4 =	vge.f32 v18, v3;
	v37 =	vsel vm8, v1, v32;
	vm8 =	vge.f32 v19, v3  }
0xc4: {  	v30 =	vsel vm10, v1, v33;
	vm10 =	vge.f32 v15, v3;
	v39 =	vsel vm12, v1, v35  }
0xc5: {  	v31 =	vsel vm2, v1, v41;
	v32 =	vsel vm3, v1, v42;
	v35 =	vsel vm13, v1, v46  }
0xc6: {  	vm13 =	vge.f32 v59, v2;
	vm12 =	vge.f32 v60, v2;
	v33 =	vsel vm11, v1, v34  }
0xc7: {  	s15 =	simm.s32 $0x100;
	s29 =	simm.s32 $0x80;
	v34 =	vsel vm4, v1, v43;
	v29 =	vsel vm8, v1, v44;
	v28 =	vsel vm10, v1, v45  }
0xc8: {  	s2 =	sand.u32 $0x380, s29;
	s31 =	sand.u32 $0xF800, s15;
	s30 =	simm.s32 $0x200;
	[tilespmem:s28+$0x450] =	vst v27;
	vm11 =	vge.f32 v20, v2;
	vm10 =	vge.f32 v61, v2;
	vm8 =	vge.f32 v63, v2  }
.LBB2_4:
0xc9: {  	p0 =	sne.s32 s30, $0xDF00;
	s31 =	sor.u32 s2, s31;
	vm2 =	vge.f32 v17, v2;
	vm3 =	vge.f32 v18, v2;
	vm4 =	vge.f32 v19, v2  }
0xca: {  	v17 =	vsel vm9, v0, v40;
	vm9 =	vge.f32 v15, v2;
	vm5 =	vge.f32 v16, v2;
	v41 =	vld [tilespmem:s31+$0x450]  }
0xcb: {  	v15 =	vsel vm11, v0, v36;
	v16 =	vsel vm13, v0, v38;
	v20 =	vld [tilespmem:s31+$0x0];
	[tilespmem:s28+$0x0] =	vst v17;
	v17 =	vsel vm12, v0, v37  }
0xcc: {  	v18 =	vsel vm15, v0, v33;
	v19 =	vsel vm8, v0, v39;
	v21 =	vld [tilespmem:s31+$0x10];
	[tilespmem:s28+$0x10] =	vst v15;
	v15 =	vsel vm10, v0, v30  }
0xcd: {  	v30 =	vsel vm2, v0, v32;
	v22 =	vld [tilespmem:s31+$0x20];
	[tilespmem:s28+$0x20] =	vst v16;
	v16 =	vsel vm14, v0, v31;
	v31 =	vsel vm3, v0, v34  }
0xce: {  	v29 =	vsel vm4, v0, v29;
	v28 =	vsel vm9, v0, v28;
	v32 =	vsel vm5, v0, v35;
	v23 =	vld [tilespmem:s31+$0x30];
	[tilespmem:s28+$0x30] =	vst v17  }
0xcf: {  	v25 =	vld [tilespmem:s31+$0x40];
	vm3 =	vge.f32 v41, v14;
	[tilespmem:s28+$0x40] =	vst v15  }
0xd0: {  	vm4 =	vge.f32 v41, v10;
	vm2 =	vge.f32 v20, v14;
	v24 =	vld [tilespmem:s31+$0x50];
	v15 =	vsel vm3, v13, v12;
	[tilespmem:s28+$0x50] =	vst v18  }
0xd1: {  	vm3 =	vge.f32 v21, v14;
	v26 =	vld [tilespmem:s31+$0x60];
	v15 =	vsel vm4, v11, v15;
	vm4 =	vge.f32 v41, v9;
	[tilespmem:s28+$0x60] =	vst v19  }
0xd2: {  	vm5 =	vge.f32 v22, v14;
	v27 =	vld [tilespmem:s31+$0x70];
	v15 =	vsel vm4, v8, v15;
	vm4 =	vge.f32 v41, v7;
	[tilespmem:s28+$0x70] =	vst v16  }
0xd3: {  	vm8 =	vge.f32 v23, v14;
	v17 =	vld [tilespmem:s31+$0x400];
	v15 =	vsel vm4, v6, v15;
	vm4 =	vge.f32 v41, v5;
	[tilespmem:s28+$0x400] =	vst v30  }
0xd4: {  	vm9 =	vge.f32 v25, v14;
	v18 =	vld [tilespmem:s31+$0x410];
	v15 =	vsel vm4, v4, v15;
	vm4 =	vge.f32 v41, v3;
	[tilespmem:s28+$0x410] =	vst v31  }
0xd5: {  	vm10 =	vge.f32 v24, v14;
	v19 =	vld [tilespmem:s31+$0x420];
	v16 =	vsel vm4, v1, v15;
	vm4 =	vge.f32 v41, v2;
	[tilespmem:s28+$0x420] =	vst v29  }
0xd6: {  	v29 =	vsel vm2, v13, v12;
	vm2 =	vge.f32 v26, v14;
	v15 =	vld [tilespmem:s31+$0x430];
	v30 =	vsel vm4, v0, v16;
	[tilespmem:s28+$0x430] =	vst v28  }
0xd7: {  	v31 =	vsel vm5, v13, v12;
	v28 =	vsel vm3, v13, v12;
	vm3 =	vge.f32 v27, v14;
	v16 =	vld [tilespmem:s31+$0x440];
	[tilespmem:s31+$0x450] =	vst v30  }
0xd8: {  	v33 =	vsel vm9, v13, v12;
	v30 =	vsel vm8, v13, v12;
	vm4 =	vge.f32 v17, v14;
	[tilespmem:s28+$0x440] =	vst v32;
	s28 =	smov.u32 s31  }
0xd9: {  	v34 =	vsel vm2, v13, v12;
	v32 =	vsel vm10, v13, v12;
	vm2 =	vge.f32 v18, v14  }
0xda: {  	v35 =	vsel vm3, v13, v12;
	v36 =	vsel vm4, v13, v12;
	vm3 =	vge.f32 v19, v14  }
0xdb: {  	v37 =	vsel vm2, v13, v12;
	v38 =	vsel vm3, v13, v12;
	vm2 =	vge.f32 v15, v14  }
0xdc: {  	vm3 =	vge.f32 v20, v10;
	v39 =	vsel vm2, v13, v12;
	vm2 =	vge.f32 v16, v14  }
0xdd: {  	vm5 =	vge.f32 v22, v10;
	vm4 =	vge.f32 v21, v10;
	v40 =	vsel vm2, v13, v12  }
0xde: {  	vm9 =	vge.f32 v24, v10;
	vm8 =	vge.f32 v25, v10;
	vm2 =	vge.f32 v23, v10  }
0xdf: {  	vm11 =	vge.f32 v27, v10;
	vm10 =	vge.f32 v26, v10;
	vm12 =	vge.f32 v17, v10  }
0xe0: {  	vm13 =	vge.f32 v18, v10;
	vm14 =	vge.f32 v19, v10;
	vm15 =	vge.f32 v15, v10  }
0xe1: {  	v28 =	vsel vm4, v11, v28;
	v29 =	vsel vm3, v11, v29;
	vm3 =	vge.f32 v16, v10  }
0xe2: {  	v31 =	vsel vm5, v11, v31;
	v33 =	vsel vm8, v11, v33;
	v30 =	vsel vm2, v11, v30  }
0xe3: {  	v32 =	vsel vm9, v11, v32;
	v34 =	vsel vm10, v11, v34;
	v35 =	vsel vm11, v11, v35  }
0xe4: {  	v36 =	vsel vm12, v11, v36;
	v37 =	vsel vm13, v11, v37;
	v38 =	vsel vm14, v11, v38  }
0xe5: {  	v39 =	vsel vm15, v11, v39;
	vm2 =	vge.f32 v20, v9;
	v40 =	vsel vm3, v11, v40  }
0xe6: {  	vm5 =	vge.f32 v23, v9;
	vm4 =	vge.f32 v22, v9;
	vm3 =	vge.f32 v21, v9  }
0xe7: {  	vm8 =	vge.f32 v25, v9;
	vm9 =	vge.f32 v24, v9;
	vm10 =	vge.f32 v26, v9  }
0xe8: {  	vm11 =	vge.f32 v27, v9;
	vm12 =	vge.f32 v17, v9;
	vm13 =	vge.f32 v18, v9  }
0xe9: {  	vm14 =	vge.f32 v19, v9;
	vm6 =	vge.f32 v16, v9;
	vm15 =	vge.f32 v15, v9  }
0xea: {  	v31 =	vsel vm4, v8, v31;
	v29 =	vsel vm2, v8, v29;
	v28 =	vsel vm3, v8, v28  }
0xeb: {  	v33 =	vsel vm8, v8, v33;
	v32 =	vsel vm9, v8, v32;
	v30 =	vsel vm5, v8, v30  }
0xec: {  	v34 =	vsel vm10, v8, v34;
	v35 =	vsel vm11, v8, v35;
	v36 =	vsel vm12, v8, v36  }
0xed: {  	v37 =	vsel vm13, v8, v37;
	v38 =	vsel vm14, v8, v38;
	v39 =	vsel vm15, v8, v39  }
0xee: {  	vm2 =	vge.f32 v20, v7;
	vm3 =	vge.f32 v21, v7;
	v40 =	vsel vm6, v8, v40  }
0xef: {  	vm4 =	vge.f32 v22, v7;
	vm5 =	vge.f32 v23, v7;
	vm6 =	vge.f32 v25, v7  }
0xf0: {  	vm8 =	vge.f32 v24, v7;
	vm9 =	vge.f32 v26, v7;
	vm10 =	vge.f32 v27, v7  }
0xf1: {  	vm11 =	vge.f32 v17, v7;
	vm12 =	vge.f32 v18, v7;
	vm13 =	vge.f32 v19, v7  }
0xf2: {  	vm14 =	vge.f32 v16, v7;
	v29 =	vsel vm2, v6, v29;
	vm2 =	vge.f32 v15, v7  }
0xf3: {  	v31 =	vsel vm4, v6, v31;
	v28 =	vsel vm3, v6, v28;
	v30 =	vsel vm5, v6, v30  }
0xf4: {  	v32 =	vsel vm8, v6, v32;
	v34 =	vsel vm9, v6, v34;
	v33 =	vsel vm6, v6, v33  }
0xf5: {  	v35 =	vsel vm10, v6, v35;
	v36 =	vsel vm11, v6, v36;
	v37 =	vsel vm12, v6, v37  }
0xf6: {  	v38 =	vsel vm13, v6, v38;
	v40 =	vsel vm14, v6, v40;
	v39 =	vsel vm2, v6, v39  }
0xf7: {  	vm4 =	vge.f32 v22, v5;
	vm3 =	vge.f32 v21, v5;
	vm2 =	vge.f32 v20, v5  }
0xf8: {  	vm8 =	vge.f32 v24, v5;
	vm5 =	vge.f32 v23, v5;
	vm6 =	vge.f32 v25, v5  }
0xf9: {  	vm9 =	vge.f32 v26, v5;
	vm10 =	vge.f32 v27, v5;
	vm11 =	vge.f32 v17, v5  }
0xfa: {  	vm12 =	vge.f32 v18, v5;
	vm13 =	vge.f32 v19, v5;
	vm14 =	vge.f32 v15, v5  }
0xfb: {  	v28 =	vsel vm3, v4, v28;
	v29 =	vsel vm2, v4, v29;
	vm2 =	vge.f32 v16, v5  }
0xfc: {  	v31 =	vsel vm4, v4, v31;
	v30 =	vsel vm5, v4, v30;
	v33 =	vsel vm6, v4, v33  }
0xfd: {  	v32 =	vsel vm8, v4, v32;
	v34 =	vsel vm9, v4, v34;
	v35 =	vsel vm10, v4, v35  }
0xfe: {  	v41 =	vsel vm11, v4, v36;
	v42 =	vsel vm12, v4, v37;
	v43 =	vsel vm13, v4, v38  }
0xff: {  	vm3 =	vge.f32 v20, v3;
	v44 =	vsel vm14, v4, v39;
	v45 =	vsel vm2, v4, v40  }
0x100: {  	vm4 =	vge.f32 v22, v3;
	vm5 =	vge.f32 v23, v3;
	vm2 =	vge.f32 v21, v3  }
0x101: {  	vm8 =	vge.f32 v24, v3;
	vm9 =	vge.f32 v26, v3;
	vm6 =	vge.f32 v25, v3  }
0x102: {  	vm10 =	vge.f32 v27, v3;
	vm11 =	vge.f32 v17, v3;
	vm12 =	vge.f32 v18, v3  }
0x103: {  	vm15 =	vge.f32 v16, v3;
	vm13 =	vge.f32 v19, v3;
	vm14 =	vge.f32 v15, v3  }
0x104: {  	v38 =	vsel vm4, v1, v31;
	v40 =	vsel vm3, v1, v29;
	v36 =	vsel vm2, v1, v28  }
0x105: {  	v37 =	vsel vm5, v1, v30;
	v30 =	vsel vm6, v1, v33;
	v33 =	vsel vm8, v1, v32  }
.Ltmp1:
0x106: {  	v31 =	vsel vm10, v1, v35;
	v39 =	vsel vm9, v1, v34;
	v32 =	vsel vm11, v1, v41;
	(pc) =	sbr.rel @p0 .LBB2_4-.Ltmp1, $4  }
0x107: {  	v34 =	vsel vm12, v1, v42;
	v29 =	vsel vm13, v1, v43;
	v28 =	vsel vm14, v1, v44  }
0x108: {  	vm9 =	vge.f32 v20, v2;
	vm11 =	vge.f32 v21, v2;
	v35 =	vsel vm15, v1, v45  }
0x109: {  	s29 =	sadd.s32 $0x80, s29;
	vm10 =	vge.f32 v25, v2;
	vm12 =	vge.f32 v23, v2;
	vm13 =	vge.f32 v22, v2  }
0x10a: {  	s2 =	sand.u32 $0x380, s29;
	s31 =	sand.u32 $0xF800, s30;
	s30 =	sadd.s32 $0x100, s30;
	vm8 =	vge.f32 v26, v2;
	vm15 =	vge.f32 v24, v2;
	vm14 =	vge.f32 v27, v2  }
0x10b: {  	s29 =	sor.u32 s2, s31  }
0x10c: {  	v43 =	vld [tilespmem:s29+$0x450]  }
0x10d: {  	v42 =	vld [tilespmem:s29+$0x0]  }
0x10e: {  	v41 =	vld [tilespmem:s29+$0x10]  }
0x10f: {  	v27 =	vld [tilespmem:s29+$0x20]  }
0x110: {  	v20 =	vld [tilespmem:s29+$0x70]  }
0x111: {  	vm2 =	vge.f32 v17, v2;
	v17 =	vld [tilespmem:s29+$0x430]  }
0x112: {  	vm3 =	vge.f32 v18, v2;
	vm4 =	vge.f32 v19, v2;
	v22 =	vld [tilespmem:s29+$0x440]  }
0x113: {  	v30 =	vsel vm10, v0, v30;
	v33 =	vsel vm15, v0, v33;
	v31 =	vsel vm14, v0, v31;
	v26 =	vld [tilespmem:s29+$0x30]  }
0x114: {  	v25 =	vld [tilespmem:s29+$0x40];
	v32 =	vsel vm2, v0, v32;
	v34 =	vsel vm3, v0, v34;
	v29 =	vsel vm4, v0, v29  }
0x115: {  	v24 =	vld [tilespmem:s29+$0x50];
	vm5 =	vge.f32 v43, v14;
	vm6 =	vge.f32 v42, v14;
	vm2 =	vge.f32 v42, v5  }
0x116: {  	v23 =	vld [tilespmem:s29+$0x60];
	vm3 =	vge.f32 v41, v5;
	vm4 =	vge.f32 v27, v5;
	vm10 =	vge.f32 v20, v5  }
0x117: {  	v18 =	vld [tilespmem:s29+$0x400];
	vm14 =	vge.f32 v17, v5;
	vm15 =	vge.f32 v22, v5;
	v44 =	vsel vm5, v13, v12  }
0x118: {  	v19 =	vld [tilespmem:s29+$0x410];
	vm5 =	vge.f32 v41, v14;
	v45 =	vsel vm6, v13, v12;
	vm6 =	vge.f32 v27, v14  }
0x119: {  	v21 =	vld [tilespmem:s29+$0x420];
	v46 =	vsel vm5, v13, v12;
	vm5 =	vge.f32 v26, v14;
	v47 =	vsel vm6, v13, v12  }
0x11a: {  	vm6 =	vge.f32 v25, v14;
	v48 =	vsel vm5, v13, v12;
	vm5 =	vge.f32 v24, v14  }
0x11b: {  	v49 =	vsel vm6, v13, v12;
	vm6 =	vge.f32 v23, v14;
	v50 =	vsel vm5, v13, v12  }
0x11c: {  	vm5 =	vge.f32 v20, v14;
	v51 =	vsel vm6, v13, v12;
	vm6 =	vge.f32 v18, v14  }
0x11d: {  	v52 =	vsel vm5, v13, v12;
	vm5 =	vge.f32 v19, v14;
	v53 =	vsel vm6, v13, v12  }
0x11e: {  	vm6 =	vge.f32 v21, v14;
	v54 =	vsel vm5, v13, v12;
	vm5 =	vge.f32 v17, v14  }
0x11f: {  	v55 =	vsel vm6, v13, v12;
	vm6 =	vge.f32 v22, v14;
	v14 =	vsel vm5, v13, v12  }
0x120: {  	v12 =	vsel vm6, v13, v12;
	vm5 =	vge.f32 v43, v10;
	vm6 =	vge.f32 v42, v10  }
0x121: {  	v13 =	vsel vm5, v11, v44;
	vm5 =	vge.f32 v41, v10;
	v44 =	vsel vm6, v11, v45  }
0x122: {  	vm6 =	vge.f32 v27, v10;
	v45 =	vsel vm5, v11, v46;
	vm5 =	vge.f32 v26, v10  }
0x123: {  	v46 =	vsel vm6, v11, v47;
	vm6 =	vge.f32 v25, v10;
	v47 =	vsel vm5, v11, v48  }
0x124: {  	vm5 =	vge.f32 v24, v10;
	v57 =	vsel vm6, v11, v49;
	vm6 =	vge.f32 v23, v10  }
0x125: {  	v58 =	vsel vm5, v11, v50;
	vm5 =	vge.f32 v20, v10;
	v59 =	vsel vm6, v11, v51  }
0x126: {  	vm6 =	vge.f32 v18, v10;
	v60 =	vsel vm5, v11, v52;
	vm5 =	vge.f32 v19, v10  }
0x127: {  	v61 =	vsel vm6, v11, v53;
	v62 =	vsel vm5, v11, v54;
	vm5 =	vge.f32 v21, v10  }
0x128: {  	vm6 =	vge.f32 v22, v10;
	v63 =	vsel vm5, v11, v55;
	vm5 =	vge.f32 v17, v10  }
0x129: {  	v10 =	vsel vm5, v11, v14;
	v11 =	vsel vm6, v11, v12;
	vm5 =	vge.f32 v43, v9  }
0x12a: {  	vm6 =	vge.f32 v41, v9;
	v12 =	vsel vm5, v8, v13;
	vm5 =	vge.f32 v42, v9  }
0x12b: {  	v14 =	vsel vm6, v8, v45;
	vm6 =	vge.f32 v26, v9;
	v13 =	vsel vm5, v8, v44  }
0x12c: {  	vm5 =	vge.f32 v27, v9;
	v56 =	vsel vm6, v8, v47;
	vm6 =	vge.f32 v24, v9  }
0x12d: {  	v44 =	vsel vm5, v8, v46;
	vm5 =	vge.f32 v25, v9;
	v58 =	vsel vm6, v8, v58  }
0x12e: {  	vm6 =	vge.f32 v20, v9;
	v57 =	vsel vm5, v8, v57;
	vm5 =	vge.f32 v23, v9  }
0x12f: {  	v60 =	vsel vm6, v8, v60;
	v59 =	vsel vm5, v8, v59;
	vm5 =	vge.f32 v18, v9  }
0x130: {  	vm6 =	vge.f32 v19, v9;
	v61 =	vsel vm5, v8, v61;
	vm5 =	vge.f32 v21, v9  }
0x131: {  	v62 =	vsel vm6, v8, v62;
	v63 =	vsel vm5, v8, v63;
	vm5 =	vge.f32 v17, v9  }
0x132: {  	vm6 =	vge.f32 v22, v9;
	v9 =	vsel vm5, v8, v10;
	vm5 =	vge.f32 v43, v7  }
0x133: {  	v8 =	vsel vm6, v8, v11;
	vm6 =	vge.f32 v41, v7;
	v10 =	vsel vm5, v6, v12  }
0x134: {  	vm5 =	vge.f32 v42, v7;
	v12 =	vsel vm6, v6, v14;
	vm6 =	vge.f32 v26, v7  }
0x135: {  	v11 =	vsel vm5, v6, v13;
	vm5 =	vge.f32 v27, v7;
	v14 =	vsel vm6, v6, v56  }
0x136: {  	vm6 =	vge.f32 v24, v7;
	v13 =	vsel vm5, v6, v44;
	vm5 =	vge.f32 v25, v7  }
0x137: {  	v55 =	vsel vm6, v6, v58;
	vm6 =	vge.f32 v20, v7;
	v54 =	vsel vm5, v6, v57  }
0x138: {  	vm5 =	vge.f32 v23, v7;
	v57 =	vsel vm6, v6, v60;
	vm6 =	vge.f32 v19, v7  }
0x139: {  	v56 =	vsel vm5, v6, v59;
	vm5 =	vge.f32 v18, v7;
	v59 =	vsel vm6, v6, v62  }
0x13a: {  	vm6 =	vge.f32 v17, v7;
	v58 =	vsel vm5, v6, v61;
	vm5 =	vge.f32 v21, v7  }
0x13b: {  	v61 =	vsel vm8, v0, v39;
	vm8 =	vge.f32 v24, v5;
	v60 =	vsel vm5, v6, v63  }
0x13c: {  	vm5 =	vge.f32 v22, v7;
	v7 =	vsel vm6, v6, v9;
	vm6 =	vge.f32 v15, v2  }
0x13d: {  	v9 =	vsel vm11, v0, v36;
	v15 =	vsel vm13, v0, v38;
	vm11 =	vge.f32 v43, v3  }
0x13e: {  	vm13 =	vge.f32 v43, v2;
	v6 =	vsel vm5, v6, v8;
	vm5 =	vge.f32 v16, v2  }
0x13f: {  	v8 =	vsel vm9, v0, v40;
	vm9 =	vge.f32 v43, v5;
	v16 =	vsel vm12, v0, v37  }
0x140: {  	v28 =	vsel vm6, v0, v28;
	vm6 =	vge.f32 v25, v5;
	[tilespmem:s28+$0x10] =	vst v9;
	vm12 =	vge.f32 v19, v5  }
0x141: {  	[tilespmem:s28+$0x20] =	vst v15;
	v9 =	vsel vm4, v4, v13;
	v13 =	vsel vm8, v4, v55;
	v15 =	vsel vm10, v4, v57  }
0x142: {  	[tilespmem:s28+$0x40] =	vst v30;
	v7 =	vsel vm14, v4, v7;
	vm14 =	vge.f32 v24, v3;
	vm10 =	vge.f32 v20, v3  }
0x143: {  	[tilespmem:s28+$0x50] =	vst v33;
	vm8 =	vge.f32 v19, v3;
	vm4 =	vge.f32 v21, v3;
	v10 =	vsel vm9, v4, v10  }
0x144: {  	[tilespmem:s28+$0x70] =	vst v31;
	v35 =	vsel vm5, v0, v35;
	vm5 =	vge.f32 v26, v5;
	vm9 =	vge.f32 v23, v5  }
0x145: {  	[tilespmem:s28+$0x0] =	vst v8;
	v8 =	vsel vm3, v4, v12;
	v12 =	vsel vm6, v4, v54;
	v62 =	vsel vm12, v4, v59  }
0x146: {  	[tilespmem:s28+$0x400] =	vst v32;
	vm6 =	vge.f32 v41, v3;
	vm12 =	vge.f32 v26, v3;
	v10 =	vsel vm11, v1, v10  }
0x147: {  	[tilespmem:s28+$0x410] =	vst v34;
	vm3 =	vge.f32 v17, v3;
	vm11 =	vge.f32 v18, v5;
	v10 =	vsel vm13, v0, v10  }
0x148: {  	[tilespmem:s28+$0x420] =	vst v29;
	vm13 =	vge.f32 v21, v5;
	v5 =	vsel vm2, v4, v11;
	v11 =	vsel vm5, v4, v14  }
0x149: {  	[tilespmem:s28+$0x30] =	vst v16;
	v14 =	vsel vm9, v4, v56;
	v16 =	vsel vm11, v4, v58;
	vm5 =	vge.f32 v42, v3  }
0x14a: {  	[tilespmem:s28+$0x60] =	vst v61;
	vm11 =	vge.f32 v27, v3;
	vm9 =	vge.f32 v18, v3;
	vm2 =	vge.f32 v22, v3  }
0x14b: {  	[tilespmem:s28+$0x430] =	vst v28;
	v63 =	vsel vm13, v4, v60;
	v4 =	vsel vm15, v4, v6;
	vm13 =	vge.f32 v25, v3  }
0x14c: {  	[tilespmem:s28+$0x440] =	vst v35;
	vm15 =	vge.f32 v23, v3;
	v3 =	vsel vm5, v1, v5;
	vm5 =	vge.f32 v42, v2  }
0x14d: {  	[tilespmem:s29+$0x450] =	vst v10;
	v5 =	vsel vm6, v1, v8;
	vm6 =	vge.f32 v41, v2;
	v3 =	vsel vm5, v0, v3  }
0x14e: {  	v6 =	vsel vm11, v1, v9;
	vm5 =	vge.f32 v27, v2;
	[tilespmem:s29+$0x0] =	vst v3;
	v3 =	vsel vm6, v0, v5  }
0x14f: {  	v5 =	vsel vm12, v1, v11;
	vm6 =	vge.f32 v26, v2;
	v6 =	vsel vm5, v0, v6;
	[tilespmem:s29+$0x10] =	vst v3  }
0x150: {  	vm5 =	vge.f32 v25, v2;
	v3 =	vsel vm13, v1, v12;
	v5 =	vsel vm6, v0, v5;
	[tilespmem:s29+$0x20] =	vst v6  }
0x151: {  	v6 =	vsel vm14, v1, v13;
	vm6 =	vge.f32 v24, v2;
	v3 =	vsel vm5, v0, v3;
	[tilespmem:s29+$0x30] =	vst v5  }
0x152: {  	v5 =	vsel vm15, v1, v14;
	vm5 =	vge.f32 v23, v2;
	v6 =	vsel vm6, v0, v6;
	[tilespmem:s29+$0x40] =	vst v3  }
0x153: {  	vm6 =	vge.f32 v20, v2;
	v3 =	vsel vm10, v1, v15;
	v5 =	vsel vm5, v0, v5;
	[tilespmem:s29+$0x50] =	vst v6  }
0x154: {  	v6 =	vsel vm9, v1, v16;
	vm5 =	vge.f32 v18, v2;
	v3 =	vsel vm6, v0, v3;
	[tilespmem:s29+$0x60] =	vst v5  }
0x155: {  	v5 =	vsel vm8, v1, v62;
	vm6 =	vge.f32 v19, v2;
	v6 =	vsel vm5, v0, v6;
	[tilespmem:s29+$0x70] =	vst v3  }
0x156: {  	v3 =	vsel vm4, v1, v63;
	vm4 =	vge.f32 v21, v2;
	v5 =	vsel vm6, v0, v5;
	[tilespmem:s29+$0x400] =	vst v6  }
0x157: {  	v6 =	vsel vm3, v1, v7;
	vm3 =	vge.f32 v17, v2;
	v3 =	vsel vm4, v0, v3;
	[tilespmem:s29+$0x410] =	vst v5  }
0x158: {  	v1 =	vsel vm2, v1, v4;
	vm2 =	vge.f32 v22, v2;
	v2 =	vsel vm3, v0, v6;
	[tilespmem:s29+$0x420] =	vst v3  }
0x159: {  	v0 =	vsel vm2, v0, v1;
	[tilespmem:s29+$0x430] =	vst v2  }
0x15a: {  	[tilespmem:s29+$0x440] =	vst v0  }
0x15b: {  	s29 =	simm.s32 $0x0;
	s0 =	rddreg [dreg:$0x7]  }
0x15c: {  	[hbm4b:s0+s29] =	stream.linear.scatter [tilespmem:s29], [sflag:$0x3], $0xE000, $0x38;
	[tilespmem:$0x1C680] =	vst v63  }
0x15d: {  	_ =	swait.ge [sflag:s19], $0xE000  }
0x15e: {  	s31 =	sand.u32 $0xF800, s29;
	s1 =	sand.u32 $0x380, s29;
	[sflag:s19] =	ssyncset.done $0x0  }
0x15f: {  	s28 =	sor.u32 s1, s31;
	[sflag:s19] =	ssyncadd.s32 $0xFFFF2000  }
0x160: {  	v19 =	vld [tilespmem:s28+$0xE400]  }
0x161: {  	v7 =	vld [tilespmem:s28+$0xE410]  }
0x162: {  	v11 =	vld [tilespmem:s28+$0xE420]  }
0x163: {  	v8 =	vimm.f32 $+Inf;
	v24 =	vld [tilespmem:s28+$0xE000]  }
0x164: {  	v10 =	vimm.f32 $-Inf;
	v9 =	vimm.f32 $+Inf;
	v12 =	vimm.f32 $+Inf;
	v22 =	vld [tilespmem:s28+$0xE010]  }
0x165: {  	v13 =	vimm.f32 $-Inf;
	v14 =	vimm.f32 $-Inf;
	v16 =	vimm.f32 $-Inf;
	v15 =	vld [tilespmem:s28+$0xE430]  }
0x166: {  	v18 =	vimm.f32 $+Inf;
	v17 =	vimm.f32 $+Inf;
	v4 =	vimm.f32 $-Inf;
	v23 =	vld [tilespmem:s28+$0xE020]  }
0x167: {  	v5 =	vimm.f32 $+Inf;
	v6 =	vimm.f32 $-Inf;
	v1 =	vimm.f32 $-Inf;
	v21 =	vld [tilespmem:s28+$0xE030]  }
0x168: {  	s30 =	simm.s32 $0x100;
	v0 =	vimm.f32 $+Inf;
	v2 =	vimm.f32 $+Inf;
	v3 =	vimm.f32 $-Inf;
	v20 =	vld [tilespmem:s28+$0xE040]  }
.LBB2_6:
0x169: {  	p0 =	sne.s32 s30, $0xDF00;
	v12 =	vmin.f32 v12, v24;
	v16 =	vmax.f32 v16, v24;
	v17 =	vmin.f32 v17, v22;
	v24 =	vld [tilespmem:s28+$0xE440]  }
0x16a: {  	v25 =	vld [tilespmem:s28+$0xE050];
	v12 =	vmin.f32 v12, v19;
	v16 =	vmax.f32 v16, v19;
	v17 =	vmin.f32 v17, v7  }
0x16b: {  	v13 =	vmax.f32 v13, v22;
	s29 =	sadd.s32 $0x80, s29;
	v18 =	vmin.f32 v18, v23;
	v14 =	vmax.f32 v14, v23;
	v22 =	vld [tilespmem:s28+$0xE450]  }
0x16c: {  	s0 =	sand.u32 $0xF800, s30;
	s1 =	sand.u32 $0x380, s29;
	v13 =	vmax.f32 v13, v7;
	v23 =	vld [tilespmem:s28+$0xE060];
	v18 =	vmin.f32 v18, v11;
	v14 =	vmax.f32 v14, v11  }
0x16d: {  	v7 =	vmin.f32 v8, v21;
	v10 =	vmax.f32 v10, v21;
	v9 =	vmin.f32 v9, v20;
	v21 =	vld [tilespmem:s28+$0xE070];
	s28 =	sor.u32 s1, s0  }
0x16e: {  	v8 =	vmin.f32 v7, v15;
	v10 =	vmax.f32 v10, v15;
	v19 =	vld [tilespmem:s28+$0xE400];
	v9 =	vmin.f32 v9, v24  }
0x16f: {  	v4 =	vmax.f32 v4, v20;
	v7 =	vld [tilespmem:s28+$0xE410];
	v5 =	vmin.f32 v5, v25;
	v6 =	vmax.f32 v6, v25  }
0x170: {  	v4 =	vmax.f32 v4, v24;
	v11 =	vld [tilespmem:s28+$0xE420];
	v5 =	vmin.f32 v5, v22;
	v6 =	vmax.f32 v6, v22  }
0x171: {  	v24 =	vld [tilespmem:s28+$0xE000];
	v0 =	vmin.f32 v0, v23;
	v1 =	vmax.f32 v1, v23  }
.Ltmp2:
0x172: {  	v22 =	vld [tilespmem:s28+$0xE010];
	v2 =	vmin.f32 v2, v21;
	v3 =	vmax.f32 v3, v21;
	(pc) =	sbr.rel @p0 .LBB2_6-.Ltmp2, $4  }
0x173: {  	v15 =	vld [tilespmem:s28+$0xE430]  }
0x174: {  	v23 =	vld [tilespmem:s28+$0xE020]  }
0x175: {  	v21 =	vld [tilespmem:s28+$0xE030]  }
0x176: {  	s30 =	sadd.s32 $0x100, s30;
	v20 =	vld [tilespmem:s28+$0xE040]  }
0x177: {  	v12 =	vmin.f32 v12, v24;
	v16 =	vmax.f32 v16, v24;
	v57 =	vld [tilespmem:s28+$0xE440]  }
0x178: {  	v17 =	vmin.f32 v17, v22;
	v25 =	vld [tilespmem:s28+$0xE050];
	v13 =	vmax.f32 v13, v22;
	v12 =	vmin.f32 v12, v19  }
0x179: {  	v58 =	vld [tilespmem:s28+$0xE060];
	v16 =	vmax.f32 v16, v19;
	v17 =	vmin.f32 v17, v7;
	v7 =	vmax.f32 v13, v7  }
0x17a: {  	v19 =	vld [tilespmem:s28+$0xE450];
	v18 =	vmin.f32 v18, v23;
	v14 =	vmax.f32 v14, v23;
	v12 =	vmin.f32 v12, v17  }
0x17b: {  	v13 =	vmin.f32 v18, v11;
	v11 =	vmax.f32 v14, v11;
	v8 =	vmin.f32 v8, v21  }
0x17c: {  	v10 =	vmax.f32 v10, v21;
	v14 =	vld [tilespmem:s28+$0xE070];
	v9 =	vmin.f32 v9, v20;
	v8 =	vmin.f32 v8, v15  }
0x17d: {  	v10 =	vmax.f32 v10, v15;
	v4 =	vmax.f32 v4, v20;
	v9 =	vmin.f32 v9, v57  }
0x17e: {  	v5 =	vmin.f32 v5, v25;
	v6 =	vmax.f32 v6, v25;
	v4 =	vmax.f32 v4, v57  }
0x17f: {  	v0 =	vmin.f32 v0, v58;
	v1 =	vmax.f32 v1, v58;
	v5 =	vmin.f32 v5, v19  }
0x180: {  	v8 =	vmin.f32 v13, v8;
	v6 =	vmax.f32 v6, v19;
	v5 =	vmin.f32 v9, v5  }
0x181: {  	v4 =	vmax.f32 v4, v6;
	v2 =	vmin.f32 v2, v14;
	v3 =	vmax.f32 v3, v14  }
0x182: {  	v0 =	vmin.f32 v0, v2;
	v2 =	vmax.f32 v16, v7;
	v7 =	vmax.f32 v11, v10  }
0x183: {  	v1 =	vmax.f32 v1, v3;
	v3 =	vmin.f32 v12, v8;
	v0 =	vmin.f32 v5, v0  }
0x184: {  	v2 =	vmax.f32 v2, v7;
	v1 =	vmax.f32 v4, v1;
	v0 =	vmin.f32 v3, v0  }
0x185: {  	v1 =	vmax.f32 v2, v1;
	(xrf0) =	vmin.scan.msk.f32 $0xffff, v0  }
0x186: {  	(xrf0) =	vmax.scan.msk.f32 $0xffff, v1;
	_ =	sdelay $0x4  }
0x187: {  	v0, _, _ =	vpop (xrf0)  }
0x188: {  	(v2sf) =	vpush v0, $0xF;
	v1, _, _ =	vpop (xrf0)  }
0x189: {  	(v2sf) =	vpush v1, $0xF;
	_ =	sdelay $0xc  }
0x18a: {  	v1 =	vld [tilespmem:s20+$0x1C000]  }
0x18b: {  	s28 =	spop (v2sf)  }
0x18c: {  	s29 =	spop (v2sf)  }
0x18d: {  	s0 =	ssub.f32 s29, s28;
	_ =	sdelay $0x1  }
0x18e: {  	v0 =	vbroadcast v0, $0xF;
	v1 =	vmul.f32 s0, v1;
	_ =	sdelay $0x1  }
0x18f: {  	v0 =	vadd.f32 v1, v0;
	_ =	sdelay $0x1  }
0x190: {  	v0 =	vnsel vm0, $0x7F800000, v0  }
0x191: {  	(xrf1) =	vsort.ascd.msk.f32 $0xffff, v0, v0;
	_ =	sdelay $0xd  }
0x192: {  	v0, _, _ =	vpop (xrf1)  }
0x193: {  	vm2 =	vcmask $0x308;
	v1 =	vnsel vm1, $0x7F800000, v0  }
0x194: {  	vm3 =	vcmask $0x70C;
	(xrf0) =	vmin.scan.msk.f32 $0xffff, v1;
	v1 =	vsel vm2, $0x7F800000, v0  }
0x195: {  	vm4 =	vcmask $0xB10;
	(xrf0) =	vmin.scan.msk.f32 $0xffff, v1;
	v1 =	vsel vm3, $0x7F800000, v0  }
0x196: {  	vm5 =	vcmask $0xF14;
	v2 =	vld [tilespmem:s21+$0x1C300];
	(xrf0) =	vmin.scan.msk.f32 $0xffff, v1;
	v1 =	vsel vm4, $0x7F800000, v0  }
0x197: {  	vm6 =	vcmask $0x1318;
	(xrf0) =	vmin.scan.msk.f32 $0xffff, v1;
	v1 =	vsel vm5, $0x7F800000, v0  }
0x198: {  	(xrf0) =	vmin.scan.msk.f32 $0xffff, v1;
	v1 =	vsel vm6, $0x7F800000, v0;
	_ =	sdelay $0x1  }
0x199: {  	v0 =	vsel vm7, $0x7F800000, v0;
	(xrf0) =	vmin.scan.msk.f32 $0xffff, v1  }
0x19a: {  	v1, _, _ =	vpop (xrf0);
	(xrf0) =	vmin.scan.msk.f32 $0xffff, v0;
	v0 =	vnsel vm1, $0x7F800000, v2  }
0x19b: {  	(v2sf) =	vpush v1, $0xF;
	v3, _, _ =	vpop (xrf0);
	(xrf0) =	vmin.scan.msk.f32 $0xffff, v0;
	v0 =	vsel vm2, $0x7F800000, v2  }
0x19c: {  	v4, _, _ =	vpop (xrf0);
	(xrf0) =	vmin.scan.msk.f32 $0xffff, v0;
	v0 =	vsel vm3, $0x7F800000, v2  }
0x19d: {  	(v2sf) =	vpush v3, $0xF;
	v5, _, _ =	vpop (xrf0);
	(xrf0) =	vmin.scan.msk.f32 $0xffff, v0;
	v0 =	vsel vm4, $0x7F800000, v2  }
0x19e: {  	(v2sf) =	vpush v4, $0xF;
	v15, _, _ =	vpop (xrf0);
	(xrf0) =	vmin.scan.msk.f32 $0xffff, v0;
	v0 =	vsel vm5, $0x7F800000, v2  }
0x19f: {  	(v2sf) =	vpush v5, $0xF  }
0x1a0: {  	v6 =	vsel vm6, $0x7F800000, v2;
	(v2sf) =	vpush v15, $0xF;
	v16, _, _ =	vpop (xrf0);
	(xrf0) =	vmin.scan.msk.f32 $0xffff, v0  }
0x1a1: {  	vm2 =	vcmask $0x1B20;
	(v2sf) =	vpush v16, $0xF;
	v0, _, _ =	vpop (xrf0);
	(xrf0) =	vmin.scan.msk.f32 $0xffff, v6;
	v6 =	vsel vm7, $0x7F800000, v2  }
0x1a2: {  	v2 =	vsel vm2, $0x7F800000, v2;
	(v2sf) =	vpush v0, $0xF;
	v7, _, _ =	vpop (xrf0);
	(xrf0) =	vmin.scan.msk.f32 $0xffff, v6  }
0x1a3: {  	(v2sf) =	vpush v7, $0xF;
	v7, _, _ =	vpop (xrf0);
	(xrf0) =	vmin.scan.msk.f32 $0xffff, v2  }
0x1a4: {  	v6, _, _ =	vpop (xrf0);
	(v2sf) =	vpush v7, $0xF  }
0x1a5: {  	(v2sf) =	vpush v6, $0xF;
	v6, _, _ =	vpop (xrf0)  }
0x1a6: {  	v2, _, _ =	vpop (xrf0);
	(v2sf) =	vpush v6, $0xF  }
0x1a7: {  	(v2sf) =	vpush v2, $0xF;
	v2, _, _ =	vpop (xrf0)  }
0x1a8: {  	v6, _, _ =	vpop (xrf0);
	(v2sf) =	vpush v2, $0xF  }
0x1a9: {  	(v2sf) =	vpush v6, $0xF;
	v2, _, _ =	vpop (xrf0)  }
0x1aa: {  	s0 =	spop (v2sf);
	(v2sf) =	vpush v2, $0xF;
	_ =	sdelay $0x1  }
0x1ab: {  	s1 =	spop (v2sf)  }
0x1ac: {  	s2 =	spop (v2sf)  }
0x1ad: {  	s3 =	spop (v2sf)  }
0x1ae: {  	s5 =	spop (v2sf)  }
0x1af: {  	s7 =	spop (v2sf)  }
0x1b0: {  	s14 =	ssub.f32 s0, s28;
	s8 =	spop (v2sf)  }
0x1b1: {  	s30 =	ssub.f32 s1, s0;
	s9 =	spop (v2sf)  }
0x1b2: {  	s12 =	ssub.f32 s3, s2;
	s10 =	spop (v2sf)  }
0x1b3: {  	s9 =	smul.f32 s14, s9;
	s11 =	spop (v2sf)  }
0x1b4: {  	s10 =	smul.f32 s30, s10;
	s13 =	spop (v2sf)  }
0x1b5: {  	s9 =	sadd.f32 s9, s28;
	s15 =	spop (v2sf)  }
0x1b6: {  	s28 =	ssub.f32 s2, s1;
	s14 =	spop (v2sf)  }
0x1b7: {  	s12 =	smul.f32 s12, s13;
	s31 =	spop (v2sf)  }
0x1b8: {  	s13 =	ssub.f32 s5, s3;
	s30 =	spop (v2sf)  }
0x1b9: {  	s0 =	sadd.f32 s10, s0;
	_ =	swait.ge [sflag:s22], $0xE000  }
0x1ba: {  	s2 =	sadd.f32 s12, s2;
	s10 =	smul.f32 s13, s15;
	[sflag:s22] =	ssyncset.done $0x0  }
0x1bb: {  	s12 =	simm.s32 $0x0;
	s15 =	rddreg [dreg:$0x8];
	[sflag:s22] =	ssyncadd.s32 $0xFFFF2000  }
0x1bc: {  	[tilespmem:s12], [sflag:$0x1] =	stream.linear.gather [hbm4b:s15+s12], $0xE000, $0x38;
	[tilespmem:$0x1C680] =	vst v63  }
0x1bd: {  	s11 =	smul.f32 s28, s11;
	s15 =	sand.u32 $0xF800, s12;
	s12 =	sand.u32 $0x380, s12  }
0x1be: {  	s29 =	sadd.f32 $9.999999970e-07, s29;
	s28 =	sor.u32 s12, s15  }
0x1bf: {  	s1 =	sadd.f32 s11, s1;
	v27 =	vld [tilespmem:s28+$0xE450]  }
0x1c0: {  	s11 =	ssub.f32 s7, s5;
	v28 =	vld [tilespmem:s28+$0xE000]  }
0x1c1: {  	s13 =	ssub.f32 s8, s7;
	v20 =	vld [tilespmem:s28+$0xE010]  }
0x1c2: {  	v14 =	vbroadcast v1, $0xF;
	s11 =	smul.f32 s11, s14;
	s14 =	ssub.f32 s29, s8;
	v59 =	vld [tilespmem:s28+$0xE020]  }
0x1c3: {  	v10 =	vbroadcast v3, $0xF;
	v9 =	vbroadcast v4, $0xF;
	s3 =	sadd.f32 s10, s3;
	s15 =	smul.f32 s13, s31;
	v60 =	vld [tilespmem:s28+$0xE030]  }
0x1c4: {  	v3 =	vbroadcast v16, $0xF;
	v7 =	vbroadcast v5, $0xF;
	s5 =	sadd.f32 s11, s5;
	s12 =	smul.f32 s14, s30;
	v61 =	vld [tilespmem:s28+$0xE040]  }
0x1c5: {  	v5 =	vbroadcast v15, $0xF;
	v2 =	vbroadcast v0, $0xF;
	v62 =	vld [tilespmem:s28+$0xE050];
	s13 =	sadd.f32 s15, s7  }
0x1c6: {  	v12 =	vmov s9;
	v13 =	vmov s0;
	v8 =	vmov s2;
	v63 =	vld [tilespmem:s28+$0xE060];
	s14 =	sadd.f32 s12, s8  }
0x1c7: {  	v11 =	vmov s1;
	v6 =	vmov s3;
	v4 =	vmov s5;
	v26 =	vld [tilespmem:s28+$0xE070]  }
0x1c8: {  	v1 =	vmov s13;
	v0 =	vmov s14;
	vm2 =	vge.f32 v27, v14  }
0x1c9: {  	vm3 =	vge.f32 v28, v14;
	vm4 =	vge.f32 v20, v14;
	vm5 =	vge.f32 v59, v14  }
0x1ca: {  	v17 =	vld [tilespmem:s28+$0xE400];
	vm6 =	vge.f32 v60, v14;
	vm8 =	vge.f32 v61, v14;
	vm9 =	vge.f32 v62, v14  }
0x1cb: {  	vm10 =	vge.f32 v20, v10;
	vm11 =	vge.f32 v20, v2;
	vm13 =	vge.f32 v59, v2  }
0x1cc: {  	vm12 =	vge.f32 v60, v2;
	vm15 =	vge.f32 v63, v2;
	vm14 =	vge.f32 v26, v2  }
0x1cd: {  	v18 =	vld [tilespmem:s28+$0xE410];
	v15 =	vsel vm2, v13, v12;
	vm2 =	vge.f32 v27, v10;
	v29 =	vsel vm3, v13, v12  }
0x1ce: {  	vm3 =	vge.f32 v63, v14;
	v30 =	vsel vm4, v13, v12;
	v31 =	vsel vm5, v13, v12  }
0x1cf: {  	v32 =	vsel vm6, v13, v12;
	v33 =	vsel vm8, v13, v12;
	vm4 =	vge.f32 v17, v14  }
0x1d0: {  	v34 =	vsel vm9, v13, v12;
	vm5 =	vge.f32 v28, v10;
	vm8 =	vge.f32 v28, v9  }
0x1d1: {  	vm9 =	vge.f32 v28, v2;
	v15 =	vsel vm2, v11, v15;
	vm2 =	vge.f32 v27, v9  }
0x1d2: {  	v35 =	vsel vm3, v13, v12;
	vm3 =	vge.f32 v18, v14;
	v37 =	vsel vm4, v13, v12  }
0x1d3: {  	vm4 =	vge.f32 v28, v7;
	v29 =	vsel vm5, v11, v29;
	vm5 =	vge.f32 v60, v10  }
0x1d4: {  	v30 =	vsel vm10, v11, v30;
	vm10 =	vge.f32 v61, v10;
	v15 =	vsel vm2, v8, v15  }
0x1d5: {  	vm2 =	vge.f32 v27, v7;
	v38 =	vsel vm3, v13, v12;
	vm3 =	vge.f32 v28, v5  }
0x1d6: {  	v32 =	vsel vm5, v11, v32;
	vm5 =	vge.f32 v63, v10;
	v33 =	vsel vm10, v11, v33  }
0x1d7: {  	vm10 =	vge.f32 v26, v10;
	v29 =	vsel vm8, v8, v29;
	vm8 =	vge.f32 v61, v9  }
0x1d8: {  	v19 =	vld [tilespmem:s28+$0xE420];
	v15 =	vsel vm2, v6, v15;
	vm2 =	vge.f32 v27, v5;
	v35 =	vsel vm5, v11, v35  }
0x1d9: {  	vm5 =	vge.f32 v18, v10;
	v33 =	vsel vm8, v8, v33;
	vm8 =	vge.f32 v17, v9  }
0x1da: {  	v29 =	vsel vm4, v6, v29;
	v15 =	vsel vm2, v4, v15;
	vm2 =	vge.f32 v27, v3  }
0x1db: {  	vm4 =	vge.f32 v62, v7;
	v16 =	vsel vm2, v1, v15;
	vm2 =	vge.f32 v27, v2;
	v15 =	vld [tilespmem:s28+$0xE430]  }
0x1dc: {  	v38 =	vsel vm5, v11, v38;
	v27 =	vsel vm2, v0, v16;
	vm2 =	vge.f32 v26, v14;
	v16 =	vld [tilespmem:s28+$0xE440]  }
0x1dd: {  	v29 =	vsel vm3, v4, v29;
	v36 =	vsel vm2, v13, v12;
	vm2 =	vge.f32 v19, v14  }
0x1de: {  	v39 =	vsel vm2, v13, v12;
	v36 =	vsel vm10, v11, v36;
	vm10 =	vge.f32 v19, v10  }
0x1df: {  	vm3 =	vge.f32 v63, v5;
	v39 =	vsel vm10, v11, v39;
	vm10 =	vge.f32 v60, v9  }
0x1e0: {  	vm2 =	vge.f32 v15, v14;
	v32 =	vsel vm10, v8, v32;
	vm10 =	vge.f32 v26, v9  }
0x1e1: {  	v40 =	vsel vm2, v13, v12;
	vm6 =	vge.f32 v16, v14;
	vm2 =	vge.f32 v28, v3  }
0x1e2: {  	vm5 =	vge.f32 v16, v10;
	v28 =	vsel vm6, v13, v12;
	vm6 =	vge.f32 v59, v10  }
0x1e3: {  	v36 =	vsel vm10, v8, v36;
	vm10 =	vge.f32 v15, v9;
	v31 =	vsel vm6, v11, v31  }
0x1e4: {  	vm6 =	vge.f32 v62, v10;
	v28 =	vsel vm5, v11, v28;
	vm5 =	vge.f32 v20, v9  }
0x1e5: {  	v34 =	vsel vm6, v11, v34;
	vm6 =	vge.f32 v17, v10;
	v30 =	vsel vm5, v8, v30  }
0x1e6: {  	vm5 =	vge.f32 v62, v9;
	v37 =	vsel vm6, v11, v37;
	vm6 =	vge.f32 v15, v10  }
0x1e7: {  	v34 =	vsel vm5, v8, v34;
	vm5 =	vge.f32 v18, v9;
	v40 =	vsel vm6, v11, v40  }
0x1e8: {  	vm6 =	vge.f32 v59, v9;
	v37 =	vsel vm8, v8, v37;
	vm8 =	vge.f32 v16, v9  }
0x1e9: {  	v38 =	vsel vm5, v8, v38;
	vm5 =	vge.f32 v20, v7;
	v34 =	vsel vm4, v6, v34  }
0x1ea: {  	vm4 =	vge.f32 v19, v7;
	v31 =	vsel vm6, v8, v31;
	vm6 =	vge.f32 v63, v9  }
0x1eb: {  	v40 =	vsel vm10, v8, v40;
	v28 =	vsel vm8, v8, v28;
	vm8 =	vge.f32 v60, v7  }
0x1ec: {  	vm10 =	vge.f32 v61, v7;
	v30 =	vsel vm5, v6, v30;
	vm5 =	vge.f32 v63, v7  }
0x1ed: {  	v35 =	vsel vm6, v8, v35;
	vm6 =	vge.f32 v19, v9;
	v32 =	vsel vm8, v6, v32  }
0x1ee: {  	vm8 =	vge.f32 v17, v7;
	v33 =	vsel vm10, v6, v33;
	vm10 =	vge.f32 v18, v7  }
0x1ef: {  	v39 =	vsel vm6, v8, v39;
	vm6 =	vge.f32 v59, v7;
	v35 =	vsel vm5, v6, v35  }
0x1f0: {  	vm5 =	vge.f32 v15, v7;
	v37 =	vsel vm8, v6, v37;
	v38 =	vsel vm10, v6, v38  }
0x1f1: {  	vm8 =	vge.f32 v61, v5;
	vm10 =	vge.f32 v62, v5;
	v31 =	vsel vm6, v6, v31  }
0x1f2: {  	vm6 =	vge.f32 v26, v7;
	v39 =	vsel vm4, v6, v39;
	v40 =	vsel vm5, v6, v40  }
0x1f3: {  	vm4 =	vge.f32 v20, v5;
	vm5 =	vge.f32 v59, v5;
	v33 =	vsel vm8, v4, v33  }
0x1f4: {  	vm8 =	vge.f32 v19, v5;
	v34 =	vsel vm10, v4, v34;
	vm10 =	vge.f32 v15, v5  }
0x1f5: {  	v35 =	vsel vm3, v4, v35;
	vm3 =	vge.f32 v16, v5;
	v36 =	vsel vm6, v6, v36  }
0x1f6: {  	vm6 =	vge.f32 v16, v7;
	v30 =	vsel vm4, v4, v30;
	vm4 =	vge.f32 v26, v5  }
0x1f7: {  	v31 =	vsel vm5, v4, v31;
	vm5 =	vge.f32 v17, v5;
	v44 =	vsel vm8, v4, v39  }
0x1f8: {  	v45 =	vsel vm10, v4, v40;
	vm8 =	vge.f32 v62, v3;
	vm10 =	vge.f32 v63, v3  }
0x1f9: {  	v40 =	vsel vm2, v1, v29;
	vm2 =	vge.f32 v26, v3;
	v28 =	vsel vm6, v6, v28  }
0x1fa: {  	vm6 =	vge.f32 v60, v5;
	v41 =	vsel vm4, v4, v36;
	v42 =	vsel vm5, v4, v37  }
0x1fb: {  	vm4 =	vge.f32 v59, v3;
	vm5 =	vge.f32 v60, v3;
	v39 =	vsel vm10, v1, v35  }
0x1fc: {  	vm10 =	vge.f32 v61, v2;
	v32 =	vsel vm6, v4, v32;
	vm6 =	vge.f32 v18, v5  }
0x1fd: {  	v46 =	vsel vm3, v4, v28;
	vm3 =	vge.f32 v20, v3;
	v43 =	vsel vm6, v4, v38  }
0x1fe: {  	vm6 =	vge.f32 v61, v3;
	v36 =	vsel vm3, v1, v30;
	vm3 =	vge.f32 v17, v3  }
0x1ff: {  	v38 =	vsel vm4, v1, v31;
	vm4 =	vge.f32 v18, v3;
	v37 =	vsel vm5, v1, v32  }
0x200: {  	vm5 =	vge.f32 v19, v3;
	v31 =	vsel vm2, v1, v41;
	v30 =	vsel vm6, v1, v33  }
0x201: {  	vm6 =	vge.f32 v15, v3;
	v33 =	vsel vm8, v1, v34;
	vm8 =	vge.f32 v16, v3  }
0x202: {  	s29 =	simm.s32 $0x80;
	s15 =	simm.s32 $0x100;
	v32 =	vsel vm3, v1, v42;
	v34 =	vsel vm4, v1, v43;
	v29 =	vsel vm5, v1, v44  }
0x203: {  	s2 =	sand.u32 $0x380, s29;
	s30 =	simm.s32 $0x200;
	s31 =	sand.u32 $0xF800, s15;
	[tilespmem:s28+$0xE450] =	vst v27;
	v28 =	vsel vm6, v1, v45;
	v35 =	vsel vm8, v1, v46;
	vm8 =	vge.f32 v62, v2  }
.LBB2_8:
0x204: {  	p0 =	sne.s32 s30, $0xDF00;
	s31 =	sor.u32 s2, s31;
	vm2 =	vge.f32 v17, v2;
	vm3 =	vge.f32 v18, v2;
	vm4 =	vge.f32 v19, v2  }
0x205: {  	v17 =	vsel vm9, v0, v40;
	vm5 =	vge.f32 v15, v2;
	vm6 =	vge.f32 v16, v2;
	v41 =	vld [tilespmem:s31+$0xE450]  }
0x206: {  	v15 =	vsel vm11, v0, v36;
	v16 =	vsel vm13, v0, v38;
	v20 =	vld [tilespmem:s31+$0xE000];
	[tilespmem:s28+$0xE000] =	vst v17;
	v17 =	vsel vm12, v0, v37  }
0x207: {  	v18 =	vsel vm8, v0, v33;
	v19 =	vsel vm15, v0, v39;
	v21 =	vld [tilespmem:s31+$0xE010];
	[tilespmem:s28+$0xE010] =	vst v15;
	v15 =	vsel vm10, v0, v30  }
0x208: {  	v30 =	vsel vm2, v0, v32;
	v22 =	vld [tilespmem:s31+$0xE020];
	[tilespmem:s28+$0xE020] =	vst v16;
	v16 =	vsel vm14, v0, v31;
	v31 =	vsel vm3, v0, v34  }
0x209: {  	v29 =	vsel vm4, v0, v29;
	v28 =	vsel vm5, v0, v28;
	v32 =	vsel vm6, v0, v35;
	v23 =	vld [tilespmem:s31+$0xE030];
	[tilespmem:s28+$0xE030] =	vst v17  }
0x20a: {  	v25 =	vld [tilespmem:s31+$0xE040];
	vm3 =	vge.f32 v41, v14;
	[tilespmem:s28+$0xE040] =	vst v15  }
0x20b: {  	vm4 =	vge.f32 v41, v10;
	vm2 =	vge.f32 v20, v14;
	v24 =	vld [tilespmem:s31+$0xE050];
	v15 =	vsel vm3, v13, v12;
	[tilespmem:s28+$0xE050] =	vst v18  }
0x20c: {  	vm3 =	vge.f32 v21, v14;
	v26 =	vld [tilespmem:s31+$0xE060];
	v15 =	vsel vm4, v11, v15;
	vm4 =	vge.f32 v41, v9;
	[tilespmem:s28+$0xE060] =	vst v19  }
0x20d: {  	vm5 =	vge.f32 v22, v14;
	v27 =	vld [tilespmem:s31+$0xE070];
	v15 =	vsel vm4, v8, v15;
	vm4 =	vge.f32 v41, v7;
	[tilespmem:s28+$0xE070] =	vst v16  }
0x20e: {  	vm6 =	vge.f32 v23, v14;
	v17 =	vld [tilespmem:s31+$0xE400];
	v15 =	vsel vm4, v6, v15;
	vm4 =	vge.f32 v41, v5;
	[tilespmem:s28+$0xE400] =	vst v30  }
0x20f: {  	vm8 =	vge.f32 v25, v14;
	v18 =	vld [tilespmem:s31+$0xE410];
	v15 =	vsel vm4, v4, v15;
	vm4 =	vge.f32 v41, v3;
	[tilespmem:s28+$0xE410] =	vst v31  }
0x210: {  	vm9 =	vge.f32 v24, v14;
	v19 =	vld [tilespmem:s31+$0xE420];
	v16 =	vsel vm4, v1, v15;
	vm4 =	vge.f32 v41, v2;
	[tilespmem:s28+$0xE420] =	vst v29  }
0x211: {  	v29 =	vsel vm2, v13, v12;
	vm2 =	vge.f32 v26, v14;
	v15 =	vld [tilespmem:s31+$0xE430];
	v30 =	vsel vm4, v0, v16;
	[tilespmem:s28+$0xE430] =	vst v28  }
0x212: {  	v31 =	vsel vm5, v13, v12;
	v28 =	vsel vm3, v13, v12;
	vm3 =	vge.f32 v27, v14;
	v16 =	vld [tilespmem:s31+$0xE440];
	[tilespmem:s31+$0xE450] =	vst v30  }
0x213: {  	v33 =	vsel vm8, v13, v12;
	v30 =	vsel vm6, v13, v12;
	vm4 =	vge.f32 v17, v14;
	[tilespmem:s28+$0xE440] =	vst v32;
	s28 =	smov.u32 s31  }
0x214: {  	v34 =	vsel vm2, v13, v12;
	v32 =	vsel vm9, v13, v12;
	vm2 =	vge.f32 v18, v14  }
0x215: {  	v35 =	vsel vm3, v13, v12;
	v36 =	vsel vm4, v13, v12;
	vm3 =	vge.f32 v19, v14  }
0x216: {  	v37 =	vsel vm2, v13, v12;
	v38 =	vsel vm3, v13, v12;
	vm2 =	vge.f32 v15, v14  }
0x217: {  	vm3 =	vge.f32 v20, v10;
	v39 =	vsel vm2, v13, v12;
	vm2 =	vge.f32 v16, v14  }
0x218: {  	vm5 =	vge.f32 v22, v10;
	vm4 =	vge.f32 v21, v10;
	v40 =	vsel vm2, v13, v12  }
0x219: {  	vm8 =	vge.f32 v24, v10;
	vm6 =	vge.f32 v25, v10;
	vm2 =	vge.f32 v23, v10  }
0x21a: {  	vm10 =	vge.f32 v27, v10;
	vm9 =	vge.f32 v26, v10;
	vm11 =	vge.f32 v17, v10  }
0x21b: {  	vm12 =	vge.f32 v18, v10;
	vm13 =	vge.f32 v19, v10;
	vm14 =	vge.f32 v15, v10  }
0x21c: {  	v28 =	vsel vm4, v11, v28;
	v29 =	vsel vm3, v11, v29;
	vm3 =	vge.f32 v16, v10  }
0x21d: {  	v31 =	vsel vm5, v11, v31;
	v33 =	vsel vm6, v11, v33;
	v30 =	vsel vm2, v11, v30  }
0x21e: {  	v32 =	vsel vm8, v11, v32;
	v34 =	vsel vm9, v11, v34;
	v35 =	vsel vm10, v11, v35  }
0x21f: {  	v36 =	vsel vm11, v11, v36;
	v37 =	vsel vm12, v11, v37;
	v38 =	vsel vm13, v11, v38  }
0x220: {  	v39 =	vsel vm14, v11, v39;
	vm2 =	vge.f32 v20, v9;
	v40 =	vsel vm3, v11, v40  }
0x221: {  	vm5 =	vge.f32 v23, v9;
	vm4 =	vge.f32 v22, v9;
	vm3 =	vge.f32 v21, v9  }
0x222: {  	vm6 =	vge.f32 v25, v9;
	vm8 =	vge.f32 v24, v9;
	vm9 =	vge.f32 v26, v9  }
0x223: {  	vm10 =	vge.f32 v27, v9;
	vm11 =	vge.f32 v17, v9;
	vm12 =	vge.f32 v18, v9  }
0x224: {  	vm13 =	vge.f32 v19, v9;
	vm15 =	vge.f32 v16, v9;
	vm14 =	vge.f32 v15, v9  }
0x225: {  	v31 =	vsel vm4, v8, v31;
	v29 =	vsel vm2, v8, v29;
	v28 =	vsel vm3, v8, v28  }
0x226: {  	v33 =	vsel vm6, v8, v33;
	v32 =	vsel vm8, v8, v32;
	v30 =	vsel vm5, v8, v30  }
0x227: {  	v34 =	vsel vm9, v8, v34;
	v35 =	vsel vm10, v8, v35;
	v36 =	vsel vm11, v8, v36  }
0x228: {  	v37 =	vsel vm12, v8, v37;
	v38 =	vsel vm13, v8, v38;
	v39 =	vsel vm14, v8, v39  }
0x229: {  	vm2 =	vge.f32 v20, v7;
	vm3 =	vge.f32 v21, v7;
	v40 =	vsel vm15, v8, v40  }
0x22a: {  	vm6 =	vge.f32 v25, v7;
	vm4 =	vge.f32 v22, v7;
	vm5 =	vge.f32 v23, v7  }
0x22b: {  	vm8 =	vge.f32 v24, v7;
	vm9 =	vge.f32 v26, v7;
	vm10 =	vge.f32 v27, v7  }
0x22c: {  	vm11 =	vge.f32 v17, v7;
	vm12 =	vge.f32 v18, v7;
	vm13 =	vge.f32 v19, v7  }
0x22d: {  	vm14 =	vge.f32 v16, v7;
	v29 =	vsel vm2, v6, v29;
	vm2 =	vge.f32 v15, v7  }
0x22e: {  	v31 =	vsel vm4, v6, v31;
	v28 =	vsel vm3, v6, v28;
	v30 =	vsel vm5, v6, v30  }
0x22f: {  	v33 =	vsel vm6, v6, v33;
	v32 =	vsel vm8, v6, v32;
	v34 =	vsel vm9, v6, v34  }
0x230: {  	v35 =	vsel vm10, v6, v35;
	v36 =	vsel vm11, v6, v36;
	v37 =	vsel vm12, v6, v37  }
0x231: {  	v38 =	vsel vm13, v6, v38;
	v40 =	vsel vm14, v6, v40;
	v39 =	vsel vm2, v6, v39  }
0x232: {  	vm4 =	vge.f32 v22, v5;
	vm3 =	vge.f32 v21, v5;
	vm2 =	vge.f32 v20, v5  }
0x233: {  	vm6 =	vge.f32 v25, v5;
	vm8 =	vge.f32 v24, v5;
	vm5 =	vge.f32 v23, v5  }
0x234: {  	vm9 =	vge.f32 v26, v5;
	vm10 =	vge.f32 v27, v5;
	vm11 =	vge.f32 v17, v5  }
0x235: {  	vm12 =	vge.f32 v18, v5;
	vm13 =	vge.f32 v19, v5;
	vm14 =	vge.f32 v15, v5  }
0x236: {  	v28 =	vsel vm3, v4, v28;
	v29 =	vsel vm2, v4, v29;
	vm2 =	vge.f32 v16, v5  }
0x237: {  	v33 =	vsel vm6, v4, v33;
	v31 =	vsel vm4, v4, v31;
	v30 =	vsel vm5, v4, v30  }
0x238: {  	v32 =	vsel vm8, v4, v32;
	v34 =	vsel vm9, v4, v34;
	v35 =	vsel vm10, v4, v35  }
0x239: {  	v41 =	vsel vm11, v4, v36;
	v42 =	vsel vm12, v4, v37;
	v43 =	vsel vm13, v4, v38  }
0x23a: {  	vm3 =	vge.f32 v20, v3;
	v44 =	vsel vm14, v4, v39;
	v45 =	vsel vm2, v4, v40  }
0x23b: {  	vm4 =	vge.f32 v22, v3;
	vm5 =	vge.f32 v23, v3;
	vm2 =	vge.f32 v21, v3  }
0x23c: {  	vm6 =	vge.f32 v25, v3;
	vm8 =	vge.f32 v24, v3;
	vm9 =	vge.f32 v26, v3  }
0x23d: {  	vm10 =	vge.f32 v27, v3;
	vm11 =	vge.f32 v17, v3;
	vm12 =	vge.f32 v18, v3  }
0x23e: {  	vm13 =	vge.f32 v19, v3;
	vm15 =	vge.f32 v16, v3;
	vm14 =	vge.f32 v15, v3  }
0x23f: {  	v38 =	vsel vm4, v1, v31;
	v40 =	vsel vm3, v1, v29;
	v36 =	vsel vm2, v1, v28  }
0x240: {  	v37 =	vsel vm5, v1, v30;
	v30 =	vsel vm6, v1, v33;
	v33 =	vsel vm8, v1, v32  }
.Ltmp3:
0x241: {  	v31 =	vsel vm10, v1, v35;
	v39 =	vsel vm9, v1, v34;
	v32 =	vsel vm11, v1, v41;
	(pc) =	sbr.rel @p0 .LBB2_8-.Ltmp3, $4  }
0x242: {  	v34 =	vsel vm12, v1, v42;
	v29 =	vsel vm13, v1, v43;
	v28 =	vsel vm14, v1, v44  }
0x243: {  	vm9 =	vge.f32 v20, v2;
	vm11 =	vge.f32 v21, v2;
	v35 =	vsel vm15, v1, v45  }
0x244: {  	s29 =	sadd.s32 $0x80, s29;
	vm10 =	vge.f32 v25, v2;
	vm12 =	vge.f32 v23, v2;
	vm13 =	vge.f32 v22, v2  }
0x245: {  	s2 =	sand.u32 $0x380, s29;
	s31 =	sand.u32 $0xF800, s30;
	s30 =	sadd.s32 $0x100, s30;
	vm8 =	vge.f32 v24, v2;
	vm15 =	vge.f32 v26, v2;
	vm14 =	vge.f32 v27, v2  }
0x246: {  	s29 =	sor.u32 s2, s31  }
0x247: {  	v43 =	vld [tilespmem:s29+$0xE450]  }
0x248: {  	v42 =	vld [tilespmem:s29+$0xE000]  }
0x249: {  	v41 =	vld [tilespmem:s29+$0xE010]  }
0x24a: {  	v27 =	vld [tilespmem:s29+$0xE020]  }
0x24b: {  	v24 =	vld [tilespmem:s29+$0xE050]  }
0x24c: {  	v20 =	vld [tilespmem:s29+$0xE070]  }
0x24d: {  	vm2 =	vge.f32 v17, v2;
	vm3 =	vge.f32 v18, v2;
	vm4 =	vge.f32 v19, v2;
	v17 =	vld [tilespmem:s29+$0xE430]  }
0x24e: {  	v30 =	vsel vm10, v0, v30;
	v33 =	vsel vm8, v0, v33;
	v31 =	vsel vm14, v0, v31  }
0x24f: {  	v26 =	vld [tilespmem:s29+$0xE030];
	v32 =	vsel vm2, v0, v32;
	v34 =	vsel vm3, v0, v34;
	v29 =	vsel vm4, v0, v29  }
0x250: {  	v25 =	vld [tilespmem:s29+$0xE040];
	vm5 =	vge.f32 v43, v14;
	vm6 =	vge.f32 v42, v14;
	vm2 =	vge.f32 v42, v5  }
0x251: {  	v23 =	vld [tilespmem:s29+$0xE060];
	vm3 =	vge.f32 v41, v5;
	vm4 =	vge.f32 v27, v5;
	vm8 =	vge.f32 v24, v5  }
0x252: {  	v18 =	vld [tilespmem:s29+$0xE400];
	vm10 =	vge.f32 v20, v5;
	vm14 =	vge.f32 v17, v5;
	v44 =	vsel vm5, v13, v12  }
0x253: {  	v19 =	vld [tilespmem:s29+$0xE410];
	vm5 =	vge.f32 v41, v14;
	v45 =	vsel vm6, v13, v12;
	vm6 =	vge.f32 v27, v14  }
0x254: {  	v21 =	vld [tilespmem:s29+$0xE420];
	v46 =	vsel vm5, v13, v12;
	vm5 =	vge.f32 v26, v14;
	v47 =	vsel vm6, v13, v12  }
0x255: {  	v22 =	vld [tilespmem:s29+$0xE440];
	vm6 =	vge.f32 v25, v14;
	v48 =	vsel vm5, v13, v12;
	vm5 =	vge.f32 v24, v14  }
0x256: {  	v49 =	vsel vm6, v13, v12;
	vm6 =	vge.f32 v23, v14;
	v50 =	vsel vm5, v13, v12  }
0x257: {  	vm5 =	vge.f32 v20, v14;
	v51 =	vsel vm6, v13, v12;
	vm6 =	vge.f32 v18, v14  }
0x258: {  	v52 =	vsel vm5, v13, v12;
	vm5 =	vge.f32 v19, v14;
	v53 =	vsel vm6, v13, v12  }
0x259: {  	vm6 =	vge.f32 v21, v14;
	v54 =	vsel vm5, v13, v12;
	vm5 =	vge.f32 v17, v14  }
0x25a: {  	v55 =	vsel vm6, v13, v12;
	vm6 =	vge.f32 v22, v14;
	v14 =	vsel vm5, v13, v12  }
0x25b: {  	v12 =	vsel vm6, v13, v12;
	vm5 =	vge.f32 v43, v10;
	vm6 =	vge.f32 v42, v10  }
0x25c: {  	v13 =	vsel vm5, v11, v44;
	vm5 =	vge.f32 v41, v10;
	v44 =	vsel vm6, v11, v45  }
0x25d: {  	vm6 =	vge.f32 v27, v10;
	v45 =	vsel vm5, v11, v46;
	vm5 =	vge.f32 v26, v10  }
0x25e: {  	v46 =	vsel vm6, v11, v47;
	vm6 =	vge.f32 v25, v10;
	v47 =	vsel vm5, v11, v48  }
0x25f: {  	vm5 =	vge.f32 v24, v10;
	v57 =	vsel vm6, v11, v49;
	vm6 =	vge.f32 v23, v10  }
0x260: {  	v58 =	vsel vm5, v11, v50;
	vm5 =	vge.f32 v20, v10;
	v59 =	vsel vm6, v11, v51  }
0x261: {  	vm6 =	vge.f32 v18, v10;
	v60 =	vsel vm5, v11, v52;
	vm5 =	vge.f32 v19, v10  }
0x262: {  	v61 =	vsel vm6, v11, v53;
	v62 =	vsel vm5, v11, v54;
	vm5 =	vge.f32 v21, v10  }
0x263: {  	vm6 =	vge.f32 v22, v10;
	v63 =	vsel vm5, v11, v55;
	vm5 =	vge.f32 v17, v10  }
0x264: {  	v10 =	vsel vm5, v11, v14;
	v11 =	vsel vm6, v11, v12;
	vm5 =	vge.f32 v43, v9  }
0x265: {  	vm6 =	vge.f32 v41, v9;
	v12 =	vsel vm5, v8, v13;
	vm5 =	vge.f32 v42, v9  }
0x266: {  	v14 =	vsel vm6, v8, v45;
	vm6 =	vge.f32 v26, v9;
	v13 =	vsel vm5, v8, v44  }
0x267: {  	vm5 =	vge.f32 v27, v9;
	v56 =	vsel vm6, v8, v47;
	vm6 =	vge.f32 v24, v9  }
0x268: {  	v44 =	vsel vm5, v8, v46;
	vm5 =	vge.f32 v25, v9;
	v58 =	vsel vm6, v8, v58  }
0x269: {  	vm6 =	vge.f32 v20, v9;
	v57 =	vsel vm5, v8, v57;
	vm5 =	vge.f32 v23, v9  }
0x26a: {  	v60 =	vsel vm6, v8, v60;
	v59 =	vsel vm5, v8, v59;
	vm5 =	vge.f32 v18, v9  }
0x26b: {  	vm6 =	vge.f32 v19, v9;
	v61 =	vsel vm5, v8, v61;
	vm5 =	vge.f32 v21, v9  }
0x26c: {  	v62 =	vsel vm6, v8, v62;
	v63 =	vsel vm5, v8, v63;
	vm5 =	vge.f32 v17, v9  }
0x26d: {  	vm6 =	vge.f32 v22, v9;
	v9 =	vsel vm5, v8, v10;
	vm5 =	vge.f32 v43, v7  }
0x26e: {  	v8 =	vsel vm6, v8, v11;
	vm6 =	vge.f32 v41, v7;
	v10 =	vsel vm5, v6, v12  }
0x26f: {  	vm5 =	vge.f32 v42, v7;
	v12 =	vsel vm6, v6, v14;
	vm6 =	vge.f32 v26, v7  }
0x270: {  	v11 =	vsel vm5, v6, v13;
	vm5 =	vge.f32 v27, v7;
	v14 =	vsel vm6, v6, v56  }
0x271: {  	vm6 =	vge.f32 v24, v7;
	v13 =	vsel vm5, v6, v44;
	vm5 =	vge.f32 v25, v7  }
0x272: {  	v55 =	vsel vm6, v6, v58;
	vm6 =	vge.f32 v20, v7;
	v54 =	vsel vm5, v6, v57  }
0x273: {  	vm5 =	vge.f32 v23, v7;
	v57 =	vsel vm6, v6, v60;
	vm6 =	vge.f32 v19, v7  }
0x274: {  	v56 =	vsel vm5, v6, v59;
	vm5 =	vge.f32 v18, v7;
	v59 =	vsel vm6, v6, v62  }
0x275: {  	vm6 =	vge.f32 v17, v7;
	v58 =	vsel vm5, v6, v61;
	vm5 =	vge.f32 v21, v7  }
0x276: {  	v61 =	vsel vm15, v0, v39;
	vm15 =	vge.f32 v22, v5;
	v60 =	vsel vm5, v6, v63  }
0x277: {  	vm5 =	vge.f32 v22, v7;
	v7 =	vsel vm6, v6, v9;
	vm6 =	vge.f32 v15, v2  }
0x278: {  	v9 =	vsel vm11, v0, v36;
	v15 =	vsel vm13, v0, v38;
	vm11 =	vge.f32 v43, v3  }
0x279: {  	vm13 =	vge.f32 v43, v2;
	v6 =	vsel vm5, v6, v8;
	vm5 =	vge.f32 v16, v2  }
0x27a: {  	v8 =	vsel vm9, v0, v40;
	vm9 =	vge.f32 v43, v5;
	v16 =	vsel vm12, v0, v37  }
0x27b: {  	v28 =	vsel vm6, v0, v28;
	vm6 =	vge.f32 v25, v5;
	[tilespmem:s28+$0xE010] =	vst v9;
	vm12 =	vge.f32 v19, v5  }
0x27c: {  	[tilespmem:s28+$0xE020] =	vst v15;
	v9 =	vsel vm4, v4, v13;
	v13 =	vsel vm8, v4, v55;
	v15 =	vsel vm10, v4, v57  }
0x27d: {  	[tilespmem:s28+$0xE040] =	vst v30;
	v7 =	vsel vm14, v4, v7;
	vm14 =	vge.f32 v24, v3;
	vm10 =	vge.f32 v20, v3  }
0x27e: {  	[tilespmem:s28+$0xE050] =	vst v33;
	vm8 =	vge.f32 v19, v3;
	vm4 =	vge.f32 v21, v3;
	v10 =	vsel vm9, v4, v10  }
0x27f: {  	[tilespmem:s28+$0xE070] =	vst v31;
	v35 =	vsel vm5, v0, v35;
	vm5 =	vge.f32 v26, v5;
	vm9 =	vge.f32 v23, v5  }
0x280: {  	[tilespmem:s28+$0xE000] =	vst v8;
	v8 =	vsel vm3, v4, v12;
	v12 =	vsel vm6, v4, v54;
	v62 =	vsel vm12, v4, v59  }
0x281: {  	[tilespmem:s28+$0xE400] =	vst v32;
	vm6 =	vge.f32 v41, v3;
	vm12 =	vge.f32 v26, v3;
	v10 =	vsel vm11, v1, v10  }
0x282: {  	[tilespmem:s28+$0xE410] =	vst v34;
	vm3 =	vge.f32 v17, v3;
	vm11 =	vge.f32 v18, v5;
	v10 =	vsel vm13, v0, v10  }
0x283: {  	[tilespmem:s28+$0xE420] =	vst v29;
	vm13 =	vge.f32 v21, v5;
	v5 =	vsel vm2, v4, v11;
	v11 =	vsel vm5, v4, v14  }
0x284: {  	[tilespmem:s28+$0xE030] =	vst v16;
	v14 =	vsel vm9, v4, v56;
	v16 =	vsel vm11, v4, v58;
	vm5 =	vge.f32 v42, v3  }
0x285: {  	[tilespmem:s28+$0xE060] =	vst v61;
	vm11 =	vge.f32 v27, v3;
	vm9 =	vge.f32 v18, v3;
	vm2 =	vge.f32 v22, v3  }
0x286: {  	[tilespmem:s28+$0xE430] =	vst v28;
	v63 =	vsel vm13, v4, v60;
	v4 =	vsel vm15, v4, v6;
	vm13 =	vge.f32 v25, v3  }
0x287: {  	[tilespmem:s28+$0xE440] =	vst v35;
	vm15 =	vge.f32 v23, v3;
	v3 =	vsel vm5, v1, v5;
	vm5 =	vge.f32 v42, v2  }
0x288: {  	[tilespmem:s29+$0xE450] =	vst v10;
	v5 =	vsel vm6, v1, v8;
	vm6 =	vge.f32 v41, v2;
	v3 =	vsel vm5, v0, v3  }
0x289: {  	v6 =	vsel vm11, v1, v9;
	vm5 =	vge.f32 v27, v2;
	[tilespmem:s29+$0xE000] =	vst v3;
	v3 =	vsel vm6, v0, v5  }
0x28a: {  	v5 =	vsel vm12, v1, v11;
	vm6 =	vge.f32 v26, v2;
	v6 =	vsel vm5, v0, v6;
	[tilespmem:s29+$0xE010] =	vst v3  }
0x28b: {  	vm5 =	vge.f32 v25, v2;
	v3 =	vsel vm13, v1, v12;
	v5 =	vsel vm6, v0, v5;
	[tilespmem:s29+$0xE020] =	vst v6  }
0x28c: {  	v6 =	vsel vm14, v1, v13;
	vm6 =	vge.f32 v24, v2;
	v3 =	vsel vm5, v0, v3;
	[tilespmem:s29+$0xE030] =	vst v5  }
0x28d: {  	v5 =	vsel vm15, v1, v14;
	vm5 =	vge.f32 v23, v2;
	v6 =	vsel vm6, v0, v6;
	[tilespmem:s29+$0xE040] =	vst v3  }
0x28e: {  	vm6 =	vge.f32 v20, v2;
	v3 =	vsel vm10, v1, v15;
	v5 =	vsel vm5, v0, v5;
	[tilespmem:s29+$0xE050] =	vst v6  }
0x28f: {  	v6 =	vsel vm9, v1, v16;
	vm5 =	vge.f32 v18, v2;
	v3 =	vsel vm6, v0, v3;
	[tilespmem:s29+$0xE060] =	vst v5  }
0x290: {  	v5 =	vsel vm8, v1, v62;
	vm6 =	vge.f32 v19, v2;
	v6 =	vsel vm5, v0, v6;
	[tilespmem:s29+$0xE070] =	vst v3  }
0x291: {  	v3 =	vsel vm4, v1, v63;
	vm4 =	vge.f32 v21, v2;
	v5 =	vsel vm6, v0, v5;
	[tilespmem:s29+$0xE400] =	vst v6  }
0x292: {  	v6 =	vsel vm3, v1, v7;
	vm3 =	vge.f32 v17, v2;
	v3 =	vsel vm4, v0, v3;
	[tilespmem:s29+$0xE410] =	vst v5  }
0x293: {  	v1 =	vsel vm2, v1, v4;
	vm2 =	vge.f32 v22, v2;
	v2 =	vsel vm3, v0, v6;
	[tilespmem:s29+$0xE420] =	vst v3  }
0x294: {  	v0 =	vsel vm2, v0, v1;
	[tilespmem:s29+$0xE430] =	vst v2  }
0x295: {  	[tilespmem:s29+$0xE440] =	vst v0  }
0x296: {  	s1 =	simm.s32 $0xE000;
	s29 =	simm.s32 $0x0;
	s0 =	rddreg [dreg:$0x9]  }
0x297: {  	[hbm4b:s0+s29] =	stream.linear.scatter [tilespmem:s1], [sflag:$0x4], $0xE000, $0x38;
	[tilespmem:$0x1C680] =	vst v63  }
0x298: {  	_ =	swait.ge [sflag:s16], $0xE000  }
0x299: {  	s15 =	sand.u32 $0xF800, s29;
	s31 =	sand.u32 $0x380, s29;
	[sflag:s16] =	ssyncset.done $0x0  }
0x29a: {  	s28 =	sor.u32 s31, s15;
	[sflag:s16] =	ssyncadd.s32 $0xFFFF2000  }
0x29b: {  	v19 =	vld [tilespmem:s28+$0x400]  }
0x29c: {  	v7 =	vld [tilespmem:s28+$0x410]  }
0x29d: {  	v11 =	vld [tilespmem:s28+$0x420]  }
0x29e: {  	v8 =	vimm.f32 $+Inf;
	v24 =	vld [tilespmem:s28+$0x0]  }
0x29f: {  	v10 =	vimm.f32 $-Inf;
	v9 =	vimm.f32 $+Inf;
	v12 =	vimm.f32 $+Inf;
	v22 =	vld [tilespmem:s28+$0x10]  }
0x2a0: {  	v13 =	vimm.f32 $-Inf;
	v14 =	vimm.f32 $-Inf;
	v16 =	vimm.f32 $-Inf;
	v15 =	vld [tilespmem:s28+$0x430]  }
0x2a1: {  	v18 =	vimm.f32 $+Inf;
	v17 =	vimm.f32 $+Inf;
	v4 =	vimm.f32 $-Inf;
	v23 =	vld [tilespmem:s28+$0x20]  }
0x2a2: {  	v5 =	vimm.f32 $+Inf;
	v6 =	vimm.f32 $-Inf;
	v1 =	vimm.f32 $-Inf;
	v21 =	vld [tilespmem:s28+$0x30]  }
0x2a3: {  	s30 =	simm.s32 $0x100;
	v0 =	vimm.f32 $+Inf;
	v2 =	vimm.f32 $+Inf;
	v3 =	vimm.f32 $-Inf;
	v20 =	vld [tilespmem:s28+$0x40]  }
.LBB2_10:
0x2a4: {  	p0 =	sne.s32 s30, $0xDF00;
	v12 =	vmin.f32 v12, v24;
	v16 =	vmax.f32 v16, v24;
	v17 =	vmin.f32 v17, v22;
	v24 =	vld [tilespmem:s28+$0x440]  }
0x2a5: {  	v25 =	vld [tilespmem:s28+$0x50];
	v12 =	vmin.f32 v12, v19;
	v16 =	vmax.f32 v16, v19;
	v17 =	vmin.f32 v17, v7  }
0x2a6: {  	v13 =	vmax.f32 v13, v22;
	s29 =	sadd.s32 $0x80, s29;
	v18 =	vmin.f32 v18, v23;
	v14 =	vmax.f32 v14, v23;
	v22 =	vld [tilespmem:s28+$0x450]  }
0x2a7: {  	s0 =	sand.u32 $0xF800, s30;
	s1 =	sand.u32 $0x380, s29;
	v13 =	vmax.f32 v13, v7;
	v23 =	vld [tilespmem:s28+$0x60];
	v18 =	vmin.f32 v18, v11;
	v14 =	vmax.f32 v14, v11  }
0x2a8: {  	v7 =	vmin.f32 v8, v21;
	v10 =	vmax.f32 v10, v21;
	v9 =	vmin.f32 v9, v20;
	v21 =	vld [tilespmem:s28+$0x70];
	s28 =	sor.u32 s1, s0  }
0x2a9: {  	v8 =	vmin.f32 v7, v15;
	v10 =	vmax.f32 v10, v15;
	v19 =	vld [tilespmem:s28+$0x400];
	v9 =	vmin.f32 v9, v24  }
0x2aa: {  	v4 =	vmax.f32 v4, v20;
	v7 =	vld [tilespmem:s28+$0x410];
	v5 =	vmin.f32 v5, v25;
	v6 =	vmax.f32 v6, v25  }
0x2ab: {  	v4 =	vmax.f32 v4, v24;
	v11 =	vld [tilespmem:s28+$0x420];
	v5 =	vmin.f32 v5, v22;
	v6 =	vmax.f32 v6, v22  }
0x2ac: {  	v24 =	vld [tilespmem:s28+$0x0];
	v0 =	vmin.f32 v0, v23;
	v1 =	vmax.f32 v1, v23  }
.Ltmp4:
0x2ad: {  	v22 =	vld [tilespmem:s28+$0x10];
	v2 =	vmin.f32 v2, v21;
	v3 =	vmax.f32 v3, v21;
	(pc) =	sbr.rel @p0 .LBB2_10-.Ltmp4, $4  }
0x2ae: {  	v15 =	vld [tilespmem:s28+$0x430]  }
0x2af: {  	v23 =	vld [tilespmem:s28+$0x20]  }
0x2b0: {  	v21 =	vld [tilespmem:s28+$0x30]  }
0x2b1: {  	s30 =	sadd.s32 $0x100, s30;
	v20 =	vld [tilespmem:s28+$0x40]  }
0x2b2: {  	v12 =	vmin.f32 v12, v24;
	v16 =	vmax.f32 v16, v24;
	v57 =	vld [tilespmem:s28+$0x440]  }
0x2b3: {  	v17 =	vmin.f32 v17, v22;
	v25 =	vld [tilespmem:s28+$0x50];
	v13 =	vmax.f32 v13, v22;
	v12 =	vmin.f32 v12, v19  }
0x2b4: {  	v58 =	vld [tilespmem:s28+$0x60];
	v16 =	vmax.f32 v16, v19;
	v17 =	vmin.f32 v17, v7;
	v7 =	vmax.f32 v13, v7  }
0x2b5: {  	v19 =	vld [tilespmem:s28+$0x450];
	v18 =	vmin.f32 v18, v23;
	v14 =	vmax.f32 v14, v23;
	v12 =	vmin.f32 v12, v17  }
0x2b6: {  	v13 =	vmin.f32 v18, v11;
	v11 =	vmax.f32 v14, v11;
	v8 =	vmin.f32 v8, v21  }
0x2b7: {  	v10 =	vmax.f32 v10, v21;
	v14 =	vld [tilespmem:s28+$0x70];
	v9 =	vmin.f32 v9, v20;
	v8 =	vmin.f32 v8, v15  }
0x2b8: {  	v10 =	vmax.f32 v10, v15;
	v4 =	vmax.f32 v4, v20;
	v9 =	vmin.f32 v9, v57  }
0x2b9: {  	v5 =	vmin.f32 v5, v25;
	v6 =	vmax.f32 v6, v25;
	v4 =	vmax.f32 v4, v57  }
0x2ba: {  	v0 =	vmin.f32 v0, v58;
	v1 =	vmax.f32 v1, v58;
	v5 =	vmin.f32 v5, v19  }
0x2bb: {  	v8 =	vmin.f32 v13, v8;
	v6 =	vmax.f32 v6, v19;
	v5 =	vmin.f32 v9, v5  }
0x2bc: {  	v4 =	vmax.f32 v4, v6;
	v2 =	vmin.f32 v2, v14;
	v3 =	vmax.f32 v3, v14  }
0x2bd: {  	v0 =	vmin.f32 v0, v2;
	v2 =	vmax.f32 v16, v7;
	v7 =	vmax.f32 v11, v10  }
0x2be: {  	v1 =	vmax.f32 v1, v3;
	v3 =	vmin.f32 v12, v8;
	v0 =	vmin.f32 v5, v0  }
0x2bf: {  	v2 =	vmax.f32 v2, v7;
	v1 =	vmax.f32 v4, v1;
	v0 =	vmin.f32 v3, v0  }
0x2c0: {  	v1 =	vmax.f32 v2, v1;
	(xrf0) =	vmin.scan.msk.f32 $0xffff, v0  }
0x2c1: {  	(xrf0) =	vmax.scan.msk.f32 $0xffff, v1;
	_ =	sdelay $0x4  }
0x2c2: {  	v0, _, _ =	vpop (xrf0)  }
0x2c3: {  	(v2sf) =	vpush v0, $0xF;
	v1, _, _ =	vpop (xrf0)  }
0x2c4: {  	(v2sf) =	vpush v1, $0xF;
	_ =	sdelay $0xc  }
0x2c5: {  	v1 =	vld [tilespmem:s23+$0x1C000]  }
0x2c6: {  	s28 =	spop (v2sf)  }
0x2c7: {  	s29 =	spop (v2sf)  }
0x2c8: {  	s0 =	ssub.f32 s29, s28;
	_ =	sdelay $0x1  }
0x2c9: {  	v0 =	vbroadcast v0, $0xF;
	v1 =	vmul.f32 s0, v1;
	_ =	sdelay $0x1  }
0x2ca: {  	v0 =	vadd.f32 v1, v0;
	_ =	sdelay $0x1  }
0x2cb: {  	v0 =	vnsel vm0, $0x7F800000, v0  }
0x2cc: {  	(xrf1) =	vsort.ascd.msk.f32 $0xffff, v0, v0;
	_ =	sdelay $0xd  }
0x2cd: {  	v0, _, _ =	vpop (xrf1)  }
0x2ce: {  	vm2 =	vcmask $0x308;
	v1 =	vnsel vm1, $0x7F800000, v0  }
0x2cf: {  	vm3 =	vcmask $0x70C;
	(xrf0) =	vmin.scan.msk.f32 $0xffff, v1;
	v1 =	vsel vm2, $0x7F800000, v0  }
0x2d0: {  	vm4 =	vcmask $0xB10;
	(xrf0) =	vmin.scan.msk.f32 $0xffff, v1;
	v1 =	vsel vm3, $0x7F800000, v0  }
0x2d1: {  	vm5 =	vcmask $0xF14;
	v2 =	vld [tilespmem:s24+$0x1C300];
	(xrf0) =	vmin.scan.msk.f32 $0xffff, v1;
	v1 =	vsel vm4, $0x7F800000, v0  }
0x2d2: {  	vm6 =	vcmask $0x1318;
	(xrf0) =	vmin.scan.msk.f32 $0xffff, v1;
	v1 =	vsel vm5, $0x7F800000, v0  }
0x2d3: {  	(xrf0) =	vmin.scan.msk.f32 $0xffff, v1;
	v1 =	vsel vm6, $0x7F800000, v0;
	_ =	sdelay $0x1  }
0x2d4: {  	v0 =	vsel vm7, $0x7F800000, v0;
	(xrf0) =	vmin.scan.msk.f32 $0xffff, v1  }
0x2d5: {  	v1, _, _ =	vpop (xrf0);
	(xrf0) =	vmin.scan.msk.f32 $0xffff, v0;
	v0 =	vnsel vm1, $0x7F800000, v2  }
0x2d6: {  	v3, _, _ =	vpop (xrf0);
	(xrf0) =	vmin.scan.msk.f32 $0xffff, v0;
	v0 =	vsel vm2, $0x7F800000, v2  }
0x2d7: {  	(v2sf) =	vpush v1, $0xF;
	v4, _, _ =	vpop (xrf0);
	(xrf0) =	vmin.scan.msk.f32 $0xffff, v0;
	v0 =	vsel vm3, $0x7F800000, v2  }
0x2d8: {  	(v2sf) =	vpush v3, $0xF;
	v5, _, _ =	vpop (xrf0);
	(xrf0) =	vmin.scan.msk.f32 $0xffff, v0;
	v0 =	vsel vm4, $0x7F800000, v2  }
0x2d9: {  	(v2sf) =	vpush v4, $0xF  }
0x2da: {  	v6 =	vsel vm5, $0x7F800000, v2;
	(v2sf) =	vpush v5, $0xF;
	v15, _, _ =	vpop (xrf0)  }
0x2db: {  	(xrf0) =	vmin.scan.msk.f32 $0xffff, v0;
	(v2sf) =	vpush v15, $0xF;
	v0, _, _ =	vpop (xrf0)  }
0x2dc: {  	(v2sf) =	vpush v0, $0xF;
	v16, _, _ =	vpop (xrf0)  }
0x2dd: {  	(xrf0) =	vmin.scan.msk.f32 $0xffff, v6;
	v6, _, _ =	vpop (xrf0);
	(v2sf) =	vpush v16, $0xF  }
0x2de: {  	v7, _, _ =	vpop (xrf0);
	(v2sf) =	vpush v6, $0xF  }
0x2df: {  	v6 =	vsel vm6, $0x7F800000, v2;
	(v2sf) =	vpush v7, $0xF  }
0x2e0: {  	v7, _, _ =	vpop (xrf0)  }
0x2e1: {  	(xrf0) =	vmin.scan.msk.f32 $0xffff, v6;
	(v2sf) =	vpush v7, $0xF  }
0x2e2: {  	v6, _, _ =	vpop (xrf0)  }
0x2e3: {  	vm2 =	vcmask $0x1B20;
	(v2sf) =	vpush v6, $0xF  }
0x2e4: {  	v7 =	vsel vm7, $0x7F800000, v2;
	v2 =	vsel vm2, $0x7F800000, v2  }
0x2e5: {  	v6, _, _ =	vpop (xrf0)  }
0x2e6: {  	(xrf0) =	vmin.scan.msk.f32 $0xffff, v7;
	(v2sf) =	vpush v6, $0xF;
	s0 =	spop (v2sf)  }
0x2e7: {  	(xrf0) =	vmin.scan.msk.f32 $0xffff, v2;
	v2, _, _ =	vpop (xrf0);
	s1 =	spop (v2sf)  }
0x2e8: {  	(v2sf) =	vpush v2, $0xF;
	s2 =	spop (v2sf)  }
0x2e9: {  	s3 =	spop (v2sf)  }
0x2ea: {  	s5 =	spop (v2sf)  }
0x2eb: {  	s7 =	spop (v2sf)  }
0x2ec: {  	s8 =	spop (v2sf)  }
0x2ed: {  	s12 =	ssub.f32 s0, s28;
	v2, _, _ =	vpop (xrf0);
	s9 =	spop (v2sf)  }
0x2ee: {  	s14 =	sadd.f32 $9.999999970e-07, s29;
	(v2sf) =	vpush v2, $0xF;
	s10 =	spop (v2sf)  }
0x2ef: {  	v2, _, _ =	vpop (xrf0);
	s9 =	smul.f32 s12, s9;
	s12 =	ssub.f32 s1, s0  }
0x2f0: {  	s29 =	ssub.f32 s2, s1;
	(v2sf) =	vpush v2, $0xF;
	s11 =	spop (v2sf)  }
0x2f1: {  	s10 =	smul.f32 s12, s10;
	s12 =	ssub.f32 s3, s2  }
0x2f2: {  	s9 =	sadd.f32 s9, s28;
	s13 =	spop (v2sf)  }
0x2f3: {  	s0 =	sadd.f32 s10, s0;
	s10 =	smul.f32 s12, s13  }
0x2f4: {  	s12 =	ssub.f32 s5, s3  }
0x2f5: {  	s15 =	spop (v2sf);
	s2 =	sadd.f32 s10, s2  }
0x2f6: {  	s10 =	smul.f32 s12, s15;
	s12 =	ssub.f32 s7, s5;
	s15 =	simm.s32 $0x0  }
0x2f7: {  	s28 =	spop (v2sf);
	s30 =	sand.u32 $0xF800, s15;
	s15 =	sand.u32 $0x380, s15  }
0x2f8: {  	s12 =	smul.f32 s12, s28;
	s28 =	sor.u32 s15, s30  }
0x2f9: {  	v27 =	vld [tilespmem:s28+$0x450]  }
0x2fa: {  	v28 =	vld [tilespmem:s28+$0x0]  }
0x2fb: {  	s14 =	ssub.f32 s14, s8;
	s11 =	smul.f32 s29, s11;
	v20 =	vld [tilespmem:s28+$0x10]  }
0x2fc: {  	v14 =	vbroadcast v1, $0xF;
	s29 =	ssub.f32 s8, s7;
	v59 =	vld [tilespmem:s28+$0x20]  }
0x2fd: {  	v10 =	vbroadcast v3, $0xF;
	v9 =	vbroadcast v4, $0xF;
	s1 =	sadd.f32 s11, s1;
	s11 =	spop (v2sf);
	v60 =	vld [tilespmem:s28+$0x30]  }
0x2fe: {  	v3 =	vbroadcast v0, $0xF;
	v7 =	vbroadcast v5, $0xF;
	s3 =	sadd.f32 s10, s3;
	v61 =	vld [tilespmem:s28+$0x40];
	s11 =	smul.f32 s29, s11  }
0x2ff: {  	v5 =	vbroadcast v15, $0xF;
	v2 =	vbroadcast v16, $0xF;
	v62 =	vld [tilespmem:s28+$0x50];
	s13 =	spop (v2sf);
	s5 =	sadd.f32 s12, s5  }
0x300: {  	v12 =	vmov s9;
	v13 =	vmov s0;
	v11 =	vmov s1;
	v63 =	vld [tilespmem:s28+$0x60];
	s12 =	smul.f32 s14, s13;
	s13 =	sadd.f32 s11, s7  }
0x301: {  	v8 =	vmov s2;
	v26 =	vld [tilespmem:s28+$0x70];
	v6 =	vmov s3;
	v4 =	vmov s5  }
0x302: {  	v1 =	vmov s13;
	vm2 =	vge.f32 v27, v14;
	vm3 =	vge.f32 v28, v14  }
0x303: {  	vm4 =	vge.f32 v20, v14;
	vm5 =	vge.f32 v59, v14;
	vm6 =	vge.f32 v60, v14  }
0x304: {  	v17 =	vld [tilespmem:s28+$0x400];
	s14 =	sadd.f32 s12, s8;
	vm8 =	vge.f32 v61, v14;
	vm9 =	vge.f32 v62, v14;
	vm10 =	vge.f32 v20, v10  }
0x305: {  	vm11 =	vge.f32 v20, v2;
	vm13 =	vge.f32 v59, v2;
	vm12 =	vge.f32 v60, v2  }
0x306: {  	vm15 =	vge.f32 v63, v2;
	vm14 =	vge.f32 v26, v2;
	v0 =	vmov s14  }
0x307: {  	v18 =	vld [tilespmem:s28+$0x410];
	v15 =	vsel vm2, v13, v12;
	vm2 =	vge.f32 v27, v10;
	v29 =	vsel vm3, v13, v12  }
0x308: {  	vm3 =	vge.f32 v63, v14;
	v30 =	vsel vm4, v13, v12;
	v31 =	vsel vm5, v13, v12  }
0x309: {  	v32 =	vsel vm6, v13, v12;
	v33 =	vsel vm8, v13, v12;
	vm4 =	vge.f32 v17, v14  }
0x30a: {  	v34 =	vsel vm9, v13, v12;
	vm5 =	vge.f32 v28, v10;
	vm8 =	vge.f32 v28, v9  }
0x30b: {  	vm9 =	vge.f32 v28, v2;
	v15 =	vsel vm2, v11, v15;
	vm2 =	vge.f32 v27, v9  }
0x30c: {  	v35 =	vsel vm3, v13, v12;
	vm3 =	vge.f32 v18, v14;
	v37 =	vsel vm4, v13, v12  }
0x30d: {  	vm4 =	vge.f32 v28, v7;
	v29 =	vsel vm5, v11, v29;
	vm5 =	vge.f32 v60, v10  }
0x30e: {  	v30 =	vsel vm10, v11, v30;
	vm10 =	vge.f32 v61, v10;
	v15 =	vsel vm2, v8, v15  }
0x30f: {  	vm2 =	vge.f32 v27, v7;
	v38 =	vsel vm3, v13, v12;
	vm3 =	vge.f32 v28, v5  }
0x310: {  	v32 =	vsel vm5, v11, v32;
	vm5 =	vge.f32 v63, v10;
	v33 =	vsel vm10, v11, v33  }
0x311: {  	vm10 =	vge.f32 v26, v10;
	v29 =	vsel vm8, v8, v29;
	vm8 =	vge.f32 v61, v9  }
0x312: {  	v19 =	vld [tilespmem:s28+$0x420];
	v15 =	vsel vm2, v6, v15;
	vm2 =	vge.f32 v27, v5;
	v35 =	vsel vm5, v11, v35  }
0x313: {  	vm5 =	vge.f32 v18, v10;
	v33 =	vsel vm8, v8, v33;
	vm8 =	vge.f32 v17, v9  }
0x314: {  	v29 =	vsel vm4, v6, v29;
	v15 =	vsel vm2, v4, v15;
	vm2 =	vge.f32 v27, v3  }
0x315: {  	vm4 =	vge.f32 v62, v7;
	v16 =	vsel vm2, v1, v15;
	vm2 =	vge.f32 v27, v2;
	v15 =	vld [tilespmem:s28+$0x430]  }
0x316: {  	v38 =	vsel vm5, v11, v38;
	v27 =	vsel vm2, v0, v16;
	vm2 =	vge.f32 v26, v14;
	v16 =	vld [tilespmem:s28+$0x440]  }
0x317: {  	v29 =	vsel vm3, v4, v29;
	v36 =	vsel vm2, v13, v12;
	vm2 =	vge.f32 v19, v14  }
0x318: {  	v39 =	vsel vm2, v13, v12;
	v36 =	vsel vm10, v11, v36;
	vm10 =	vge.f32 v19, v10  }
0x319: {  	vm3 =	vge.f32 v63, v5;
	v39 =	vsel vm10, v11, v39;
	vm10 =	vge.f32 v60, v9  }
0x31a: {  	vm2 =	vge.f32 v15, v14;
	v32 =	vsel vm10, v8, v32;
	vm10 =	vge.f32 v26, v9  }
0x31b: {  	v40 =	vsel vm2, v13, v12;
	vm6 =	vge.f32 v16, v14;
	vm2 =	vge.f32 v28, v3  }
0x31c: {  	vm5 =	vge.f32 v16, v10;
	v28 =	vsel vm6, v13, v12;
	vm6 =	vge.f32 v59, v10  }
0x31d: {  	v36 =	vsel vm10, v8, v36;
	vm10 =	vge.f32 v15, v9;
	v31 =	vsel vm6, v11, v31  }
0x31e: {  	vm6 =	vge.f32 v62, v10;
	v28 =	vsel vm5, v11, v28;
	vm5 =	vge.f32 v20, v9  }
0x31f: {  	v34 =	vsel vm6, v11, v34;
	vm6 =	vge.f32 v17, v10;
	v30 =	vsel vm5, v8, v30  }
0x320: {  	vm5 =	vge.f32 v62, v9;
	v37 =	vsel vm6, v11, v37;
	vm6 =	vge.f32 v15, v10  }
0x321: {  	v34 =	vsel vm5, v8, v34;
	vm5 =	vge.f32 v18, v9;
	v40 =	vsel vm6, v11, v40  }
0x322: {  	vm6 =	vge.f32 v59, v9;
	v37 =	vsel vm8, v8, v37;
	vm8 =	vge.f32 v16, v9  }
0x323: {  	v38 =	vsel vm5, v8, v38;
	vm5 =	vge.f32 v20, v7;
	v34 =	vsel vm4, v6, v34  }
0x324: {  	vm4 =	vge.f32 v19, v7;
	v31 =	vsel vm6, v8, v31;
	vm6 =	vge.f32 v63, v9  }
0x325: {  	v40 =	vsel vm10, v8, v40;
	v28 =	vsel vm8, v8, v28;
	vm8 =	vge.f32 v60, v7  }
0x326: {  	vm10 =	vge.f32 v61, v7;
	v30 =	vsel vm5, v6, v30;
	vm5 =	vge.f32 v63, v7  }
0x327: {  	v35 =	vsel vm6, v8, v35;
	vm6 =	vge.f32 v19, v9;
	v32 =	vsel vm8, v6, v32  }
0x328: {  	vm8 =	vge.f32 v17, v7;
	v33 =	vsel vm10, v6, v33;
	vm10 =	vge.f32 v18, v7  }
0x329: {  	v39 =	vsel vm6, v8, v39;
	vm6 =	vge.f32 v59, v7;
	v35 =	vsel vm5, v6, v35  }
0x32a: {  	vm5 =	vge.f32 v15, v7;
	v37 =	vsel vm8, v6, v37;
	v38 =	vsel vm10, v6, v38  }
0x32b: {  	vm8 =	vge.f32 v61, v5;
	vm10 =	vge.f32 v62, v5;
	v31 =	vsel vm6, v6, v31  }
0x32c: {  	vm6 =	vge.f32 v26, v7;
	v39 =	vsel vm4, v6, v39;
	v40 =	vsel vm5, v6, v40  }
0x32d: {  	vm4 =	vge.f32 v20, v5;
	vm5 =	vge.f32 v59, v5;
	v33 =	vsel vm8, v4, v33  }
0x32e: {  	vm8 =	vge.f32 v19, v5;
	v34 =	vsel vm10, v4, v34;
	vm10 =	vge.f32 v15, v5  }
0x32f: {  	v35 =	vsel vm3, v4, v35;
	vm3 =	vge.f32 v16, v5;
	v36 =	vsel vm6, v6, v36  }
0x330: {  	vm6 =	vge.f32 v16, v7;
	v30 =	vsel vm4, v4, v30;
	vm4 =	vge.f32 v26, v5  }
0x331: {  	v31 =	vsel vm5, v4, v31;
	vm5 =	vge.f32 v17, v5;
	v44 =	vsel vm8, v4, v39  }
0x332: {  	v45 =	vsel vm10, v4, v40;
	vm8 =	vge.f32 v62, v3;
	vm10 =	vge.f32 v63, v3  }
0x333: {  	v40 =	vsel vm2, v1, v29;
	vm2 =	vge.f32 v26, v3;
	v28 =	vsel vm6, v6, v28  }
0x334: {  	vm6 =	vge.f32 v60, v5;
	v41 =	vsel vm4, v4, v36;
	v42 =	vsel vm5, v4, v37  }
0x335: {  	vm4 =	vge.f32 v59, v3;
	vm5 =	vge.f32 v60, v3;
	v39 =	vsel vm10, v1, v35  }
0x336: {  	vm10 =	vge.f32 v61, v2;
	v32 =	vsel vm6, v4, v32;
	vm6 =	vge.f32 v18, v5  }
0x337: {  	v46 =	vsel vm3, v4, v28;
	vm3 =	vge.f32 v20, v3;
	v43 =	vsel vm6, v4, v38  }
0x338: {  	vm6 =	vge.f32 v61, v3;
	v36 =	vsel vm3, v1, v30;
	vm3 =	vge.f32 v17, v3  }
0x339: {  	v38 =	vsel vm4, v1, v31;
	vm4 =	vge.f32 v18, v3;
	v37 =	vsel vm5, v1, v32  }
0x33a: {  	vm5 =	vge.f32 v19, v3;
	v31 =	vsel vm2, v1, v41;
	v30 =	vsel vm6, v1, v33  }
0x33b: {  	vm6 =	vge.f32 v15, v3;
	v33 =	vsel vm8, v1, v34;
	vm8 =	vge.f32 v16, v3  }
0x33c: {  	s15 =	simm.s32 $0x100;
	s29 =	simm.s32 $0x80;
	v32 =	vsel vm3, v1, v42;
	v34 =	vsel vm4, v1, v43;
	v29 =	vsel vm5, v1, v44  }
0x33d: {  	s30 =	simm.s32 $0x200;
	s31 =	sand.u32 $0xF800, s15;
	s2 =	sand.u32 $0x380, s29;
	[tilespmem:s28+$0x450] =	vst v27;
	v28 =	vsel vm6, v1, v45;
	v35 =	vsel vm8, v1, v46;
	vm8 =	vge.f32 v62, v2  }
.LBB2_12:
0x33e: {  	p0 =	sne.s32 s30, $0xDF00;
	s31 =	sor.u32 s2, s31;
	vm2 =	vge.f32 v17, v2;
	vm3 =	vge.f32 v18, v2;
	vm4 =	vge.f32 v19, v2  }
0x33f: {  	v17 =	vsel vm9, v0, v40;
	vm5 =	vge.f32 v15, v2;
	vm6 =	vge.f32 v16, v2;
	v41 =	vld [tilespmem:s31+$0x450]  }
0x340: {  	v15 =	vsel vm11, v0, v36;
	v16 =	vsel vm13, v0, v38;
	v20 =	vld [tilespmem:s31+$0x0];
	[tilespmem:s28+$0x0] =	vst v17;
	v17 =	vsel vm12, v0, v37  }
0x341: {  	v18 =	vsel vm8, v0, v33;
	v19 =	vsel vm15, v0, v39;
	v21 =	vld [tilespmem:s31+$0x10];
	[tilespmem:s28+$0x10] =	vst v15;
	v15 =	vsel vm10, v0, v30  }
0x342: {  	v30 =	vsel vm2, v0, v32;
	v22 =	vld [tilespmem:s31+$0x20];
	[tilespmem:s28+$0x20] =	vst v16;
	v16 =	vsel vm14, v0, v31;
	v31 =	vsel vm3, v0, v34  }
0x343: {  	v29 =	vsel vm4, v0, v29;
	v28 =	vsel vm5, v0, v28;
	v32 =	vsel vm6, v0, v35;
	v23 =	vld [tilespmem:s31+$0x30];
	[tilespmem:s28+$0x30] =	vst v17  }
0x344: {  	v25 =	vld [tilespmem:s31+$0x40];
	vm3 =	vge.f32 v41, v14;
	[tilespmem:s28+$0x40] =	vst v15  }
0x345: {  	vm4 =	vge.f32 v41, v10;
	vm2 =	vge.f32 v20, v14;
	v24 =	vld [tilespmem:s31+$0x50];
	v15 =	vsel vm3, v13, v12;
	[tilespmem:s28+$0x50] =	vst v18  }
0x346: {  	vm3 =	vge.f32 v21, v14;
	v26 =	vld [tilespmem:s31+$0x60];
	v15 =	vsel vm4, v11, v15;
	vm4 =	vge.f32 v41, v9;
	[tilespmem:s28+$0x60] =	vst v19  }
0x347: {  	vm5 =	vge.f32 v22, v14;
	v27 =	vld [tilespmem:s31+$0x70];
	v15 =	vsel vm4, v8, v15;
	vm4 =	vge.f32 v41, v7;
	[tilespmem:s28+$0x70] =	vst v16  }
0x348: {  	vm6 =	vge.f32 v23, v14;
	v17 =	vld [tilespmem:s31+$0x400];
	v15 =	vsel vm4, v6, v15;
	vm4 =	vge.f32 v41, v5;
	[tilespmem:s28+$0x400] =	vst v30  }
0x349: {  	vm8 =	vge.f32 v25, v14;
	v18 =	vld [tilespmem:s31+$0x410];
	v15 =	vsel vm4, v4, v15;
	vm4 =	vge.f32 v41, v3;
	[tilespmem:s28+$0x410] =	vst v31  }
0x34a: {  	vm9 =	vge.f32 v24, v14;
	v19 =	vld [tilespmem:s31+$0x420];
	v16 =	vsel vm4, v1, v15;
	vm4 =	vge.f32 v41, v2;
	[tilespmem:s28+$0x420] =	vst v29  }
0x34b: {  	v29 =	vsel vm2, v13, v12;
	vm2 =	vge.f32 v26, v14;
	v15 =	vld [tilespmem:s31+$0x430];
	v30 =	vsel vm4, v0, v16;
	[tilespmem:s28+$0x430] =	vst v28  }
0x34c: {  	v31 =	vsel vm5, v13, v12;
	v28 =	vsel vm3, v13, v12;
	vm3 =	vge.f32 v27, v14;
	v16 =	vld [tilespmem:s31+$0x440];
	[tilespmem:s31+$0x450] =	vst v30  }
0x34d: {  	v33 =	vsel vm8, v13, v12;
	v30 =	vsel vm6, v13, v12;
	vm4 =	vge.f32 v17, v14;
	[tilespmem:s28+$0x440] =	vst v32;
	s28 =	smov.u32 s31  }
0x34e: {  	v34 =	vsel vm2, v13, v12;
	v32 =	vsel vm9, v13, v12;
	vm2 =	vge.f32 v18, v14  }
0x34f: {  	v35 =	vsel vm3, v13, v12;
	v36 =	vsel vm4, v13, v12;
	vm3 =	vge.f32 v19, v14  }
0x350: {  	v37 =	vsel vm2, v13, v12;
	v38 =	vsel vm3, v13, v12;
	vm2 =	vge.f32 v15, v14  }
0x351: {  	vm3 =	vge.f32 v20, v10;
	v39 =	vsel vm2, v13, v12;
	vm2 =	vge.f32 v16, v14  }
0x352: {  	vm5 =	vge.f32 v22, v10;
	vm4 =	vge.f32 v21, v10;
	v40 =	vsel vm2, v13, v12  }
0x353: {  	vm8 =	vge.f32 v24, v10;
	vm6 =	vge.f32 v25, v10;
	vm2 =	vge.f32 v23, v10  }
0x354: {  	vm10 =	vge.f32 v27, v10;
	vm9 =	vge.f32 v26, v10;
	vm11 =	vge.f32 v17, v10  }
0x355: {  	vm12 =	vge.f32 v18, v10;
	vm13 =	vge.f32 v19, v10;
	vm14 =	vge.f32 v15, v10  }
0x356: {  	v28 =	vsel vm4, v11, v28;
	v29 =	vsel vm3, v11, v29;
	vm3 =	vge.f32 v16, v10  }
0x357: {  	v31 =	vsel vm5, v11, v31;
	v33 =	vsel vm6, v11, v33;
	v30 =	vsel vm2, v11, v30  }
0x358: {  	v32 =	vsel vm8, v11, v32;
	v34 =	vsel vm9, v11, v34;
	v35 =	vsel vm10, v11, v35  }
0x359: {  	v36 =	vsel vm11, v11, v36;
	v37 =	vsel vm12, v11, v37;
	v38 =	vsel vm13, v11, v38  }
0x35a: {  	v39 =	vsel vm14, v11, v39;
	vm2 =	vge.f32 v20, v9;
	v40 =	vsel vm3, v11, v40  }
0x35b: {  	vm5 =	vge.f32 v23, v9;
	vm4 =	vge.f32 v22, v9;
	vm3 =	vge.f32 v21, v9  }
0x35c: {  	vm6 =	vge.f32 v25, v9;
	vm8 =	vge.f32 v24, v9;
	vm9 =	vge.f32 v26, v9  }
0x35d: {  	vm10 =	vge.f32 v27, v9;
	vm11 =	vge.f32 v17, v9;
	vm12 =	vge.f32 v18, v9  }
0x35e: {  	vm13 =	vge.f32 v19, v9;
	vm15 =	vge.f32 v16, v9;
	vm14 =	vge.f32 v15, v9  }
0x35f: {  	v31 =	vsel vm4, v8, v31;
	v29 =	vsel vm2, v8, v29;
	v28 =	vsel vm3, v8, v28  }
0x360: {  	v33 =	vsel vm6, v8, v33;
	v32 =	vsel vm8, v8, v32;
	v30 =	vsel vm5, v8, v30  }
0x361: {  	v34 =	vsel vm9, v8, v34;
	v35 =	vsel vm10, v8, v35;
	v36 =	vsel vm11, v8, v36  }
0x362: {  	v37 =	vsel vm12, v8, v37;
	v38 =	vsel vm13, v8, v38;
	v39 =	vsel vm14, v8, v39  }
0x363: {  	vm2 =	vge.f32 v20, v7;
	vm3 =	vge.f32 v21, v7;
	v40 =	vsel vm15, v8, v40  }
0x364: {  	vm6 =	vge.f32 v25, v7;
	vm4 =	vge.f32 v22, v7;
	vm5 =	vge.f32 v23, v7  }
0x365: {  	vm8 =	vge.f32 v24, v7;
	vm9 =	vge.f32 v26, v7;
	vm10 =	vge.f32 v27, v7  }
0x366: {  	vm11 =	vge.f32 v17, v7;
	vm12 =	vge.f32 v18, v7;
	vm13 =	vge.f32 v19, v7  }
0x367: {  	vm14 =	vge.f32 v16, v7;
	v29 =	vsel vm2, v6, v29;
	vm2 =	vge.f32 v15, v7  }
0x368: {  	v31 =	vsel vm4, v6, v31;
	v28 =	vsel vm3, v6, v28;
	v30 =	vsel vm5, v6, v30  }
0x369: {  	v33 =	vsel vm6, v6, v33;
	v32 =	vsel vm8, v6, v32;
	v34 =	vsel vm9, v6, v34  }
0x36a: {  	v35 =	vsel vm10, v6, v35;
	v36 =	vsel vm11, v6, v36;
	v37 =	vsel vm12, v6, v37  }
0x36b: {  	v38 =	vsel vm13, v6, v38;
	v40 =	vsel vm14, v6, v40;
	v39 =	vsel vm2, v6, v39  }
0x36c: {  	vm4 =	vge.f32 v22, v5;
	vm3 =	vge.f32 v21, v5;
	vm2 =	vge.f32 v20, v5  }
0x36d: {  	vm6 =	vge.f32 v25, v5;
	vm8 =	vge.f32 v24, v5;
	vm5 =	vge.f32 v23, v5  }
0x36e: {  	vm9 =	vge.f32 v26, v5;
	vm10 =	vge.f32 v27, v5;
	vm11 =	vge.f32 v17, v5  }
0x36f: {  	vm12 =	vge.f32 v18, v5;
	vm13 =	vge.f32 v19, v5;
	vm14 =	vge.f32 v15, v5  }
0x370: {  	v28 =	vsel vm3, v4, v28;
	v29 =	vsel vm2, v4, v29;
	vm2 =	vge.f32 v16, v5  }
0x371: {  	v33 =	vsel vm6, v4, v33;
	v31 =	vsel vm4, v4, v31;
	v30 =	vsel vm5, v4, v30  }
0x372: {  	v32 =	vsel vm8, v4, v32;
	v34 =	vsel vm9, v4, v34;
	v35 =	vsel vm10, v4, v35  }
0x373: {  	v41 =	vsel vm11, v4, v36;
	v42 =	vsel vm12, v4, v37;
	v43 =	vsel vm13, v4, v38  }
0x374: {  	vm3 =	vge.f32 v20, v3;
	v44 =	vsel vm14, v4, v39;
	v45 =	vsel vm2, v4, v40  }
0x375: {  	vm4 =	vge.f32 v22, v3;
	vm5 =	vge.f32 v23, v3;
	vm2 =	vge.f32 v21, v3  }
0x376: {  	vm6 =	vge.f32 v25, v3;
	vm8 =	vge.f32 v24, v3;
	vm9 =	vge.f32 v26, v3  }
0x377: {  	vm10 =	vge.f32 v27, v3;
	vm11 =	vge.f32 v17, v3;
	vm12 =	vge.f32 v18, v3  }
0x378: {  	vm13 =	vge.f32 v19, v3;
	vm15 =	vge.f32 v16, v3;
	vm14 =	vge.f32 v15, v3  }
0x379: {  	v38 =	vsel vm4, v1, v31;
	v40 =	vsel vm3, v1, v29;
	v36 =	vsel vm2, v1, v28  }
0x37a: {  	v37 =	vsel vm5, v1, v30;
	v30 =	vsel vm6, v1, v33;
	v33 =	vsel vm8, v1, v32  }
.Ltmp5:
0x37b: {  	v31 =	vsel vm10, v1, v35;
	v39 =	vsel vm9, v1, v34;
	v32 =	vsel vm11, v1, v41;
	(pc) =	sbr.rel @p0 .LBB2_12-.Ltmp5, $4  }
0x37c: {  	v34 =	vsel vm12, v1, v42;
	v29 =	vsel vm13, v1, v43;
	v28 =	vsel vm14, v1, v44  }
0x37d: {  	vm9 =	vge.f32 v20, v2;
	vm11 =	vge.f32 v21, v2;
	v35 =	vsel vm15, v1, v45  }
0x37e: {  	s29 =	sadd.s32 $0x80, s29;
	vm10 =	vge.f32 v25, v2;
	vm12 =	vge.f32 v23, v2;
	vm13 =	vge.f32 v22, v2  }
0x37f: {  	s2 =	sand.u32 $0x380, s29;
	s31 =	sand.u32 $0xF800, s30;
	s30 =	sadd.s32 $0x100, s30;
	vm8 =	vge.f32 v24, v2;
	vm15 =	vge.f32 v26, v2;
	vm14 =	vge.f32 v27, v2  }
0x380: {  	s29 =	sor.u32 s2, s31  }
0x381: {  	v43 =	vld [tilespmem:s29+$0x450]  }
0x382: {  	v42 =	vld [tilespmem:s29+$0x0]  }
0x383: {  	v41 =	vld [tilespmem:s29+$0x10]  }
0x384: {  	v27 =	vld [tilespmem:s29+$0x20]  }
0x385: {  	v24 =	vld [tilespmem:s29+$0x50]  }
0x386: {  	v20 =	vld [tilespmem:s29+$0x70]  }
0x387: {  	vm2 =	vge.f32 v17, v2;
	vm3 =	vge.f32 v18, v2;
	vm4 =	vge.f32 v19, v2;
	v17 =	vld [tilespmem:s29+$0x430]  }
0x388: {  	v30 =	vsel vm10, v0, v30;
	v33 =	vsel vm8, v0, v33;
	v31 =	vsel vm14, v0, v31  }
0x389: {  	v26 =	vld [tilespmem:s29+$0x30];
	v32 =	vsel vm2, v0, v32;
	v34 =	vsel vm3, v0, v34;
	v29 =	vsel vm4, v0, v29  }
0x38a: {  	v25 =	vld [tilespmem:s29+$0x40];
	vm5 =	vge.f32 v43, v14;
	vm6 =	vge.f32 v42, v14;
	vm2 =	vge.f32 v42, v5  }
0x38b: {  	v23 =	vld [tilespmem:s29+$0x60];
	vm3 =	vge.f32 v41, v5;
	vm4 =	vge.f32 v27, v5;
	vm8 =	vge.f32 v24, v5  }
0x38c: {  	v18 =	vld [tilespmem:s29+$0x400];
	vm10 =	vge.f32 v20, v5;
	vm14 =	vge.f32 v17, v5;
	v44 =	vsel vm5, v13, v12  }
0x38d: {  	v19 =	vld [tilespmem:s29+$0x410];
	vm5 =	vge.f32 v41, v14;
	v45 =	vsel vm6, v13, v12;
	vm6 =	vge.f32 v27, v14  }
0x38e: {  	v21 =	vld [tilespmem:s29+$0x420];
	v46 =	vsel vm5, v13, v12;
	vm5 =	vge.f32 v26, v14;
	v47 =	vsel vm6, v13, v12  }
0x38f: {  	v22 =	vld [tilespmem:s29+$0x440];
	vm6 =	vge.f32 v25, v14;
	v48 =	vsel vm5, v13, v12;
	vm5 =	vge.f32 v24, v14  }
0x390: {  	v49 =	vsel vm6, v13, v12;
	vm6 =	vge.f32 v23, v14;
	v50 =	vsel vm5, v13, v12  }
0x391: {  	vm5 =	vge.f32 v20, v14;
	v51 =	vsel vm6, v13, v12;
	vm6 =	vge.f32 v18, v14  }
0x392: {  	v52 =	vsel vm5, v13, v12;
	vm5 =	vge.f32 v19, v14;
	v53 =	vsel vm6, v13, v12  }
0x393: {  	vm6 =	vge.f32 v21, v14;
	v54 =	vsel vm5, v13, v12;
	vm5 =	vge.f32 v17, v14  }
0x394: {  	v55 =	vsel vm6, v13, v12;
	vm6 =	vge.f32 v22, v14;
	v59 =	vsel vm5, v13, v12  }
0x395: {  	v60 =	vsel vm6, v13, v12;
	vm5 =	vge.f32 v43, v10;
	vm6 =	vge.f32 v42, v10  }
0x396: {  	v13 =	vsel vm5, v11, v44;
	vm5 =	vge.f32 v41, v10;
	v61 =	vsel vm6, v11, v45  }
0x397: {  	vm6 =	vge.f32 v27, v10;
	v62 =	vsel vm5, v11, v46;
	vm5 =	vge.f32 v26, v10  }
0x398: {  	v63 =	vsel vm6, v11, v47;
	vm6 =	vge.f32 v25, v10;
	v47 =	vsel vm5, v11, v48  }
0x399: {  	vm5 =	vge.f32 v24, v10;
	v48 =	vsel vm6, v11, v49;
	vm6 =	vge.f32 v23, v10  }
0x39a: {  	v49 =	vsel vm5, v11, v50;
	vm5 =	vge.f32 v20, v10;
	v50 =	vsel vm6, v11, v51  }
0x39b: {  	vm6 =	vge.f32 v18, v10;
	v51 =	vsel vm5, v11, v52;
	vm5 =	vge.f32 v19, v10  }
0x39c: {  	v52 =	vsel vm6, v11, v53;
	vm6 =	vge.f32 v22, v10;
	v57 =	vsel vm5, v11, v54  }
0x39d: {  	vm5 =	vge.f32 v21, v10;
	v60 =	vsel vm6, v11, v60;
	vm6 =	vge.f32 v41, v9  }
0x39e: {  	v58 =	vsel vm5, v11, v55;
	vm5 =	vge.f32 v17, v10;
	v62 =	vsel vm6, v8, v62  }
0x39f: {  	vm6 =	vge.f32 v26, v9;
	v59 =	vsel vm5, v11, v59;
	vm5 =	vge.f32 v43, v9  }
0x3a0: {  	v45 =	vsel vm6, v8, v47;
	vm6 =	vge.f32 v24, v9;
	v12 =	vsel vm5, v8, v13  }
0x3a1: {  	vm5 =	vge.f32 v42, v9;
	v47 =	vsel vm6, v8, v49;
	vm6 =	vge.f32 v20, v9  }
0x3a2: {  	v61 =	vsel vm5, v8, v61;
	vm5 =	vge.f32 v27, v9;
	v49 =	vsel vm6, v8, v51  }
0x3a3: {  	vm6 =	vge.f32 v19, v9;
	v63 =	vsel vm5, v8, v63;
	vm5 =	vge.f32 v25, v9  }
0x3a4: {  	v57 =	vsel vm6, v8, v57;
	vm6 =	vge.f32 v22, v9;
	v46 =	vsel vm5, v8, v48  }
0x3a5: {  	vm5 =	vge.f32 v23, v9;
	v60 =	vsel vm6, v8, v60;
	vm6 =	vge.f32 v41, v7  }
0x3a6: {  	v48 =	vsel vm5, v8, v50;
	vm5 =	vge.f32 v18, v9;
	v62 =	vsel vm6, v6, v62  }
0x3a7: {  	vm6 =	vge.f32 v26, v7;
	v56 =	vsel vm5, v8, v52;
	vm5 =	vge.f32 v21, v9  }
0x3a8: {  	v14 =	vsel vm6, v6, v45;
	vm6 =	vge.f32 v24, v7;
	v62 =	vsel vm3, v4, v62  }
0x3a9: {  	vm3 =	vge.f32 v17, v3;
	v58 =	vsel vm5, v8, v58;
	vm5 =	vge.f32 v17, v9  }
0x3aa: {  	v45 =	vsel vm6, v6, v47;
	vm6 =	vge.f32 v20, v7;
	v59 =	vsel vm5, v8, v59  }
0x3ab: {  	vm5 =	vge.f32 v43, v7;
	v47 =	vsel vm6, v6, v49;
	vm6 =	vge.f32 v19, v7  }
0x3ac: {  	v10 =	vsel vm5, v6, v12;
	vm5 =	vge.f32 v42, v7;
	v49 =	vsel vm6, v6, v57  }
0x3ad: {  	vm6 =	vge.f32 v17, v7;
	v57 =	vsel vm11, v0, v36;
	vm11 =	vge.f32 v43, v3  }
0x3ae: {  	v61 =	vsel vm5, v6, v61;
	vm5 =	vge.f32 v27, v7;
	v54 =	vsel vm6, v6, v59  }
0x3af: {  	vm6 =	vge.f32 v15, v2;
	v59 =	vsel vm12, v0, v37;
	vm12 =	vge.f32 v19, v5  }
0x3b0: {  	v63 =	vsel vm5, v6, v63;
	vm5 =	vge.f32 v25, v7;
	v28 =	vsel vm6, v0, v28  }
0x3b1: {  	vm6 =	vge.f32 v25, v5;
	v61 =	vsel vm2, v4, v61;
	vm2 =	vge.f32 v22, v3  }
0x3b2: {  	v44 =	vsel vm5, v6, v46;
	vm5 =	vge.f32 v23, v7;
	v63 =	vsel vm4, v4, v63  }
0x3b3: {  	vm4 =	vge.f32 v21, v3;
	v46 =	vsel vm5, v6, v48;
	vm5 =	vge.f32 v18, v7  }
0x3b4: {  	v48 =	vsel vm5, v6, v56;
	vm5 =	vge.f32 v21, v7;
	v56 =	vsel vm9, v0, v40  }
0x3b5: {  	[tilespmem:s28+$0x40] =	vst v30;
	vm9 =	vge.f32 v43, v5;
	v53 =	vsel vm5, v6, v58;
	vm5 =	vge.f32 v22, v7  }
0x3b6: {  	[tilespmem:s28+$0x50] =	vst v33;
	v58 =	vsel vm13, v0, v38;
	vm13 =	vge.f32 v43, v2;
	v10 =	vsel vm9, v4, v10  }
0x3b7: {  	[tilespmem:s28+$0x70] =	vst v31;
	vm9 =	vge.f32 v23, v5;
	v38 =	vsel vm6, v4, v44;
	v43 =	vsel vm10, v4, v47  }
0x3b8: {  	[tilespmem:s28+$0x400] =	vst v32;
	v7 =	vsel vm14, v4, v54;
	vm6 =	vge.f32 v41, v3;
	vm14 =	vge.f32 v24, v3  }
0x3b9: {  	[tilespmem:s28+$0x410] =	vst v34;
	vm10 =	vge.f32 v20, v3;
	v55 =	vsel vm5, v6, v60;
	vm5 =	vge.f32 v16, v2  }
0x3ba: {  	[tilespmem:s28+$0x420] =	vst v29;
	v60 =	vsel vm15, v0, v39;
	v10 =	vsel vm11, v1, v10;
	vm11 =	vge.f32 v18, v5  }
0x3bb: {  	[tilespmem:s28+$0x10] =	vst v57;
	vm15 =	vge.f32 v22, v5;
	v39 =	vsel vm8, v4, v45;
	v40 =	vsel vm9, v4, v46  }
0x3bc: {  	[tilespmem:s28+$0x30] =	vst v59;
	v45 =	vsel vm12, v4, v49;
	vm12 =	vge.f32 v26, v3;
	vm9 =	vge.f32 v18, v3  }
0x3bd: {  	[tilespmem:s28+$0x430] =	vst v28;
	vm8 =	vge.f32 v19, v3;
	v49 =	vsel vm6, v1, v62;
	vm6 =	vge.f32 v41, v2  }
0x3be: {  	[tilespmem:s28+$0x0] =	vst v56;
	v35 =	vsel vm5, v0, v35;
	v10 =	vsel vm13, v0, v10;
	vm5 =	vge.f32 v26, v5  }
0x3bf: {  	[tilespmem:s28+$0x20] =	vst v58;
	vm13 =	vge.f32 v21, v5;
	v44 =	vsel vm11, v4, v48;
	v47 =	vsel vm15, v4, v55  }
0x3c0: {  	[tilespmem:s28+$0x60] =	vst v60;
	vm11 =	vge.f32 v27, v3;
	vm15 =	vge.f32 v23, v3;
	v51 =	vsel vm6, v0, v49  }
0x3c1: {  	vm6 =	vge.f32 v26, v2;
	v60 =	vsel vm3, v1, v7;
	vm3 =	vge.f32 v17, v2;
	[tilespmem:s29+$0x450] =	vst v10  }
0x3c2: {  	v37 =	vsel vm5, v4, v14;
	v46 =	vsel vm13, v4, v53;
	vm5 =	vge.f32 v42, v3;
	[tilespmem:s28+$0x440] =	vst v35  }
0x3c3: {  	[tilespmem:s29+$0x10] =	vst v51;
	v62 =	vsel vm3, v0, v60;
	v48 =	vsel vm5, v1, v61;
	vm5 =	vge.f32 v42, v2  }
0x3c4: {  	vm13 =	vge.f32 v25, v3;
	v52 =	vsel vm12, v1, v37;
	[tilespmem:s29+$0x430] =	vst v62;
	v3 =	vsel vm5, v0, v48  }
0x3c5: {  	v61 =	vsel vm2, v1, v47;
	vm2 =	vge.f32 v22, v2;
	v5 =	vsel vm6, v0, v52;
	[tilespmem:s29+$0x0] =	vst v3  }
0x3c6: {  	v50 =	vsel vm11, v1, v63;
	vm5 =	vge.f32 v27, v2;
	v63 =	vsel vm2, v0, v61;
	[tilespmem:s29+$0x30] =	vst v5  }
0x3c7: {  	v53 =	vsel vm13, v1, v38;
	v6 =	vsel vm5, v0, v50;
	vm5 =	vge.f32 v25, v2;
	[tilespmem:s29+$0x440] =	vst v63  }
0x3c8: {  	v54 =	vsel vm14, v1, v39;
	vm6 =	vge.f32 v24, v2;
	[tilespmem:s29+$0x20] =	vst v6;
	v3 =	vsel vm5, v0, v53  }
0x3c9: {  	v55 =	vsel vm15, v1, v40;
	vm5 =	vge.f32 v23, v2;
	v6 =	vsel vm6, v0, v54;
	[tilespmem:s29+$0x40] =	vst v3  }
0x3ca: {  	v56 =	vsel vm10, v1, v43;
	vm6 =	vge.f32 v20, v2;
	v5 =	vsel vm5, v0, v55;
	[tilespmem:s29+$0x50] =	vst v6  }
0x3cb: {  	v57 =	vsel vm9, v1, v44;
	vm5 =	vge.f32 v18, v2;
	v3 =	vsel vm6, v0, v56;
	[tilespmem:s29+$0x60] =	vst v5  }
0x3cc: {  	v58 =	vsel vm8, v1, v45;
	vm6 =	vge.f32 v19, v2;
	v6 =	vsel vm5, v0, v57;
	[tilespmem:s29+$0x70] =	vst v3  }
0x3cd: {  	v59 =	vsel vm4, v1, v46;
	vm4 =	vge.f32 v21, v2;
	v5 =	vsel vm6, v0, v58;
	[tilespmem:s29+$0x400] =	vst v6  }
0x3ce: {  	v3 =	vsel vm4, v0, v59;
	[tilespmem:s29+$0x410] =	vst v5  }
0x3cf: {  	[tilespmem:s29+$0x420] =	vst v3  }
0x3d0: {  	s0 =	rddreg [dreg:$0xa]  }
0x3d1: {  	[hbm4b:s0+s4] =	stream.linear.scatter [tilespmem:s4], [sflag:$0x3], $0xE000, $0x38;
	[tilespmem:$0x1C680] =	vst v63  }
0x3d2: {  	_ =	swait.ge [sflag:s25], $0xE000  }
0x3d3: {  	[sflag:s25] =	ssyncset.done $0x0  }
0x3d4: {  	[sflag:s25] =	ssyncadd.s32 $0xFFFF2000  }
0x3d5: {  	_ =	swait.ge [sflag:s22], $0xE000  }
0x3d6: {  	s26 =	sadd.s32 $0x1, s26;
	s31 =	rddreg [dreg:$0xb]  }
0x3d7: {  	p0 =	sne.s32 s26, s31  }
.Ltmp6:
0x3d8: {  	_ = 	snop;
	(pc) =	sbr.rel @p0 .LBB2_1-.Ltmp6, $3  }
0x3d9: {  	_ =	sdelay $0x1  }
0x3da: {  	[sflag:s22] =	ssyncset.done $0x0  }
0x3db: {  	[sflag:s22] =	ssyncadd.s32 $0xFFFF2000  }
0x3dc: {  	_ =	sfence.sel $0x180000  }
0x3dd: {  	[bflag:$0x0] =	sbarrier.arrive $0xFFFF  }
0x3de: {  	_ =	strace $0x90000047  }
0x3df: {  	s0 =	stileid.u32;
	[bflag:$0x2] =	sbarrier.arrive $0xFFFF  }
0x3e0: {  	p0 =	sne.s32 s0, $0x0;
	s0 =	rddreg [dreg:$0x4]  }
0x3e1: {  	s0 =	sadd.s32 @!p0 $0x100000, s0  }
0x3e2: {  	[sflag:s0] =	ssyncadd.tile.s32 @!p0 $0x1;
	_ =	shalt  }
.Lfunc_end2:
_tile_overlayer_lowered:
.L_overlay_start_2:
0x3e3: {  	(tag) =	ssettag $0x2  }
0x3e4: {  	s0 =	rddreg [dreg:$0x0];
	s2 =	stileid.u32  }
0x3e5: {  	s1 =	rddreg [dreg:$0x1];
	p0 =	sne.s32 s2, $0x0  }
0x3e6: {  	s3 =	rddreg [dreg:$0x2];
	[bflag:$0x3] =	sbarrier.arrive $0xFFFF;
	s2 =	simm.s32 @!p0 $0x1C06  }
0x3e7: {  	[timem:s3], [sflag:s2] =	dma.local @!p0 [hbm:s0], s1  }
0x3e8: {  	s0 =	simm.s32 @!p0 $0x6  }
0x3e9: {  	_ =	swait.ge @!p0 [sflag:s0], s1  }
0x3ea: {  	s1 =	ssub.s32 @!p0 $0x0, s1;
	[sflag:s0] =	ssyncset.done @!p0 $0x0  }
0x3eb: {  	[sflag:s0] =	ssyncadd.s32 @!p0 s1  }
0x3ec: {  	[bflag:$0x3] =	sbarrier.arrive $0xFFFF  }
0x3ed: {  	_ =	shalt  }

</sc_bundles>
